<compile_context>
chip_gen: v7x
topology: tpu7x:2x2x1
jax: 0.10.2.dev20260603
libtpu: 0.0.44.dev20260713+nightly
codegen_flags: <defaults>
</compile_context>

<pallas_src>
import functools

import jax
import jax.numpy as jnp
from jax import lax
from jax.experimental import pallas as pl
from jax.experimental.pallas import tpu as pltpu
from jax.experimental.pallas import tpu_sc as plsc

N = 10000
E = 320000
D = 128

NC = 2
NS = 16
NW = NC * NS
EPW = 10240
EPAD = NW * EPW
CD = 80
NCHUNKD = (E // NW) // CD
C = 128
NCHUNK = 80
NPAD = 10240
RPT = NPAD // NS
NB = 2
HC = C // 2
NU = 2 * NCHUNK

BLK = 1000
GRID = N // BLK

_mesh = plsc.VectorSubcoreMesh(core_axis_name="c", subcore_axis_name="s")



@functools.partial(
    pl.kernel,
    out_type=jax.ShapeDtypeStruct((NC, NPAD, D), jnp.float32),
    mesh=_mesh,
    scratch_types=[
        pltpu.VMEM((NCHUNK, C), jnp.int32),
        pltpu.VMEM((NU, HC), jnp.int32),
        pltpu.VMEM((NB, HC, D), jnp.float32),
        pltpu.VMEM_SHARED((NPAD, D), jnp.float32),
        pltpu.SemaphoreType.DMA,
        pltpu.SemaphoreType.DMA,
    ],
)
def _sc_propagate(g_hbm, row_hbm, col_hbm, zero_hbm, out_hbm,
                  row_v, col_v, rows_v, acc, gsem0, gsem1):
    c = lax.axis_index("c")
    s = lax.axis_index("s")
    wid = c * NS + s
    pltpu.sync_copy(zero_hbm, acc.at[pl.ds(s * RPT, RPT)])
    plsc.subcore_barrier()
    pltpu.sync_copy(row_hbm.at[wid], row_v)
    pltpu.sync_copy(col_hbm.at[wid], col_v)

    gsems = (gsem0, gsem1)

    def gather(j, b):
        pltpu.async_copy(g_hbm.at[row_v.at[j, pl.ds(b * HC, HC)]],
                         rows_v.at[b], gsems[b])

    def drain(b):
        pltpu.make_async_copy(g_hbm.at[row_v.at[0, pl.ds(0, HC)]],
                              rows_v.at[b], gsems[b]).wait()

    def scatter(u, b):
        pltpu.sync_copy(rows_v.at[b], acc.at[col_v.at[u]], add=True)

    for b in range(NB):
        gather(0, b)

    def body(i, carry):
        for b in range(NB):
            drain(b)
            scatter(NB * i + b, b)
            gather(i + 1, b)
        return carry

    lax.fori_loop(0, NCHUNK - 1, body, 0)
    for b in range(NB):
        drain(b)
        scatter(NU - NB + b, b)
    plsc.subcore_barrier()
    pltpu.sync_copy(acc.at[pl.ds(s * RPT, RPT)],
                    out_hbm.at[c, pl.ds(s * RPT, RPT)])


@functools.partial(
    pl.kernel,
    out_type=jax.ShapeDtypeStruct((NC, NPAD, D), jnp.float32),
    mesh=_mesh,
    scratch_types=[
        pltpu.VMEM((NCHUNKD, CD), jnp.int32),
        pltpu.VMEM((CD, D), jnp.float32),
        pltpu.VMEM_SHARED((NPAD, D), jnp.float32),
        pltpu.SemaphoreType.DMA,
    ],
)
def _sc_degree(col_hbm, ones_hbm, zero_hbm, out_hbm,
               col_v, ones_v, acc, sem):
    c = lax.axis_index("c")
    s = lax.axis_index("s")
    wid = c * NS + s
    pltpu.sync_copy(zero_hbm, acc.at[pl.ds(s * RPT, RPT)])
    plsc.subcore_barrier()
    pltpu.sync_copy(col_hbm.at[wid], col_v)
    pltpu.sync_copy(ones_hbm, ones_v)

    def chunk(j, carry):
        pltpu.sync_copy(ones_v, acc.at[col_v.at[j]], add=True)
        return carry

    lax.fori_loop(0, NCHUNKD, chunk, 0)
    plsc.subcore_barrier()
    pltpu.sync_copy(acc.at[pl.ds(s * RPT, RPT)],
                    out_hbm.at[c, pl.ds(s * RPT, RPT)])



def _row_spec(width=D):
    return pl.BlockSpec((BLK, width), lambda i: (i, 0))


def _w_spec():
    return pl.BlockSpec((D, D), lambda i: (0, 0))


def _b_spec(width=D):
    return pl.BlockSpec((1, width), lambda i: (0, 0))


def _p_spec(width=D):
    return pl.BlockSpec((NC, BLK, width), lambda i: (0, i, 0))


def _mm_t(x, w):
    return lax.dot_general(x, w, (((1,), (1,)), ((), ())),
                           preferred_element_type=jnp.float32)


def _tc_prep_body(pdeg_ref, x_ref, w0_ref, b0_ref, cw0_ref,
                  dis_ref, out_ref, g_ref):
    pdeg = pdeg_ref[...]
    deg = pdeg[0, :, 0:1] + pdeg[1, :, 0:1]
    dis = jnp.where(deg > 0, lax.rsqrt(jnp.where(deg > 0, deg, 1.0)), 0.0)
    x0 = jnp.maximum(_mm_t(x_ref[...], w0_ref[...]) + b0_ref[...], 0.0)
    dis_ref[...] = dis
    out_ref[...] = _mm_t(x0, cw0_ref[...])
    g_ref[...] = dis * x0


def _tc_prep(pdeg, x, w0, b0, cw0):
    return pl.pallas_call(
        _tc_prep_body,
        grid=(GRID,),
        in_specs=[_p_spec(), _row_spec(), _w_spec(), _b_spec(), _w_spec()],
        out_specs=[_row_spec(1), _row_spec(), _row_spec()],
        out_shape=[jax.ShapeDtypeStruct((N, 1), jnp.float32),
                   jax.ShapeDtypeStruct((N, D), jnp.float32),
                   jax.ShapeDtypeStruct((N, D), jnp.float32)],
    )(pdeg, x, w0, b0, cw0)


def _tc_step_body(p_ref, dis_ref, wk_ref, out_ref, o_ref, g_ref):
    p = p_ref[...]
    dis = dis_ref[...]
    h = dis * (p[0] + p[1])
    o_ref[...] = out_ref[...] + _mm_t(h, wk_ref[...])
    g_ref[...] = dis * h


def _tc_step(p, dis, wk, out):
    return pl.pallas_call(
        _tc_step_body,
        grid=(GRID,),
        in_specs=[_p_spec(), _row_spec(1), _w_spec(), _row_spec()],
        out_specs=[_row_spec(), _row_spec()],
        out_shape=[jax.ShapeDtypeStruct((N, D), jnp.float32),
                   jax.ShapeDtypeStruct((N, D), jnp.float32)],
    )(p, dis, wk, out)


def _tc_bridge_body(p_ref, dis_ref, w3_ref, out_ref, b_ref, cw0_ref,
                    o_ref, g_ref):
    p = p_ref[...]
    dis = dis_ref[...]
    h = dis * (p[0] + p[1])
    x1 = jnp.maximum(out_ref[...] + _mm_t(h, w3_ref[...]) + b_ref[...], 0.0)
    o_ref[...] = _mm_t(x1, cw0_ref[...])
    g_ref[...] = dis * x1


def _tc_bridge(p, dis, w3, out, b, cw0):
    return pl.pallas_call(
        _tc_bridge_body,
        grid=(GRID,),
        in_specs=[_p_spec(), _row_spec(1), _w_spec(), _row_spec(), _b_spec(),
                  _w_spec()],
        out_specs=[_row_spec(), _row_spec()],
        out_shape=[jax.ShapeDtypeStruct((N, D), jnp.float32),
                   jax.ShapeDtypeStruct((N, D), jnp.float32)],
    )(p, dis, w3, out, b, cw0)


def _tc_tail_body(p_ref, dis_ref, w3_ref, out_ref, b2_ref,
                  l1w_ref, l1b_ref, l2w_ref, l2b_ref, l3w_ref, l3b_ref,
                  y_ref):
    p = p_ref[...]
    dis = dis_ref[...]
    h = dis * (p[0] + p[1])
    x2 = jnp.maximum(out_ref[...] + _mm_t(h, w3_ref[...]) + b2_ref[...], 0.0)
    x3 = jnp.maximum(_mm_t(x2, l1w_ref[...]) + l1b_ref[...], 0.0)
    x4 = jnp.maximum(_mm_t(x3, l2w_ref[...]) + l2b_ref[...], 0.0)
    y_ref[...] = jnp.maximum(_mm_t(x4, l3w_ref[...])[:, 0:1] + l3b_ref[0, 0],
                             0.0)


def _tc_tail(p, dis, w3, out, b2, l1w, l1b, l2w, l2b, l3w, l3b):
    return pl.pallas_call(
        _tc_tail_body,
        grid=(GRID,),
        in_specs=[_p_spec(), _row_spec(1), _w_spec(), _row_spec(), _b_spec(),
                  _w_spec(), _b_spec(), _w_spec(), _b_spec(),
                  _w_spec(), _b_spec(1)],
        out_specs=_row_spec(1),
        out_shape=jax.ShapeDtypeStruct((N, 1), jnp.float32),
    )(p, dis, w3, out, b2, l1w, l1b, l2w, l2b, l3w, l3b)



def kernel(x_input, edge_index, batch, lin0_w, lin0_b, conv1_w, conv1_b,
           conv2_w, conv2_b, lin1_w, lin1_b, lin2_w, lin2_b, lin3_w, lin3_b):
    del batch
    pad = EPAD - E
    prow = jnp.arange(pad, dtype=jnp.int32) % N
    pcol = N + jnp.arange(pad, dtype=jnp.int32) % (NPAD - N)
    row3 = jnp.concatenate(
        [edge_index[0].astype(jnp.int32), prow]).reshape(NW, NCHUNK, C)
    col3 = jnp.concatenate(
        [edge_index[1].astype(jnp.int32), pcol]).reshape(NW, NU, HC)
    col3d = edge_index[1].reshape(NW, NCHUNKD, CD)
    zero_d = jnp.zeros((RPT, D), jnp.float32)
    ones_d = jnp.ones((CD, D), jnp.float32)

    pdeg = _sc_degree(col3d, ones_d, zero_d)
    b0 = lin0_b.reshape(1, D)
    b1 = conv1_b.reshape(1, D)
    b2 = conv2_b.reshape(1, D)

    dis, out, g = _tc_prep(pdeg, x_input, lin0_w, b0, conv1_w[0])
    for k in (1, 2):
        p = _sc_propagate(g, row3, col3, zero_d)
        out, g = _tc_step(p, dis, conv1_w[k], out)
    p = _sc_propagate(g, row3, col3, zero_d)
    out, g = _tc_bridge(p, dis, conv1_w[3], out, b1, conv2_w[0])
    for k in (1, 2):
        p = _sc_propagate(g, row3, col3, zero_d)
        out, g = _tc_step(p, dis, conv2_w[k], out)
    p = _sc_propagate(g, row3, col3, zero_d)
    l3w_pad = jnp.zeros((D, D), jnp.float32).at[0].set(lin3_w[0])
    y = _tc_tail(p, dis, conv2_w[3], out, b2,
                 lin1_w, lin1_b.reshape(1, D),
                 lin2_w, lin2_b.reshape(1, D),
                 l3w_pad, lin3_b.reshape(1, 1))
    return y

# --- scband reference (transcript-rebuilt; emitter-appended) ---
"""Pipeline reference for scband-tagconv-net-14388140441686 (READ-ONLY COPY).

The authoritative reference and input builder live on the scoring server;
editing this copy changes nothing except your own understanding.
"""

import jax
import jax.numpy as jnp
import numpy as np

N = 10000
E = 320000
D = 128
K = 3


def _linear(x, w, b):
    return x @ w.T + b


def _tag_conv(x, row, col, norm, w, b):
    # TAGConv: out = sum_k W_k (D^-1/2 A D^-1/2)^k x + bias
    out = x @ w[0].T
    h = x
    for k in range(1, w.shape[0]):
        msg = norm[:, None] * h[row]
        h = jax.ops.segment_sum(msg, col, num_segments=x.shape[0])
        out = out + h @ w[k].T
    return out + b


def setup_inputs(seed: int = 0):
    key = jax.random.key(seed)
    ks = jax.random.split(key, 16)
    s = 0.05
    return {
        "x_input": jax.random.normal(ks[0], (N, D), dtype=jnp.float32),
        "edge_index": jax.random.randint(ks[1], (2, E), 0, N, dtype=jnp.int32),
        "batch": jnp.sort(jax.random.randint(ks[2], (N,), 0, 16, dtype=jnp.int32)),
        "lin0_w": jax.random.normal(ks[3], (D, D), dtype=jnp.float32) * s,
        "lin0_b": jnp.zeros((D,), dtype=jnp.float32),
        "conv1_w": jax.random.normal(ks[4], (K + 1, D, D), dtype=jnp.float32) * s,
        "conv1_b": jnp.zeros((D,), dtype=jnp.float32),
        "conv2_w": jax.random.normal(ks[5], (K + 1, D, D), dtype=jnp.float32) * s,
        "conv2_b": jnp.zeros((D,), dtype=jnp.float32),
        "lin1_w": jax.random.normal(ks[6], (D, D), dtype=jnp.float32) * s,
        "lin1_b": jnp.zeros((D,), dtype=jnp.float32),
        "lin2_w": jax.random.normal(ks[7], (D, D), dtype=jnp.float32) * s,
        "lin2_b": jnp.zeros((D,), dtype=jnp.float32),
        "lin3_w": jax.random.normal(ks[8], (1, D), dtype=jnp.float32) * s,
        "lin3_b": jnp.zeros((1,), dtype=jnp.float32),
    }


def reference(x_input, edge_index, batch, lin0_w, lin0_b, conv1_w, conv1_b,
              conv2_w, conv2_b, lin1_w, lin1_b, lin2_w, lin2_b, lin3_w, lin3_b):
    row = edge_index[0]
    col = edge_index[1]
    n = x_input.shape[0]
    # gcn_norm (add_self_loops=False, as in PyG TAGConv)
    deg = jax.ops.segment_sum(jnp.ones_like(row, dtype=x_input.dtype), col, num_segments=n)
    dis = jnp.where(deg > 0, 1.0 / jnp.sqrt(jnp.where(deg > 0, deg, 1.0)), 0.0)
    norm = dis[row] * dis[col]
    x = jax.nn.relu(_linear(x_input, lin0_w, lin0_b))
    x = jax.nn.relu(_tag_conv(x, row, col, norm, conv1_w, conv1_b))
    x = jax.nn.relu(_tag_conv(x, row, col, norm, conv2_w, conv2_b))
    x = jax.nn.relu(_linear(x, lin1_w, lin1_b))
    x = jax.nn.relu(_linear(x, lin2_w, lin2_b))
    x = jax.nn.relu(_linear(x, lin3_w, lin3_b))
    return x

if __name__ == "__main__":
    import jax
    _d = setup_inputs()
    print(jax.jit(kernel)(*tuple(_d.values())))

</pallas_src>

<mosaic_0001>
#map = affine_map<(d0, d1) -> (0, 0)>
#map1 = affine_map<(d0, d1) -> (0, 0, 0)>
module attributes {stable_mosaic.version = 14 : i64} {
  func.func @_sc_propagate(%arg0: i32, %arg1: i32, %arg2: memref<10000x128xf32, #tpu.memory_space<hbm>>, %arg3: memref<32x80x128xi32, #tpu.memory_space<hbm>>, %arg4: memref<32x160x64xi32, #tpu.memory_space<hbm>>, %arg5: memref<640x128xf32, #tpu.memory_space<hbm>>, %arg6: memref<2x10240x128xf32, #tpu.memory_space<hbm>>, %arg7: memref<80x128xi32, #tpu.memory_space<vmem>>, %arg8: memref<160x64xi32, #tpu.memory_space<vmem>>, %arg9: memref<2x64x128xf32, #tpu.memory_space<vmem>>, %arg10: memref<10240x128xf32, #tpu.memory_space<vmem_shared>>, %arg11: memref<!tpu.dma_semaphore, #tpu.memory_space<semaphore_mem>>, %arg12: memref<!tpu.dma_semaphore, #tpu.memory_space<semaphore_mem>>) attributes {dimension_semantics = [#tpu.dimension_semantics<core_parallel>, #tpu.dimension_semantics<subcore_parallel>], iteration_bounds = array<i64: 2, 16>, scalar_prefetch = 0 : i64, scratch_operands = 6 : i64, tpu.core_type = #tpu.core_type<sc_vector_subcore>, window_params = [{transform_indices = #map}, {transform_indices = #map1}, {transform_indices = #map1}, {transform_indices = #map}, {transform_indices = #map1}]} {
    %mul3A = arith.constant 16 : i32
    %mul3A_0 = arith.muli %arg0, %mul3A : i32
    %add3A = arith.addi %mul3A_0, %arg1 : i32
    %mul3A_1 = arith.constant 640 : i32
    %mul3A_2 = arith.muli %arg1, %mul3A_1 : i32
    "tpu.region"() ({
      %run_scoped3A_62 = tpu.sem_alloc : memref<!tpu.dma_semaphore, #tpu.memory_space<semaphore_mem>>
      %dma_start3A_63 = arith.constant 0 : i32
      %dma_start3A_64 = tpu.memref_slice %arg10[%mul3A_2, %dma_start3A_63] : memref<10240x128xf32, #tpu.memory_space<vmem_shared>> -> memref<640x128xf32, #tpu.memory_space<vmem_shared>>
      tpu.enqueue_dma source(%arg5 : memref<640x128xf32, #tpu.memory_space<hbm>>) target(%dma_start3A_64 : memref<640x128xf32, #tpu.memory_space<vmem_shared>>) target_semaphore(%run_scoped3A_62 : memref<!tpu.dma_semaphore, #tpu.memory_space<semaphore_mem>>)
      %dma_wait3A_65 = arith.constant 0 : i32
      %dma_wait3A_66 = tpu.memref_slice %arg10[%mul3A_2, %dma_wait3A_65] : memref<10240x128xf32, #tpu.memory_space<vmem_shared>> -> memref<640x128xf32, #tpu.memory_space<vmem_shared>>
      tpu.wait_dma2 semaphore(%run_scoped3A_62 : memref<!tpu.dma_semaphore, #tpu.memory_space<semaphore_mem>>) src(%arg5 : memref<640x128xf32, #tpu.memory_space<hbm>>) dst(%dma_wait3A_66 : memref<640x128xf32, #tpu.memory_space<vmem_shared>>)
      tpu.yield
    }) : () -> ()
    %barrier3A = arith.constant 0 : index
    tpu.barrier barrier_id(%barrier3A)
    "tpu.region"() ({
      %run_scoped3A_62 = tpu.sem_alloc : memref<!tpu.dma_semaphore, #tpu.memory_space<semaphore_mem>>
      %dma_start3A_63 = arith.constant 0 : i32
      %dma_start3A_64 = arith.constant 0 : i32
      %dma_start3A_65 = tpu.memref_slice %arg3[%add3A, %dma_start3A_63, %dma_start3A_64] : memref<32x80x128xi32, #tpu.memory_space<hbm>> -> memref<1x80x128xi32, #tpu.memory_space<hbm>>
      %dma_start3A_66 = tpu.memref_squeeze %dma_start3A_65 : memref<1x80x128xi32, #tpu.memory_space<hbm>> -> memref<80x128xi32, #tpu.memory_space<hbm>>
      %dma_start3A_67 = arith.constant 0 : i32
      %dma_start3A_68 = arith.constant 0 : i32
      %dma_start3A_69 = tpu.memref_slice %arg3[%add3A, %dma_start3A_67, %dma_start3A_68] : memref<32x80x128xi32, #tpu.memory_space<hbm>> -> memref<1x80x128xi32, #tpu.memory_space<hbm>>
      %dma_start3A_70 = tpu.memref_squeeze %dma_start3A_69 : memref<1x80x128xi32, #tpu.memory_space<hbm>> -> memref<80x128xi32, #tpu.memory_space<hbm>>
      tpu.enqueue_dma source(%dma_start3A_70 : memref<80x128xi32, #tpu.memory_space<hbm>>) target(%arg7 : memref<80x128xi32, #tpu.memory_space<vmem>>) target_semaphore(%run_scoped3A_62 : memref<!tpu.dma_semaphore, #tpu.memory_space<semaphore_mem>>)
      %dma_wait3A_71 = arith.constant 0 : i32
      %dma_wait3A_72 = arith.constant 0 : i32
      %dma_wait3A_73 = tpu.memref_slice %arg3[%add3A, %dma_wait3A_71, %dma_wait3A_72] : memref<32x80x128xi32, #tpu.memory_space<hbm>> -> memref<1x80x128xi32, #tpu.memory_space<hbm>>
      %dma_wait3A_74 = tpu.memref_squeeze %dma_wait3A_73 : memref<1x80x128xi32, #tpu.memory_space<hbm>> -> memref<80x128xi32, #tpu.memory_space<hbm>>
      %dma_wait3A_75 = arith.constant 0 : i32
      %dma_wait3A_76 = arith.constant 0 : i32
      %dma_wait3A_77 = tpu.memref_slice %arg3[%add3A, %dma_wait3A_75, %dma_wait3A_76] : memref<32x80x128xi32, #tpu.memory_space<hbm>> -> memref<1x80x128xi32, #tpu.memory_space<hbm>>
      %dma_wait3A_78 = tpu.memref_squeeze %dma_wait3A_77 : memref<1x80x128xi32, #tpu.memory_space<hbm>> -> memref<80x128xi32, #tpu.memory_space<hbm>>
      tpu.wait_dma2 semaphore(%run_scoped3A_62 : memref<!tpu.dma_semaphore, #tpu.memory_space<semaphore_mem>>) src(%dma_wait3A_78 : memref<80x128xi32, #tpu.memory_space<hbm>>) dst(%arg7 : memref<80x128xi32, #tpu.memory_space<vmem>>)
      tpu.yield
    }) : () -> ()
    "tpu.region"() ({
      %run_scoped3A_62 = tpu.sem_alloc : memref<!tpu.dma_semaphore, #tpu.memory_space<semaphore_mem>>
      %dma_start3A_63 = arith.constant 0 : i32
      %dma_start3A_64 = arith.constant 0 : i32
      %dma_start3A_65 = tpu.memref_slice %arg4[%add3A, %dma_start3A_63, %dma_start3A_64] : memref<32x160x64xi32, #tpu.memory_space<hbm>> -> memref<1x160x64xi32, #tpu.memory_space<hbm>>
      %dma_start3A_66 = tpu.memref_squeeze %dma_start3A_65 : memref<1x160x64xi32, #tpu.memory_space<hbm>> -> memref<160x64xi32, #tpu.memory_space<hbm>>
      %dma_start3A_67 = arith.constant 0 : i32
      %dma_start3A_68 = arith.constant 0 : i32
      %dma_start3A_69 = tpu.memref_slice %arg4[%add3A, %dma_start3A_67, %dma_start3A_68] : memref<32x160x64xi32, #tpu.memory_space<hbm>> -> memref<1x160x64xi32, #tpu.memory_space<hbm>>
      %dma_start3A_70 = tpu.memref_squeeze %dma_start3A_69 : memref<1x160x64xi32, #tpu.memory_space<hbm>> -> memref<160x64xi32, #tpu.memory_space<hbm>>
      tpu.enqueue_dma source(%dma_start3A_70 : memref<160x64xi32, #tpu.memory_space<hbm>>) target(%arg8 : memref<160x64xi32, #tpu.memory_space<vmem>>) target_semaphore(%run_scoped3A_62 : memref<!tpu.dma_semaphore, #tpu.memory_space<semaphore_mem>>)
      %dma_wait3A_71 = arith.constant 0 : i32
      %dma_wait3A_72 = arith.constant 0 : i32
      %dma_wait3A_73 = tpu.memref_slice %arg4[%add3A, %dma_wait3A_71, %dma_wait3A_72] : memref<32x160x64xi32, #tpu.memory_space<hbm>> -> memref<1x160x64xi32, #tpu.memory_space<hbm>>
      %dma_wait3A_74 = tpu.memref_squeeze %dma_wait3A_73 : memref<1x160x64xi32, #tpu.memory_space<hbm>> -> memref<160x64xi32, #tpu.memory_space<hbm>>
      %dma_wait3A_75 = arith.constant 0 : i32
      %dma_wait3A_76 = arith.constant 0 : i32
      %dma_wait3A_77 = tpu.memref_slice %arg4[%add3A, %dma_wait3A_75, %dma_wait3A_76] : memref<32x160x64xi32, #tpu.memory_space<hbm>> -> memref<1x160x64xi32, #tpu.memory_space<hbm>>
      %dma_wait3A_78 = tpu.memref_squeeze %dma_wait3A_77 : memref<1x160x64xi32, #tpu.memory_space<hbm>> -> memref<160x64xi32, #tpu.memory_space<hbm>>
      tpu.wait_dma2 semaphore(%run_scoped3A_62 : memref<!tpu.dma_semaphore, #tpu.memory_space<semaphore_mem>>) src(%dma_wait3A_78 : memref<160x64xi32, #tpu.memory_space<hbm>>) dst(%arg8 : memref<160x64xi32, #tpu.memory_space<vmem>>)
      tpu.yield
    }) : () -> ()
    %dma_start3A = arith.constant 0 : i32
    %dma_start3A_3 = arith.constant 0 : i32
    %dma_start3A_4 = arith.constant 0 : i32
    %dma_start3A_5 = arith.constant 0 : i32
    %dma_start3A_6 = tpu.memref_slice %arg9[%dma_start3A_3, %dma_start3A_4, %dma_start3A_5] : memref<2x64x128xf32, #tpu.memory_space<vmem>> -> memref<1x64x128xf32, #tpu.memory_space<vmem>>
    %dma_start3A_7 = tpu.memref_squeeze %dma_start3A_6 : memref<1x64x128xf32, #tpu.memory_space<vmem>> -> memref<64x128xf32, #tpu.memory_space<vmem>>
    %dma_start3A_8 = arith.constant 0 : i32
    %dma_start3A_9 = tpu.memref_slice %arg7[%dma_start3A, %dma_start3A_8] : memref<80x128xi32, #tpu.memory_space<vmem>> -> memref<1x64xi32, #tpu.memory_space<vmem>>
    %dma_start3A_10 = tpu.memref_squeeze %dma_start3A_9 : memref<1x64xi32, #tpu.memory_space<vmem>> -> memref<64xi32, #tpu.memory_space<vmem>>
    %dma_start3A_11 = arith.constant 0 : i32
    %dma_start3A_12 = arith.constant 0 : i32
    %dma_start3A_13 = tpu.memref_slice %arg2[%dma_start3A_11, %dma_start3A_12] : memref<10000x128xf32, #tpu.memory_space<hbm>> -> memref<10000x128xf32, #tpu.memory_space<hbm>>
    tpu.enqueue_indirect_dma source(%dma_start3A_13 : memref<10000x128xf32, #tpu.memory_space<hbm>>) target(%dma_start3A_7 : memref<64x128xf32, #tpu.memory_space<vmem>>) offsets(%dma_start3A_10 : memref<64xi32, #tpu.memory_space<vmem>>) semaphore(%arg11 : memref<!tpu.dma_semaphore, #tpu.memory_space<semaphore_mem>>)
    %dma_start3A_14 = arith.constant 0 : i32
    %dma_start3A_15 = arith.constant 1 : i32
    %dma_start3A_16 = arith.constant 0 : i32
    %dma_start3A_17 = arith.constant 0 : i32
    %dma_start3A_18 = tpu.memref_slice %arg9[%dma_start3A_15, %dma_start3A_16, %dma_start3A_17] : memref<2x64x128xf32, #tpu.memory_space<vmem>> -> memref<1x64x128xf32, #tpu.memory_space<vmem>>
    %dma_start3A_19 = tpu.memref_squeeze %dma_start3A_18 : memref<1x64x128xf32, #tpu.memory_space<vmem>> -> memref<64x128xf32, #tpu.memory_space<vmem>>
    %dma_start3A_20 = arith.constant 64 : i32
    %dma_start3A_21 = tpu.memref_slice %arg7[%dma_start3A_14, %dma_start3A_20] : memref<80x128xi32, #tpu.memory_space<vmem>> -> memref<1x64xi32, #tpu.memory_space<vmem>>
    %dma_start3A_22 = tpu.memref_squeeze %dma_start3A_21 : memref<1x64xi32, #tpu.memory_space<vmem>> -> memref<64xi32, #tpu.memory_space<vmem>>
    %dma_start3A_23 = arith.constant 0 : i32
    %dma_start3A_24 = arith.constant 0 : i32
    %dma_start3A_25 = tpu.memref_slice %arg2[%dma_start3A_23, %dma_start3A_24] : memref<10000x128xf32, #tpu.memory_space<hbm>> -> memref<10000x128xf32, #tpu.memory_space<hbm>>
    tpu.enqueue_indirect_dma source(%dma_start3A_25 : memref<10000x128xf32, #tpu.memory_space<hbm>>) target(%dma_start3A_19 : memref<64x128xf32, #tpu.memory_space<vmem>>) offsets(%dma_start3A_22 : memref<64xi32, #tpu.memory_space<vmem>>) semaphore(%arg12 : memref<!tpu.dma_semaphore, #tpu.memory_space<semaphore_mem>>)
    %scan3A = arith.constant 0 : i32
    %scan3A_26 = arith.constant 0 : i32
    %scan3A_27 = arith.constant 79 : i32
    %scan3A_28 = arith.addi %scan3A_26, %scan3A_27 : i32
    %scan3A_29 = arith.constant 1 : i32
    scf.for %scan3A_62 = %scan3A_26 to %scan3A_28 step %scan3A_29  : i32 {
      %dma_wait3A_63 = arith.constant 0 : i32
      %dma_wait3A_64 = arith.constant 0 : i32
      %dma_wait3A_65 = arith.constant 0 : i32
      %dma_wait3A_66 = arith.constant 0 : i32
      %dma_wait3A_67 = tpu.memref_slice %arg9[%dma_wait3A_64, %dma_wait3A_65, %dma_wait3A_66] : memref<2x64x128xf32, #tpu.memory_space<vmem>> -> memref<1x64x128xf32, #tpu.memory_space<vmem>>
      %dma_wait3A_68 = tpu.memref_squeeze %dma_wait3A_67 : memref<1x64x128xf32, #tpu.memory_space<vmem>> -> memref<64x128xf32, #tpu.memory_space<vmem>>
      %dma_wait3A_69 = arith.constant 0 : i32
      %dma_wait3A_70 = tpu.memref_slice %arg7[%dma_wait3A_63, %dma_wait3A_69] : memref<80x128xi32, #tpu.memory_space<vmem>> -> memref<1x64xi32, #tpu.memory_space<vmem>>
      %dma_wait3A_71 = tpu.memref_squeeze %dma_wait3A_70 : memref<1x64xi32, #tpu.memory_space<vmem>> -> memref<64xi32, #tpu.memory_space<vmem>>
      %dma_wait3A_72 = arith.constant 0 : i32
      %dma_wait3A_73 = arith.constant 0 : i32
      %dma_wait3A_74 = tpu.memref_slice %arg2[%dma_wait3A_72, %dma_wait3A_73] : memref<10000x128xf32, #tpu.memory_space<hbm>> -> memref<10000x128xf32, #tpu.memory_space<hbm>>
      tpu.wait_indirect_dma semaphore(%arg11 : memref<!tpu.dma_semaphore, #tpu.memory_space<semaphore_mem>>) src(%dma_wait3A_74 : memref<10000x128xf32, #tpu.memory_space<hbm>>) dst(%dma_wait3A_68 : memref<64x128xf32, #tpu.memory_space<vmem>>)
      %mul3A_75 = arith.constant 2 : i32
      %mul3A_76 = arith.muli %mul3A_75, %scan3A_62 : i32
      %add3A_77 = arith.constant 0 : i32
      %add3A_78 = arith.addi %mul3A_76, %add3A_77 : i32
      %run_scoped3A_79 = arith.constant 0 : i32
      "tpu.region"() ({
        %run_scoped3A_123 = tpu.sem_alloc : memref<!tpu.dma_semaphore, #tpu.memory_space<semaphore_mem>>
        %dma_start3A_124 = arith.constant 0 : i32
        %dma_start3A_125 = arith.constant 0 : i32
        %dma_start3A_126 = tpu.memref_slice %arg9[%run_scoped3A_79, %dma_start3A_124, %dma_start3A_125] : memref<2x64x128xf32, #tpu.memory_space<vmem>> -> memref<1x64x128xf32, #tpu.memory_space<vmem>>
        %dma_start3A_127 = tpu.memref_squeeze %dma_start3A_126 : memref<1x64x128xf32, #tpu.memory_space<vmem>> -> memref<64x128xf32, #tpu.memory_space<vmem>>
        %dma_start3A_128 = arith.constant 0 : i32
        %dma_start3A_129 = tpu.memref_slice %arg8[%add3A_78, %dma_start3A_128] : memref<160x64xi32, #tpu.memory_space<vmem>> -> memref<1x64xi32, #tpu.memory_space<vmem>>
        %dma_start3A_130 = tpu.memref_squeeze %dma_start3A_129 : memref<1x64xi32, #tpu.memory_space<vmem>> -> memref<64xi32, #tpu.memory_space<vmem>>
        %dma_start3A_131 = arith.constant 0 : i32
        %dma_start3A_132 = arith.constant 0 : i32
        %dma_start3A_133 = tpu.memref_slice %arg10[%dma_start3A_131, %dma_start3A_132] : memref<10240x128xf32, #tpu.memory_space<vmem_shared>> -> memref<10240x128xf32, #tpu.memory_space<vmem_shared>>
        tpu.enqueue_indirect_dma source(%dma_start3A_127 : memref<64x128xf32, #tpu.memory_space<vmem>>) target(%dma_start3A_133 : memref<10240x128xf32, #tpu.memory_space<vmem_shared>>) offsets(%dma_start3A_130 : memref<64xi32, #tpu.memory_space<vmem>>) semaphore(%run_scoped3A_123 : memref<!tpu.dma_semaphore, #tpu.memory_space<semaphore_mem>>) {add = true}
        %dma_wait3A_134 = arith.constant 0 : i32
        %dma_wait3A_135 = arith.constant 0 : i32
        %dma_wait3A_136 = tpu.memref_slice %arg9[%run_scoped3A_79, %dma_wait3A_134, %dma_wait3A_135] : memref<2x64x128xf32, #tpu.memory_space<vmem>> -> memref<1x64x128xf32, #tpu.memory_space<vmem>>
        %dma_wait3A_137 = tpu.memref_squeeze %dma_wait3A_136 : memref<1x64x128xf32, #tpu.memory_space<vmem>> -> memref<64x128xf32, #tpu.memory_space<vmem>>
        %dma_wait3A_138 = arith.constant 0 : i32
        %dma_wait3A_139 = tpu.memref_slice %arg8[%add3A_78, %dma_wait3A_138] : memref<160x64xi32, #tpu.memory_space<vmem>> -> memref<1x64xi32, #tpu.memory_space<vmem>>
        %dma_wait3A_140 = tpu.memref_squeeze %dma_wait3A_139 : memref<1x64xi32, #tpu.memory_space<vmem>> -> memref<64xi32, #tpu.memory_space<vmem>>
        %dma_wait3A_141 = arith.constant 0 : i32
        %dma_wait3A_142 = arith.constant 0 : i32
        %dma_wait3A_143 = tpu.memref_slice %arg10[%dma_wait3A_141, %dma_wait3A_142] : memref<10240x128xf32, #tpu.memory_space<vmem_shared>> -> memref<10240x128xf32, #tpu.memory_space<vmem_shared>>
        tpu.wait_indirect_dma semaphore(%run_scoped3A_123 : memref<!tpu.dma_semaphore, #tpu.memory_space<semaphore_mem>>) src(%dma_wait3A_137 : memref<64x128xf32, #tpu.memory_space<vmem>>) dst(%dma_wait3A_143 : memref<10240x128xf32, #tpu.memory_space<vmem_shared>>)
        tpu.yield
      }) : () -> ()
      %add3A_80 = arith.constant 1 : i32
      %add3A_81 = arith.addi %scan3A_62, %add3A_80 : i32
      %dma_start3A_82 = arith.constant 0 : i32
      %dma_start3A_83 = arith.constant 0 : i32
      %dma_start3A_84 = arith.constant 0 : i32
      %dma_start3A_85 = tpu.memref_slice %arg9[%dma_start3A_82, %dma_start3A_83, %dma_start3A_84] : memref<2x64x128xf32, #tpu.memory_space<vmem>> -> memref<1x64x128xf32, #tpu.memory_space<vmem>>
      %dma_start3A_86 = tpu.memref_squeeze %dma_start3A_85 : memref<1x64x128xf32, #tpu.memory_space<vmem>> -> memref<64x128xf32, #tpu.memory_space<vmem>>
      %dma_start3A_87 = arith.constant 0 : i32
      %dma_start3A_88 = tpu.memref_slice %arg7[%add3A_81, %dma_start3A_87] : memref<80x128xi32, #tpu.memory_space<vmem>> -> memref<1x64xi32, #tpu.memory_space<vmem>>
      %dma_start3A_89 = tpu.memref_squeeze %dma_start3A_88 : memref<1x64xi32, #tpu.memory_space<vmem>> -> memref<64xi32, #tpu.memory_space<vmem>>
      %dma_start3A_90 = arith.constant 0 : i32
      %dma_start3A_91 = arith.constant 0 : i32
      %dma_start3A_92 = tpu.memref_slice %arg2[%dma_start3A_90, %dma_start3A_91] : memref<10000x128xf32, #tpu.memory_space<hbm>> -> memref<10000x128xf32, #tpu.memory_space<hbm>>
      tpu.enqueue_indirect_dma source(%dma_start3A_92 : memref<10000x128xf32, #tpu.memory_space<hbm>>) target(%dma_start3A_86 : memref<64x128xf32, #tpu.memory_space<vmem>>) offsets(%dma_start3A_89 : memref<64xi32, #tpu.memory_space<vmem>>) semaphore(%arg11 : memref<!tpu.dma_semaphore, #tpu.memory_space<semaphore_mem>>)
      %dma_wait3A_93 = arith.constant 0 : i32
      %dma_wait3A_94 = arith.constant 1 : i32
      %dma_wait3A_95 = arith.constant 0 : i32
      %dma_wait3A_96 = arith.constant 0 : i32
      %dma_wait3A_97 = tpu.memref_slice %arg9[%dma_wait3A_94, %dma_wait3A_95, %dma_wait3A_96] : memref<2x64x128xf32, #tpu.memory_space<vmem>> -> memref<1x64x128xf32, #tpu.memory_space<vmem>>
      %dma_wait3A_98 = tpu.memref_squeeze %dma_wait3A_97 : memref<1x64x128xf32, #tpu.memory_space<vmem>> -> memref<64x128xf32, #tpu.memory_space<vmem>>
      %dma_wait3A_99 = arith.constant 0 : i32
      %dma_wait3A_100 = tpu.memref_slice %arg7[%dma_wait3A_93, %dma_wait3A_99] : memref<80x128xi32, #tpu.memory_space<vmem>> -> memref<1x64xi32, #tpu.memory_space<vmem>>
      %dma_wait3A_101 = tpu.memref_squeeze %dma_wait3A_100 : memref<1x64xi32, #tpu.memory_space<vmem>> -> memref<64xi32, #tpu.memory_space<vmem>>
      %dma_wait3A_102 = arith.constant 0 : i32
      %dma_wait3A_103 = arith.constant 0 : i32
      %dma_wait3A_104 = tpu.memref_slice %arg2[%dma_wait3A_102, %dma_wait3A_103] : memref<10000x128xf32, #tpu.memory_space<hbm>> -> memref<10000x128xf32, #tpu.memory_space<hbm>>
      tpu.wait_indirect_dma semaphore(%arg12 : memref<!tpu.dma_semaphore, #tpu.memory_space<semaphore_mem>>) src(%dma_wait3A_104 : memref<10000x128xf32, #tpu.memory_space<hbm>>) dst(%dma_wait3A_98 : memref<64x128xf32, #tpu.memory_space<vmem>>)
      %mul3A_105 = arith.constant 2 : i32
      %mul3A_106 = arith.muli %mul3A_105, %scan3A_62 : i32
      %add3A_107 = arith.constant 1 : i32
      %add3A_108 = arith.addi %mul3A_106, %add3A_107 : i32
      %run_scoped3A_109 = arith.constant 1 : i32
      "tpu.region"() ({
        %run_scoped3A_123 = tpu.sem_alloc : memref<!tpu.dma_semaphore, #tpu.memory_space<semaphore_mem>>
        %dma_start3A_124 = arith.constant 0 : i32
        %dma_start3A_125 = arith.constant 0 : i32
        %dma_start3A_126 = tpu.memref_slice %arg9[%run_scoped3A_109, %dma_start3A_124, %dma_start3A_125] : memref<2x64x128xf32, #tpu.memory_space<vmem>> -> memref<1x64x128xf32, #tpu.memory_space<vmem>>
        %dma_start3A_127 = tpu.memref_squeeze %dma_start3A_126 : memref<1x64x128xf32, #tpu.memory_space<vmem>> -> memref<64x128xf32, #tpu.memory_space<vmem>>
        %dma_start3A_128 = arith.constant 0 : i32
        %dma_start3A_129 = tpu.memref_slice %arg8[%add3A_108, %dma_start3A_128] : memref<160x64xi32, #tpu.memory_space<vmem>> -> memref<1x64xi32, #tpu.memory_space<vmem>>
        %dma_start3A_130 = tpu.memref_squeeze %dma_start3A_129 : memref<1x64xi32, #tpu.memory_space<vmem>> -> memref<64xi32, #tpu.memory_space<vmem>>
        %dma_start3A_131 = arith.constant 0 : i32
        %dma_start3A_132 = arith.constant 0 : i32
        %dma_start3A_133 = tpu.memref_slice %arg10[%dma_start3A_131, %dma_start3A_132] : memref<10240x128xf32, #tpu.memory_space<vmem_shared>> -> memref<10240x128xf32, #tpu.memory_space<vmem_shared>>
        tpu.enqueue_indirect_dma source(%dma_start3A_127 : memref<64x128xf32, #tpu.memory_space<vmem>>) target(%dma_start3A_133 : memref<10240x128xf32, #tpu.memory_space<vmem_shared>>) offsets(%dma_start3A_130 : memref<64xi32, #tpu.memory_space<vmem>>) semaphore(%run_scoped3A_123 : memref<!tpu.dma_semaphore, #tpu.memory_space<semaphore_mem>>) {add = true}
        %dma_wait3A_134 = arith.constant 0 : i32
        %dma_wait3A_135 = arith.constant 0 : i32
        %dma_wait3A_136 = tpu.memref_slice %arg9[%run_scoped3A_109, %dma_wait3A_134, %dma_wait3A_135] : memref<2x64x128xf32, #tpu.memory_space<vmem>> -> memref<1x64x128xf32, #tpu.memory_space<vmem>>
        %dma_wait3A_137 = tpu.memref_squeeze %dma_wait3A_136 : memref<1x64x128xf32, #tpu.memory_space<vmem>> -> memref<64x128xf32, #tpu.memory_space<vmem>>
        %dma_wait3A_138 = arith.constant 0 : i32
        %dma_wait3A_139 = tpu.memref_slice %arg8[%add3A_108, %dma_wait3A_138] : memref<160x64xi32, #tpu.memory_space<vmem>> -> memref<1x64xi32, #tpu.memory_space<vmem>>
        %dma_wait3A_140 = tpu.memref_squeeze %dma_wait3A_139 : memref<1x64xi32, #tpu.memory_space<vmem>> -> memref<64xi32, #tpu.memory_space<vmem>>
        %dma_wait3A_141 = arith.constant 0 : i32
        %dma_wait3A_142 = arith.constant 0 : i32
        %dma_wait3A_143 = tpu.memref_slice %arg10[%dma_wait3A_141, %dma_wait3A_142] : memref<10240x128xf32, #tpu.memory_space<vmem_shared>> -> memref<10240x128xf32, #tpu.memory_space<vmem_shared>>
        tpu.wait_indirect_dma semaphore(%run_scoped3A_123 : memref<!tpu.dma_semaphore, #tpu.memory_space<semaphore_mem>>) src(%dma_wait3A_137 : memref<64x128xf32, #tpu.memory_space<vmem>>) dst(%dma_wait3A_143 : memref<10240x128xf32, #tpu.memory_space<vmem_shared>>)
        tpu.yield
      }) : () -> ()
      %add3A_110 = arith.constant 1 : i32
      %add3A_111 = arith.addi %scan3A_62, %add3A_110 : i32
      %dma_start3A_112 = arith.constant 1 : i32
      %dma_start3A_113 = arith.constant 0 : i32
      %dma_start3A_114 = arith.constant 0 : i32
      %dma_start3A_115 = tpu.memref_slice %arg9[%dma_start3A_112, %dma_start3A_113, %dma_start3A_114] : memref<2x64x128xf32, #tpu.memory_space<vmem>> -> memref<1x64x128xf32, #tpu.memory_space<vmem>>
      %dma_start3A_116 = tpu.memref_squeeze %dma_start3A_115 : memref<1x64x128xf32, #tpu.memory_space<vmem>> -> memref<64x128xf32, #tpu.memory_space<vmem>>
      %dma_start3A_117 = arith.constant 64 : i32
      %dma_start3A_118 = tpu.memref_slice %arg7[%add3A_111, %dma_start3A_117] : memref<80x128xi32, #tpu.memory_space<vmem>> -> memref<1x64xi32, #tpu.memory_space<vmem>>
      %dma_start3A_119 = tpu.memref_squeeze %dma_start3A_118 : memref<1x64xi32, #tpu.memory_space<vmem>> -> memref<64xi32, #tpu.memory_space<vmem>>
      %dma_start3A_120 = arith.constant 0 : i32
      %dma_start3A_121 = arith.constant 0 : i32
      %dma_start3A_122 = tpu.memref_slice %arg2[%dma_start3A_120, %dma_start3A_121] : memref<10000x128xf32, #tpu.memory_space<hbm>> -> memref<10000x128xf32, #tpu.memory_space<hbm>>
      tpu.enqueue_indirect_dma source(%dma_start3A_122 : memref<10000x128xf32, #tpu.memory_space<hbm>>) target(%dma_start3A_116 : memref<64x128xf32, #tpu.memory_space<vmem>>) offsets(%dma_start3A_119 : memref<64xi32, #tpu.memory_space<vmem>>) semaphore(%arg12 : memref<!tpu.dma_semaphore, #tpu.memory_space<semaphore_mem>>)
    }
    %scan3A_30 = arith.constant 79 : i32
    %dma_wait3A = arith.constant 0 : i32
    %dma_wait3A_31 = arith.constant 0 : i32
    %dma_wait3A_32 = arith.constant 0 : i32
    %dma_wait3A_33 = arith.constant 0 : i32
    %dma_wait3A_34 = tpu.memref_slice %arg9[%dma_wait3A_31, %dma_wait3A_32, %dma_wait3A_33] : memref<2x64x128xf32, #tpu.memory_space<vmem>> -> memref<1x64x128xf32, #tpu.memory_space<vmem>>
    %dma_wait3A_35 = tpu.memref_squeeze %dma_wait3A_34 : memref<1x64x128xf32, #tpu.memory_space<vmem>> -> memref<64x128xf32, #tpu.memory_space<vmem>>
    %dma_wait3A_36 = arith.constant 0 : i32
    %dma_wait3A_37 = tpu.memref_slice %arg7[%dma_wait3A, %dma_wait3A_36] : memref<80x128xi32, #tpu.memory_space<vmem>> -> memref<1x64xi32, #tpu.memory_space<vmem>>
    %dma_wait3A_38 = tpu.memref_squeeze %dma_wait3A_37 : memref<1x64xi32, #tpu.memory_space<vmem>> -> memref<64xi32, #tpu.memory_space<vmem>>
    %dma_wait3A_39 = arith.constant 0 : i32
    %dma_wait3A_40 = arith.constant 0 : i32
    %dma_wait3A_41 = tpu.memref_slice %arg2[%dma_wait3A_39, %dma_wait3A_40] : memref<10000x128xf32, #tpu.memory_space<hbm>> -> memref<10000x128xf32, #tpu.memory_space<hbm>>
    tpu.wait_indirect_dma semaphore(%arg11 : memref<!tpu.dma_semaphore, #tpu.memory_space<semaphore_mem>>) src(%dma_wait3A_41 : memref<10000x128xf32, #tpu.memory_space<hbm>>) dst(%dma_wait3A_35 : memref<64x128xf32, #tpu.memory_space<vmem>>)
    %run_scoped3A = arith.constant 0 : i32
    %run_scoped3A_42 = arith.constant 158 : i32
    "tpu.region"() ({
      %run_scoped3A_62 = tpu.sem_alloc : memref<!tpu.dma_semaphore, #tpu.memory_space<semaphore_mem>>
      %dma_start3A_63 = arith.constant 0 : i32
      %dma_start3A_64 = arith.constant 0 : i32
      %dma_start3A_65 = tpu.memref_slice %arg9[%run_scoped3A, %dma_start3A_63, %dma_start3A_64] : memref<2x64x128xf32, #tpu.memory_space<vmem>> -> memref<1x64x128xf32, #tpu.memory_space<vmem>>
      %dma_start3A_66 = tpu.memref_squeeze %dma_start3A_65 : memref<1x64x128xf32, #tpu.memory_space<vmem>> -> memref<64x128xf32, #tpu.memory_space<vmem>>
      %dma_start3A_67 = arith.constant 0 : i32
      %dma_start3A_68 = tpu.memref_slice %arg8[%run_scoped3A_42, %dma_start3A_67] : memref<160x64xi32, #tpu.memory_space<vmem>> -> memref<1x64xi32, #tpu.memory_space<vmem>>
      %dma_start3A_69 = tpu.memref_squeeze %dma_start3A_68 : memref<1x64xi32, #tpu.memory_space<vmem>> -> memref<64xi32, #tpu.memory_space<vmem>>
      %dma_start3A_70 = arith.constant 0 : i32
      %dma_start3A_71 = arith.constant 0 : i32
      %dma_start3A_72 = tpu.memref_slice %arg10[%dma_start3A_70, %dma_start3A_71] : memref<10240x128xf32, #tpu.memory_space<vmem_shared>> -> memref<10240x128xf32, #tpu.memory_space<vmem_shared>>
      tpu.enqueue_indirect_dma source(%dma_start3A_66 : memref<64x128xf32, #tpu.memory_space<vmem>>) target(%dma_start3A_72 : memref<10240x128xf32, #tpu.memory_space<vmem_shared>>) offsets(%dma_start3A_69 : memref<64xi32, #tpu.memory_space<vmem>>) semaphore(%run_scoped3A_62 : memref<!tpu.dma_semaphore, #tpu.memory_space<semaphore_mem>>) {add = true}
      %dma_wait3A_73 = arith.constant 0 : i32
      %dma_wait3A_74 = arith.constant 0 : i32
      %dma_wait3A_75 = tpu.memref_slice %arg9[%run_scoped3A, %dma_wait3A_73, %dma_wait3A_74] : memref<2x64x128xf32, #tpu.memory_space<vmem>> -> memref<1x64x128xf32, #tpu.memory_space<vmem>>
      %dma_wait3A_76 = tpu.memref_squeeze %dma_wait3A_75 : memref<1x64x128xf32, #tpu.memory_space<vmem>> -> memref<64x128xf32, #tpu.memory_space<vmem>>
      %dma_wait3A_77 = arith.constant 0 : i32
      %dma_wait3A_78 = tpu.memref_slice %arg8[%run_scoped3A_42, %dma_wait3A_77] : memref<160x64xi32, #tpu.memory_space<vmem>> -> memref<1x64xi32, #tpu.memory_space<vmem>>
      %dma_wait3A_79 = tpu.memref_squeeze %dma_wait3A_78 : memref<1x64xi32, #tpu.memory_space<vmem>> -> memref<64xi32, #tpu.memory_space<vmem>>
      %dma_wait3A_80 = arith.constant 0 : i32
      %dma_wait3A_81 = arith.constant 0 : i32
      %dma_wait3A_82 = tpu.memref_slice %arg10[%dma_wait3A_80, %dma_wait3A_81] : memref<10240x128xf32, #tpu.memory_space<vmem_shared>> -> memref<10240x128xf32, #tpu.memory_space<vmem_shared>>
      tpu.wait_indirect_dma semaphore(%run_scoped3A_62 : memref<!tpu.dma_semaphore, #tpu.memory_space<semaphore_mem>>) src(%dma_wait3A_76 : memref<64x128xf32, #tpu.memory_space<vmem>>) dst(%dma_wait3A_82 : memref<10240x128xf32, #tpu.memory_space<vmem_shared>>)
      tpu.yield
    }) : () -> ()
    %dma_wait3A_43 = arith.constant 0 : i32
    %dma_wait3A_44 = arith.constant 1 : i32
    %dma_wait3A_45 = arith.constant 0 : i32
    %dma_wait3A_46 = arith.constant 0 : i32
    %dma_wait3A_47 = tpu.memref_slice %arg9[%dma_wait3A_44, %dma_wait3A_45, %dma_wait3A_46] : memref<2x64x128xf32, #tpu.memory_space<vmem>> -> memref<1x64x128xf32, #tpu.memory_space<vmem>>
    %dma_wait3A_48 = tpu.memref_squeeze %dma_wait3A_47 : memref<1x64x128xf32, #tpu.memory_space<vmem>> -> memref<64x128xf32, #tpu.memory_space<vmem>>
    %dma_wait3A_49 = arith.constant 0 : i32
    %dma_wait3A_50 = tpu.memref_slice %arg7[%dma_wait3A_43, %dma_wait3A_49] : memref<80x128xi32, #tpu.memory_space<vmem>> -> memref<1x64xi32, #tpu.memory_space<vmem>>
    %dma_wait3A_51 = tpu.memref_squeeze %dma_wait3A_50 : memref<1x64xi32, #tpu.memory_space<vmem>> -> memref<64xi32, #tpu.memory_space<vmem>>
    %dma_wait3A_52 = arith.constant 0 : i32
    %dma_wait3A_53 = arith.constant 0 : i32
    %dma_wait3A_54 = tpu.memref_slice %arg2[%dma_wait3A_52, %dma_wait3A_53] : memref<10000x128xf32, #tpu.memory_space<hbm>> -> memref<10000x128xf32, #tpu.memory_space<hbm>>
    tpu.wait_indirect_dma semaphore(%arg12 : memref<!tpu.dma_semaphore, #tpu.memory_space<semaphore_mem>>) src(%dma_wait3A_54 : memref<10000x128xf32, #tpu.memory_space<hbm>>) dst(%dma_wait3A_48 : memref<64x128xf32, #tpu.memory_space<vmem>>)
    %run_scoped3A_55 = arith.constant 1 : i32
    %run_scoped3A_56 = arith.constant 159 : i32
    "tpu.region"() ({
      %run_scoped3A_62 = tpu.sem_alloc : memref<!tpu.dma_semaphore, #tpu.memory_space<semaphore_mem>>
      %dma_start3A_63 = arith.constant 0 : i32
      %dma_start3A_64 = arith.constant 0 : i32
      %dma_start3A_65 = tpu.memref_slice %arg9[%run_scoped3A_55, %dma_start3A_63, %dma_start3A_64] : memref<2x64x128xf32, #tpu.memory_space<vmem>> -> memref<1x64x128xf32, #tpu.memory_space<vmem>>
      %dma_start3A_66 = tpu.memref_squeeze %dma_start3A_65 : memref<1x64x128xf32, #tpu.memory_space<vmem>> -> memref<64x128xf32, #tpu.memory_space<vmem>>
      %dma_start3A_67 = arith.constant 0 : i32
      %dma_start3A_68 = tpu.memref_slice %arg8[%run_scoped3A_56, %dma_start3A_67] : memref<160x64xi32, #tpu.memory_space<vmem>> -> memref<1x64xi32, #tpu.memory_space<vmem>>
      %dma_start3A_69 = tpu.memref_squeeze %dma_start3A_68 : memref<1x64xi32, #tpu.memory_space<vmem>> -> memref<64xi32, #tpu.memory_space<vmem>>
      %dma_start3A_70 = arith.constant 0 : i32
      %dma_start3A_71 = arith.constant 0 : i32
      %dma_start3A_72 = tpu.memref_slice %arg10[%dma_start3A_70, %dma_start3A_71] : memref<10240x128xf32, #tpu.memory_space<vmem_shared>> -> memref<10240x128xf32, #tpu.memory_space<vmem_shared>>
      tpu.enqueue_indirect_dma source(%dma_start3A_66 : memref<64x128xf32, #tpu.memory_space<vmem>>) target(%dma_start3A_72 : memref<10240x128xf32, #tpu.memory_space<vmem_shared>>) offsets(%dma_start3A_69 : memref<64xi32, #tpu.memory_space<vmem>>) semaphore(%run_scoped3A_62 : memref<!tpu.dma_semaphore, #tpu.memory_space<semaphore_mem>>) {add = true}
      %dma_wait3A_73 = arith.constant 0 : i32
      %dma_wait3A_74 = arith.constant 0 : i32
      %dma_wait3A_75 = tpu.memref_slice %arg9[%run_scoped3A_55, %dma_wait3A_73, %dma_wait3A_74] : memref<2x64x128xf32, #tpu.memory_space<vmem>> -> memref<1x64x128xf32, #tpu.memory_space<vmem>>
      %dma_wait3A_76 = tpu.memref_squeeze %dma_wait3A_75 : memref<1x64x128xf32, #tpu.memory_space<vmem>> -> memref<64x128xf32, #tpu.memory_space<vmem>>
      %dma_wait3A_77 = arith.constant 0 : i32
      %dma_wait3A_78 = tpu.memref_slice %arg8[%run_scoped3A_56, %dma_wait3A_77] : memref<160x64xi32, #tpu.memory_space<vmem>> -> memref<1x64xi32, #tpu.memory_space<vmem>>
      %dma_wait3A_79 = tpu.memref_squeeze %dma_wait3A_78 : memref<1x64xi32, #tpu.memory_space<vmem>> -> memref<64xi32, #tpu.memory_space<vmem>>
      %dma_wait3A_80 = arith.constant 0 : i32
      %dma_wait3A_81 = arith.constant 0 : i32
      %dma_wait3A_82 = tpu.memref_slice %arg10[%dma_wait3A_80, %dma_wait3A_81] : memref<10240x128xf32, #tpu.memory_space<vmem_shared>> -> memref<10240x128xf32, #tpu.memory_space<vmem_shared>>
      tpu.wait_indirect_dma semaphore(%run_scoped3A_62 : memref<!tpu.dma_semaphore, #tpu.memory_space<semaphore_mem>>) src(%dma_wait3A_76 : memref<64x128xf32, #tpu.memory_space<vmem>>) dst(%dma_wait3A_82 : memref<10240x128xf32, #tpu.memory_space<vmem_shared>>)
      tpu.yield
    }) : () -> ()
    %barrier3A_57 = arith.constant 0 : index
    tpu.barrier barrier_id(%barrier3A_57)
    %mul3A_58 = arith.constant 640 : i32
    %mul3A_59 = arith.muli %arg1, %mul3A_58 : i32
    %mul3A_60 = arith.constant 640 : i32
    %mul3A_61 = arith.muli %arg1, %mul3A_60 : i32
    "tpu.region"() ({
      %run_scoped3A_62 = tpu.sem_alloc : memref<!tpu.dma_semaphore, #tpu.memory_space<semaphore_mem>>
      %dma_start3A_63 = arith.constant 0 : i32
      %dma_start3A_64 = tpu.memref_slice %arg6[%arg0, %mul3A_61, %dma_start3A_63] : memref<2x10240x128xf32, #tpu.memory_space<hbm>> -> memref<1x640x128xf32, #tpu.memory_space<hbm>>
      %dma_start3A_65 = tpu.memref_squeeze %dma_start3A_64 : memref<1x640x128xf32, #tpu.memory_space<hbm>> -> memref<640x128xf32, #tpu.memory_space<hbm>>
      %dma_start3A_66 = arith.constant 0 : i32
      %dma_start3A_67 = tpu.memref_slice %arg10[%mul3A_59, %dma_start3A_66] : memref<10240x128xf32, #tpu.memory_space<vmem_shared>> -> memref<640x128xf32, #tpu.memory_space<vmem_shared>>
      tpu.enqueue_dma source(%dma_start3A_67 : memref<640x128xf32, #tpu.memory_space<vmem_shared>>) target(%dma_start3A_65 : memref<640x128xf32, #tpu.memory_space<hbm>>) target_semaphore(%run_scoped3A_62 : memref<!tpu.dma_semaphore, #tpu.memory_space<semaphore_mem>>)
      %dma_wait3A_68 = arith.constant 0 : i32
      %dma_wait3A_69 = tpu.memref_slice %arg6[%arg0, %mul3A_61, %dma_wait3A_68] : memref<2x10240x128xf32, #tpu.memory_space<hbm>> -> memref<1x640x128xf32, #tpu.memory_space<hbm>>
      %dma_wait3A_70 = tpu.memref_squeeze %dma_wait3A_69 : memref<1x640x128xf32, #tpu.memory_space<hbm>> -> memref<640x128xf32, #tpu.memory_space<hbm>>
      %dma_wait3A_71 = arith.constant 0 : i32
      %dma_wait3A_72 = tpu.memref_slice %arg10[%mul3A_59, %dma_wait3A_71] : memref<10240x128xf32, #tpu.memory_space<vmem_shared>> -> memref<640x128xf32, #tpu.memory_space<vmem_shared>>
      tpu.wait_dma2 semaphore(%run_scoped3A_62 : memref<!tpu.dma_semaphore, #tpu.memory_space<semaphore_mem>>) src(%dma_wait3A_72 : memref<640x128xf32, #tpu.memory_space<vmem_shared>>) dst(%dma_wait3A_70 : memref<640x128xf32, #tpu.memory_space<hbm>>)
      tpu.yield
    }) : () -> ()
    return
  }
}

#map = affine_map<(d0, d1) -> (0, 0)>
#map1 = affine_map<(d0, d1) -> (0, 0, 0)>
module attributes {stable_mosaic.version = 14 : i64} {
  func.func @_sc_propagate(%arg0: i32, %arg1: i32, %arg2: memref<10000x128xf32, #tpu.memory_space<hbm>>, %arg3: memref<32x80x128xi32, #tpu.memory_space<hbm>>, %arg4: memref<32x160x64xi32, #tpu.memory_space<hbm>>, %arg5: memref<640x128xf32, #tpu.memory_space<hbm>>, %arg6: memref<2x10240x128xf32, #tpu.memory_space<hbm>>, %arg7: memref<80x128xi32, #tpu.memory_space<vmem>>, %arg8: memref<160x64xi32, #tpu.memory_space<vmem>>, %arg9: memref<2x64x128xf32, #tpu.memory_space<vmem>>, %arg10: memref<10240x128xf32, #tpu.memory_space<vmem_shared>>, %arg11: memref<!tpu.dma_semaphore, #tpu.memory_space<semaphore_mem>>, %arg12: memref<!tpu.dma_semaphore, #tpu.memory_space<semaphore_mem>>) attributes {dimension_semantics = [#tpu.dimension_semantics<core_parallel>, #tpu.dimension_semantics<subcore_parallel>], iteration_bounds = array<i64: 2, 16>, scalar_prefetch = 0 : i64, scratch_operands = 6 : i64, tpu.core_type = #tpu.core_type<sc_vector_subcore>, window_params = [{transform_indices = #map}, {transform_indices = #map1}, {transform_indices = #map1}, {transform_indices = #map}, {transform_indices = #map1}]} {
    %mul3A = arith.constant 16 : i32
    %mul3A_0 = arith.muli %arg0, %mul3A : i32
    %add3A = arith.addi %mul3A_0, %arg1 : i32
    %mul3A_1 = arith.constant 640 : i32
    %mul3A_2 = arith.muli %arg1, %mul3A_1 : i32
    "tpu.region"() ({
      %run_scoped3A_62 = tpu.sem_alloc : memref<!tpu.dma_semaphore, #tpu.memory_space<semaphore_mem>>
      %dma_start3A_63 = arith.constant 0 : i32
      %dma_start3A_64 = tpu.memref_slice %arg10[%mul3A_2, %dma_start3A_63] : memref<10240x128xf32, #tpu.memory_space<vmem_shared>> -> memref<640x128xf32, #tpu.memory_space<vmem_shared>>
      tpu.enqueue_dma source(%arg5 : memref<640x128xf32, #tpu.memory_space<hbm>>) target(%dma_start3A_64 : memref<640x128xf32, #tpu.memory_space<vmem_shared>>) target_semaphore(%run_scoped3A_62 : memref<!tpu.dma_semaphore, #tpu.memory_space<semaphore_mem>>)
      %dma_wait3A_65 = arith.constant 0 : i32
      %dma_wait3A_66 = tpu.memref_slice %arg10[%mul3A_2, %dma_wait3A_65] : memref<10240x128xf32, #tpu.memory_space<vmem_shared>> -> memref<640x128xf32, #tpu.memory_space<vmem_shared>>
      tpu.wait_dma2 semaphore(%run_scoped3A_62 : memref<!tpu.dma_semaphore, #tpu.memory_space<semaphore_mem>>) src(%arg5 : memref<640x128xf32, #tpu.memory_space<hbm>>) dst(%dma_wait3A_66 : memref<640x128xf32, #tpu.memory_space<vmem_shared>>)
      tpu.yield
    }) : () -> ()
    %barrier3A = arith.constant 0 : index
    tpu.barrier barrier_id(%barrier3A)
    "tpu.region"() ({
      %run_scoped3A_62 = tpu.sem_alloc : memref<!tpu.dma_semaphore, #tpu.memory_space<semaphore_mem>>
      %dma_start3A_63 = arith.constant 0 : i32
      %dma_start3A_64 = arith.constant 0 : i32
      %dma_start3A_65 = tpu.memref_slice %arg3[%add3A, %dma_start3A_63, %dma_start3A_64] : memref<32x80x128xi32, #tpu.memory_space<hbm>> -> memref<1x80x128xi32, #tpu.memory_space<hbm>>
      %dma_start3A_66 = tpu.memref_squeeze %dma_start3A_65 : memref<1x80x128xi32, #tpu.memory_space<hbm>> -> memref<80x128xi32, #tpu.memory_space<hbm>>
      %dma_start3A_67 = arith.constant 0 : i32
      %dma_start3A_68 = arith.constant 0 : i32
      %dma_start3A_69 = tpu.memref_slice %arg3[%add3A, %dma_start3A_67, %dma_start3A_68] : memref<32x80x128xi32, #tpu.memory_space<hbm>> -> memref<1x80x128xi32, #tpu.memory_space<hbm>>
      %dma_start3A_70 = tpu.memref_squeeze %dma_start3A_69 : memref<1x80x128xi32, #tpu.memory_space<hbm>> -> memref<80x128xi32, #tpu.memory_space<hbm>>
      tpu.enqueue_dma source(%dma_start3A_70 : memref<80x128xi32, #tpu.memory_space<hbm>>) target(%arg7 : memref<80x128xi32, #tpu.memory_space<vmem>>) target_semaphore(%run_scoped3A_62 : memref<!tpu.dma_semaphore, #tpu.memory_space<semaphore_mem>>)
      %dma_wait3A_71 = arith.constant 0 : i32
      %dma_wait3A_72 = arith.constant 0 : i32
      %dma_wait3A_73 = tpu.memref_slice %arg3[%add3A, %dma_wait3A_71, %dma_wait3A_72] : memref<32x80x128xi32, #tpu.memory_space<hbm>> -> memref<1x80x128xi32, #tpu.memory_space<hbm>>
      %dma_wait3A_74 = tpu.memref_squeeze %dma_wait3A_73 : memref<1x80x128xi32, #tpu.memory_space<hbm>> -> memref<80x128xi32, #tpu.memory_space<hbm>>
      %dma_wait3A_75 = arith.constant 0 : i32
      %dma_wait3A_76 = arith.constant 0 : i32
      %dma_wait3A_77 = tpu.memref_slice %arg3[%add3A, %dma_wait3A_75, %dma_wait3A_76] : memref<32x80x128xi32, #tpu.memory_space<hbm>> -> memref<1x80x128xi32, #tpu.memory_space<hbm>>
      %dma_wait3A_78 = tpu.memref_squeeze %dma_wait3A_77 : memref<1x80x128xi32, #tpu.memory_space<hbm>> -> memref<80x128xi32, #tpu.memory_space<hbm>>
      tpu.wait_dma2 semaphore(%run_scoped3A_62 : memref<!tpu.dma_semaphore, #tpu.memory_space<semaphore_mem>>) src(%dma_wait3A_78 : memref<80x128xi32, #tpu.memory_space<hbm>>) dst(%arg7 : memref<80x128xi32, #tpu.memory_space<vmem>>)
      tpu.yield
    }) : () -> ()
    "tpu.region"() ({
      %run_scoped3A_62 = tpu.sem_alloc : memref<!tpu.dma_semaphore, #tpu.memory_space<semaphore_mem>>
      %dma_start3A_63 = arith.constant 0 : i32
      %dma_start3A_64 = arith.constant 0 : i32
      %dma_start3A_65 = tpu.memref_slice %arg4[%add3A, %dma_start3A_63, %dma_start3A_64] : memref<32x160x64xi32, #tpu.memory_space<hbm>> -> memref<1x160x64xi32, #tpu.memory_space<hbm>>
      %dma_start3A_66 = tpu.memref_squeeze %dma_start3A_65 : memref<1x160x64xi32, #tpu.memory_space<hbm>> -> memref<160x64xi32, #tpu.memory_space<hbm>>
      %dma_start3A_67 = arith.constant 0 : i32
      %dma_start3A_68 = arith.constant 0 : i32
      %dma_start3A_69 = tpu.memref_slice %arg4[%add3A, %dma_start3A_67, %dma_start3A_68] : memref<32x160x64xi32, #tpu.memory_space<hbm>> -> memref<1x160x64xi32, #tpu.memory_space<hbm>>
      %dma_start3A_70 = tpu.memref_squeeze %dma_start3A_69 : memref<1x160x64xi32, #tpu.memory_space<hbm>> -> memref<160x64xi32, #tpu.memory_space<hbm>>
      tpu.enqueue_dma source(%dma_start3A_70 : memref<160x64xi32, #tpu.memory_space<hbm>>) target(%arg8 : memref<160x64xi32, #tpu.memory_space<vmem>>) target_semaphore(%run_scoped3A_62 : memref<!tpu.dma_semaphore, #tpu.memory_space<semaphore_mem>>)
      %dma_wait3A_71 = arith.constant 0 : i32
      %dma_wait3A_72 = arith.constant 0 : i32
      %dma_wait3A_73 = tpu.memref_slice %arg4[%add3A, %dma_wait3A_71, %dma_wait3A_72] : memref<32x160x64xi32, #tpu.memory_space<hbm>> -> memref<1x160x64xi32, #tpu.memory_space<hbm>>
      %dma_wait3A_74 = tpu.memref_squeeze %dma_wait3A_73 : memref<1x160x64xi32, #tpu.memory_space<hbm>> -> memref<160x64xi32, #tpu.memory_space<hbm>>
      %dma_wait3A_75 = arith.constant 0 : i32
      %dma_wait3A_76 = arith.constant 0 : i32
      %dma_wait3A_77 = tpu.memref_slice %arg4[%add3A, %dma_wait3A_75, %dma_wait3A_76] : memref<32x160x64xi32, #tpu.memory_space<hbm>> -> memref<1x160x64xi32, #tpu.memory_space<hbm>>
      %dma_wait3A_78 = tpu.memref_squeeze %dma_wait3A_77 : memref<1x160x64xi32, #tpu.memory_space<hbm>> -> memref<160x64xi32, #tpu.memory_space<hbm>>
      tpu.wait_dma2 semaphore(%run_scoped3A_62 : memref<!tpu.dma_semaphore, #tpu.memory_space<semaphore_mem>>) src(%dma_wait3A_78 : memref<160x64xi32, #tpu.memory_space<hbm>>) dst(%arg8 : memref<160x64xi32, #tpu.memory_space<vmem>>)
      tpu.yield
    }) : () -> ()
    %dma_start3A = arith.constant 0 : i32
    %dma_start3A_3 = arith.constant 0 : i32
    %dma_start3A_4 = arith.constant 0 : i32
    %dma_start3A_5 = arith.constant 0 : i32
    %dma_start3A_6 = tpu.memref_slice %arg9[%dma_start3A_3, %dma_start3A_4, %dma_start3A_5] : memref<2x64x128xf32, #tpu.memory_space<vmem>> -> memref<1x64x128xf32, #tpu.memory_space<vmem>>
    %dma_start3A_7 = tpu.memref_squeeze %dma_start3A_6 : memref<1x64x128xf32, #tpu.memory_space<vmem>> -> memref<64x128xf32, #tpu.memory_space<vmem>>
    %dma_start3A_8 = arith.constant 0 : i32
    %dma_start3A_9 = tpu.memref_slice %arg7[%dma_start3A, %dma_start3A_8] : memref<80x128xi32, #tpu.memory_space<vmem>> -> memref<1x64xi32, #tpu.memory_space<vmem>>
    %dma_start3A_10 = tpu.memref_squeeze %dma_start3A_9 : memref<1x64xi32, #tpu.memory_space<vmem>> -> memref<64xi32, #tpu.memory_space<vmem>>
    %dma_start3A_11 = arith.constant 0 : i32
    %dma_start3A_12 = arith.constant 0 : i32
    %dma_start3A_13 = tpu.memref_slice %arg2[%dma_start3A_11, %dma_start3A_12] : memref<10000x128xf32, #tpu.memory_space<hbm>> -> memref<10000x128xf32, #tpu.memory_space<hbm>>
    tpu.enqueue_indirect_dma source(%dma_start3A_13 : memref<10000x128xf32, #tpu.memory_space<hbm>>) target(%dma_start3A_7 : memref<64x128xf32, #tpu.memory_space<vmem>>) offsets(%dma_start3A_10 : memref<64xi32, #tpu.memory_space<vmem>>) semaphore(%arg11 : memref<!tpu.dma_semaphore, #tpu.memory_space<semaphore_mem>>)
    %dma_start3A_14 = arith.constant 0 : i32
    %dma_start3A_15 = arith.constant 1 : i32
    %dma_start3A_16 = arith.constant 0 : i32
    %dma_start3A_17 = arith.constant 0 : i32
    %dma_start3A_18 = tpu.memref_slice %arg9[%dma_start3A_15, %dma_start3A_16, %dma_start3A_17] : memref<2x64x128xf32, #tpu.memory_space<vmem>> -> memref<1x64x128xf32, #tpu.memory_space<vmem>>
    %dma_start3A_19 = tpu.memref_squeeze %dma_start3A_18 : memref<1x64x128xf32, #tpu.memory_space<vmem>> -> memref<64x128xf32, #tpu.memory_space<vmem>>
    %dma_start3A_20 = arith.constant 64 : i32
    %dma_start3A_21 = tpu.memref_slice %arg7[%dma_start3A_14, %dma_start3A_20] : memref<80x128xi32, #tpu.memory_space<vmem>> -> memref<1x64xi32, #tpu.memory_space<vmem>>
    %dma_start3A_22 = tpu.memref_squeeze %dma_start3A_21 : memref<1x64xi32, #tpu.memory_space<vmem>> -> memref<64xi32, #tpu.memory_space<vmem>>
    %dma_start3A_23 = arith.constant 0 : i32
    %dma_start3A_24 = arith.constant 0 : i32
    %dma_start3A_25 = tpu.memref_slice %arg2[%dma_start3A_23, %dma_start3A_24] : memref<10000x128xf32, #tpu.memory_space<hbm>> -> memref<10000x128xf32, #tpu.memory_space<hbm>>
    tpu.enqueue_indirect_dma source(%dma_start3A_25 : memref<10000x128xf32, #tpu.memory_space<hbm>>) target(%dma_start3A_19 : memref<64x128xf32, #tpu.memory_space<vmem>>) offsets(%dma_start3A_22 : memref<64xi32, #tpu.memory_space<vmem>>) semaphore(%arg12 : memref<!tpu.dma_semaphore, #tpu.memory_space<semaphore_mem>>)
    %scan3A = arith.constant 0 : i32
    %scan3A_26 = arith.constant 0 : i32
    %scan3A_27 = arith.constant 79 : i32
    %scan3A_28 = arith.addi %scan3A_26, %scan3A_27 : i32
    %scan3A_29 = arith.constant 1 : i32
    scf.for %scan3A_62 = %scan3A_26 to %scan3A_28 step %scan3A_29  : i32 {
      %dma_wait3A_63 = arith.constant 0 : i32
      %dma_wait3A_64 = arith.constant 0 : i32
      %dma_wait3A_65 = arith.constant 0 : i32
      %dma_wait3A_66 = arith.constant 0 : i32
      %dma_wait3A_67 = tpu.memref_slice %arg9[%dma_wait3A_64, %dma_wait3A_65, %dma_wait3A_66] : memref<2x64x128xf32, #tpu.memory_space<vmem>> -> memref<1x64x128xf32, #tpu.memory_space<vmem>>
      %dma_wait3A_68 = tpu.memref_squeeze %dma_wait3A_67 : memref<1x64x128xf32, #tpu.memory_space<vmem>> -> memref<64x128xf32, #tpu.memory_space<vmem>>
      %dma_wait3A_69 = arith.constant 0 : i32
      %dma_wait3A_70 = tpu.memref_slice %arg7[%dma_wait3A_63, %dma_wait3A_69] : memref<80x128xi32, #tpu.memory_space<vmem>> -> memref<1x64xi32, #tpu.memory_space<vmem>>
      %dma_wait3A_71 = tpu.memref_squeeze %dma_wait3A_70 : memref<1x64xi32, #tpu.memory_space<vmem>> -> memref<64xi32, #tpu.memory_space<vmem>>
      %dma_wait3A_72 = arith.constant 0 : i32
      %dma_wait3A_73 = arith.constant 0 : i32
      %dma_wait3A_74 = tpu.memref_slice %arg2[%dma_wait3A_72, %dma_wait3A_73] : memref<10000x128xf32, #tpu.memory_space<hbm>> -> memref<10000x128xf32, #tpu.memory_space<hbm>>
      tpu.wait_indirect_dma semaphore(%arg11 : memref<!tpu.dma_semaphore, #tpu.memory_space<semaphore_mem>>) src(%dma_wait3A_74 : memref<10000x128xf32, #tpu.memory_space<hbm>>) dst(%dma_wait3A_68 : memref<64x128xf32, #tpu.memory_space<vmem>>)
      %mul3A_75 = arith.constant 2 : i32
      %mul3A_76 = arith.muli %mul3A_75, %scan3A_62 : i32
      %add3A_77 = arith.constant 0 : i32
      %add3A_78 = arith.addi %mul3A_76, %add3A_77 : i32
      %run_scoped3A_79 = arith.constant 0 : i32
      "tpu.region"() ({
        %run_scoped3A_123 = tpu.sem_alloc : memref<!tpu.dma_semaphore, #tpu.memory_space<semaphore_mem>>
        %dma_start3A_124 = arith.constant 0 : i32
        %dma_start3A_125 = arith.constant 0 : i32
        %dma_start3A_126 = tpu.memref_slice %arg9[%run_scoped3A_79, %dma_start3A_124, %dma_start3A_125] : memref<2x64x128xf32, #tpu.memory_space<vmem>> -> memref<1x64x128xf32, #tpu.memory_space<vmem>>
        %dma_start3A_127 = tpu.memref_squeeze %dma_start3A_126 : memref<1x64x128xf32, #tpu.memory_space<vmem>> -> memref<64x128xf32, #tpu.memory_space<vmem>>
        %dma_start3A_128 = arith.constant 0 : i32
        %dma_start3A_129 = tpu.memref_slice %arg8[%add3A_78, %dma_start3A_128] : memref<160x64xi32, #tpu.memory_space<vmem>> -> memref<1x64xi32, #tpu.memory_space<vmem>>
        %dma_start3A_130 = tpu.memref_squeeze %dma_start3A_129 : memref<1x64xi32, #tpu.memory_space<vmem>> -> memref<64xi32, #tpu.memory_space<vmem>>
        %dma_start3A_131 = arith.constant 0 : i32
        %dma_start3A_132 = arith.constant 0 : i32
        %dma_start3A_133 = tpu.memref_slice %arg10[%dma_start3A_131, %dma_start3A_132] : memref<10240x128xf32, #tpu.memory_space<vmem_shared>> -> memref<10240x128xf32, #tpu.memory_space<vmem_shared>>
        tpu.enqueue_indirect_dma source(%dma_start3A_127 : memref<64x128xf32, #tpu.memory_space<vmem>>) target(%dma_start3A_133 : memref<10240x128xf32, #tpu.memory_space<vmem_shared>>) offsets(%dma_start3A_130 : memref<64xi32, #tpu.memory_space<vmem>>) semaphore(%run_scoped3A_123 : memref<!tpu.dma_semaphore, #tpu.memory_space<semaphore_mem>>) {add = true}
        %dma_wait3A_134 = arith.constant 0 : i32
        %dma_wait3A_135 = arith.constant 0 : i32
        %dma_wait3A_136 = tpu.memref_slice %arg9[%run_scoped3A_79, %dma_wait3A_134, %dma_wait3A_135] : memref<2x64x128xf32, #tpu.memory_space<vmem>> -> memref<1x64x128xf32, #tpu.memory_space<vmem>>
        %dma_wait3A_137 = tpu.memref_squeeze %dma_wait3A_136 : memref<1x64x128xf32, #tpu.memory_space<vmem>> -> memref<64x128xf32, #tpu.memory_space<vmem>>
        %dma_wait3A_138 = arith.constant 0 : i32
        %dma_wait3A_139 = tpu.memref_slice %arg8[%add3A_78, %dma_wait3A_138] : memref<160x64xi32, #tpu.memory_space<vmem>> -> memref<1x64xi32, #tpu.memory_space<vmem>>
        %dma_wait3A_140 = tpu.memref_squeeze %dma_wait3A_139 : memref<1x64xi32, #tpu.memory_space<vmem>> -> memref<64xi32, #tpu.memory_space<vmem>>
        %dma_wait3A_141 = arith.constant 0 : i32
        %dma_wait3A_142 = arith.constant 0 : i32
        %dma_wait3A_143 = tpu.memref_slice %arg10[%dma_wait3A_141, %dma_wait3A_142] : memref<10240x128xf32, #tpu.memory_space<vmem_shared>> -> memref<10240x128xf32, #tpu.memory_space<vmem_shared>>
        tpu.wait_indirect_dma semaphore(%run_scoped3A_123 : memref<!tpu.dma_semaphore, #tpu.memory_space<semaphore_mem>>) src(%dma_wait3A_137 : memref<64x128xf32, #tpu.memory_space<vmem>>) dst(%dma_wait3A_143 : memref<10240x128xf32, #tpu.memory_space<vmem_shared>>)
        tpu.yield
      }) : () -> ()
      %add3A_80 = arith.constant 1 : i32
      %add3A_81 = arith.addi %scan3A_62, %add3A_80 : i32
      %dma_start3A_82 = arith.constant 0 : i32
      %dma_start3A_83 = arith.constant 0 : i32
      %dma_start3A_84 = arith.constant 0 : i32
      %dma_start3A_85 = tpu.memref_slice %arg9[%dma_start3A_82, %dma_start3A_83, %dma_start3A_84] : memref<2x64x128xf32, #tpu.memory_space<vmem>> -> memref<1x64x128xf32, #tpu.memory_space<vmem>>
      %dma_start3A_86 = tpu.memref_squeeze %dma_start3A_85 : memref<1x64x128xf32, #tpu.memory_space<vmem>> -> memref<64x128xf32, #tpu.memory_space<vmem>>
      %dma_start3A_87 = arith.constant 0 : i32
      %dma_start3A_88 = tpu.memref_slice %arg7[%add3A_81, %dma_start3A_87] : memref<80x128xi32, #tpu.memory_space<vmem>> -> memref<1x64xi32, #tpu.memory_space<vmem>>
      %dma_start3A_89 = tpu.memref_squeeze %dma_start3A_88 : memref<1x64xi32, #tpu.memory_space<vmem>> -> memref<64xi32, #tpu.memory_space<vmem>>
      %dma_start3A_90 = arith.constant 0 : i32
      %dma_start3A_91 = arith.constant 0 : i32
      %dma_start3A_92 = tpu.memref_slice %arg2[%dma_start3A_90, %dma_start3A_91] : memref<10000x128xf32, #tpu.memory_space<hbm>> -> memref<10000x128xf32, #tpu.memory_space<hbm>>
      tpu.enqueue_indirect_dma source(%dma_start3A_92 : memref<10000x128xf32, #tpu.memory_space<hbm>>) target(%dma_start3A_86 : memref<64x128xf32, #tpu.memory_space<vmem>>) offsets(%dma_start3A_89 : memref<64xi32, #tpu.memory_space<vmem>>) semaphore(%arg11 : memref<!tpu.dma_semaphore, #tpu.memory_space<semaphore_mem>>)
      %dma_wait3A_93 = arith.constant 0 : i32
      %dma_wait3A_94 = arith.constant 1 : i32
      %dma_wait3A_95 = arith.constant 0 : i32
      %dma_wait3A_96 = arith.constant 0 : i32
      %dma_wait3A_97 = tpu.memref_slice %arg9[%dma_wait3A_94, %dma_wait3A_95, %dma_wait3A_96] : memref<2x64x128xf32, #tpu.memory_space<vmem>> -> memref<1x64x128xf32, #tpu.memory_space<vmem>>
      %dma_wait3A_98 = tpu.memref_squeeze %dma_wait3A_97 : memref<1x64x128xf32, #tpu.memory_space<vmem>> -> memref<64x128xf32, #tpu.memory_space<vmem>>
      %dma_wait3A_99 = arith.constant 0 : i32
      %dma_wait3A_100 = tpu.memref_slice %arg7[%dma_wait3A_93, %dma_wait3A_99] : memref<80x128xi32, #tpu.memory_space<vmem>> -> memref<1x64xi32, #tpu.memory_space<vmem>>
      %dma_wait3A_101 = tpu.memref_squeeze %dma_wait3A_100 : memref<1x64xi32, #tpu.memory_space<vmem>> -> memref<64xi32, #tpu.memory_space<vmem>>
      %dma_wait3A_102 = arith.constant 0 : i32
      %dma_wait3A_103 = arith.constant 0 : i32
      %dma_wait3A_104 = tpu.memref_slice %arg2[%dma_wait3A_102, %dma_wait3A_103] : memref<10000x128xf32, #tpu.memory_space<hbm>> -> memref<10000x128xf32, #tpu.memory_space<hbm>>
      tpu.wait_indirect_dma semaphore(%arg12 : memref<!tpu.dma_semaphore, #tpu.memory_space<semaphore_mem>>) src(%dma_wait3A_104 : memref<10000x128xf32, #tpu.memory_space<hbm>>) dst(%dma_wait3A_98 : memref<64x128xf32, #tpu.memory_space<vmem>>)
      %mul3A_105 = arith.constant 2 : i32
      %mul3A_106 = arith.muli %mul3A_105, %scan3A_62 : i32
      %add3A_107 = arith.constant 1 : i32
      %add3A_108 = arith.addi %mul3A_106, %add3A_107 : i32
      %run_scoped3A_109 = arith.constant 1 : i32
      "tpu.region"() ({
        %run_scoped3A_123 = tpu.sem_alloc : memref<!tpu.dma_semaphore, #tpu.memory_space<semaphore_mem>>
        %dma_start3A_124 = arith.constant 0 : i32
        %dma_start3A_125 = arith.constant 0 : i32
        %dma_start3A_126 = tpu.memref_slice %arg9[%run_scoped3A_109, %dma_start3A_124, %dma_start3A_125] : memref<2x64x128xf32, #tpu.memory_space<vmem>> -> memref<1x64x128xf32, #tpu.memory_space<vmem>>
        %dma_start3A_127 = tpu.memref_squeeze %dma_start3A_126 : memref<1x64x128xf32, #tpu.memory_space<vmem>> -> memref<64x128xf32, #tpu.memory_space<vmem>>
        %dma_start3A_128 = arith.constant 0 : i32
        %dma_start3A_129 = tpu.memref_slice %arg8[%add3A_108, %dma_start3A_128] : memref<160x64xi32, #tpu.memory_space<vmem>> -> memref<1x64xi32, #tpu.memory_space<vmem>>
        %dma_start3A_130 = tpu.memref_squeeze %dma_start3A_129 : memref<1x64xi32, #tpu.memory_space<vmem>> -> memref<64xi32, #tpu.memory_space<vmem>>
        %dma_start3A_131 = arith.constant 0 : i32
        %dma_start3A_132 = arith.constant 0 : i32
        %dma_start3A_133 = tpu.memref_slice %arg10[%dma_start3A_131, %dma_start3A_132] : memref<10240x128xf32, #tpu.memory_space<vmem_shared>> -> memref<10240x128xf32, #tpu.memory_space<vmem_shared>>
        tpu.enqueue_indirect_dma source(%dma_start3A_127 : memref<64x128xf32, #tpu.memory_space<vmem>>) target(%dma_start3A_133 : memref<10240x128xf32, #tpu.memory_space<vmem_shared>>) offsets(%dma_start3A_130 : memref<64xi32, #tpu.memory_space<vmem>>) semaphore(%run_scoped3A_123 : memref<!tpu.dma_semaphore, #tpu.memory_space<semaphore_mem>>) {add = true}
        %dma_wait3A_134 = arith.constant 0 : i32
        %dma_wait3A_135 = arith.constant 0 : i32
        %dma_wait3A_136 = tpu.memref_slice %arg9[%run_scoped3A_109, %dma_wait3A_134, %dma_wait3A_135] : memref<2x64x128xf32, #tpu.memory_space<vmem>> -> memref<1x64x128xf32, #tpu.memory_space<vmem>>
        %dma_wait3A_137 = tpu.memref_squeeze %dma_wait3A_136 : memref<1x64x128xf32, #tpu.memory_space<vmem>> -> memref<64x128xf32, #tpu.memory_space<vmem>>
        %dma_wait3A_138 = arith.constant 0 : i32
        %dma_wait3A_139 = tpu.memref_slice %arg8[%add3A_108, %dma_wait3A_138] : memref<160x64xi32, #tpu.memory_space<vmem>> -> memref<1x64xi32, #tpu.memory_space<vmem>>
        %dma_wait3A_140 = tpu.memref_squeeze %dma_wait3A_139 : memref<1x64xi32, #tpu.memory_space<vmem>> -> memref<64xi32, #tpu.memory_space<vmem>>
        %dma_wait3A_141 = arith.constant 0 : i32
        %dma_wait3A_142 = arith.constant 0 : i32
        %dma_wait3A_143 = tpu.memref_slice %arg10[%dma_wait3A_141, %dma_wait3A_142] : memref<10240x128xf32, #tpu.memory_space<vmem_shared>> -> memref<10240x128xf32, #tpu.memory_space<vmem_shared>>
        tpu.wait_indirect_dma semaphore(%run_scoped3A_123 : memref<!tpu.dma_semaphore, #tpu.memory_space<semaphore_mem>>) src(%dma_wait3A_137 : memref<64x128xf32, #tpu.memory_space<vmem>>) dst(%dma_wait3A_143 : memref<10240x128xf32, #tpu.memory_space<vmem_shared>>)
        tpu.yield
      }) : () -> ()
      %add3A_110 = arith.constant 1 : i32
      %add3A_111 = arith.addi %scan3A_62, %add3A_110 : i32
      %dma_start3A_112 = arith.constant 1 : i32
      %dma_start3A_113 = arith.constant 0 : i32
      %dma_start3A_114 = arith.constant 0 : i32
      %dma_start3A_115 = tpu.memref_slice %arg9[%dma_start3A_112, %dma_start3A_113, %dma_start3A_114] : memref<2x64x128xf32, #tpu.memory_space<vmem>> -> memref<1x64x128xf32, #tpu.memory_space<vmem>>
      %dma_start3A_116 = tpu.memref_squeeze %dma_start3A_115 : memref<1x64x128xf32, #tpu.memory_space<vmem>> -> memref<64x128xf32, #tpu.memory_space<vmem>>
      %dma_start3A_117 = arith.constant 64 : i32
      %dma_start3A_118 = tpu.memref_slice %arg7[%add3A_111, %dma_start3A_117] : memref<80x128xi32, #tpu.memory_space<vmem>> -> memref<1x64xi32, #tpu.memory_space<vmem>>
      %dma_start3A_119 = tpu.memref_squeeze %dma_start3A_118 : memref<1x64xi32, #tpu.memory_space<vmem>> -> memref<64xi32, #tpu.memory_space<vmem>>
      %dma_start3A_120 = arith.constant 0 : i32
      %dma_start3A_121 = arith.constant 0 : i32
      %dma_start3A_122 = tpu.memref_slice %arg2[%dma_start3A_120, %dma_start3A_121] : memref<10000x128xf32, #tpu.memory_space<hbm>> -> memref<10000x128xf32, #tpu.memory_space<hbm>>
      tpu.enqueue_indirect_dma source(%dma_start3A_122 : memref<10000x128xf32, #tpu.memory_space<hbm>>) target(%dma_start3A_116 : memref<64x128xf32, #tpu.memory_space<vmem>>) offsets(%dma_start3A_119 : memref<64xi32, #tpu.memory_space<vmem>>) semaphore(%arg12 : memref<!tpu.dma_semaphore, #tpu.memory_space<semaphore_mem>>)
    }
    %scan3A_30 = arith.constant 79 : i32
    %dma_wait3A = arith.constant 0 : i32
    %dma_wait3A_31 = arith.constant 0 : i32
    %dma_wait3A_32 = arith.constant 0 : i32
    %dma_wait3A_33 = arith.constant 0 : i32
    %dma_wait3A_34 = tpu.memref_slice %arg9[%dma_wait3A_31, %dma_wait3A_32, %dma_wait3A_33] : memref<2x64x128xf32, #tpu.memory_space<vmem>> -> memref<1x64x128xf32, #tpu.memory_space<vmem>>
    %dma_wait3A_35 = tpu.memref_squeeze %dma_wait3A_34 : memref<1x64x128xf32, #tpu.memory_space<vmem>> -> memref<64x128xf32, #tpu.memory_space<vmem>>
    %dma_wait3A_36 = arith.constant 0 : i32
    %dma_wait3A_37 = tpu.memref_slice %arg7[%dma_wait3A, %dma_wait3A_36] : memref<80x128xi32, #tpu.memory_space<vmem>> -> memref<1x64xi32, #tpu.memory_space<vmem>>
    %dma_wait3A_38 = tpu.memref_squeeze %dma_wait3A_37 : memref<1x64xi32, #tpu.memory_space<vmem>> -> memref<64xi32, #tpu.memory_space<vmem>>
    %dma_wait3A_39 = arith.constant 0 : i32
    %dma_wait3A_40 = arith.constant 0 : i32
    %dma_wait3A_41 = tpu.memref_slice %arg2[%dma_wait3A_39, %dma_wait3A_40] : memref<10000x128xf32, #tpu.memory_space<hbm>> -> memref<10000x128xf32, #tpu.memory_space<hbm>>
    tpu.wait_indirect_dma semaphore(%arg11 : memref<!tpu.dma_semaphore, #tpu.memory_space<semaphore_mem>>) src(%dma_wait3A_41 : memref<10000x128xf32, #tpu.memory_space<hbm>>) dst(%dma_wait3A_35 : memref<64x128xf32, #tpu.memory_space<vmem>>)
    %run_scoped3A = arith.constant 0 : i32
    %run_scoped3A_42 = arith.constant 158 : i32
    "tpu.region"() ({
      %run_scoped3A_62 = tpu.sem_alloc : memref<!tpu.dma_semaphore, #tpu.memory_space<semaphore_mem>>
      %dma_start3A_63 = arith.constant 0 : i32
      %dma_start3A_64 = arith.constant 0 : i32
      %dma_start3A_65 = tpu.memref_slice %arg9[%run_scoped3A, %dma_start3A_63, %dma_start3A_64] : memref<2x64x128xf32, #tpu.memory_space<vmem>> -> memref<1x64x128xf32, #tpu.memory_space<vmem>>
      %dma_start3A_66 = tpu.memref_squeeze %dma_start3A_65 : memref<1x64x128xf32, #tpu.memory_space<vmem>> -> memref<64x128xf32, #tpu.memory_space<vmem>>
      %dma_start3A_67 = arith.constant 0 : i32
      %dma_start3A_68 = tpu.memref_slice %arg8[%run_scoped3A_42, %dma_start3A_67] : memref<160x64xi32, #tpu.memory_space<vmem>> -> memref<1x64xi32, #tpu.memory_space<vmem>>
      %dma_start3A_69 = tpu.memref_squeeze %dma_start3A_68 : memref<1x64xi32, #tpu.memory_space<vmem>> -> memref<64xi32, #tpu.memory_space<vmem>>
      %dma_start3A_70 = arith.constant 0 : i32
      %dma_start3A_71 = arith.constant 0 : i32
      %dma_start3A_72 = tpu.memref_slice %arg10[%dma_start3A_70, %dma_start3A_71] : memref<10240x128xf32, #tpu.memory_space<vmem_shared>> -> memref<10240x128xf32, #tpu.memory_space<vmem_shared>>
      tpu.enqueue_indirect_dma source(%dma_start3A_66 : memref<64x128xf32, #tpu.memory_space<vmem>>) target(%dma_start3A_72 : memref<10240x128xf32, #tpu.memory_space<vmem_shared>>) offsets(%dma_start3A_69 : memref<64xi32, #tpu.memory_space<vmem>>) semaphore(%run_scoped3A_62 : memref<!tpu.dma_semaphore, #tpu.memory_space<semaphore_mem>>) {add = true}
      %dma_wait3A_73 = arith.constant 0 : i32
      %dma_wait3A_74 = arith.constant 0 : i32
      %dma_wait3A_75 = tpu.memref_slice %arg9[%run_scoped3A, %dma_wait3A_73, %dma_wait3A_74] : memref<2x64x128xf32, #tpu.memory_space<vmem>> -> memref<1x64x128xf32, #tpu.memory_space<vmem>>
      %dma_wait3A_76 = tpu.memref_squeeze %dma_wait3A_75 : memref<1x64x128xf32, #tpu.memory_space<vmem>> -> memref<64x128xf32, #tpu.memory_space<vmem>>
      %dma_wait3A_77 = arith.constant 0 : i32
      %dma_wait3A_78 = tpu.memref_slice %arg8[%run_scoped3A_42, %dma_wait3A_77] : memref<160x64xi32, #tpu.memory_space<vmem>> -> memref<1x64xi32, #tpu.memory_space<vmem>>
      %dma_wait3A_79 = tpu.memref_squeeze %dma_wait3A_78 : memref<1x64xi32, #tpu.memory_space<vmem>> -> memref<64xi32, #tpu.memory_space<vmem>>
      %dma_wait3A_80 = arith.constant 0 : i32
      %dma_wait3A_81 = arith.constant 0 : i32
      %dma_wait3A_82 = tpu.memref_slice %arg10[%dma_wait3A_80, %dma_wait3A_81] : memref<10240x128xf32, #tpu.memory_space<vmem_shared>> -> memref<10240x128xf32, #tpu.memory_space<vmem_shared>>
      tpu.wait_indirect_dma semaphore(%run_scoped3A_62 : memref<!tpu.dma_semaphore, #tpu.memory_space<semaphore_mem>>) src(%dma_wait3A_76 : memref<64x128xf32, #tpu.memory_space<vmem>>) dst(%dma_wait3A_82 : memref<10240x128xf32, #tpu.memory_space<vmem_shared>>)
      tpu.yield
    }) : () -> ()
    %dma_wait3A_43 = arith.constant 0 : i32
    %dma_wait3A_44 = arith.constant 1 : i32
    %dma_wait3A_45 = arith.constant 0 : i32
    %dma_wait3A_46 = arith.constant 0 : i32
    %dma_wait3A_47 = tpu.memref_slice %arg9[%dma_wait3A_44, %dma_wait3A_45, %dma_wait3A_46] : memref<2x64x128xf32, #tpu.memory_space<vmem>> -> memref<1x64x128xf32, #tpu.memory_space<vmem>>
    %dma_wait3A_48 = tpu.memref_squeeze %dma_wait3A_47 : memref<1x64x128xf32, #tpu.memory_space<vmem>> -> memref<64x128xf32, #tpu.memory_space<vmem>>
    %dma_wait3A_49 = arith.constant 0 : i32
    %dma_wait3A_50 = tpu.memref_slice %arg7[%dma_wait3A_43, %dma_wait3A_49] : memref<80x128xi32, #tpu.memory_space<vmem>> -> memref<1x64xi32, #tpu.memory_space<vmem>>
    %dma_wait3A_51 = tpu.memref_squeeze %dma_wait3A_50 : memref<1x64xi32, #tpu.memory_space<vmem>> -> memref<64xi32, #tpu.memory_space<vmem>>
    %dma_wait3A_52 = arith.constant 0 : i32
    %dma_wait3A_53 = arith.constant 0 : i32
    %dma_wait3A_54 = tpu.memref_slice %arg2[%dma_wait3A_52, %dma_wait3A_53] : memref<10000x128xf32, #tpu.memory_space<hbm>> -> memref<10000x128xf32, #tpu.memory_space<hbm>>
    tpu.wait_indirect_dma semaphore(%arg12 : memref<!tpu.dma_semaphore, #tpu.memory_space<semaphore_mem>>) src(%dma_wait3A_54 : memref<10000x128xf32, #tpu.memory_space<hbm>>) dst(%dma_wait3A_48 : memref<64x128xf32, #tpu.memory_space<vmem>>)
    %run_scoped3A_55 = arith.constant 1 : i32
    %run_scoped3A_56 = arith.constant 159 : i32
    "tpu.region"() ({
      %run_scoped3A_62 = tpu.sem_alloc : memref<!tpu.dma_semaphore, #tpu.memory_space<semaphore_mem>>
      %dma_start3A_63 = arith.constant 0 : i32
      %dma_start3A_64 = arith.constant 0 : i32
      %dma_start3A_65 = tpu.memref_slice %arg9[%run_scoped3A_55, %dma_start3A_63, %dma_start3A_64] : memref<2x64x128xf32, #tpu.memory_space<vmem>> -> memref<1x64x128xf32, #tpu.memory_space<vmem>>
      %dma_start3A_66 = tpu.memref_squeeze %dma_start3A_65 : memref<1x64x128xf32, #tpu.memory_space<vmem>> -> memref<64x128xf32, #tpu.memory_space<vmem>>
      %dma_start3A_67 = arith.constant 0 : i32
      %dma_start3A_68 = tpu.memref_slice %arg8[%run_scoped3A_56, %dma_start3A_67] : memref<160x64xi32, #tpu.memory_space<vmem>> -> memref<1x64xi32, #tpu.memory_space<vmem>>
      %dma_start3A_69 = tpu.memref_squeeze %dma_start3A_68 : memref<1x64xi32, #tpu.memory_space<vmem>> -> memref<64xi32, #tpu.memory_space<vmem>>
      %dma_start3A_70 = arith.constant 0 : i32
      %dma_start3A_71 = arith.constant 0 : i32
      %dma_start3A_72 = tpu.memref_slice %arg10[%dma_start3A_70, %dma_start3A_71] : memref<10240x128xf32, #tpu.memory_space<vmem_shared>> -> memref<10240x128xf32, #tpu.memory_space<vmem_shared>>
      tpu.enqueue_indirect_dma source(%dma_start3A_66 : memref<64x128xf32, #tpu.memory_space<vmem>>) target(%dma_start3A_72 : memref<10240x128xf32, #tpu.memory_space<vmem_shared>>) offsets(%dma_start3A_69 : memref<64xi32, #tpu.memory_space<vmem>>) semaphore(%run_scoped3A_62 : memref<!tpu.dma_semaphore, #tpu.memory_space<semaphore_mem>>) {add = true}
      %dma_wait3A_73 = arith.constant 0 : i32
      %dma_wait3A_74 = arith.constant 0 : i32
      %dma_wait3A_75 = tpu.memref_slice %arg9[%run_scoped3A_55, %dma_wait3A_73, %dma_wait3A_74] : memref<2x64x128xf32, #tpu.memory_space<vmem>> -> memref<1x64x128xf32, #tpu.memory_space<vmem>>
      %dma_wait3A_76 = tpu.memref_squeeze %dma_wait3A_75 : memref<1x64x128xf32, #tpu.memory_space<vmem>> -> memref<64x128xf32, #tpu.memory_space<vmem>>
      %dma_wait3A_77 = arith.constant 0 : i32
      %dma_wait3A_78 = tpu.memref_slice %arg8[%run_scoped3A_56, %dma_wait3A_77] : memref<160x64xi32, #tpu.memory_space<vmem>> -> memref<1x64xi32, #tpu.memory_space<vmem>>
      %dma_wait3A_79 = tpu.memref_squeeze %dma_wait3A_78 : memref<1x64xi32, #tpu.memory_space<vmem>> -> memref<64xi32, #tpu.memory_space<vmem>>
      %dma_wait3A_80 = arith.constant 0 : i32
      %dma_wait3A_81 = arith.constant 0 : i32
      %dma_wait3A_82 = tpu.memref_slice %arg10[%dma_wait3A_80, %dma_wait3A_81] : memref<10240x128xf32, #tpu.memory_space<vmem_shared>> -> memref<10240x128xf32, #tpu.memory_space<vmem_shared>>
      tpu.wait_indirect_dma semaphore(%run_scoped3A_62 : memref<!tpu.dma_semaphore, #tpu.memory_space<semaphore_mem>>) src(%dma_wait3A_76 : memref<64x128xf32, #tpu.memory_space<vmem>>) dst(%dma_wait3A_82 : memref<10240x128xf32, #tpu.memory_space<vmem_shared>>)
      tpu.yield
    }) : () -> ()
    %barrier3A_57 = arith.constant 0 : index
    tpu.barrier barrier_id(%barrier3A_57)
    %mul3A_58 = arith.constant 640 : i32
    %mul3A_59 = arith.muli %arg1, %mul3A_58 : i32
    %mul3A_60 = arith.constant 640 : i32
    %mul3A_61 = arith.muli %arg1, %mul3A_60 : i32
    "tpu.region"() ({
      %run_scoped3A_62 = tpu.sem_alloc : memref<!tpu.dma_semaphore, #tpu.memory_space<semaphore_mem>>
      %dma_start3A_63 = arith.constant 0 : i32
      %dma_start3A_64 = tpu.memref_slice %arg6[%arg0, %mul3A_61, %dma_start3A_63] : memref<2x10240x128xf32, #tpu.memory_space<hbm>> -> memref<1x640x128xf32, #tpu.memory_space<hbm>>
      %dma_start3A_65 = tpu.memref_squeeze %dma_start3A_64 : memref<1x640x128xf32, #tpu.memory_space<hbm>> -> memref<640x128xf32, #tpu.memory_space<hbm>>
      %dma_start3A_66 = arith.constant 0 : i32
      %dma_start3A_67 = tpu.memref_slice %arg10[%mul3A_59, %dma_start3A_66] : memref<10240x128xf32, #tpu.memory_space<vmem_shared>> -> memref<640x128xf32, #tpu.memory_space<vmem_shared>>
      tpu.enqueue_dma source(%dma_start3A_67 : memref<640x128xf32, #tpu.memory_space<vmem_shared>>) target(%dma_start3A_65 : memref<640x128xf32, #tpu.memory_space<hbm>>) target_semaphore(%run_scoped3A_62 : memref<!tpu.dma_semaphore, #tpu.memory_space<semaphore_mem>>)
      %dma_wait3A_68 = arith.constant 0 : i32
      %dma_wait3A_69 = tpu.memref_slice %arg6[%arg0, %mul3A_61, %dma_wait3A_68] : memref<2x10240x128xf32, #tpu.memory_space<hbm>> -> memref<1x640x128xf32, #tpu.memory_space<hbm>>
      %dma_wait3A_70 = tpu.memref_squeeze %dma_wait3A_69 : memref<1x640x128xf32, #tpu.memory_space<hbm>> -> memref<640x128xf32, #tpu.memory_space<hbm>>
      %dma_wait3A_71 = arith.constant 0 : i32
      %dma_wait3A_72 = tpu.memref_slice %arg10[%mul3A_59, %dma_wait3A_71] : memref<10240x128xf32, #tpu.memory_space<vmem_shared>> -> memref<640x128xf32, #tpu.memory_space<vmem_shared>>
      tpu.wait_dma2 semaphore(%run_scoped3A_62 : memref<!tpu.dma_semaphore, #tpu.memory_space<semaphore_mem>>) src(%dma_wait3A_72 : memref<640x128xf32, #tpu.memory_space<vmem_shared>>) dst(%dma_wait3A_70 : memref<640x128xf32, #tpu.memory_space<hbm>>)
      tpu.yield
    }) : () -> ()
    return
  }
}

#map = affine_map<(d0, d1) -> (0, 0, 0)>
#map1 = affine_map<(d0, d1) -> (0, 0)>
module attributes {stable_mosaic.version = 14 : i64} {
  func.func @_sc_degree(%arg0: i32, %arg1: i32, %arg2: memref<32x125x80xi32, #tpu.memory_space<hbm>>, %arg3: memref<80x128xf32, #tpu.memory_space<hbm>>, %arg4: memref<640x128xf32, #tpu.memory_space<hbm>>, %arg5: memref<2x10240x128xf32, #tpu.memory_space<hbm>>, %arg6: memref<125x80xi32, #tpu.memory_space<vmem>>, %arg7: memref<80x128xf32, #tpu.memory_space<vmem>>, %arg8: memref<10240x128xf32, #tpu.memory_space<vmem_shared>>, %arg9: memref<!tpu.dma_semaphore, #tpu.memory_space<semaphore_mem>>) attributes {dimension_semantics = [#tpu.dimension_semantics<core_parallel>, #tpu.dimension_semantics<subcore_parallel>], iteration_bounds = array<i64: 2, 16>, scalar_prefetch = 0 : i64, scratch_operands = 4 : i64, tpu.core_type = #tpu.core_type<sc_vector_subcore>, window_params = [{transform_indices = #map}, {transform_indices = #map1}, {transform_indices = #map1}, {transform_indices = #map}]} {
    %mul3A = arith.constant 16 : i32
    %mul3A_0 = arith.muli %arg0, %mul3A : i32
    %add3A = arith.addi %mul3A_0, %arg1 : i32
    %mul3A_1 = arith.constant 640 : i32
    %mul3A_2 = arith.muli %arg1, %mul3A_1 : i32
    "tpu.region"() ({
      %run_scoped3A = tpu.sem_alloc : memref<!tpu.dma_semaphore, #tpu.memory_space<semaphore_mem>>
      %dma_start3A = arith.constant 0 : i32
      %dma_start3A_13 = tpu.memref_slice %arg8[%mul3A_2, %dma_start3A] : memref<10240x128xf32, #tpu.memory_space<vmem_shared>> -> memref<640x128xf32, #tpu.memory_space<vmem_shared>>
      tpu.enqueue_dma source(%arg4 : memref<640x128xf32, #tpu.memory_space<hbm>>) target(%dma_start3A_13 : memref<640x128xf32, #tpu.memory_space<vmem_shared>>) target_semaphore(%run_scoped3A : memref<!tpu.dma_semaphore, #tpu.memory_space<semaphore_mem>>)
      %dma_wait3A = arith.constant 0 : i32
      %dma_wait3A_14 = tpu.memref_slice %arg8[%mul3A_2, %dma_wait3A] : memref<10240x128xf32, #tpu.memory_space<vmem_shared>> -> memref<640x128xf32, #tpu.memory_space<vmem_shared>>
      tpu.wait_dma2 semaphore(%run_scoped3A : memref<!tpu.dma_semaphore, #tpu.memory_space<semaphore_mem>>) src(%arg4 : memref<640x128xf32, #tpu.memory_space<hbm>>) dst(%dma_wait3A_14 : memref<640x128xf32, #tpu.memory_space<vmem_shared>>)
      tpu.yield
    }) : () -> ()
    %barrier3A = arith.constant 0 : index
    tpu.barrier barrier_id(%barrier3A)
    "tpu.region"() ({
      %run_scoped3A = tpu.sem_alloc : memref<!tpu.dma_semaphore, #tpu.memory_space<semaphore_mem>>
      %dma_start3A = arith.constant 0 : i32
      %dma_start3A_13 = arith.constant 0 : i32
      %dma_start3A_14 = tpu.memref_slice %arg2[%add3A, %dma_start3A, %dma_start3A_13] : memref<32x125x80xi32, #tpu.memory_space<hbm>> -> memref<1x125x80xi32, #tpu.memory_space<hbm>>
      %dma_start3A_15 = tpu.memref_squeeze %dma_start3A_14 : memref<1x125x80xi32, #tpu.memory_space<hbm>> -> memref<125x80xi32, #tpu.memory_space<hbm>>
      %dma_start3A_16 = arith.constant 0 : i32
      %dma_start3A_17 = arith.constant 0 : i32
      %dma_start3A_18 = tpu.memref_slice %arg2[%add3A, %dma_start3A_16, %dma_start3A_17] : memref<32x125x80xi32, #tpu.memory_space<hbm>> -> memref<1x125x80xi32, #tpu.memory_space<hbm>>
      %dma_start3A_19 = tpu.memref_squeeze %dma_start3A_18 : memref<1x125x80xi32, #tpu.memory_space<hbm>> -> memref<125x80xi32, #tpu.memory_space<hbm>>
      tpu.enqueue_dma source(%dma_start3A_19 : memref<125x80xi32, #tpu.memory_space<hbm>>) target(%arg6 : memref<125x80xi32, #tpu.memory_space<vmem>>) target_semaphore(%run_scoped3A : memref<!tpu.dma_semaphore, #tpu.memory_space<semaphore_mem>>)
      %dma_wait3A = arith.constant 0 : i32
      %dma_wait3A_20 = arith.constant 0 : i32
      %dma_wait3A_21 = tpu.memref_slice %arg2[%add3A, %dma_wait3A, %dma_wait3A_20] : memref<32x125x80xi32, #tpu.memory_space<hbm>> -> memref<1x125x80xi32, #tpu.memory_space<hbm>>
      %dma_wait3A_22 = tpu.memref_squeeze %dma_wait3A_21 : memref<1x125x80xi32, #tpu.memory_space<hbm>> -> memref<125x80xi32, #tpu.memory_space<hbm>>
      %dma_wait3A_23 = arith.constant 0 : i32
      %dma_wait3A_24 = arith.constant 0 : i32
      %dma_wait3A_25 = tpu.memref_slice %arg2[%add3A, %dma_wait3A_23, %dma_wait3A_24] : memref<32x125x80xi32, #tpu.memory_space<hbm>> -> memref<1x125x80xi32, #tpu.memory_space<hbm>>
      %dma_wait3A_26 = tpu.memref_squeeze %dma_wait3A_25 : memref<1x125x80xi32, #tpu.memory_space<hbm>> -> memref<125x80xi32, #tpu.memory_space<hbm>>
      tpu.wait_dma2 semaphore(%run_scoped3A : memref<!tpu.dma_semaphore, #tpu.memory_space<semaphore_mem>>) src(%dma_wait3A_26 : memref<125x80xi32, #tpu.memory_space<hbm>>) dst(%arg6 : memref<125x80xi32, #tpu.memory_space<vmem>>)
      tpu.yield
    }) : () -> ()
    "tpu.region"() ({
      %run_scoped3A = tpu.sem_alloc : memref<!tpu.dma_semaphore, #tpu.memory_space<semaphore_mem>>
      tpu.enqueue_dma source(%arg3 : memref<80x128xf32, #tpu.memory_space<hbm>>) target(%arg7 : memref<80x128xf32, #tpu.memory_space<vmem>>) target_semaphore(%run_scoped3A : memref<!tpu.dma_semaphore, #tpu.memory_space<semaphore_mem>>)
      tpu.wait_dma2 semaphore(%run_scoped3A : memref<!tpu.dma_semaphore, #tpu.memory_space<semaphore_mem>>) src(%arg3 : memref<80x128xf32, #tpu.memory_space<hbm>>) dst(%arg7 : memref<80x128xf32, #tpu.memory_space<vmem>>)
      tpu.yield
    }) : () -> ()
    %scan3A = arith.constant 0 : i32
    %scan3A_3 = arith.constant 0 : i32
    %scan3A_4 = arith.constant 125 : i32
    %scan3A_5 = arith.addi %scan3A_3, %scan3A_4 : i32
    %scan3A_6 = arith.constant 1 : i32
    scf.for %scan3A_13 = %scan3A_3 to %scan3A_5 step %scan3A_6  : i32 {
      "tpu.region"() ({
        %run_scoped3A = tpu.sem_alloc : memref<!tpu.dma_semaphore, #tpu.memory_space<semaphore_mem>>
        %dma_start3A = arith.constant 0 : i32
        %dma_start3A_14 = tpu.memref_slice %arg6[%scan3A_13, %dma_start3A] : memref<125x80xi32, #tpu.memory_space<vmem>> -> memref<1x80xi32, #tpu.memory_space<vmem>>
        %dma_start3A_15 = tpu.memref_squeeze %dma_start3A_14 : memref<1x80xi32, #tpu.memory_space<vmem>> -> memref<80xi32, #tpu.memory_space<vmem>>
        %dma_start3A_16 = arith.constant 0 : i32
        %dma_start3A_17 = arith.constant 0 : i32
        %dma_start3A_18 = tpu.memref_slice %arg8[%dma_start3A_16, %dma_start3A_17] : memref<10240x128xf32, #tpu.memory_space<vmem_shared>> -> memref<10240x128xf32, #tpu.memory_space<vmem_shared>>
        tpu.enqueue_indirect_dma source(%arg7 : memref<80x128xf32, #tpu.memory_space<vmem>>) target(%dma_start3A_18 : memref<10240x128xf32, #tpu.memory_space<vmem_shared>>) offsets(%dma_start3A_15 : memref<80xi32, #tpu.memory_space<vmem>>) semaphore(%run_scoped3A : memref<!tpu.dma_semaphore, #tpu.memory_space<semaphore_mem>>) {add = true}
        %dma_wait3A = arith.constant 0 : i32
        %dma_wait3A_19 = tpu.memref_slice %arg6[%scan3A_13, %dma_wait3A] : memref<125x80xi32, #tpu.memory_space<vmem>> -> memref<1x80xi32, #tpu.memory_space<vmem>>
        %dma_wait3A_20 = tpu.memref_squeeze %dma_wait3A_19 : memref<1x80xi32, #tpu.memory_space<vmem>> -> memref<80xi32, #tpu.memory_space<vmem>>
        %dma_wait3A_21 = arith.constant 0 : i32
        %dma_wait3A_22 = arith.constant 0 : i32
        %dma_wait3A_23 = tpu.memref_slice %arg8[%dma_wait3A_21, %dma_wait3A_22] : memref<10240x128xf32, #tpu.memory_space<vmem_shared>> -> memref<10240x128xf32, #tpu.memory_space<vmem_shared>>
        tpu.wait_indirect_dma semaphore(%run_scoped3A : memref<!tpu.dma_semaphore, #tpu.memory_space<semaphore_mem>>) src(%arg7 : memref<80x128xf32, #tpu.memory_space<vmem>>) dst(%dma_wait3A_23 : memref<10240x128xf32, #tpu.memory_space<vmem_shared>>)
        tpu.yield
      }) : () -> ()
    }
    %scan3A_7 = arith.constant 125 : i32
    %barrier3A_8 = arith.constant 0 : index
    tpu.barrier barrier_id(%barrier3A_8)
    %mul3A_9 = arith.constant 640 : i32
    %mul3A_10 = arith.muli %arg1, %mul3A_9 : i32
    %mul3A_11 = arith.constant 640 : i32
    %mul3A_12 = arith.muli %arg1, %mul3A_11 : i32
    "tpu.region"() ({
      %run_scoped3A = tpu.sem_alloc : memref<!tpu.dma_semaphore, #tpu.memory_space<semaphore_mem>>
      %dma_start3A = arith.constant 0 : i32
      %dma_start3A_13 = tpu.memref_slice %arg5[%arg0, %mul3A_12, %dma_start3A] : memref<2x10240x128xf32, #tpu.memory_space<hbm>> -> memref<1x640x128xf32, #tpu.memory_space<hbm>>
      %dma_start3A_14 = tpu.memref_squeeze %dma_start3A_13 : memref<1x640x128xf32, #tpu.memory_space<hbm>> -> memref<640x128xf32, #tpu.memory_space<hbm>>
      %dma_start3A_15 = arith.constant 0 : i32
      %dma_start3A_16 = tpu.memref_slice %arg8[%mul3A_10, %dma_start3A_15] : memref<10240x128xf32, #tpu.memory_space<vmem_shared>> -> memref<640x128xf32, #tpu.memory_space<vmem_shared>>
      tpu.enqueue_dma source(%dma_start3A_16 : memref<640x128xf32, #tpu.memory_space<vmem_shared>>) target(%dma_start3A_14 : memref<640x128xf32, #tpu.memory_space<hbm>>) target_semaphore(%run_scoped3A : memref<!tpu.dma_semaphore, #tpu.memory_space<semaphore_mem>>)
      %dma_wait3A = arith.constant 0 : i32
      %dma_wait3A_17 = tpu.memref_slice %arg5[%arg0, %mul3A_12, %dma_wait3A] : memref<2x10240x128xf32, #tpu.memory_space<hbm>> -> memref<1x640x128xf32, #tpu.memory_space<hbm>>
      %dma_wait3A_18 = tpu.memref_squeeze %dma_wait3A_17 : memref<1x640x128xf32, #tpu.memory_space<hbm>> -> memref<640x128xf32, #tpu.memory_space<hbm>>
      %dma_wait3A_19 = arith.constant 0 : i32
      %dma_wait3A_20 = tpu.memref_slice %arg8[%mul3A_10, %dma_wait3A_19] : memref<10240x128xf32, #tpu.memory_space<vmem_shared>> -> memref<640x128xf32, #tpu.memory_space<vmem_shared>>
      tpu.wait_dma2 semaphore(%run_scoped3A : memref<!tpu.dma_semaphore, #tpu.memory_space<semaphore_mem>>) src(%dma_wait3A_20 : memref<640x128xf32, #tpu.memory_space<vmem_shared>>) dst(%dma_wait3A_18 : memref<640x128xf32, #tpu.memory_space<hbm>>)
      tpu.yield
    }) : () -> ()
    return
  }
}

#map = affine_map<(d0, d1) -> (0, 0)>
#map1 = affine_map<(d0, d1) -> (0, 0, 0)>
module attributes {stable_mosaic.version = 14 : i64} {
  func.func @_sc_propagate(%arg0: i32, %arg1: i32, %arg2: memref<10000x128xf32, #tpu.memory_space<hbm>>, %arg3: memref<32x80x128xi32, #tpu.memory_space<hbm>>, %arg4: memref<32x160x64xi32, #tpu.memory_space<hbm>>, %arg5: memref<640x128xf32, #tpu.memory_space<hbm>>, %arg6: memref<2x10240x128xf32, #tpu.memory_space<hbm>>, %arg7: memref<80x128xi32, #tpu.memory_space<vmem>>, %arg8: memref<160x64xi32, #tpu.memory_space<vmem>>, %arg9: memref<2x64x128xf32, #tpu.memory_space<vmem>>, %arg10: memref<10240x128xf32, #tpu.memory_space<vmem_shared>>, %arg11: memref<!tpu.dma_semaphore, #tpu.memory_space<semaphore_mem>>, %arg12: memref<!tpu.dma_semaphore, #tpu.memory_space<semaphore_mem>>) attributes {dimension_semantics = [#tpu.dimension_semantics<core_parallel>, #tpu.dimension_semantics<subcore_parallel>], iteration_bounds = array<i64: 2, 16>, scalar_prefetch = 0 : i64, scratch_operands = 6 : i64, tpu.core_type = #tpu.core_type<sc_vector_subcore>, window_params = [{transform_indices = #map}, {transform_indices = #map1}, {transform_indices = #map1}, {transform_indices = #map}, {transform_indices = #map1}]} {
    %mul3A = arith.constant 16 : i32
    %mul3A_0 = arith.muli %arg0, %mul3A : i32
    %add3A = arith.addi %mul3A_0, %arg1 : i32
    %mul3A_1 = arith.constant 640 : i32
    %mul3A_2 = arith.muli %arg1, %mul3A_1 : i32
    "tpu.region"() ({
      %run_scoped3A_62 = tpu.sem_alloc : memref<!tpu.dma_semaphore, #tpu.memory_space<semaphore_mem>>
      %dma_start3A_63 = arith.constant 0 : i32
      %dma_start3A_64 = tpu.memref_slice %arg10[%mul3A_2, %dma_start3A_63] : memref<10240x128xf32, #tpu.memory_space<vmem_shared>> -> memref<640x128xf32, #tpu.memory_space<vmem_shared>>
      tpu.enqueue_dma source(%arg5 : memref<640x128xf32, #tpu.memory_space<hbm>>) target(%dma_start3A_64 : memref<640x128xf32, #tpu.memory_space<vmem_shared>>) target_semaphore(%run_scoped3A_62 : memref<!tpu.dma_semaphore, #tpu.memory_space<semaphore_mem>>)
      %dma_wait3A_65 = arith.constant 0 : i32
      %dma_wait3A_66 = tpu.memref_slice %arg10[%mul3A_2, %dma_wait3A_65] : memref<10240x128xf32, #tpu.memory_space<vmem_shared>> -> memref<640x128xf32, #tpu.memory_space<vmem_shared>>
      tpu.wait_dma2 semaphore(%run_scoped3A_62 : memref<!tpu.dma_semaphore, #tpu.memory_space<semaphore_mem>>) src(%arg5 : memref<640x128xf32, #tpu.memory_space<hbm>>) dst(%dma_wait3A_66 : memref<640x128xf32, #tpu.memory_space<vmem_shared>>)
      tpu.yield
    }) : () -> ()
    %barrier3A = arith.constant 0 : index
    tpu.barrier barrier_id(%barrier3A)
    "tpu.region"() ({
      %run_scoped3A_62 = tpu.sem_alloc : memref<!tpu.dma_semaphore, #tpu.memory_space<semaphore_mem>>
      %dma_start3A_63 = arith.constant 0 : i32
      %dma_start3A_64 = arith.constant 0 : i32
      %dma_start3A_65 = tpu.memref_slice %arg3[%add3A, %dma_start3A_63, %dma_start3A_64] : memref<32x80x128xi32, #tpu.memory_space<hbm>> -> memref<1x80x128xi32, #tpu.memory_space<hbm>>
      %dma_start3A_66 = tpu.memref_squeeze %dma_start3A_65 : memref<1x80x128xi32, #tpu.memory_space<hbm>> -> memref<80x128xi32, #tpu.memory_space<hbm>>
      %dma_start3A_67 = arith.constant 0 : i32
      %dma_start3A_68 = arith.constant 0 : i32
      %dma_start3A_69 = tpu.memref_slice %arg3[%add3A, %dma_start3A_67, %dma_start3A_68] : memref<32x80x128xi32, #tpu.memory_space<hbm>> -> memref<1x80x128xi32, #tpu.memory_space<hbm>>
      %dma_start3A_70 = tpu.memref_squeeze %dma_start3A_69 : memref<1x80x128xi32, #tpu.memory_space<hbm>> -> memref<80x128xi32, #tpu.memory_space<hbm>>
      tpu.enqueue_dma source(%dma_start3A_70 : memref<80x128xi32, #tpu.memory_space<hbm>>) target(%arg7 : memref<80x128xi32, #tpu.memory_space<vmem>>) target_semaphore(%run_scoped3A_62 : memref<!tpu.dma_semaphore, #tpu.memory_space<semaphore_mem>>)
      %dma_wait3A_71 = arith.constant 0 : i32
      %dma_wait3A_72 = arith.constant 0 : i32
      %dma_wait3A_73 = tpu.memref_slice %arg3[%add3A, %dma_wait3A_71, %dma_wait3A_72] : memref<32x80x128xi32, #tpu.memory_space<hbm>> -> memref<1x80x128xi32, #tpu.memory_space<hbm>>
      %dma_wait3A_74 = tpu.memref_squeeze %dma_wait3A_73 : memref<1x80x128xi32, #tpu.memory_space<hbm>> -> memref<80x128xi32, #tpu.memory_space<hbm>>
      %dma_wait3A_75 = arith.constant 0 : i32
      %dma_wait3A_76 = arith.constant 0 : i32
      %dma_wait3A_77 = tpu.memref_slice %arg3[%add3A, %dma_wait3A_75, %dma_wait3A_76] : memref<32x80x128xi32, #tpu.memory_space<hbm>> -> memref<1x80x128xi32, #tpu.memory_space<hbm>>
      %dma_wait3A_78 = tpu.memref_squeeze %dma_wait3A_77 : memref<1x80x128xi32, #tpu.memory_space<hbm>> -> memref<80x128xi32, #tpu.memory_space<hbm>>
      tpu.wait_dma2 semaphore(%run_scoped3A_62 : memref<!tpu.dma_semaphore, #tpu.memory_space<semaphore_mem>>) src(%dma_wait3A_78 : memref<80x128xi32, #tpu.memory_space<hbm>>) dst(%arg7 : memref<80x128xi32, #tpu.memory_space<vmem>>)
      tpu.yield
    }) : () -> ()
    "tpu.region"() ({
      %run_scoped3A_62 = tpu.sem_alloc : memref<!tpu.dma_semaphore, #tpu.memory_space<semaphore_mem>>
      %dma_start3A_63 = arith.constant 0 : i32
      %dma_start3A_64 = arith.constant 0 : i32
      %dma_start3A_65 = tpu.memref_slice %arg4[%add3A, %dma_start3A_63, %dma_start3A_64] : memref<32x160x64xi32, #tpu.memory_space<hbm>> -> memref<1x160x64xi32, #tpu.memory_space<hbm>>
      %dma_start3A_66 = tpu.memref_squeeze %dma_start3A_65 : memref<1x160x64xi32, #tpu.memory_space<hbm>> -> memref<160x64xi32, #tpu.memory_space<hbm>>
      %dma_start3A_67 = arith.constant 0 : i32
      %dma_start3A_68 = arith.constant 0 : i32
      %dma_start3A_69 = tpu.memref_slice %arg4[%add3A, %dma_start3A_67, %dma_start3A_68] : memref<32x160x64xi32, #tpu.memory_space<hbm>> -> memref<1x160x64xi32, #tpu.memory_space<hbm>>
      %dma_start3A_70 = tpu.memref_squeeze %dma_start3A_69 : memref<1x160x64xi32, #tpu.memory_space<hbm>> -> memref<160x64xi32, #tpu.memory_space<hbm>>
      tpu.enqueue_dma source(%dma_start3A_70 : memref<160x64xi32, #tpu.memory_space<hbm>>) target(%arg8 : memref<160x64xi32, #tpu.memory_space<vmem>>) target_semaphore(%run_scoped3A_62 : memref<!tpu.dma_semaphore, #tpu.memory_space<semaphore_mem>>)
      %dma_wait3A_71 = arith.constant 0 : i32
      %dma_wait3A_72 = arith.constant 0 : i32
      %dma_wait3A_73 = tpu.memref_slice %arg4[%add3A, %dma_wait3A_71, %dma_wait3A_72] : memref<32x160x64xi32, #tpu.memory_space<hbm>> -> memref<1x160x64xi32, #tpu.memory_space<hbm>>
      %dma_wait3A_74 = tpu.memref_squeeze %dma_wait3A_73 : memref<1x160x64xi32, #tpu.memory_space<hbm>> -> memref<160x64xi32, #tpu.memory_space<hbm>>
      %dma_wait3A_75 = arith.constant 0 : i32
      %dma_wait3A_76 = arith.constant 0 : i32
      %dma_wait3A_77 = tpu.memref_slice %arg4[%add3A, %dma_wait3A_75, %dma_wait3A_76] : memref<32x160x64xi32, #tpu.memory_space<hbm>> -> memref<1x160x64xi32, #tpu.memory_space<hbm>>
      %dma_wait3A_78 = tpu.memref_squeeze %dma_wait3A_77 : memref<1x160x64xi32, #tpu.memory_space<hbm>> -> memref<160x64xi32, #tpu.memory_space<hbm>>
      tpu.wait_dma2 semaphore(%run_scoped3A_62 : memref<!tpu.dma_semaphore, #tpu.memory_space<semaphore_mem>>) src(%dma_wait3A_78 : memref<160x64xi32, #tpu.memory_space<hbm>>) dst(%arg8 : memref<160x64xi32, #tpu.memory_space<vmem>>)
      tpu.yield
    }) : () -> ()
    %dma_start3A = arith.constant 0 : i32
    %dma_start3A_3 = arith.constant 0 : i32
    %dma_start3A_4 = arith.constant 0 : i32
    %dma_start3A_5 = arith.constant 0 : i32
    %dma_start3A_6 = tpu.memref_slice %arg9[%dma_start3A_3, %dma_start3A_4, %dma_start3A_5] : memref<2x64x128xf32, #tpu.memory_space<vmem>> -> memref<1x64x128xf32, #tpu.memory_space<vmem>>
    %dma_start3A_7 = tpu.memref_squeeze %dma_start3A_6 : memref<1x64x128xf32, #tpu.memory_space<vmem>> -> memref<64x128xf32, #tpu.memory_space<vmem>>
    %dma_start3A_8 = arith.constant 0 : i32
    %dma_start3A_9 = tpu.memref_slice %arg7[%dma_start3A, %dma_start3A_8] : memref<80x128xi32, #tpu.memory_space<vmem>> -> memref<1x64xi32, #tpu.memory_space<vmem>>
    %dma_start3A_10 = tpu.memref_squeeze %dma_start3A_9 : memref<1x64xi32, #tpu.memory_space<vmem>> -> memref<64xi32, #tpu.memory_space<vmem>>
    %dma_start3A_11 = arith.constant 0 : i32
    %dma_start3A_12 = arith.constant 0 : i32
    %dma_start3A_13 = tpu.memref_slice %arg2[%dma_start3A_11, %dma_start3A_12] : memref<10000x128xf32, #tpu.memory_space<hbm>> -> memref<10000x128xf32, #tpu.memory_space<hbm>>
    tpu.enqueue_indirect_dma source(%dma_start3A_13 : memref<10000x128xf32, #tpu.memory_space<hbm>>) target(%dma_start3A_7 : memref<64x128xf32, #tpu.memory_space<vmem>>) offsets(%dma_start3A_10 : memref<64xi32, #tpu.memory_space<vmem>>) semaphore(%arg11 : memref<!tpu.dma_semaphore, #tpu.memory_space<semaphore_mem>>)
    %dma_start3A_14 = arith.constant 0 : i32
    %dma_start3A_15 = arith.constant 1 : i32
    %dma_start3A_16 = arith.constant 0 : i32
    %dma_start3A_17 = arith.constant 0 : i32
    %dma_start3A_18 = tpu.memref_slice %arg9[%dma_start3A_15, %dma_start3A_16, %dma_start3A_17] : memref<2x64x128xf32, #tpu.memory_space<vmem>> -> memref<1x64x128xf32, #tpu.memory_space<vmem>>
    %dma_start3A_19 = tpu.memref_squeeze %dma_start3A_18 : memref<1x64x128xf32, #tpu.memory_space<vmem>> -> memref<64x128xf32, #tpu.memory_space<vmem>>
    %dma_start3A_20 = arith.constant 64 : i32
    %dma_start3A_21 = tpu.memref_slice %arg7[%dma_start3A_14, %dma_start3A_20] : memref<80x128xi32, #tpu.memory_space<vmem>> -> memref<1x64xi32, #tpu.memory_space<vmem>>
    %dma_start3A_22 = tpu.memref_squeeze %dma_start3A_21 : memref<1x64xi32, #tpu.memory_space<vmem>> -> memref<64xi32, #tpu.memory_space<vmem>>
    %dma_start3A_23 = arith.constant 0 : i32
    %dma_start3A_24 = arith.constant 0 : i32
    %dma_start3A_25 = tpu.memref_slice %arg2[%dma_start3A_23, %dma_start3A_24] : memref<10000x128xf32, #tpu.memory_space<hbm>> -> memref<10000x128xf32, #tpu.memory_space<hbm>>
    tpu.enqueue_indirect_dma source(%dma_start3A_25 : memref<10000x128xf32, #tpu.memory_space<hbm>>) target(%dma_start3A_19 : memref<64x128xf32, #tpu.memory_space<vmem>>) offsets(%dma_start3A_22 : memref<64xi32, #tpu.memory_space<vmem>>) semaphore(%arg12 : memref<!tpu.dma_semaphore, #tpu.memory_space<semaphore_mem>>)
    %scan3A = arith.constant 0 : i32
    %scan3A_26 = arith.constant 0 : i32
    %scan3A_27 = arith.constant 79 : i32
    %scan3A_28 = arith.addi %scan3A_26, %scan3A_27 : i32
    %scan3A_29 = arith.constant 1 : i32
    scf.for %scan3A_62 = %scan3A_26 to %scan3A_28 step %scan3A_29  : i32 {
      %dma_wait3A_63 = arith.constant 0 : i32
      %dma_wait3A_64 = arith.constant 0 : i32
      %dma_wait3A_65 = arith.constant 0 : i32
      %dma_wait3A_66 = arith.constant 0 : i32
      %dma_wait3A_67 = tpu.memref_slice %arg9[%dma_wait3A_64, %dma_wait3A_65, %dma_wait3A_66] : memref<2x64x128xf32, #tpu.memory_space<vmem>> -> memref<1x64x128xf32, #tpu.memory_space<vmem>>
      %dma_wait3A_68 = tpu.memref_squeeze %dma_wait3A_67 : memref<1x64x128xf32, #tpu.memory_space<vmem>> -> memref<64x128xf32, #tpu.memory_space<vmem>>
      %dma_wait3A_69 = arith.constant 0 : i32
      %dma_wait3A_70 = tpu.memref_slice %arg7[%dma_wait3A_63, %dma_wait3A_69] : memref<80x128xi32, #tpu.memory_space<vmem>> -> memref<1x64xi32, #tpu.memory_space<vmem>>
      %dma_wait3A_71 = tpu.memref_squeeze %dma_wait3A_70 : memref<1x64xi32, #tpu.memory_space<vmem>> -> memref<64xi32, #tpu.memory_space<vmem>>
      %dma_wait3A_72 = arith.constant 0 : i32
      %dma_wait3A_73 = arith.constant 0 : i32
      %dma_wait3A_74 = tpu.memref_slice %arg2[%dma_wait3A_72, %dma_wait3A_73] : memref<10000x128xf32, #tpu.memory_space<hbm>> -> memref<10000x128xf32, #tpu.memory_space<hbm>>
      tpu.wait_indirect_dma semaphore(%arg11 : memref<!tpu.dma_semaphore, #tpu.memory_space<semaphore_mem>>) src(%dma_wait3A_74 : memref<10000x128xf32, #tpu.memory_space<hbm>>) dst(%dma_wait3A_68 : memref<64x128xf32, #tpu.memory_space<vmem>>)
      %mul3A_75 = arith.constant 2 : i32
      %mul3A_76 = arith.muli %mul3A_75, %scan3A_62 : i32
      %add3A_77 = arith.constant 0 : i32
      %add3A_78 = arith.addi %mul3A_76, %add3A_77 : i32
      %run_scoped3A_79 = arith.constant 0 : i32
      "tpu.region"() ({
        %run_scoped3A_123 = tpu.sem_alloc : memref<!tpu.dma_semaphore, #tpu.memory_space<semaphore_mem>>
        %dma_start3A_124 = arith.constant 0 : i32
        %dma_start3A_125 = arith.constant 0 : i32
        %dma_start3A_126 = tpu.memref_slice %arg9[%run_scoped3A_79, %dma_start3A_124, %dma_start3A_125] : memref<2x64x128xf32, #tpu.memory_space<vmem>> -> memref<1x64x128xf32, #tpu.memory_space<vmem>>
        %dma_start3A_127 = tpu.memref_squeeze %dma_start3A_126 : memref<1x64x128xf32, #tpu.memory_space<vmem>> -> memref<64x128xf32, #tpu.memory_space<vmem>>
        %dma_start3A_128 = arith.constant 0 : i32
        %dma_start3A_129 = tpu.memref_slice %arg8[%add3A_78, %dma_start3A_128] : memref<160x64xi32, #tpu.memory_space<vmem>> -> memref<1x64xi32, #tpu.memory_space<vmem>>
        %dma_start3A_130 = tpu.memref_squeeze %dma_start3A_129 : memref<1x64xi32, #tpu.memory_space<vmem>> -> memref<64xi32, #tpu.memory_space<vmem>>
        %dma_start3A_131 = arith.constant 0 : i32
        %dma_start3A_132 = arith.constant 0 : i32
        %dma_start3A_133 = tpu.memref_slice %arg10[%dma_start3A_131, %dma_start3A_132] : memref<10240x128xf32, #tpu.memory_space<vmem_shared>> -> memref<10240x128xf32, #tpu.memory_space<vmem_shared>>
        tpu.enqueue_indirect_dma source(%dma_start3A_127 : memref<64x128xf32, #tpu.memory_space<vmem>>) target(%dma_start3A_133 : memref<10240x128xf32, #tpu.memory_space<vmem_shared>>) offsets(%dma_start3A_130 : memref<64xi32, #tpu.memory_space<vmem>>) semaphore(%run_scoped3A_123 : memref<!tpu.dma_semaphore, #tpu.memory_space<semaphore_mem>>) {add = true}
        %dma_wait3A_134 = arith.constant 0 : i32
        %dma_wait3A_135 = arith.constant 0 : i32
        %dma_wait3A_136 = tpu.memref_slice %arg9[%run_scoped3A_79, %dma_wait3A_134, %dma_wait3A_135] : memref<2x64x128xf32, #tpu.memory_space<vmem>> -> memref<1x64x128xf32, #tpu.memory_space<vmem>>
        %dma_wait3A_137 = tpu.memref_squeeze %dma_wait3A_136 : memref<1x64x128xf32, #tpu.memory_space<vmem>> -> memref<64x128xf32, #tpu.memory_space<vmem>>
        %dma_wait3A_138 = arith.constant 0 : i32
        %dma_wait3A_139 = tpu.memref_slice %arg8[%add3A_78, %dma_wait3A_138] : memref<160x64xi32, #tpu.memory_space<vmem>> -> memref<1x64xi32, #tpu.memory_space<vmem>>
        %dma_wait3A_140 = tpu.memref_squeeze %dma_wait3A_139 : memref<1x64xi32, #tpu.memory_space<vmem>> -> memref<64xi32, #tpu.memory_space<vmem>>
        %dma_wait3A_141 = arith.constant 0 : i32
        %dma_wait3A_142 = arith.constant 0 : i32
        %dma_wait3A_143 = tpu.memref_slice %arg10[%dma_wait3A_141, %dma_wait3A_142] : memref<10240x128xf32, #tpu.memory_space<vmem_shared>> -> memref<10240x128xf32, #tpu.memory_space<vmem_shared>>
        tpu.wait_indirect_dma semaphore(%run_scoped3A_123 : memref<!tpu.dma_semaphore, #tpu.memory_space<semaphore_mem>>) src(%dma_wait3A_137 : memref<64x128xf32, #tpu.memory_space<vmem>>) dst(%dma_wait3A_143 : memref<10240x128xf32, #tpu.memory_space<vmem_shared>>)
        tpu.yield
      }) : () -> ()
      %add3A_80 = arith.constant 1 : i32
      %add3A_81 = arith.addi %scan3A_62, %add3A_80 : i32
      %dma_start3A_82 = arith.constant 0 : i32
      %dma_start3A_83 = arith.constant 0 : i32
      %dma_start3A_84 = arith.constant 0 : i32
      %dma_start3A_85 = tpu.memref_slice %arg9[%dma_start3A_82, %dma_start3A_83, %dma_start3A_84] : memref<2x64x128xf32, #tpu.memory_space<vmem>> -> memref<1x64x128xf32, #tpu.memory_space<vmem>>
      %dma_start3A_86 = tpu.memref_squeeze %dma_start3A_85 : memref<1x64x128xf32, #tpu.memory_space<vmem>> -> memref<64x128xf32, #tpu.memory_space<vmem>>
      %dma_start3A_87 = arith.constant 0 : i32
      %dma_start3A_88 = tpu.memref_slice %arg7[%add3A_81, %dma_start3A_87] : memref<80x128xi32, #tpu.memory_space<vmem>> -> memref<1x64xi32, #tpu.memory_space<vmem>>
      %dma_start3A_89 = tpu.memref_squeeze %dma_start3A_88 : memref<1x64xi32, #tpu.memory_space<vmem>> -> memref<64xi32, #tpu.memory_space<vmem>>
      %dma_start3A_90 = arith.constant 0 : i32
      %dma_start3A_91 = arith.constant 0 : i32
      %dma_start3A_92 = tpu.memref_slice %arg2[%dma_start3A_90, %dma_start3A_91] : memref<10000x128xf32, #tpu.memory_space<hbm>> -> memref<10000x128xf32, #tpu.memory_space<hbm>>
      tpu.enqueue_indirect_dma source(%dma_start3A_92 : memref<10000x128xf32, #tpu.memory_space<hbm>>) target(%dma_start3A_86 : memref<64x128xf32, #tpu.memory_space<vmem>>) offsets(%dma_start3A_89 : memref<64xi32, #tpu.memory_space<vmem>>) semaphore(%arg11 : memref<!tpu.dma_semaphore, #tpu.memory_space<semaphore_mem>>)
      %dma_wait3A_93 = arith.constant 0 : i32
      %dma_wait3A_94 = arith.constant 1 : i32
      %dma_wait3A_95 = arith.constant 0 : i32
      %dma_wait3A_96 = arith.constant 0 : i32
      %dma_wait3A_97 = tpu.memref_slice %arg9[%dma_wait3A_94, %dma_wait3A_95, %dma_wait3A_96] : memref<2x64x128xf32, #tpu.memory_space<vmem>> -> memref<1x64x128xf32, #tpu.memory_space<vmem>>
      %dma_wait3A_98 = tpu.memref_squeeze %dma_wait3A_97 : memref<1x64x128xf32, #tpu.memory_space<vmem>> -> memref<64x128xf32, #tpu.memory_space<vmem>>
      %dma_wait3A_99 = arith.constant 0 : i32
      %dma_wait3A_100 = tpu.memref_slice %arg7[%dma_wait3A_93, %dma_wait3A_99] : memref<80x128xi32, #tpu.memory_space<vmem>> -> memref<1x64xi32, #tpu.memory_space<vmem>>
      %dma_wait3A_101 = tpu.memref_squeeze %dma_wait3A_100 : memref<1x64xi32, #tpu.memory_space<vmem>> -> memref<64xi32, #tpu.memory_space<vmem>>
      %dma_wait3A_102 = arith.constant 0 : i32
      %dma_wait3A_103 = arith.constant 0 : i32
      %dma_wait3A_104 = tpu.memref_slice %arg2[%dma_wait3A_102, %dma_wait3A_103] : memref<10000x128xf32, #tpu.memory_space<hbm>> -> memref<10000x128xf32, #tpu.memory_space<hbm>>
      tpu.wait_indirect_dma semaphore(%arg12 : memref<!tpu.dma_semaphore, #tpu.memory_space<semaphore_mem>>) src(%dma_wait3A_104 : memref<10000x128xf32, #tpu.memory_space<hbm>>) dst(%dma_wait3A_98 : memref<64x128xf32, #tpu.memory_space<vmem>>)
      %mul3A_105 = arith.constant 2 : i32
      %mul3A_106 = arith.muli %mul3A_105, %scan3A_62 : i32
      %add3A_107 = arith.constant 1 : i32
      %add3A_108 = arith.addi %mul3A_106, %add3A_107 : i32
      %run_scoped3A_109 = arith.constant 1 : i32
      "tpu.region"() ({
        %run_scoped3A_123 = tpu.sem_alloc : memref<!tpu.dma_semaphore, #tpu.memory_space<semaphore_mem>>
        %dma_start3A_124 = arith.constant 0 : i32
        %dma_start3A_125 = arith.constant 0 : i32
        %dma_start3A_126 = tpu.memref_slice %arg9[%run_scoped3A_109, %dma_start3A_124, %dma_start3A_125] : memref<2x64x128xf32, #tpu.memory_space<vmem>> -> memref<1x64x128xf32, #tpu.memory_space<vmem>>
        %dma_start3A_127 = tpu.memref_squeeze %dma_start3A_126 : memref<1x64x128xf32, #tpu.memory_space<vmem>> -> memref<64x128xf32, #tpu.memory_space<vmem>>
        %dma_start3A_128 = arith.constant 0 : i32
        %dma_start3A_129 = tpu.memref_slice %arg8[%add3A_108, %dma_start3A_128] : memref<160x64xi32, #tpu.memory_space<vmem>> -> memref<1x64xi32, #tpu.memory_space<vmem>>
        %dma_start3A_130 = tpu.memref_squeeze %dma_start3A_129 : memref<1x64xi32, #tpu.memory_space<vmem>> -> memref<64xi32, #tpu.memory_space<vmem>>
        %dma_start3A_131 = arith.constant 0 : i32
        %dma_start3A_132 = arith.constant 0 : i32
        %dma_start3A_133 = tpu.memref_slice %arg10[%dma_start3A_131, %dma_start3A_132] : memref<10240x128xf32, #tpu.memory_space<vmem_shared>> -> memref<10240x128xf32, #tpu.memory_space<vmem_shared>>
        tpu.enqueue_indirect_dma source(%dma_start3A_127 : memref<64x128xf32, #tpu.memory_space<vmem>>) target(%dma_start3A_133 : memref<10240x128xf32, #tpu.memory_space<vmem_shared>>) offsets(%dma_start3A_130 : memref<64xi32, #tpu.memory_space<vmem>>) semaphore(%run_scoped3A_123 : memref<!tpu.dma_semaphore, #tpu.memory_space<semaphore_mem>>) {add = true}
        %dma_wait3A_134 = arith.constant 0 : i32
        %dma_wait3A_135 = arith.constant 0 : i32
        %dma_wait3A_136 = tpu.memref_slice %arg9[%run_scoped3A_109, %dma_wait3A_134, %dma_wait3A_135] : memref<2x64x128xf32, #tpu.memory_space<vmem>> -> memref<1x64x128xf32, #tpu.memory_space<vmem>>
        %dma_wait3A_137 = tpu.memref_squeeze %dma_wait3A_136 : memref<1x64x128xf32, #tpu.memory_space<vmem>> -> memref<64x128xf32, #tpu.memory_space<vmem>>
        %dma_wait3A_138 = arith.constant 0 : i32
        %dma_wait3A_139 = tpu.memref_slice %arg8[%add3A_108, %dma_wait3A_138] : memref<160x64xi32, #tpu.memory_space<vmem>> -> memref<1x64xi32, #tpu.memory_space<vmem>>
        %dma_wait3A_140 = tpu.memref_squeeze %dma_wait3A_139 : memref<1x64xi32, #tpu.memory_space<vmem>> -> memref<64xi32, #tpu.memory_space<vmem>>
        %dma_wait3A_141 = arith.constant 0 : i32
        %dma_wait3A_142 = arith.constant 0 : i32
        %dma_wait3A_143 = tpu.memref_slice %arg10[%dma_wait3A_141, %dma_wait3A_142] : memref<10240x128xf32, #tpu.memory_space<vmem_shared>> -> memref<10240x128xf32, #tpu.memory_space<vmem_shared>>
        tpu.wait_indirect_dma semaphore(%run_scoped3A_123 : memref<!tpu.dma_semaphore, #tpu.memory_space<semaphore_mem>>) src(%dma_wait3A_137 : memref<64x128xf32, #tpu.memory_space<vmem>>) dst(%dma_wait3A_143 : memref<10240x128xf32, #tpu.memory_space<vmem_shared>>)
        tpu.yield
      }) : () -> ()
      %add3A_110 = arith.constant 1 : i32
      %add3A_111 = arith.addi %scan3A_62, %add3A_110 : i32
      %dma_start3A_112 = arith.constant 1 : i32
      %dma_start3A_113 = arith.constant 0 : i32
      %dma_start3A_114 = arith.constant 0 : i32
      %dma_start3A_115 = tpu.memref_slice %arg9[%dma_start3A_112, %dma_start3A_113, %dma_start3A_114] : memref<2x64x128xf32, #tpu.memory_space<vmem>> -> memref<1x64x128xf32, #tpu.memory_space<vmem>>
      %dma_start3A_116 = tpu.memref_squeeze %dma_start3A_115 : memref<1x64x128xf32, #tpu.memory_space<vmem>> -> memref<64x128xf32, #tpu.memory_space<vmem>>
      %dma_start3A_117 = arith.constant 64 : i32
      %dma_start3A_118 = tpu.memref_slice %arg7[%add3A_111, %dma_start3A_117] : memref<80x128xi32, #tpu.memory_space<vmem>> -> memref<1x64xi32, #tpu.memory_space<vmem>>
      %dma_start3A_119 = tpu.memref_squeeze %dma_start3A_118 : memref<1x64xi32, #tpu.memory_space<vmem>> -> memref<64xi32, #tpu.memory_space<vmem>>
      %dma_start3A_120 = arith.constant 0 : i32
      %dma_start3A_121 = arith.constant 0 : i32
      %dma_start3A_122 = tpu.memref_slice %arg2[%dma_start3A_120, %dma_start3A_121] : memref<10000x128xf32, #tpu.memory_space<hbm>> -> memref<10000x128xf32, #tpu.memory_space<hbm>>
      tpu.enqueue_indirect_dma source(%dma_start3A_122 : memref<10000x128xf32, #tpu.memory_space<hbm>>) target(%dma_start3A_116 : memref<64x128xf32, #tpu.memory_space<vmem>>) offsets(%dma_start3A_119 : memref<64xi32, #tpu.memory_space<vmem>>) semaphore(%arg12 : memref<!tpu.dma_semaphore, #tpu.memory_space<semaphore_mem>>)
    }
    %scan3A_30 = arith.constant 79 : i32
    %dma_wait3A = arith.constant 0 : i32
    %dma_wait3A_31 = arith.constant 0 : i32
    %dma_wait3A_32 = arith.constant 0 : i32
    %dma_wait3A_33 = arith.constant 0 : i32
    %dma_wait3A_34 = tpu.memref_slice %arg9[%dma_wait3A_31, %dma_wait3A_32, %dma_wait3A_33] : memref<2x64x128xf32, #tpu.memory_space<vmem>> -> memref<1x64x128xf32, #tpu.memory_space<vmem>>
    %dma_wait3A_35 = tpu.memref_squeeze %dma_wait3A_34 : memref<1x64x128xf32, #tpu.memory_space<vmem>> -> memref<64x128xf32, #tpu.memory_space<vmem>>
    %dma_wait3A_36 = arith.constant 0 : i32
    %dma_wait3A_37 = tpu.memref_slice %arg7[%dma_wait3A, %dma_wait3A_36] : memref<80x128xi32, #tpu.memory_space<vmem>> -> memref<1x64xi32, #tpu.memory_space<vmem>>
    %dma_wait3A_38 = tpu.memref_squeeze %dma_wait3A_37 : memref<1x64xi32, #tpu.memory_space<vmem>> -> memref<64xi32, #tpu.memory_space<vmem>>
    %dma_wait3A_39 = arith.constant 0 : i32
    %dma_wait3A_40 = arith.constant 0 : i32
    %dma_wait3A_41 = tpu.memref_slice %arg2[%dma_wait3A_39, %dma_wait3A_40] : memref<10000x128xf32, #tpu.memory_space<hbm>> -> memref<10000x128xf32, #tpu.memory_space<hbm>>
    tpu.wait_indirect_dma semaphore(%arg11 : memref<!tpu.dma_semaphore, #tpu.memory_space<semaphore_mem>>) src(%dma_wait3A_41 : memref<10000x128xf32, #tpu.memory_space<hbm>>) dst(%dma_wait3A_35 : memref<64x128xf32, #tpu.memory_space<vmem>>)
    %run_scoped3A = arith.constant 0 : i32
    %run_scoped3A_42 = arith.constant 158 : i32
    "tpu.region"() ({
      %run_scoped3A_62 = tpu.sem_alloc : memref<!tpu.dma_semaphore, #tpu.memory_space<semaphore_mem>>
      %dma_start3A_63 = arith.constant 0 : i32
      %dma_start3A_64 = arith.constant 0 : i32
      %dma_start3A_65 = tpu.memref_slice %arg9[%run_scoped3A, %dma_start3A_63, %dma_start3A_64] : memref<2x64x128xf32, #tpu.memory_space<vmem>> -> memref<1x64x128xf32, #tpu.memory_space<vmem>>
      %dma_start3A_66 = tpu.memref_squeeze %dma_start3A_65 : memref<1x64x128xf32, #tpu.memory_space<vmem>> -> memref<64x128xf32, #tpu.memory_space<vmem>>
      %dma_start3A_67 = arith.constant 0 : i32
      %dma_start3A_68 = tpu.memref_slice %arg8[%run_scoped3A_42, %dma_start3A_67] : memref<160x64xi32, #tpu.memory_space<vmem>> -> memref<1x64xi32, #tpu.memory_space<vmem>>
      %dma_start3A_69 = tpu.memref_squeeze %dma_start3A_68 : memref<1x64xi32, #tpu.memory_space<vmem>> -> memref<64xi32, #tpu.memory_space<vmem>>
      %dma_start3A_70 = arith.constant 0 : i32
      %dma_start3A_71 = arith.constant 0 : i32
      %dma_start3A_72 = tpu.memref_slice %arg10[%dma_start3A_70, %dma_start3A_71] : memref<10240x128xf32, #tpu.memory_space<vmem_shared>> -> memref<10240x128xf32, #tpu.memory_space<vmem_shared>>
      tpu.enqueue_indirect_dma source(%dma_start3A_66 : memref<64x128xf32, #tpu.memory_space<vmem>>) target(%dma_start3A_72 : memref<10240x128xf32, #tpu.memory_space<vmem_shared>>) offsets(%dma_start3A_69 : memref<64xi32, #tpu.memory_space<vmem>>) semaphore(%run_scoped3A_62 : memref<!tpu.dma_semaphore, #tpu.memory_space<semaphore_mem>>) {add = true}
      %dma_wait3A_73 = arith.constant 0 : i32
      %dma_wait3A_74 = arith.constant 0 : i32
      %dma_wait3A_75 = tpu.memref_slice %arg9[%run_scoped3A, %dma_wait3A_73, %dma_wait3A_74] : memref<2x64x128xf32, #tpu.memory_space<vmem>> -> memref<1x64x128xf32, #tpu.memory_space<vmem>>
      %dma_wait3A_76 = tpu.memref_squeeze %dma_wait3A_75 : memref<1x64x128xf32, #tpu.memory_space<vmem>> -> memref<64x128xf32, #tpu.memory_space<vmem>>
      %dma_wait3A_77 = arith.constant 0 : i32
      %dma_wait3A_78 = tpu.memref_slice %arg8[%run_scoped3A_42, %dma_wait3A_77] : memref<160x64xi32, #tpu.memory_space<vmem>> -> memref<1x64xi32, #tpu.memory_space<vmem>>
      %dma_wait3A_79 = tpu.memref_squeeze %dma_wait3A_78 : memref<1x64xi32, #tpu.memory_space<vmem>> -> memref<64xi32, #tpu.memory_space<vmem>>
      %dma_wait3A_80 = arith.constant 0 : i32
      %dma_wait3A_81 = arith.constant 0 : i32
      %dma_wait3A_82 = tpu.memref_slice %arg10[%dma_wait3A_80, %dma_wait3A_81] : memref<10240x128xf32, #tpu.memory_space<vmem_shared>> -> memref<10240x128xf32, #tpu.memory_space<vmem_shared>>
      tpu.wait_indirect_dma semaphore(%run_scoped3A_62 : memref<!tpu.dma_semaphore, #tpu.memory_space<semaphore_mem>>) src(%dma_wait3A_76 : memref<64x128xf32, #tpu.memory_space<vmem>>) dst(%dma_wait3A_82 : memref<10240x128xf32, #tpu.memory_space<vmem_shared>>)
      tpu.yield
    }) : () -> ()
    %dma_wait3A_43 = arith.constant 0 : i32
    %dma_wait3A_44 = arith.constant 1 : i32
    %dma_wait3A_45 = arith.constant 0 : i32
    %dma_wait3A_46 = arith.constant 0 : i32
    %dma_wait3A_47 = tpu.memref_slice %arg9[%dma_wait3A_44, %dma_wait3A_45, %dma_wait3A_46] : memref<2x64x128xf32, #tpu.memory_space<vmem>> -> memref<1x64x128xf32, #tpu.memory_space<vmem>>
    %dma_wait3A_48 = tpu.memref_squeeze %dma_wait3A_47 : memref<1x64x128xf32, #tpu.memory_space<vmem>> -> memref<64x128xf32, #tpu.memory_space<vmem>>
    %dma_wait3A_49 = arith.constant 0 : i32
    %dma_wait3A_50 = tpu.memref_slice %arg7[%dma_wait3A_43, %dma_wait3A_49] : memref<80x128xi32, #tpu.memory_space<vmem>> -> memref<1x64xi32, #tpu.memory_space<vmem>>
    %dma_wait3A_51 = tpu.memref_squeeze %dma_wait3A_50 : memref<1x64xi32, #tpu.memory_space<vmem>> -> memref<64xi32, #tpu.memory_space<vmem>>
    %dma_wait3A_52 = arith.constant 0 : i32
    %dma_wait3A_53 = arith.constant 0 : i32
    %dma_wait3A_54 = tpu.memref_slice %arg2[%dma_wait3A_52, %dma_wait3A_53] : memref<10000x128xf32, #tpu.memory_space<hbm>> -> memref<10000x128xf32, #tpu.memory_space<hbm>>
    tpu.wait_indirect_dma semaphore(%arg12 : memref<!tpu.dma_semaphore, #tpu.memory_space<semaphore_mem>>) src(%dma_wait3A_54 : memref<10000x128xf32, #tpu.memory_space<hbm>>) dst(%dma_wait3A_48 : memref<64x128xf32, #tpu.memory_space<vmem>>)
    %run_scoped3A_55 = arith.constant 1 : i32
    %run_scoped3A_56 = arith.constant 159 : i32
    "tpu.region"() ({
      %run_scoped3A_62 = tpu.sem_alloc : memref<!tpu.dma_semaphore, #tpu.memory_space<semaphore_mem>>
      %dma_start3A_63 = arith.constant 0 : i32
      %dma_start3A_64 = arith.constant 0 : i32
      %dma_start3A_65 = tpu.memref_slice %arg9[%run_scoped3A_55, %dma_start3A_63, %dma_start3A_64] : memref<2x64x128xf32, #tpu.memory_space<vmem>> -> memref<1x64x128xf32, #tpu.memory_space<vmem>>
      %dma_start3A_66 = tpu.memref_squeeze %dma_start3A_65 : memref<1x64x128xf32, #tpu.memory_space<vmem>> -> memref<64x128xf32, #tpu.memory_space<vmem>>
      %dma_start3A_67 = arith.constant 0 : i32
      %dma_start3A_68 = tpu.memref_slice %arg8[%run_scoped3A_56, %dma_start3A_67] : memref<160x64xi32, #tpu.memory_space<vmem>> -> memref<1x64xi32, #tpu.memory_space<vmem>>
      %dma_start3A_69 = tpu.memref_squeeze %dma_start3A_68 : memref<1x64xi32, #tpu.memory_space<vmem>> -> memref<64xi32, #tpu.memory_space<vmem>>
      %dma_start3A_70 = arith.constant 0 : i32
      %dma_start3A_71 = arith.constant 0 : i32
      %dma_start3A_72 = tpu.memref_slice %arg10[%dma_start3A_70, %dma_start3A_71] : memref<10240x128xf32, #tpu.memory_space<vmem_shared>> -> memref<10240x128xf32, #tpu.memory_space<vmem_shared>>
      tpu.enqueue_indirect_dma source(%dma_start3A_66 : memref<64x128xf32, #tpu.memory_space<vmem>>) target(%dma_start3A_72 : memref<10240x128xf32, #tpu.memory_space<vmem_shared>>) offsets(%dma_start3A_69 : memref<64xi32, #tpu.memory_space<vmem>>) semaphore(%run_scoped3A_62 : memref<!tpu.dma_semaphore, #tpu.memory_space<semaphore_mem>>) {add = true}
      %dma_wait3A_73 = arith.constant 0 : i32
      %dma_wait3A_74 = arith.constant 0 : i32
      %dma_wait3A_75 = tpu.memref_slice %arg9[%run_scoped3A_55, %dma_wait3A_73, %dma_wait3A_74] : memref<2x64x128xf32, #tpu.memory_space<vmem>> -> memref<1x64x128xf32, #tpu.memory_space<vmem>>
      %dma_wait3A_76 = tpu.memref_squeeze %dma_wait3A_75 : memref<1x64x128xf32, #tpu.memory_space<vmem>> -> memref<64x128xf32, #tpu.memory_space<vmem>>
      %dma_wait3A_77 = arith.constant 0 : i32
      %dma_wait3A_78 = tpu.memref_slice %arg8[%run_scoped3A_56, %dma_wait3A_77] : memref<160x64xi32, #tpu.memory_space<vmem>> -> memref<1x64xi32, #tpu.memory_space<vmem>>
      %dma_wait3A_79 = tpu.memref_squeeze %dma_wait3A_78 : memref<1x64xi32, #tpu.memory_space<vmem>> -> memref<64xi32, #tpu.memory_space<vmem>>
      %dma_wait3A_80 = arith.constant 0 : i32
      %dma_wait3A_81 = arith.constant 0 : i32
      %dma_wait3A_82 = tpu.memref_slice %arg10[%dma_wait3A_80, %dma_wait3A_81] : memref<10240x128xf32, #tpu.memory_space<vmem_shared>> -> memref<10240x128xf32, #tpu.memory_space<vmem_shared>>
      tpu.wait_indirect_dma semaphore(%run_scoped3A_62 : memref<!tpu.dma_semaphore, #tpu.memory_space<semaphore_mem>>) src(%dma_wait3A_76 : memref<64x128xf32, #tpu.memory_space<vmem>>) dst(%dma_wait3A_82 : memref<10240x128xf32, #tpu.memory_space<vmem_shared>>)
      tpu.yield
    }) : () -> ()
    %barrier3A_57 = arith.constant 0 : index
    tpu.barrier barrier_id(%barrier3A_57)
    %mul3A_58 = arith.constant 640 : i32
    %mul3A_59 = arith.muli %arg1, %mul3A_58 : i32
    %mul3A_60 = arith.constant 640 : i32
    %mul3A_61 = arith.muli %arg1, %mul3A_60 : i32
    "tpu.region"() ({
      %run_scoped3A_62 = tpu.sem_alloc : memref<!tpu.dma_semaphore, #tpu.memory_space<semaphore_mem>>
      %dma_start3A_63 = arith.constant 0 : i32
      %dma_start3A_64 = tpu.memref_slice %arg6[%arg0, %mul3A_61, %dma_start3A_63] : memref<2x10240x128xf32, #tpu.memory_space<hbm>> -> memref<1x640x128xf32, #tpu.memory_space<hbm>>
      %dma_start3A_65 = tpu.memref_squeeze %dma_start3A_64 : memref<1x640x128xf32, #tpu.memory_space<hbm>> -> memref<640x128xf32, #tpu.memory_space<hbm>>
      %dma_start3A_66 = arith.constant 0 : i32
      %dma_start3A_67 = tpu.memref_slice %arg10[%mul3A_59, %dma_start3A_66] : memref<10240x128xf32, #tpu.memory_space<vmem_shared>> -> memref<640x128xf32, #tpu.memory_space<vmem_shared>>
      tpu.enqueue_dma source(%dma_start3A_67 : memref<640x128xf32, #tpu.memory_space<vmem_shared>>) target(%dma_start3A_65 : memref<640x128xf32, #tpu.memory_space<hbm>>) target_semaphore(%run_scoped3A_62 : memref<!tpu.dma_semaphore, #tpu.memory_space<semaphore_mem>>)
      %dma_wait3A_68 = arith.constant 0 : i32
      %dma_wait3A_69 = tpu.memref_slice %arg6[%arg0, %mul3A_61, %dma_wait3A_68] : memref<2x10240x128xf32, #tpu.memory_space<hbm>> -> memref<1x640x128xf32, #tpu.memory_space<hbm>>
      %dma_wait3A_70 = tpu.memref_squeeze %dma_wait3A_69 : memref<1x640x128xf32, #tpu.memory_space<hbm>> -> memref<640x128xf32, #tpu.memory_space<hbm>>
      %dma_wait3A_71 = arith.constant 0 : i32
      %dma_wait3A_72 = tpu.memref_slice %arg10[%mul3A_59, %dma_wait3A_71] : memref<10240x128xf32, #tpu.memory_space<vmem_shared>> -> memref<640x128xf32, #tpu.memory_space<vmem_shared>>
      tpu.wait_dma2 semaphore(%run_scoped3A_62 : memref<!tpu.dma_semaphore, #tpu.memory_space<semaphore_mem>>) src(%dma_wait3A_72 : memref<640x128xf32, #tpu.memory_space<vmem_shared>>) dst(%dma_wait3A_70 : memref<640x128xf32, #tpu.memory_space<hbm>>)
      tpu.yield
    }) : () -> ()
    return
  }
}

#map = affine_map<(d0, d1) -> (0, 0)>
#map1 = affine_map<(d0, d1) -> (0, 0, 0)>
module attributes {stable_mosaic.version = 14 : i64} {
  func.func @_sc_propagate(%arg0: i32, %arg1: i32, %arg2: memref<10000x128xf32, #tpu.memory_space<hbm>>, %arg3: memref<32x80x128xi32, #tpu.memory_space<hbm>>, %arg4: memref<32x160x64xi32, #tpu.memory_space<hbm>>, %arg5: memref<640x128xf32, #tpu.memory_space<hbm>>, %arg6: memref<2x10240x128xf32, #tpu.memory_space<hbm>>, %arg7: memref<80x128xi32, #tpu.memory_space<vmem>>, %arg8: memref<160x64xi32, #tpu.memory_space<vmem>>, %arg9: memref<2x64x128xf32, #tpu.memory_space<vmem>>, %arg10: memref<10240x128xf32, #tpu.memory_space<vmem_shared>>, %arg11: memref<!tpu.dma_semaphore, #tpu.memory_space<semaphore_mem>>, %arg12: memref<!tpu.dma_semaphore, #tpu.memory_space<semaphore_mem>>) attributes {dimension_semantics = [#tpu.dimension_semantics<core_parallel>, #tpu.dimension_semantics<subcore_parallel>], iteration_bounds = array<i64: 2, 16>, scalar_prefetch = 0 : i64, scratch_operands = 6 : i64, tpu.core_type = #tpu.core_type<sc_vector_subcore>, window_params = [{transform_indices = #map}, {transform_indices = #map1}, {transform_indices = #map1}, {transform_indices = #map}, {transform_indices = #map1}]} {
    %mul3A = arith.constant 16 : i32
    %mul3A_0 = arith.muli %arg0, %mul3A : i32
    %add3A = arith.addi %mul3A_0, %arg1 : i32
    %mul3A_1 = arith.constant 640 : i32
    %mul3A_2 = arith.muli %arg1, %mul3A_1 : i32
    "tpu.region"() ({
      %run_scoped3A_62 = tpu.sem_alloc : memref<!tpu.dma_semaphore, #tpu.memory_space<semaphore_mem>>
      %dma_start3A_63 = arith.constant 0 : i32
      %dma_start3A_64 = tpu.memref_slice %arg10[%mul3A_2, %dma_start3A_63] : memref<10240x128xf32, #tpu.memory_space<vmem_shared>> -> memref<640x128xf32, #tpu.memory_space<vmem_shared>>
      tpu.enqueue_dma source(%arg5 : memref<640x128xf32, #tpu.memory_space<hbm>>) target(%dma_start3A_64 : memref<640x128xf32, #tpu.memory_space<vmem_shared>>) target_semaphore(%run_scoped3A_62 : memref<!tpu.dma_semaphore, #tpu.memory_space<semaphore_mem>>)
      %dma_wait3A_65 = arith.constant 0 : i32
      %dma_wait3A_66 = tpu.memref_slice %arg10[%mul3A_2, %dma_wait3A_65] : memref<10240x128xf32, #tpu.memory_space<vmem_shared>> -> memref<640x128xf32, #tpu.memory_space<vmem_shared>>
      tpu.wait_dma2 semaphore(%run_scoped3A_62 : memref<!tpu.dma_semaphore, #tpu.memory_space<semaphore_mem>>) src(%arg5 : memref<640x128xf32, #tpu.memory_space<hbm>>) dst(%dma_wait3A_66 : memref<640x128xf32, #tpu.memory_space<vmem_shared>>)
      tpu.yield
    }) : () -> ()
    %barrier3A = arith.constant 0 : index
    tpu.barrier barrier_id(%barrier3A)
    "tpu.region"() ({
      %run_scoped3A_62 = tpu.sem_alloc : memref<!tpu.dma_semaphore, #tpu.memory_space<semaphore_mem>>
      %dma_start3A_63 = arith.constant 0 : i32
      %dma_start3A_64 = arith.constant 0 : i32
      %dma_start3A_65 = tpu.memref_slice %arg3[%add3A, %dma_start3A_63, %dma_start3A_64] : memref<32x80x128xi32, #tpu.memory_space<hbm>> -> memref<1x80x128xi32, #tpu.memory_space<hbm>>
      %dma_start3A_66 = tpu.memref_squeeze %dma_start3A_65 : memref<1x80x128xi32, #tpu.memory_space<hbm>> -> memref<80x128xi32, #tpu.memory_space<hbm>>
      %dma_start3A_67 = arith.constant 0 : i32
      %dma_start3A_68 = arith.constant 0 : i32
      %dma_start3A_69 = tpu.memref_slice %arg3[%add3A, %dma_start3A_67, %dma_start3A_68] : memref<32x80x128xi32, #tpu.memory_space<hbm>> -> memref<1x80x128xi32, #tpu.memory_space<hbm>>
      %dma_start3A_70 = tpu.memref_squeeze %dma_start3A_69 : memref<1x80x128xi32, #tpu.memory_space<hbm>> -> memref<80x128xi32, #tpu.memory_space<hbm>>
      tpu.enqueue_dma source(%dma_start3A_70 : memref<80x128xi32, #tpu.memory_space<hbm>>) target(%arg7 : memref<80x128xi32, #tpu.memory_space<vmem>>) target_semaphore(%run_scoped3A_62 : memref<!tpu.dma_semaphore, #tpu.memory_space<semaphore_mem>>)
      %dma_wait3A_71 = arith.constant 0 : i32
      %dma_wait3A_72 = arith.constant 0 : i32
      %dma_wait3A_73 = tpu.memref_slice %arg3[%add3A, %dma_wait3A_71, %dma_wait3A_72] : memref<32x80x128xi32, #tpu.memory_space<hbm>> -> memref<1x80x128xi32, #tpu.memory_space<hbm>>
      %dma_wait3A_74 = tpu.memref_squeeze %dma_wait3A_73 : memref<1x80x128xi32, #tpu.memory_space<hbm>> -> memref<80x128xi32, #tpu.memory_space<hbm>>
      %dma_wait3A_75 = arith.constant 0 : i32
      %dma_wait3A_76 = arith.constant 0 : i32
      %dma_wait3A_77 = tpu.memref_slice %arg3[%add3A, %dma_wait3A_75, %dma_wait3A_76] : memref<32x80x128xi32, #tpu.memory_space<hbm>> -> memref<1x80x128xi32, #tpu.memory_space<hbm>>
      %dma_wait3A_78 = tpu.memref_squeeze %dma_wait3A_77 : memref<1x80x128xi32, #tpu.memory_space<hbm>> -> memref<80x128xi32, #tpu.memory_space<hbm>>
      tpu.wait_dma2 semaphore(%run_scoped3A_62 : memref<!tpu.dma_semaphore, #tpu.memory_space<semaphore_mem>>) src(%dma_wait3A_78 : memref<80x128xi32, #tpu.memory_space<hbm>>) dst(%arg7 : memref<80x128xi32, #tpu.memory_space<vmem>>)
      tpu.yield
    }) : () -> ()
    "tpu.region"() ({
      %run_scoped3A_62 = tpu.sem_alloc : memref<!tpu.dma_semaphore, #tpu.memory_space<semaphore_mem>>
      %dma_start3A_63 = arith.constant 0 : i32
      %dma_start3A_64 = arith.constant 0 : i32
      %dma_start3A_65 = tpu.memref_slice %arg4[%add3A, %dma_start3A_63, %dma_start3A_64] : memref<32x160x64xi32, #tpu.memory_space<hbm>> -> memref<1x160x64xi32, #tpu.memory_space<hbm>>
      %dma_start3A_66 = tpu.memref_squeeze %dma_start3A_65 : memref<1x160x64xi32, #tpu.memory_space<hbm>> -> memref<160x64xi32, #tpu.memory_space<hbm>>
      %dma_start3A_67 = arith.constant 0 : i32
      %dma_start3A_68 = arith.constant 0 : i32
      %dma_start3A_69 = tpu.memref_slice %arg4[%add3A, %dma_start3A_67, %dma_start3A_68] : memref<32x160x64xi32, #tpu.memory_space<hbm>> -> memref<1x160x64xi32, #tpu.memory_space<hbm>>
      %dma_start3A_70 = tpu.memref_squeeze %dma_start3A_69 : memref<1x160x64xi32, #tpu.memory_space<hbm>> -> memref<160x64xi32, #tpu.memory_space<hbm>>
      tpu.enqueue_dma source(%dma_start3A_70 : memref<160x64xi32, #tpu.memory_space<hbm>>) target(%arg8 : memref<160x64xi32, #tpu.memory_space<vmem>>) target_semaphore(%run_scoped3A_62 : memref<!tpu.dma_semaphore, #tpu.memory_space<semaphore_mem>>)
      %dma_wait3A_71 = arith.constant 0 : i32
      %dma_wait3A_72 = arith.constant 0 : i32
      %dma_wait3A_73 = tpu.memref_slice %arg4[%add3A, %dma_wait3A_71, %dma_wait3A_72] : memref<32x160x64xi32, #tpu.memory_space<hbm>> -> memref<1x160x64xi32, #tpu.memory_space<hbm>>
      %dma_wait3A_74 = tpu.memref_squeeze %dma_wait3A_73 : memref<1x160x64xi32, #tpu.memory_space<hbm>> -> memref<160x64xi32, #tpu.memory_space<hbm>>
      %dma_wait3A_75 = arith.constant 0 : i32
      %dma_wait3A_76 = arith.constant 0 : i32
      %dma_wait3A_77 = tpu.memref_slice %arg4[%add3A, %dma_wait3A_75, %dma_wait3A_76] : memref<32x160x64xi32, #tpu.memory_space<hbm>> -> memref<1x160x64xi32, #tpu.memory_space<hbm>>
      %dma_wait3A_78 = tpu.memref_squeeze %dma_wait3A_77 : memref<1x160x64xi32, #tpu.memory_space<hbm>> -> memref<160x64xi32, #tpu.memory_space<hbm>>
      tpu.wait_dma2 semaphore(%run_scoped3A_62 : memref<!tpu.dma_semaphore, #tpu.memory_space<semaphore_mem>>) src(%dma_wait3A_78 : memref<160x64xi32, #tpu.memory_space<hbm>>) dst(%arg8 : memref<160x64xi32, #tpu.memory_space<vmem>>)
      tpu.yield
    }) : () -> ()
    %dma_start3A = arith.constant 0 : i32
    %dma_start3A_3 = arith.constant 0 : i32
    %dma_start3A_4 = arith.constant 0 : i32
    %dma_start3A_5 = arith.constant 0 : i32
    %dma_start3A_6 = tpu.memref_slice %arg9[%dma_start3A_3, %dma_start3A_4, %dma_start3A_5] : memref<2x64x128xf32, #tpu.memory_space<vmem>> -> memref<1x64x128xf32, #tpu.memory_space<vmem>>
    %dma_start3A_7 = tpu.memref_squeeze %dma_start3A_6 : memref<1x64x128xf32, #tpu.memory_space<vmem>> -> memref<64x128xf32, #tpu.memory_space<vmem>>
    %dma_start3A_8 = arith.constant 0 : i32
    %dma_start3A_9 = tpu.memref_slice %arg7[%dma_start3A, %dma_start3A_8] : memref<80x128xi32, #tpu.memory_space<vmem>> -> memref<1x64xi32, #tpu.memory_space<vmem>>
    %dma_start3A_10 = tpu.memref_squeeze %dma_start3A_9 : memref<1x64xi32, #tpu.memory_space<vmem>> -> memref<64xi32, #tpu.memory_space<vmem>>
    %dma_start3A_11 = arith.constant 0 : i32
    %dma_start3A_12 = arith.constant 0 : i32
    %dma_start3A_13 = tpu.memref_slice %arg2[%dma_start3A_11, %dma_start3A_12] : memref<10000x128xf32, #tpu.memory_space<hbm>> -> memref<10000x128xf32, #tpu.memory_space<hbm>>
    tpu.enqueue_indirect_dma source(%dma_start3A_13 : memref<10000x128xf32, #tpu.memory_space<hbm>>) target(%dma_start3A_7 : memref<64x128xf32, #tpu.memory_space<vmem>>) offsets(%dma_start3A_10 : memref<64xi32, #tpu.memory_space<vmem>>) semaphore(%arg11 : memref<!tpu.dma_semaphore, #tpu.memory_space<semaphore_mem>>)
    %dma_start3A_14 = arith.constant 0 : i32
    %dma_start3A_15 = arith.constant 1 : i32
    %dma_start3A_16 = arith.constant 0 : i32
    %dma_start3A_17 = arith.constant 0 : i32
    %dma_start3A_18 = tpu.memref_slice %arg9[%dma_start3A_15, %dma_start3A_16, %dma_start3A_17] : memref<2x64x128xf32, #tpu.memory_space<vmem>> -> memref<1x64x128xf32, #tpu.memory_space<vmem>>
    %dma_start3A_19 = tpu.memref_squeeze %dma_start3A_18 : memref<1x64x128xf32, #tpu.memory_space<vmem>> -> memref<64x128xf32, #tpu.memory_space<vmem>>
    %dma_start3A_20 = arith.constant 64 : i32
    %dma_start3A_21 = tpu.memref_slice %arg7[%dma_start3A_14, %dma_start3A_20] : memref<80x128xi32, #tpu.memory_space<vmem>> -> memref<1x64xi32, #tpu.memory_space<vmem>>
    %dma_start3A_22 = tpu.memref_squeeze %dma_start3A_21 : memref<1x64xi32, #tpu.memory_space<vmem>> -> memref<64xi32, #tpu.memory_space<vmem>>
    %dma_start3A_23 = arith.constant 0 : i32
    %dma_start3A_24 = arith.constant 0 : i32
    %dma_start3A_25 = tpu.memref_slice %arg2[%dma_start3A_23, %dma_start3A_24] : memref<10000x128xf32, #tpu.memory_space<hbm>> -> memref<10000x128xf32, #tpu.memory_space<hbm>>
    tpu.enqueue_indirect_dma source(%dma_start3A_25 : memref<10000x128xf32, #tpu.memory_space<hbm>>) target(%dma_start3A_19 : memref<64x128xf32, #tpu.memory_space<vmem>>) offsets(%dma_start3A_22 : memref<64xi32, #tpu.memory_space<vmem>>) semaphore(%arg12 : memref<!tpu.dma_semaphore, #tpu.memory_space<semaphore_mem>>)
    %scan3A = arith.constant 0 : i32
    %scan3A_26 = arith.constant 0 : i32
    %scan3A_27 = arith.constant 79 : i32
    %scan3A_28 = arith.addi %scan3A_26, %scan3A_27 : i32
    %scan3A_29 = arith.constant 1 : i32
    scf.for %scan3A_62 = %scan3A_26 to %scan3A_28 step %scan3A_29  : i32 {
      %dma_wait3A_63 = arith.constant 0 : i32
      %dma_wait3A_64 = arith.constant 0 : i32
      %dma_wait3A_65 = arith.constant 0 : i32
      %dma_wait3A_66 = arith.constant 0 : i32
      %dma_wait3A_67 = tpu.memref_slice %arg9[%dma_wait3A_64, %dma_wait3A_65, %dma_wait3A_66] : memref<2x64x128xf32, #tpu.memory_space<vmem>> -> memref<1x64x128xf32, #tpu.memory_space<vmem>>
      %dma_wait3A_68 = tpu.memref_squeeze %dma_wait3A_67 : memref<1x64x128xf32, #tpu.memory_space<vmem>> -> memref<64x128xf32, #tpu.memory_space<vmem>>
      %dma_wait3A_69 = arith.constant 0 : i32
      %dma_wait3A_70 = tpu.memref_slice %arg7[%dma_wait3A_63, %dma_wait3A_69] : memref<80x128xi32, #tpu.memory_space<vmem>> -> memref<1x64xi32, #tpu.memory_space<vmem>>
      %dma_wait3A_71 = tpu.memref_squeeze %dma_wait3A_70 : memref<1x64xi32, #tpu.memory_space<vmem>> -> memref<64xi32, #tpu.memory_space<vmem>>
      %dma_wait3A_72 = arith.constant 0 : i32
      %dma_wait3A_73 = arith.constant 0 : i32
      %dma_wait3A_74 = tpu.memref_slice %arg2[%dma_wait3A_72, %dma_wait3A_73] : memref<10000x128xf32, #tpu.memory_space<hbm>> -> memref<10000x128xf32, #tpu.memory_space<hbm>>
      tpu.wait_indirect_dma semaphore(%arg11 : memref<!tpu.dma_semaphore, #tpu.memory_space<semaphore_mem>>) src(%dma_wait3A_74 : memref<10000x128xf32, #tpu.memory_space<hbm>>) dst(%dma_wait3A_68 : memref<64x128xf32, #tpu.memory_space<vmem>>)
      %mul3A_75 = arith.constant 2 : i32
      %mul3A_76 = arith.muli %mul3A_75, %scan3A_62 : i32
      %add3A_77 = arith.constant 0 : i32
      %add3A_78 = arith.addi %mul3A_76, %add3A_77 : i32
      %run_scoped3A_79 = arith.constant 0 : i32
      "tpu.region"() ({
        %run_scoped3A_123 = tpu.sem_alloc : memref<!tpu.dma_semaphore, #tpu.memory_space<semaphore_mem>>
        %dma_start3A_124 = arith.constant 0 : i32
        %dma_start3A_125 = arith.constant 0 : i32
        %dma_start3A_126 = tpu.memref_slice %arg9[%run_scoped3A_79, %dma_start3A_124, %dma_start3A_125] : memref<2x64x128xf32, #tpu.memory_space<vmem>> -> memref<1x64x128xf32, #tpu.memory_space<vmem>>
        %dma_start3A_127 = tpu.memref_squeeze %dma_start3A_126 : memref<1x64x128xf32, #tpu.memory_space<vmem>> -> memref<64x128xf32, #tpu.memory_space<vmem>>
        %dma_start3A_128 = arith.constant 0 : i32
        %dma_start3A_129 = tpu.memref_slice %arg8[%add3A_78, %dma_start3A_128] : memref<160x64xi32, #tpu.memory_space<vmem>> -> memref<1x64xi32, #tpu.memory_space<vmem>>
        %dma_start3A_130 = tpu.memref_squeeze %dma_start3A_129 : memref<1x64xi32, #tpu.memory_space<vmem>> -> memref<64xi32, #tpu.memory_space<vmem>>
        %dma_start3A_131 = arith.constant 0 : i32
        %dma_start3A_132 = arith.constant 0 : i32
        %dma_start3A_133 = tpu.memref_slice %arg10[%dma_start3A_131, %dma_start3A_132] : memref<10240x128xf32, #tpu.memory_space<vmem_shared>> -> memref<10240x128xf32, #tpu.memory_space<vmem_shared>>
        tpu.enqueue_indirect_dma source(%dma_start3A_127 : memref<64x128xf32, #tpu.memory_space<vmem>>) target(%dma_start3A_133 : memref<10240x128xf32, #tpu.memory_space<vmem_shared>>) offsets(%dma_start3A_130 : memref<64xi32, #tpu.memory_space<vmem>>) semaphore(%run_scoped3A_123 : memref<!tpu.dma_semaphore, #tpu.memory_space<semaphore_mem>>) {add = true}
        %dma_wait3A_134 = arith.constant 0 : i32
        %dma_wait3A_135 = arith.constant 0 : i32
        %dma_wait3A_136 = tpu.memref_slice %arg9[%run_scoped3A_79, %dma_wait3A_134, %dma_wait3A_135] : memref<2x64x128xf32, #tpu.memory_space<vmem>> -> memref<1x64x128xf32, #tpu.memory_space<vmem>>
        %dma_wait3A_137 = tpu.memref_squeeze %dma_wait3A_136 : memref<1x64x128xf32, #tpu.memory_space<vmem>> -> memref<64x128xf32, #tpu.memory_space<vmem>>
        %dma_wait3A_138 = arith.constant 0 : i32
        %dma_wait3A_139 = tpu.memref_slice %arg8[%add3A_78, %dma_wait3A_138] : memref<160x64xi32, #tpu.memory_space<vmem>> -> memref<1x64xi32, #tpu.memory_space<vmem>>
        %dma_wait3A_140 = tpu.memref_squeeze %dma_wait3A_139 : memref<1x64xi32, #tpu.memory_space<vmem>> -> memref<64xi32, #tpu.memory_space<vmem>>
        %dma_wait3A_141 = arith.constant 0 : i32
        %dma_wait3A_142 = arith.constant 0 : i32
        %dma_wait3A_143 = tpu.memref_slice %arg10[%dma_wait3A_141, %dma_wait3A_142] : memref<10240x128xf32, #tpu.memory_space<vmem_shared>> -> memref<10240x128xf32, #tpu.memory_space<vmem_shared>>
        tpu.wait_indirect_dma semaphore(%run_scoped3A_123 : memref<!tpu.dma_semaphore, #tpu.memory_space<semaphore_mem>>) src(%dma_wait3A_137 : memref<64x128xf32, #tpu.memory_space<vmem>>) dst(%dma_wait3A_143 : memref<10240x128xf32, #tpu.memory_space<vmem_shared>>)
        tpu.yield
      }) : () -> ()
      %add3A_80 = arith.constant 1 : i32
      %add3A_81 = arith.addi %scan3A_62, %add3A_80 : i32
      %dma_start3A_82 = arith.constant 0 : i32
      %dma_start3A_83 = arith.constant 0 : i32
      %dma_start3A_84 = arith.constant 0 : i32
      %dma_start3A_85 = tpu.memref_slice %arg9[%dma_start3A_82, %dma_start3A_83, %dma_start3A_84] : memref<2x64x128xf32, #tpu.memory_space<vmem>> -> memref<1x64x128xf32, #tpu.memory_space<vmem>>
      %dma_start3A_86 = tpu.memref_squeeze %dma_start3A_85 : memref<1x64x128xf32, #tpu.memory_space<vmem>> -> memref<64x128xf32, #tpu.memory_space<vmem>>
      %dma_start3A_87 = arith.constant 0 : i32
      %dma_start3A_88 = tpu.memref_slice %arg7[%add3A_81, %dma_start3A_87] : memref<80x128xi32, #tpu.memory_space<vmem>> -> memref<1x64xi32, #tpu.memory_space<vmem>>
      %dma_start3A_89 = tpu.memref_squeeze %dma_start3A_88 : memref<1x64xi32, #tpu.memory_space<vmem>> -> memref<64xi32, #tpu.memory_space<vmem>>
      %dma_start3A_90 = arith.constant 0 : i32
      %dma_start3A_91 = arith.constant 0 : i32
      %dma_start3A_92 = tpu.memref_slice %arg2[%dma_start3A_90, %dma_start3A_91] : memref<10000x128xf32, #tpu.memory_space<hbm>> -> memref<10000x128xf32, #tpu.memory_space<hbm>>
      tpu.enqueue_indirect_dma source(%dma_start3A_92 : memref<10000x128xf32, #tpu.memory_space<hbm>>) target(%dma_start3A_86 : memref<64x128xf32, #tpu.memory_space<vmem>>) offsets(%dma_start3A_89 : memref<64xi32, #tpu.memory_space<vmem>>) semaphore(%arg11 : memref<!tpu.dma_semaphore, #tpu.memory_space<semaphore_mem>>)
      %dma_wait3A_93 = arith.constant 0 : i32
      %dma_wait3A_94 = arith.constant 1 : i32
      %dma_wait3A_95 = arith.constant 0 : i32
      %dma_wait3A_96 = arith.constant 0 : i32
      %dma_wait3A_97 = tpu.memref_slice %arg9[%dma_wait3A_94, %dma_wait3A_95, %dma_wait3A_96] : memref<2x64x128xf32, #tpu.memory_space<vmem>> -> memref<1x64x128xf32, #tpu.memory_space<vmem>>
      %dma_wait3A_98 = tpu.memref_squeeze %dma_wait3A_97 : memref<1x64x128xf32, #tpu.memory_space<vmem>> -> memref<64x128xf32, #tpu.memory_space<vmem>>
      %dma_wait3A_99 = arith.constant 0 : i32
      %dma_wait3A_100 = tpu.memref_slice %arg7[%dma_wait3A_93, %dma_wait3A_99] : memref<80x128xi32, #tpu.memory_space<vmem>> -> memref<1x64xi32, #tpu.memory_space<vmem>>
      %dma_wait3A_101 = tpu.memref_squeeze %dma_wait3A_100 : memref<1x64xi32, #tpu.memory_space<vmem>> -> memref<64xi32, #tpu.memory_space<vmem>>
      %dma_wait3A_102 = arith.constant 0 : i32
      %dma_wait3A_103 = arith.constant 0 : i32
      %dma_wait3A_104 = tpu.memref_slice %arg2[%dma_wait3A_102, %dma_wait3A_103] : memref<10000x128xf32, #tpu.memory_space<hbm>> -> memref<10000x128xf32, #tpu.memory_space<hbm>>
      tpu.wait_indirect_dma semaphore(%arg12 : memref<!tpu.dma_semaphore, #tpu.memory_space<semaphore_mem>>) src(%dma_wait3A_104 : memref<10000x128xf32, #tpu.memory_space<hbm>>) dst(%dma_wait3A_98 : memref<64x128xf32, #tpu.memory_space<vmem>>)
      %mul3A_105 = arith.constant 2 : i32
      %mul3A_106 = arith.muli %mul3A_105, %scan3A_62 : i32
      %add3A_107 = arith.constant 1 : i32
      %add3A_108 = arith.addi %mul3A_106, %add3A_107 : i32
      %run_scoped3A_109 = arith.constant 1 : i32
      "tpu.region"() ({
        %run_scoped3A_123 = tpu.sem_alloc : memref<!tpu.dma_semaphore, #tpu.memory_space<semaphore_mem>>
        %dma_start3A_124 = arith.constant 0 : i32
        %dma_start3A_125 = arith.constant 0 : i32
        %dma_start3A_126 = tpu.memref_slice %arg9[%run_scoped3A_109, %dma_start3A_124, %dma_start3A_125] : memref<2x64x128xf32, #tpu.memory_space<vmem>> -> memref<1x64x128xf32, #tpu.memory_space<vmem>>
        %dma_start3A_127 = tpu.memref_squeeze %dma_start3A_126 : memref<1x64x128xf32, #tpu.memory_space<vmem>> -> memref<64x128xf32, #tpu.memory_space<vmem>>
        %dma_start3A_128 = arith.constant 0 : i32
        %dma_start3A_129 = tpu.memref_slice %arg8[%add3A_108, %dma_start3A_128] : memref<160x64xi32, #tpu.memory_space<vmem>> -> memref<1x64xi32, #tpu.memory_space<vmem>>
        %dma_start3A_130 = tpu.memref_squeeze %dma_start3A_129 : memref<1x64xi32, #tpu.memory_space<vmem>> -> memref<64xi32, #tpu.memory_space<vmem>>
        %dma_start3A_131 = arith.constant 0 : i32
        %dma_start3A_132 = arith.constant 0 : i32
        %dma_start3A_133 = tpu.memref_slice %arg10[%dma_start3A_131, %dma_start3A_132] : memref<10240x128xf32, #tpu.memory_space<vmem_shared>> -> memref<10240x128xf32, #tpu.memory_space<vmem_shared>>
        tpu.enqueue_indirect_dma source(%dma_start3A_127 : memref<64x128xf32, #tpu.memory_space<vmem>>) target(%dma_start3A_133 : memref<10240x128xf32, #tpu.memory_space<vmem_shared>>) offsets(%dma_start3A_130 : memref<64xi32, #tpu.memory_space<vmem>>) semaphore(%run_scoped3A_123 : memref<!tpu.dma_semaphore, #tpu.memory_space<semaphore_mem>>) {add = true}
        %dma_wait3A_134 = arith.constant 0 : i32
        %dma_wait3A_135 = arith.constant 0 : i32
        %dma_wait3A_136 = tpu.memref_slice %arg9[%run_scoped3A_109, %dma_wait3A_134, %dma_wait3A_135] : memref<2x64x128xf32, #tpu.memory_space<vmem>> -> memref<1x64x128xf32, #tpu.memory_space<vmem>>
        %dma_wait3A_137 = tpu.memref_squeeze %dma_wait3A_136 : memref<1x64x128xf32, #tpu.memory_space<vmem>> -> memref<64x128xf32, #tpu.memory_space<vmem>>
        %dma_wait3A_138 = arith.constant 0 : i32
        %dma_wait3A_139 = tpu.memref_slice %arg8[%add3A_108, %dma_wait3A_138] : memref<160x64xi32, #tpu.memory_space<vmem>> -> memref<1x64xi32, #tpu.memory_space<vmem>>
        %dma_wait3A_140 = tpu.memref_squeeze %dma_wait3A_139 : memref<1x64xi32, #tpu.memory_space<vmem>> -> memref<64xi32, #tpu.memory_space<vmem>>
        %dma_wait3A_141 = arith.constant 0 : i32
        %dma_wait3A_142 = arith.constant 0 : i32
        %dma_wait3A_143 = tpu.memref_slice %arg10[%dma_wait3A_141, %dma_wait3A_142] : memref<10240x128xf32, #tpu.memory_space<vmem_shared>> -> memref<10240x128xf32, #tpu.memory_space<vmem_shared>>
        tpu.wait_indirect_dma semaphore(%run_scoped3A_123 : memref<!tpu.dma_semaphore, #tpu.memory_space<semaphore_mem>>) src(%dma_wait3A_137 : memref<64x128xf32, #tpu.memory_space<vmem>>) dst(%dma_wait3A_143 : memref<10240x128xf32, #tpu.memory_space<vmem_shared>>)
        tpu.yield
      }) : () -> ()
      %add3A_110 = arith.constant 1 : i32
      %add3A_111 = arith.addi %scan3A_62, %add3A_110 : i32
      %dma_start3A_112 = arith.constant 1 : i32
      %dma_start3A_113 = arith.constant 0 : i32
      %dma_start3A_114 = arith.constant 0 : i32
      %dma_start3A_115 = tpu.memref_slice %arg9[%dma_start3A_112, %dma_start3A_113, %dma_start3A_114] : memref<2x64x128xf32, #tpu.memory_space<vmem>> -> memref<1x64x128xf32, #tpu.memory_space<vmem>>
      %dma_start3A_116 = tpu.memref_squeeze %dma_start3A_115 : memref<1x64x128xf32, #tpu.memory_space<vmem>> -> memref<64x128xf32, #tpu.memory_space<vmem>>
      %dma_start3A_117 = arith.constant 64 : i32
      %dma_start3A_118 = tpu.memref_slice %arg7[%add3A_111, %dma_start3A_117] : memref<80x128xi32, #tpu.memory_space<vmem>> -> memref<1x64xi32, #tpu.memory_space<vmem>>
      %dma_start3A_119 = tpu.memref_squeeze %dma_start3A_118 : memref<1x64xi32, #tpu.memory_space<vmem>> -> memref<64xi32, #tpu.memory_space<vmem>>
      %dma_start3A_120 = arith.constant 0 : i32
      %dma_start3A_121 = arith.constant 0 : i32
      %dma_start3A_122 = tpu.memref_slice %arg2[%dma_start3A_120, %dma_start3A_121] : memref<10000x128xf32, #tpu.memory_space<hbm>> -> memref<10000x128xf32, #tpu.memory_space<hbm>>
      tpu.enqueue_indirect_dma source(%dma_start3A_122 : memref<10000x128xf32, #tpu.memory_space<hbm>>) target(%dma_start3A_116 : memref<64x128xf32, #tpu.memory_space<vmem>>) offsets(%dma_start3A_119 : memref<64xi32, #tpu.memory_space<vmem>>) semaphore(%arg12 : memref<!tpu.dma_semaphore, #tpu.memory_space<semaphore_mem>>)
    }
    %scan3A_30 = arith.constant 79 : i32
    %dma_wait3A = arith.constant 0 : i32
    %dma_wait3A_31 = arith.constant 0 : i32
    %dma_wait3A_32 = arith.constant 0 : i32
    %dma_wait3A_33 = arith.constant 0 : i32
    %dma_wait3A_34 = tpu.memref_slice %arg9[%dma_wait3A_31, %dma_wait3A_32, %dma_wait3A_33] : memref<2x64x128xf32, #tpu.memory_space<vmem>> -> memref<1x64x128xf32, #tpu.memory_space<vmem>>
    %dma_wait3A_35 = tpu.memref_squeeze %dma_wait3A_34 : memref<1x64x128xf32, #tpu.memory_space<vmem>> -> memref<64x128xf32, #tpu.memory_space<vmem>>
    %dma_wait3A_36 = arith.constant 0 : i32
    %dma_wait3A_37 = tpu.memref_slice %arg7[%dma_wait3A, %dma_wait3A_36] : memref<80x128xi32, #tpu.memory_space<vmem>> -> memref<1x64xi32, #tpu.memory_space<vmem>>
    %dma_wait3A_38 = tpu.memref_squeeze %dma_wait3A_37 : memref<1x64xi32, #tpu.memory_space<vmem>> -> memref<64xi32, #tpu.memory_space<vmem>>
    %dma_wait3A_39 = arith.constant 0 : i32
    %dma_wait3A_40 = arith.constant 0 : i32
    %dma_wait3A_41 = tpu.memref_slice %arg2[%dma_wait3A_39, %dma_wait3A_40] : memref<10000x128xf32, #tpu.memory_space<hbm>> -> memref<10000x128xf32, #tpu.memory_space<hbm>>
    tpu.wait_indirect_dma semaphore(%arg11 : memref<!tpu.dma_semaphore, #tpu.memory_space<semaphore_mem>>) src(%dma_wait3A_41 : memref<10000x128xf32, #tpu.memory_space<hbm>>) dst(%dma_wait3A_35 : memref<64x128xf32, #tpu.memory_space<vmem>>)
    %run_scoped3A = arith.constant 0 : i32
    %run_scoped3A_42 = arith.constant 158 : i32
    "tpu.region"() ({
      %run_scoped3A_62 = tpu.sem_alloc : memref<!tpu.dma_semaphore, #tpu.memory_space<semaphore_mem>>
      %dma_start3A_63 = arith.constant 0 : i32
      %dma_start3A_64 = arith.constant 0 : i32
      %dma_start3A_65 = tpu.memref_slice %arg9[%run_scoped3A, %dma_start3A_63, %dma_start3A_64] : memref<2x64x128xf32, #tpu.memory_space<vmem>> -> memref<1x64x128xf32, #tpu.memory_space<vmem>>
      %dma_start3A_66 = tpu.memref_squeeze %dma_start3A_65 : memref<1x64x128xf32, #tpu.memory_space<vmem>> -> memref<64x128xf32, #tpu.memory_space<vmem>>
      %dma_start3A_67 = arith.constant 0 : i32
      %dma_start3A_68 = tpu.memref_slice %arg8[%run_scoped3A_42, %dma_start3A_67] : memref<160x64xi32, #tpu.memory_space<vmem>> -> memref<1x64xi32, #tpu.memory_space<vmem>>
      %dma_start3A_69 = tpu.memref_squeeze %dma_start3A_68 : memref<1x64xi32, #tpu.memory_space<vmem>> -> memref<64xi32, #tpu.memory_space<vmem>>
      %dma_start3A_70 = arith.constant 0 : i32
      %dma_start3A_71 = arith.constant 0 : i32
      %dma_start3A_72 = tpu.memref_slice %arg10[%dma_start3A_70, %dma_start3A_71] : memref<10240x128xf32, #tpu.memory_space<vmem_shared>> -> memref<10240x128xf32, #tpu.memory_space<vmem_shared>>
      tpu.enqueue_indirect_dma source(%dma_start3A_66 : memref<64x128xf32, #tpu.memory_space<vmem>>) target(%dma_start3A_72 : memref<10240x128xf32, #tpu.memory_space<vmem_shared>>) offsets(%dma_start3A_69 : memref<64xi32, #tpu.memory_space<vmem>>) semaphore(%run_scoped3A_62 : memref<!tpu.dma_semaphore, #tpu.memory_space<semaphore_mem>>) {add = true}
      %dma_wait3A_73 = arith.constant 0 : i32
      %dma_wait3A_74 = arith.constant 0 : i32
      %dma_wait3A_75 = tpu.memref_slice %arg9[%run_scoped3A, %dma_wait3A_73, %dma_wait3A_74] : memref<2x64x128xf32, #tpu.memory_space<vmem>> -> memref<1x64x128xf32, #tpu.memory_space<vmem>>
      %dma_wait3A_76 = tpu.memref_squeeze %dma_wait3A_75 : memref<1x64x128xf32, #tpu.memory_space<vmem>> -> memref<64x128xf32, #tpu.memory_space<vmem>>
      %dma_wait3A_77 = arith.constant 0 : i32
      %dma_wait3A_78 = tpu.memref_slice %arg8[%run_scoped3A_42, %dma_wait3A_77] : memref<160x64xi32, #tpu.memory_space<vmem>> -> memref<1x64xi32, #tpu.memory_space<vmem>>
      %dma_wait3A_79 = tpu.memref_squeeze %dma_wait3A_78 : memref<1x64xi32, #tpu.memory_space<vmem>> -> memref<64xi32, #tpu.memory_space<vmem>>
      %dma_wait3A_80 = arith.constant 0 : i32
      %dma_wait3A_81 = arith.constant 0 : i32
      %dma_wait3A_82 = tpu.memref_slice %arg10[%dma_wait3A_80, %dma_wait3A_81] : memref<10240x128xf32, #tpu.memory_space<vmem_shared>> -> memref<10240x128xf32, #tpu.memory_space<vmem_shared>>
      tpu.wait_indirect_dma semaphore(%run_scoped3A_62 : memref<!tpu.dma_semaphore, #tpu.memory_space<semaphore_mem>>) src(%dma_wait3A_76 : memref<64x128xf32, #tpu.memory_space<vmem>>) dst(%dma_wait3A_82 : memref<10240x128xf32, #tpu.memory_space<vmem_shared>>)
      tpu.yield
    }) : () -> ()
    %dma_wait3A_43 = arith.constant 0 : i32
    %dma_wait3A_44 = arith.constant 1 : i32
    %dma_wait3A_45 = arith.constant 0 : i32
    %dma_wait3A_46 = arith.constant 0 : i32
    %dma_wait3A_47 = tpu.memref_slice %arg9[%dma_wait3A_44, %dma_wait3A_45, %dma_wait3A_46] : memref<2x64x128xf32, #tpu.memory_space<vmem>> -> memref<1x64x128xf32, #tpu.memory_space<vmem>>
    %dma_wait3A_48 = tpu.memref_squeeze %dma_wait3A_47 : memref<1x64x128xf32, #tpu.memory_space<vmem>> -> memref<64x128xf32, #tpu.memory_space<vmem>>
    %dma_wait3A_49 = arith.constant 0 : i32
    %dma_wait3A_50 = tpu.memref_slice %arg7[%dma_wait3A_43, %dma_wait3A_49] : memref<80x128xi32, #tpu.memory_space<vmem>> -> memref<1x64xi32, #tpu.memory_space<vmem>>
    %dma_wait3A_51 = tpu.memref_squeeze %dma_wait3A_50 : memref<1x64xi32, #tpu.memory_space<vmem>> -> memref<64xi32, #tpu.memory_space<vmem>>
    %dma_wait3A_52 = arith.constant 0 : i32
    %dma_wait3A_53 = arith.constant 0 : i32
    %dma_wait3A_54 = tpu.memref_slice %arg2[%dma_wait3A_52, %dma_wait3A_53] : memref<10000x128xf32, #tpu.memory_space<hbm>> -> memref<10000x128xf32, #tpu.memory_space<hbm>>
    tpu.wait_indirect_dma semaphore(%arg12 : memref<!tpu.dma_semaphore, #tpu.memory_space<semaphore_mem>>) src(%dma_wait3A_54 : memref<10000x128xf32, #tpu.memory_space<hbm>>) dst(%dma_wait3A_48 : memref<64x128xf32, #tpu.memory_space<vmem>>)
    %run_scoped3A_55 = arith.constant 1 : i32
    %run_scoped3A_56 = arith.constant 159 : i32
    "tpu.region"() ({
      %run_scoped3A_62 = tpu.sem_alloc : memref<!tpu.dma_semaphore, #tpu.memory_space<semaphore_mem>>
      %dma_start3A_63 = arith.constant 0 : i32
      %dma_start3A_64 = arith.constant 0 : i32
      %dma_start3A_65 = tpu.memref_slice %arg9[%run_scoped3A_55, %dma_start3A_63, %dma_start3A_64] : memref<2x64x128xf32, #tpu.memory_space<vmem>> -> memref<1x64x128xf32, #tpu.memory_space<vmem>>
      %dma_start3A_66 = tpu.memref_squeeze %dma_start3A_65 : memref<1x64x128xf32, #tpu.memory_space<vmem>> -> memref<64x128xf32, #tpu.memory_space<vmem>>
      %dma_start3A_67 = arith.constant 0 : i32
      %dma_start3A_68 = tpu.memref_slice %arg8[%run_scoped3A_56, %dma_start3A_67] : memref<160x64xi32, #tpu.memory_space<vmem>> -> memref<1x64xi32, #tpu.memory_space<vmem>>
      %dma_start3A_69 = tpu.memref_squeeze %dma_start3A_68 : memref<1x64xi32, #tpu.memory_space<vmem>> -> memref<64xi32, #tpu.memory_space<vmem>>
      %dma_start3A_70 = arith.constant 0 : i32
      %dma_start3A_71 = arith.constant 0 : i32
      %dma_start3A_72 = tpu.memref_slice %arg10[%dma_start3A_70, %dma_start3A_71] : memref<10240x128xf32, #tpu.memory_space<vmem_shared>> -> memref<10240x128xf32, #tpu.memory_space<vmem_shared>>
      tpu.enqueue_indirect_dma source(%dma_start3A_66 : memref<64x128xf32, #tpu.memory_space<vmem>>) target(%dma_start3A_72 : memref<10240x128xf32, #tpu.memory_space<vmem_shared>>) offsets(%dma_start3A_69 : memref<64xi32, #tpu.memory_space<vmem>>) semaphore(%run_scoped3A_62 : memref<!tpu.dma_semaphore, #tpu.memory_space<semaphore_mem>>) {add = true}
      %dma_wait3A_73 = arith.constant 0 : i32
      %dma_wait3A_74 = arith.constant 0 : i32
      %dma_wait3A_75 = tpu.memref_slice %arg9[%run_scoped3A_55, %dma_wait3A_73, %dma_wait3A_74] : memref<2x64x128xf32, #tpu.memory_space<vmem>> -> memref<1x64x128xf32, #tpu.memory_space<vmem>>
      %dma_wait3A_76 = tpu.memref_squeeze %dma_wait3A_75 : memref<1x64x128xf32, #tpu.memory_space<vmem>> -> memref<64x128xf32, #tpu.memory_space<vmem>>
      %dma_wait3A_77 = arith.constant 0 : i32
      %dma_wait3A_78 = tpu.memref_slice %arg8[%run_scoped3A_56, %dma_wait3A_77] : memref<160x64xi32, #tpu.memory_space<vmem>> -> memref<1x64xi32, #tpu.memory_space<vmem>>
      %dma_wait3A_79 = tpu.memref_squeeze %dma_wait3A_78 : memref<1x64xi32, #tpu.memory_space<vmem>> -> memref<64xi32, #tpu.memory_space<vmem>>
      %dma_wait3A_80 = arith.constant 0 : i32
      %dma_wait3A_81 = arith.constant 0 : i32
      %dma_wait3A_82 = tpu.memref_slice %arg10[%dma_wait3A_80, %dma_wait3A_81] : memref<10240x128xf32, #tpu.memory_space<vmem_shared>> -> memref<10240x128xf32, #tpu.memory_space<vmem_shared>>
      tpu.wait_indirect_dma semaphore(%run_scoped3A_62 : memref<!tpu.dma_semaphore, #tpu.memory_space<semaphore_mem>>) src(%dma_wait3A_76 : memref<64x128xf32, #tpu.memory_space<vmem>>) dst(%dma_wait3A_82 : memref<10240x128xf32, #tpu.memory_space<vmem_shared>>)
      tpu.yield
    }) : () -> ()
    %barrier3A_57 = arith.constant 0 : index
    tpu.barrier barrier_id(%barrier3A_57)
    %mul3A_58 = arith.constant 640 : i32
    %mul3A_59 = arith.muli %arg1, %mul3A_58 : i32
    %mul3A_60 = arith.constant 640 : i32
    %mul3A_61 = arith.muli %arg1, %mul3A_60 : i32
    "tpu.region"() ({
      %run_scoped3A_62 = tpu.sem_alloc : memref<!tpu.dma_semaphore, #tpu.memory_space<semaphore_mem>>
      %dma_start3A_63 = arith.constant 0 : i32
      %dma_start3A_64 = tpu.memref_slice %arg6[%arg0, %mul3A_61, %dma_start3A_63] : memref<2x10240x128xf32, #tpu.memory_space<hbm>> -> memref<1x640x128xf32, #tpu.memory_space<hbm>>
      %dma_start3A_65 = tpu.memref_squeeze %dma_start3A_64 : memref<1x640x128xf32, #tpu.memory_space<hbm>> -> memref<640x128xf32, #tpu.memory_space<hbm>>
      %dma_start3A_66 = arith.constant 0 : i32
      %dma_start3A_67 = tpu.memref_slice %arg10[%mul3A_59, %dma_start3A_66] : memref<10240x128xf32, #tpu.memory_space<vmem_shared>> -> memref<640x128xf32, #tpu.memory_space<vmem_shared>>
      tpu.enqueue_dma source(%dma_start3A_67 : memref<640x128xf32, #tpu.memory_space<vmem_shared>>) target(%dma_start3A_65 : memref<640x128xf32, #tpu.memory_space<hbm>>) target_semaphore(%run_scoped3A_62 : memref<!tpu.dma_semaphore, #tpu.memory_space<semaphore_mem>>)
      %dma_wait3A_68 = arith.constant 0 : i32
      %dma_wait3A_69 = tpu.memref_slice %arg6[%arg0, %mul3A_61, %dma_wait3A_68] : memref<2x10240x128xf32, #tpu.memory_space<hbm>> -> memref<1x640x128xf32, #tpu.memory_space<hbm>>
      %dma_wait3A_70 = tpu.memref_squeeze %dma_wait3A_69 : memref<1x640x128xf32, #tpu.memory_space<hbm>> -> memref<640x128xf32, #tpu.memory_space<hbm>>
      %dma_wait3A_71 = arith.constant 0 : i32
      %dma_wait3A_72 = tpu.memref_slice %arg10[%mul3A_59, %dma_wait3A_71] : memref<10240x128xf32, #tpu.memory_space<vmem_shared>> -> memref<640x128xf32, #tpu.memory_space<vmem_shared>>
      tpu.wait_dma2 semaphore(%run_scoped3A_62 : memref<!tpu.dma_semaphore, #tpu.memory_space<semaphore_mem>>) src(%dma_wait3A_72 : memref<640x128xf32, #tpu.memory_space<vmem_shared>>) dst(%dma_wait3A_70 : memref<640x128xf32, #tpu.memory_space<hbm>>)
      tpu.yield
    }) : () -> ()
    return
  }
}

#map = affine_map<(d0, d1) -> (0, 0)>
#map1 = affine_map<(d0, d1) -> (0, 0, 0)>
module attributes {stable_mosaic.version = 14 : i64} {
  func.func @_sc_propagate(%arg0: i32, %arg1: i32, %arg2: memref<10000x128xf32, #tpu.memory_space<hbm>>, %arg3: memref<32x80x128xi32, #tpu.memory_space<hbm>>, %arg4: memref<32x160x64xi32, #tpu.memory_space<hbm>>, %arg5: memref<640x128xf32, #tpu.memory_space<hbm>>, %arg6: memref<2x10240x128xf32, #tpu.memory_space<hbm>>, %arg7: memref<80x128xi32, #tpu.memory_space<vmem>>, %arg8: memref<160x64xi32, #tpu.memory_space<vmem>>, %arg9: memref<2x64x128xf32, #tpu.memory_space<vmem>>, %arg10: memref<10240x128xf32, #tpu.memory_space<vmem_shared>>, %arg11: memref<!tpu.dma_semaphore, #tpu.memory_space<semaphore_mem>>, %arg12: memref<!tpu.dma_semaphore, #tpu.memory_space<semaphore_mem>>) attributes {dimension_semantics = [#tpu.dimension_semantics<core_parallel>, #tpu.dimension_semantics<subcore_parallel>], iteration_bounds = array<i64: 2, 16>, scalar_prefetch = 0 : i64, scratch_operands = 6 : i64, tpu.core_type = #tpu.core_type<sc_vector_subcore>, window_params = [{transform_indices = #map}, {transform_indices = #map1}, {transform_indices = #map1}, {transform_indices = #map}, {transform_indices = #map1}]} {
    %mul3A = arith.constant 16 : i32
    %mul3A_0 = arith.muli %arg0, %mul3A : i32
    %add3A = arith.addi %mul3A_0, %arg1 : i32
    %mul3A_1 = arith.constant 640 : i32
    %mul3A_2 = arith.muli %arg1, %mul3A_1 : i32
    "tpu.region"() ({
      %run_scoped3A_62 = tpu.sem_alloc : memref<!tpu.dma_semaphore, #tpu.memory_space<semaphore_mem>>
      %dma_start3A_63 = arith.constant 0 : i32
      %dma_start3A_64 = tpu.memref_slice %arg10[%mul3A_2, %dma_start3A_63] : memref<10240x128xf32, #tpu.memory_space<vmem_shared>> -> memref<640x128xf32, #tpu.memory_space<vmem_shared>>
      tpu.enqueue_dma source(%arg5 : memref<640x128xf32, #tpu.memory_space<hbm>>) target(%dma_start3A_64 : memref<640x128xf32, #tpu.memory_space<vmem_shared>>) target_semaphore(%run_scoped3A_62 : memref<!tpu.dma_semaphore, #tpu.memory_space<semaphore_mem>>)
      %dma_wait3A_65 = arith.constant 0 : i32
      %dma_wait3A_66 = tpu.memref_slice %arg10[%mul3A_2, %dma_wait3A_65] : memref<10240x128xf32, #tpu.memory_space<vmem_shared>> -> memref<640x128xf32, #tpu.memory_space<vmem_shared>>
      tpu.wait_dma2 semaphore(%run_scoped3A_62 : memref<!tpu.dma_semaphore, #tpu.memory_space<semaphore_mem>>) src(%arg5 : memref<640x128xf32, #tpu.memory_space<hbm>>) dst(%dma_wait3A_66 : memref<640x128xf32, #tpu.memory_space<vmem_shared>>)
      tpu.yield
    }) : () -> ()
    %barrier3A = arith.constant 0 : index
    tpu.barrier barrier_id(%barrier3A)
    "tpu.region"() ({
      %run_scoped3A_62 = tpu.sem_alloc : memref<!tpu.dma_semaphore, #tpu.memory_space<semaphore_mem>>
      %dma_start3A_63 = arith.constant 0 : i32
      %dma_start3A_64 = arith.constant 0 : i32
      %dma_start3A_65 = tpu.memref_slice %arg3[%add3A, %dma_start3A_63, %dma_start3A_64] : memref<32x80x128xi32, #tpu.memory_space<hbm>> -> memref<1x80x128xi32, #tpu.memory_space<hbm>>
      %dma_start3A_66 = tpu.memref_squeeze %dma_start3A_65 : memref<1x80x128xi32, #tpu.memory_space<hbm>> -> memref<80x128xi32, #tpu.memory_space<hbm>>
      %dma_start3A_67 = arith.constant 0 : i32
      %dma_start3A_68 = arith.constant 0 : i32
      %dma_start3A_69 = tpu.memref_slice %arg3[%add3A, %dma_start3A_67, %dma_start3A_68] : memref<32x80x128xi32, #tpu.memory_space<hbm>> -> memref<1x80x128xi32, #tpu.memory_space<hbm>>
      %dma_start3A_70 = tpu.memref_squeeze %dma_start3A_69 : memref<1x80x128xi32, #tpu.memory_space<hbm>> -> memref<80x128xi32, #tpu.memory_space<hbm>>
      tpu.enqueue_dma source(%dma_start3A_70 : memref<80x128xi32, #tpu.memory_space<hbm>>) target(%arg7 : memref<80x128xi32, #tpu.memory_space<vmem>>) target_semaphore(%run_scoped3A_62 : memref<!tpu.dma_semaphore, #tpu.memory_space<semaphore_mem>>)
      %dma_wait3A_71 = arith.constant 0 : i32
      %dma_wait3A_72 = arith.constant 0 : i32
      %dma_wait3A_73 = tpu.memref_slice %arg3[%add3A, %dma_wait3A_71, %dma_wait3A_72] : memref<32x80x128xi32, #tpu.memory_space<hbm>> -> memref<1x80x128xi32, #tpu.memory_space<hbm>>
      %dma_wait3A_74 = tpu.memref_squeeze %dma_wait3A_73 : memref<1x80x128xi32, #tpu.memory_space<hbm>> -> memref<80x128xi32, #tpu.memory_space<hbm>>
      %dma_wait3A_75 = arith.constant 0 : i32
      %dma_wait3A_76 = arith.constant 0 : i32
      %dma_wait3A_77 = tpu.memref_slice %arg3[%add3A, %dma_wait3A_75, %dma_wait3A_76] : memref<32x80x128xi32, #tpu.memory_space<hbm>> -> memref<1x80x128xi32, #tpu.memory_space<hbm>>
      %dma_wait3A_78 = tpu.memref_squeeze %dma_wait3A_77 : memref<1x80x128xi32, #tpu.memory_space<hbm>> -> memref<80x128xi32, #tpu.memory_space<hbm>>
      tpu.wait_dma2 semaphore(%run_scoped3A_62 : memref<!tpu.dma_semaphore, #tpu.memory_space<semaphore_mem>>) src(%dma_wait3A_78 : memref<80x128xi32, #tpu.memory_space<hbm>>) dst(%arg7 : memref<80x128xi32, #tpu.memory_space<vmem>>)
      tpu.yield
    }) : () -> ()
    "tpu.region"() ({
      %run_scoped3A_62 = tpu.sem_alloc : memref<!tpu.dma_semaphore, #tpu.memory_space<semaphore_mem>>
      %dma_start3A_63 = arith.constant 0 : i32
      %dma_start3A_64 = arith.constant 0 : i32
      %dma_start3A_65 = tpu.memref_slice %arg4[%add3A, %dma_start3A_63, %dma_start3A_64] : memref<32x160x64xi32, #tpu.memory_space<hbm>> -> memref<1x160x64xi32, #tpu.memory_space<hbm>>
      %dma_start3A_66 = tpu.memref_squeeze %dma_start3A_65 : memref<1x160x64xi32, #tpu.memory_space<hbm>> -> memref<160x64xi32, #tpu.memory_space<hbm>>
      %dma_start3A_67 = arith.constant 0 : i32
      %dma_start3A_68 = arith.constant 0 : i32
      %dma_start3A_69 = tpu.memref_slice %arg4[%add3A, %dma_start3A_67, %dma_start3A_68] : memref<32x160x64xi32, #tpu.memory_space<hbm>> -> memref<1x160x64xi32, #tpu.memory_space<hbm>>
      %dma_start3A_70 = tpu.memref_squeeze %dma_start3A_69 : memref<1x160x64xi32, #tpu.memory_space<hbm>> -> memref<160x64xi32, #tpu.memory_space<hbm>>
      tpu.enqueue_dma source(%dma_start3A_70 : memref<160x64xi32, #tpu.memory_space<hbm>>) target(%arg8 : memref<160x64xi32, #tpu.memory_space<vmem>>) target_semaphore(%run_scoped3A_62 : memref<!tpu.dma_semaphore, #tpu.memory_space<semaphore_mem>>)
      %dma_wait3A_71 = arith.constant 0 : i32
      %dma_wait3A_72 = arith.constant 0 : i32
      %dma_wait3A_73 = tpu.memref_slice %arg4[%add3A, %dma_wait3A_71, %dma_wait3A_72] : memref<32x160x64xi32, #tpu.memory_space<hbm>> -> memref<1x160x64xi32, #tpu.memory_space<hbm>>
      %dma_wait3A_74 = tpu.memref_squeeze %dma_wait3A_73 : memref<1x160x64xi32, #tpu.memory_space<hbm>> -> memref<160x64xi32, #tpu.memory_space<hbm>>
      %dma_wait3A_75 = arith.constant 0 : i32
      %dma_wait3A_76 = arith.constant 0 : i32
      %dma_wait3A_77 = tpu.memref_slice %arg4[%add3A, %dma_wait3A_75, %dma_wait3A_76] : memref<32x160x64xi32, #tpu.memory_space<hbm>> -> memref<1x160x64xi32, #tpu.memory_space<hbm>>
      %dma_wait3A_78 = tpu.memref_squeeze %dma_wait3A_77 : memref<1x160x64xi32, #tpu.memory_space<hbm>> -> memref<160x64xi32, #tpu.memory_space<hbm>>
      tpu.wait_dma2 semaphore(%run_scoped3A_62 : memref<!tpu.dma_semaphore, #tpu.memory_space<semaphore_mem>>) src(%dma_wait3A_78 : memref<160x64xi32, #tpu.memory_space<hbm>>) dst(%arg8 : memref<160x64xi32, #tpu.memory_space<vmem>>)
      tpu.yield
    }) : () -> ()
    %dma_start3A = arith.constant 0 : i32
    %dma_start3A_3 = arith.constant 0 : i32
    %dma_start3A_4 = arith.constant 0 : i32
    %dma_start3A_5 = arith.constant 0 : i32
    %dma_start3A_6 = tpu.memref_slice %arg9[%dma_start3A_3, %dma_start3A_4, %dma_start3A_5] : memref<2x64x128xf32, #tpu.memory_space<vmem>> -> memref<1x64x128xf32, #tpu.memory_space<vmem>>
    %dma_start3A_7 = tpu.memref_squeeze %dma_start3A_6 : memref<1x64x128xf32, #tpu.memory_space<vmem>> -> memref<64x128xf32, #tpu.memory_space<vmem>>
    %dma_start3A_8 = arith.constant 0 : i32
    %dma_start3A_9 = tpu.memref_slice %arg7[%dma_start3A, %dma_start3A_8] : memref<80x128xi32, #tpu.memory_space<vmem>> -> memref<1x64xi32, #tpu.memory_space<vmem>>
    %dma_start3A_10 = tpu.memref_squeeze %dma_start3A_9 : memref<1x64xi32, #tpu.memory_space<vmem>> -> memref<64xi32, #tpu.memory_space<vmem>>
    %dma_start3A_11 = arith.constant 0 : i32
    %dma_start3A_12 = arith.constant 0 : i32
    %dma_start3A_13 = tpu.memref_slice %arg2[%dma_start3A_11, %dma_start3A_12] : memref<10000x128xf32, #tpu.memory_space<hbm>> -> memref<10000x128xf32, #tpu.memory_space<hbm>>
    tpu.enqueue_indirect_dma source(%dma_start3A_13 : memref<10000x128xf32, #tpu.memory_space<hbm>>) target(%dma_start3A_7 : memref<64x128xf32, #tpu.memory_space<vmem>>) offsets(%dma_start3A_10 : memref<64xi32, #tpu.memory_space<vmem>>) semaphore(%arg11 : memref<!tpu.dma_semaphore, #tpu.memory_space<semaphore_mem>>)
    %dma_start3A_14 = arith.constant 0 : i32
    %dma_start3A_15 = arith.constant 1 : i32
    %dma_start3A_16 = arith.constant 0 : i32
    %dma_start3A_17 = arith.constant 0 : i32
    %dma_start3A_18 = tpu.memref_slice %arg9[%dma_start3A_15, %dma_start3A_16, %dma_start3A_17] : memref<2x64x128xf32, #tpu.memory_space<vmem>> -> memref<1x64x128xf32, #tpu.memory_space<vmem>>
    %dma_start3A_19 = tpu.memref_squeeze %dma_start3A_18 : memref<1x64x128xf32, #tpu.memory_space<vmem>> -> memref<64x128xf32, #tpu.memory_space<vmem>>
    %dma_start3A_20 = arith.constant 64 : i32
    %dma_start3A_21 = tpu.memref_slice %arg7[%dma_start3A_14, %dma_start3A_20] : memref<80x128xi32, #tpu.memory_space<vmem>> -> memref<1x64xi32, #tpu.memory_space<vmem>>
    %dma_start3A_22 = tpu.memref_squeeze %dma_start3A_21 : memref<1x64xi32, #tpu.memory_space<vmem>> -> memref<64xi32, #tpu.memory_space<vmem>>
    %dma_start3A_23 = arith.constant 0 : i32
    %dma_start3A_24 = arith.constant 0 : i32
    %dma_start3A_25 = tpu.memref_slice %arg2[%dma_start3A_23, %dma_start3A_24] : memref<10000x128xf32, #tpu.memory_space<hbm>> -> memref<10000x128xf32, #tpu.memory_space<hbm>>
    tpu.enqueue_indirect_dma source(%dma_start3A_25 : memref<10000x128xf32, #tpu.memory_space<hbm>>) target(%dma_start3A_19 : memref<64x128xf32, #tpu.memory_space<vmem>>) offsets(%dma_start3A_22 : memref<64xi32, #tpu.memory_space<vmem>>) semaphore(%arg12 : memref<!tpu.dma_semaphore, #tpu.memory_space<semaphore_mem>>)
    %scan3A = arith.constant 0 : i32
    %scan3A_26 = arith.constant 0 : i32
    %scan3A_27 = arith.constant 79 : i32
    %scan3A_28 = arith.addi %scan3A_26, %scan3A_27 : i32
    %scan3A_29 = arith.constant 1 : i32
    scf.for %scan3A_62 = %scan3A_26 to %scan3A_28 step %scan3A_29  : i32 {
      %dma_wait3A_63 = arith.constant 0 : i32
      %dma_wait3A_64 = arith.constant 0 : i32
      %dma_wait3A_65 = arith.constant 0 : i32
      %dma_wait3A_66 = arith.constant 0 : i32
      %dma_wait3A_67 = tpu.memref_slice %arg9[%dma_wait3A_64, %dma_wait3A_65, %dma_wait3A_66] : memref<2x64x128xf32, #tpu.memory_space<vmem>> -> memref<1x64x128xf32, #tpu.memory_space<vmem>>
      %dma_wait3A_68 = tpu.memref_squeeze %dma_wait3A_67 : memref<1x64x128xf32, #tpu.memory_space<vmem>> -> memref<64x128xf32, #tpu.memory_space<vmem>>
      %dma_wait3A_69 = arith.constant 0 : i32
      %dma_wait3A_70 = tpu.memref_slice %arg7[%dma_wait3A_63, %dma_wait3A_69] : memref<80x128xi32, #tpu.memory_space<vmem>> -> memref<1x64xi32, #tpu.memory_space<vmem>>
      %dma_wait3A_71 = tpu.memref_squeeze %dma_wait3A_70 : memref<1x64xi32, #tpu.memory_space<vmem>> -> memref<64xi32, #tpu.memory_space<vmem>>
      %dma_wait3A_72 = arith.constant 0 : i32
      %dma_wait3A_73 = arith.constant 0 : i32
      %dma_wait3A_74 = tpu.memref_slice %arg2[%dma_wait3A_72, %dma_wait3A_73] : memref<10000x128xf32, #tpu.memory_space<hbm>> -> memref<10000x128xf32, #tpu.memory_space<hbm>>
      tpu.wait_indirect_dma semaphore(%arg11 : memref<!tpu.dma_semaphore, #tpu.memory_space<semaphore_mem>>) src(%dma_wait3A_74 : memref<10000x128xf32, #tpu.memory_space<hbm>>) dst(%dma_wait3A_68 : memref<64x128xf32, #tpu.memory_space<vmem>>)
      %mul3A_75 = arith.constant 2 : i32
      %mul3A_76 = arith.muli %mul3A_75, %scan3A_62 : i32
      %add3A_77 = arith.constant 0 : i32
      %add3A_78 = arith.addi %mul3A_76, %add3A_77 : i32
      %run_scoped3A_79 = arith.constant 0 : i32
      "tpu.region"() ({
        %run_scoped3A_123 = tpu.sem_alloc : memref<!tpu.dma_semaphore, #tpu.memory_space<semaphore_mem>>
        %dma_start3A_124 = arith.constant 0 : i32
        %dma_start3A_125 = arith.constant 0 : i32
        %dma_start3A_126 = tpu.memref_slice %arg9[%run_scoped3A_79, %dma_start3A_124, %dma_start3A_125] : memref<2x64x128xf32, #tpu.memory_space<vmem>> -> memref<1x64x128xf32, #tpu.memory_space<vmem>>
        %dma_start3A_127 = tpu.memref_squeeze %dma_start3A_126 : memref<1x64x128xf32, #tpu.memory_space<vmem>> -> memref<64x128xf32, #tpu.memory_space<vmem>>
        %dma_start3A_128 = arith.constant 0 : i32
        %dma_start3A_129 = tpu.memref_slice %arg8[%add3A_78, %dma_start3A_128] : memref<160x64xi32, #tpu.memory_space<vmem>> -> memref<1x64xi32, #tpu.memory_space<vmem>>
        %dma_start3A_130 = tpu.memref_squeeze %dma_start3A_129 : memref<1x64xi32, #tpu.memory_space<vmem>> -> memref<64xi32, #tpu.memory_space<vmem>>
        %dma_start3A_131 = arith.constant 0 : i32
        %dma_start3A_132 = arith.constant 0 : i32
        %dma_start3A_133 = tpu.memref_slice %arg10[%dma_start3A_131, %dma_start3A_132] : memref<10240x128xf32, #tpu.memory_space<vmem_shared>> -> memref<10240x128xf32, #tpu.memory_space<vmem_shared>>
        tpu.enqueue_indirect_dma source(%dma_start3A_127 : memref<64x128xf32, #tpu.memory_space<vmem>>) target(%dma_start3A_133 : memref<10240x128xf32, #tpu.memory_space<vmem_shared>>) offsets(%dma_start3A_130 : memref<64xi32, #tpu.memory_space<vmem>>) semaphore(%run_scoped3A_123 : memref<!tpu.dma_semaphore, #tpu.memory_space<semaphore_mem>>) {add = true}
        %dma_wait3A_134 = arith.constant 0 : i32
        %dma_wait3A_135 = arith.constant 0 : i32
        %dma_wait3A_136 = tpu.memref_slice %arg9[%run_scoped3A_79, %dma_wait3A_134, %dma_wait3A_135] : memref<2x64x128xf32, #tpu.memory_space<vmem>> -> memref<1x64x128xf32, #tpu.memory_space<vmem>>
        %dma_wait3A_137 = tpu.memref_squeeze %dma_wait3A_136 : memref<1x64x128xf32, #tpu.memory_space<vmem>> -> memref<64x128xf32, #tpu.memory_space<vmem>>
        %dma_wait3A_138 = arith.constant 0 : i32
        %dma_wait3A_139 = tpu.memref_slice %arg8[%add3A_78, %dma_wait3A_138] : memref<160x64xi32, #tpu.memory_space<vmem>> -> memref<1x64xi32, #tpu.memory_space<vmem>>
        %dma_wait3A_140 = tpu.memref_squeeze %dma_wait3A_139 : memref<1x64xi32, #tpu.memory_space<vmem>> -> memref<64xi32, #tpu.memory_space<vmem>>
        %dma_wait3A_141 = arith.constant 0 : i32
        %dma_wait3A_142 = arith.constant 0 : i32
        %dma_wait3A_143 = tpu.memref_slice %arg10[%dma_wait3A_141, %dma_wait3A_142] : memref<10240x128xf32, #tpu.memory_space<vmem_shared>> -> memref<10240x128xf32, #tpu.memory_space<vmem_shared>>
        tpu.wait_indirect_dma semaphore(%run_scoped3A_123 : memref<!tpu.dma_semaphore, #tpu.memory_space<semaphore_mem>>) src(%dma_wait3A_137 : memref<64x128xf32, #tpu.memory_space<vmem>>) dst(%dma_wait3A_143 : memref<10240x128xf32, #tpu.memory_space<vmem_shared>>)
        tpu.yield
      }) : () -> ()
      %add3A_80 = arith.constant 1 : i32
      %add3A_81 = arith.addi %scan3A_62, %add3A_80 : i32
      %dma_start3A_82 = arith.constant 0 : i32
      %dma_start3A_83 = arith.constant 0 : i32
      %dma_start3A_84 = arith.constant 0 : i32
      %dma_start3A_85 = tpu.memref_slice %arg9[%dma_start3A_82, %dma_start3A_83, %dma_start3A_84] : memref<2x64x128xf32, #tpu.memory_space<vmem>> -> memref<1x64x128xf32, #tpu.memory_space<vmem>>
      %dma_start3A_86 = tpu.memref_squeeze %dma_start3A_85 : memref<1x64x128xf32, #tpu.memory_space<vmem>> -> memref<64x128xf32, #tpu.memory_space<vmem>>
      %dma_start3A_87 = arith.constant 0 : i32
      %dma_start3A_88 = tpu.memref_slice %arg7[%add3A_81, %dma_start3A_87] : memref<80x128xi32, #tpu.memory_space<vmem>> -> memref<1x64xi32, #tpu.memory_space<vmem>>
      %dma_start3A_89 = tpu.memref_squeeze %dma_start3A_88 : memref<1x64xi32, #tpu.memory_space<vmem>> -> memref<64xi32, #tpu.memory_space<vmem>>
      %dma_start3A_90 = arith.constant 0 : i32
      %dma_start3A_91 = arith.constant 0 : i32
      %dma_start3A_92 = tpu.memref_slice %arg2[%dma_start3A_90, %dma_start3A_91] : memref<10000x128xf32, #tpu.memory_space<hbm>> -> memref<10000x128xf32, #tpu.memory_space<hbm>>
      tpu.enqueue_indirect_dma source(%dma_start3A_92 : memref<10000x128xf32, #tpu.memory_space<hbm>>) target(%dma_start3A_86 : memref<64x128xf32, #tpu.memory_space<vmem>>) offsets(%dma_start3A_89 : memref<64xi32, #tpu.memory_space<vmem>>) semaphore(%arg11 : memref<!tpu.dma_semaphore, #tpu.memory_space<semaphore_mem>>)
      %dma_wait3A_93 = arith.constant 0 : i32
      %dma_wait3A_94 = arith.constant 1 : i32
      %dma_wait3A_95 = arith.constant 0 : i32
      %dma_wait3A_96 = arith.constant 0 : i32
      %dma_wait3A_97 = tpu.memref_slice %arg9[%dma_wait3A_94, %dma_wait3A_95, %dma_wait3A_96] : memref<2x64x128xf32, #tpu.memory_space<vmem>> -> memref<1x64x128xf32, #tpu.memory_space<vmem>>
      %dma_wait3A_98 = tpu.memref_squeeze %dma_wait3A_97 : memref<1x64x128xf32, #tpu.memory_space<vmem>> -> memref<64x128xf32, #tpu.memory_space<vmem>>
      %dma_wait3A_99 = arith.constant 0 : i32
      %dma_wait3A_100 = tpu.memref_slice %arg7[%dma_wait3A_93, %dma_wait3A_99] : memref<80x128xi32, #tpu.memory_space<vmem>> -> memref<1x64xi32, #tpu.memory_space<vmem>>
      %dma_wait3A_101 = tpu.memref_squeeze %dma_wait3A_100 : memref<1x64xi32, #tpu.memory_space<vmem>> -> memref<64xi32, #tpu.memory_space<vmem>>
      %dma_wait3A_102 = arith.constant 0 : i32
      %dma_wait3A_103 = arith.constant 0 : i32
      %dma_wait3A_104 = tpu.memref_slice %arg2[%dma_wait3A_102, %dma_wait3A_103] : memref<10000x128xf32, #tpu.memory_space<hbm>> -> memref<10000x128xf32, #tpu.memory_space<hbm>>
      tpu.wait_indirect_dma semaphore(%arg12 : memref<!tpu.dma_semaphore, #tpu.memory_space<semaphore_mem>>) src(%dma_wait3A_104 : memref<10000x128xf32, #tpu.memory_space<hbm>>) dst(%dma_wait3A_98 : memref<64x128xf32, #tpu.memory_space<vmem>>)
      %mul3A_105 = arith.constant 2 : i32
      %mul3A_106 = arith.muli %mul3A_105, %scan3A_62 : i32
      %add3A_107 = arith.constant 1 : i32
      %add3A_108 = arith.addi %mul3A_106, %add3A_107 : i32
      %run_scoped3A_109 = arith.constant 1 : i32
      "tpu.region"() ({
        %run_scoped3A_123 = tpu.sem_alloc : memref<!tpu.dma_semaphore, #tpu.memory_space<semaphore_mem>>
        %dma_start3A_124 = arith.constant 0 : i32
        %dma_start3A_125 = arith.constant 0 : i32
        %dma_start3A_126 = tpu.memref_slice %arg9[%run_scoped3A_109, %dma_start3A_124, %dma_start3A_125] : memref<2x64x128xf32, #tpu.memory_space<vmem>> -> memref<1x64x128xf32, #tpu.memory_space<vmem>>
        %dma_start3A_127 = tpu.memref_squeeze %dma_start3A_126 : memref<1x64x128xf32, #tpu.memory_space<vmem>> -> memref<64x128xf32, #tpu.memory_space<vmem>>
        %dma_start3A_128 = arith.constant 0 : i32
        %dma_start3A_129 = tpu.memref_slice %arg8[%add3A_108, %dma_start3A_128] : memref<160x64xi32, #tpu.memory_space<vmem>> -> memref<1x64xi32, #tpu.memory_space<vmem>>
        %dma_start3A_130 = tpu.memref_squeeze %dma_start3A_129 : memref<1x64xi32, #tpu.memory_space<vmem>> -> memref<64xi32, #tpu.memory_space<vmem>>
        %dma_start3A_131 = arith.constant 0 : i32
        %dma_start3A_132 = arith.constant 0 : i32
        %dma_start3A_133 = tpu.memref_slice %arg10[%dma_start3A_131, %dma_start3A_132] : memref<10240x128xf32, #tpu.memory_space<vmem_shared>> -> memref<10240x128xf32, #tpu.memory_space<vmem_shared>>
        tpu.enqueue_indirect_dma source(%dma_start3A_127 : memref<64x128xf32, #tpu.memory_space<vmem>>) target(%dma_start3A_133 : memref<10240x128xf32, #tpu.memory_space<vmem_shared>>) offsets(%dma_start3A_130 : memref<64xi32, #tpu.memory_space<vmem>>) semaphore(%run_scoped3A_123 : memref<!tpu.dma_semaphore, #tpu.memory_space<semaphore_mem>>) {add = true}
        %dma_wait3A_134 = arith.constant 0 : i32
        %dma_wait3A_135 = arith.constant 0 : i32
        %dma_wait3A_136 = tpu.memref_slice %arg9[%run_scoped3A_109, %dma_wait3A_134, %dma_wait3A_135] : memref<2x64x128xf32, #tpu.memory_space<vmem>> -> memref<1x64x128xf32, #tpu.memory_space<vmem>>
        %dma_wait3A_137 = tpu.memref_squeeze %dma_wait3A_136 : memref<1x64x128xf32, #tpu.memory_space<vmem>> -> memref<64x128xf32, #tpu.memory_space<vmem>>
        %dma_wait3A_138 = arith.constant 0 : i32
        %dma_wait3A_139 = tpu.memref_slice %arg8[%add3A_108, %dma_wait3A_138] : memref<160x64xi32, #tpu.memory_space<vmem>> -> memref<1x64xi32, #tpu.memory_space<vmem>>
        %dma_wait3A_140 = tpu.memref_squeeze %dma_wait3A_139 : memref<1x64xi32, #tpu.memory_space<vmem>> -> memref<64xi32, #tpu.memory_space<vmem>>
        %dma_wait3A_141 = arith.constant 0 : i32
        %dma_wait3A_142 = arith.constant 0 : i32
        %dma_wait3A_143 = tpu.memref_slice %arg10[%dma_wait3A_141, %dma_wait3A_142] : memref<10240x128xf32, #tpu.memory_space<vmem_shared>> -> memref<10240x128xf32, #tpu.memory_space<vmem_shared>>
        tpu.wait_indirect_dma semaphore(%run_scoped3A_123 : memref<!tpu.dma_semaphore, #tpu.memory_space<semaphore_mem>>) src(%dma_wait3A_137 : memref<64x128xf32, #tpu.memory_space<vmem>>) dst(%dma_wait3A_143 : memref<10240x128xf32, #tpu.memory_space<vmem_shared>>)
        tpu.yield
      }) : () -> ()
      %add3A_110 = arith.constant 1 : i32
      %add3A_111 = arith.addi %scan3A_62, %add3A_110 : i32
      %dma_start3A_112 = arith.constant 1 : i32
      %dma_start3A_113 = arith.constant 0 : i32
      %dma_start3A_114 = arith.constant 0 : i32
      %dma_start3A_115 = tpu.memref_slice %arg9[%dma_start3A_112, %dma_start3A_113, %dma_start3A_114] : memref<2x64x128xf32, #tpu.memory_space<vmem>> -> memref<1x64x128xf32, #tpu.memory_space<vmem>>
      %dma_start3A_116 = tpu.memref_squeeze %dma_start3A_115 : memref<1x64x128xf32, #tpu.memory_space<vmem>> -> memref<64x128xf32, #tpu.memory_space<vmem>>
      %dma_start3A_117 = arith.constant 64 : i32
      %dma_start3A_118 = tpu.memref_slice %arg7[%add3A_111, %dma_start3A_117] : memref<80x128xi32, #tpu.memory_space<vmem>> -> memref<1x64xi32, #tpu.memory_space<vmem>>
      %dma_start3A_119 = tpu.memref_squeeze %dma_start3A_118 : memref<1x64xi32, #tpu.memory_space<vmem>> -> memref<64xi32, #tpu.memory_space<vmem>>
      %dma_start3A_120 = arith.constant 0 : i32
      %dma_start3A_121 = arith.constant 0 : i32
      %dma_start3A_122 = tpu.memref_slice %arg2[%dma_start3A_120, %dma_start3A_121] : memref<10000x128xf32, #tpu.memory_space<hbm>> -> memref<10000x128xf32, #tpu.memory_space<hbm>>
      tpu.enqueue_indirect_dma source(%dma_start3A_122 : memref<10000x128xf32, #tpu.memory_space<hbm>>) target(%dma_start3A_116 : memref<64x128xf32, #tpu.memory_space<vmem>>) offsets(%dma_start3A_119 : memref<64xi32, #tpu.memory_space<vmem>>) semaphore(%arg12 : memref<!tpu.dma_semaphore, #tpu.memory_space<semaphore_mem>>)
    }
    %scan3A_30 = arith.constant 79 : i32
    %dma_wait3A = arith.constant 0 : i32
    %dma_wait3A_31 = arith.constant 0 : i32
    %dma_wait3A_32 = arith.constant 0 : i32
    %dma_wait3A_33 = arith.constant 0 : i32
    %dma_wait3A_34 = tpu.memref_slice %arg9[%dma_wait3A_31, %dma_wait3A_32, %dma_wait3A_33] : memref<2x64x128xf32, #tpu.memory_space<vmem>> -> memref<1x64x128xf32, #tpu.memory_space<vmem>>
    %dma_wait3A_35 = tpu.memref_squeeze %dma_wait3A_34 : memref<1x64x128xf32, #tpu.memory_space<vmem>> -> memref<64x128xf32, #tpu.memory_space<vmem>>
    %dma_wait3A_36 = arith.constant 0 : i32
    %dma_wait3A_37 = tpu.memref_slice %arg7[%dma_wait3A, %dma_wait3A_36] : memref<80x128xi32, #tpu.memory_space<vmem>> -> memref<1x64xi32, #tpu.memory_space<vmem>>
    %dma_wait3A_38 = tpu.memref_squeeze %dma_wait3A_37 : memref<1x64xi32, #tpu.memory_space<vmem>> -> memref<64xi32, #tpu.memory_space<vmem>>
    %dma_wait3A_39 = arith.constant 0 : i32
    %dma_wait3A_40 = arith.constant 0 : i32
    %dma_wait3A_41 = tpu.memref_slice %arg2[%dma_wait3A_39, %dma_wait3A_40] : memref<10000x128xf32, #tpu.memory_space<hbm>> -> memref<10000x128xf32, #tpu.memory_space<hbm>>
    tpu.wait_indirect_dma semaphore(%arg11 : memref<!tpu.dma_semaphore, #tpu.memory_space<semaphore_mem>>) src(%dma_wait3A_41 : memref<10000x128xf32, #tpu.memory_space<hbm>>) dst(%dma_wait3A_35 : memref<64x128xf32, #tpu.memory_space<vmem>>)
    %run_scoped3A = arith.constant 0 : i32
    %run_scoped3A_42 = arith.constant 158 : i32
    "tpu.region"() ({
      %run_scoped3A_62 = tpu.sem_alloc : memref<!tpu.dma_semaphore, #tpu.memory_space<semaphore_mem>>
      %dma_start3A_63 = arith.constant 0 : i32
      %dma_start3A_64 = arith.constant 0 : i32
      %dma_start3A_65 = tpu.memref_slice %arg9[%run_scoped3A, %dma_start3A_63, %dma_start3A_64] : memref<2x64x128xf32, #tpu.memory_space<vmem>> -> memref<1x64x128xf32, #tpu.memory_space<vmem>>
      %dma_start3A_66 = tpu.memref_squeeze %dma_start3A_65 : memref<1x64x128xf32, #tpu.memory_space<vmem>> -> memref<64x128xf32, #tpu.memory_space<vmem>>
      %dma_start3A_67 = arith.constant 0 : i32
      %dma_start3A_68 = tpu.memref_slice %arg8[%run_scoped3A_42, %dma_start3A_67] : memref<160x64xi32, #tpu.memory_space<vmem>> -> memref<1x64xi32, #tpu.memory_space<vmem>>
      %dma_start3A_69 = tpu.memref_squeeze %dma_start3A_68 : memref<1x64xi32, #tpu.memory_space<vmem>> -> memref<64xi32, #tpu.memory_space<vmem>>
      %dma_start3A_70 = arith.constant 0 : i32
      %dma_start3A_71 = arith.constant 0 : i32
      %dma_start3A_72 = tpu.memref_slice %arg10[%dma_start3A_70, %dma_start3A_71] : memref<10240x128xf32, #tpu.memory_space<vmem_shared>> -> memref<10240x128xf32, #tpu.memory_space<vmem_shared>>
      tpu.enqueue_indirect_dma source(%dma_start3A_66 : memref<64x128xf32, #tpu.memory_space<vmem>>) target(%dma_start3A_72 : memref<10240x128xf32, #tpu.memory_space<vmem_shared>>) offsets(%dma_start3A_69 : memref<64xi32, #tpu.memory_space<vmem>>) semaphore(%run_scoped3A_62 : memref<!tpu.dma_semaphore, #tpu.memory_space<semaphore_mem>>) {add = true}
      %dma_wait3A_73 = arith.constant 0 : i32
      %dma_wait3A_74 = arith.constant 0 : i32
      %dma_wait3A_75 = tpu.memref_slice %arg9[%run_scoped3A, %dma_wait3A_73, %dma_wait3A_74] : memref<2x64x128xf32, #tpu.memory_space<vmem>> -> memref<1x64x128xf32, #tpu.memory_space<vmem>>
      %dma_wait3A_76 = tpu.memref_squeeze %dma_wait3A_75 : memref<1x64x128xf32, #tpu.memory_space<vmem>> -> memref<64x128xf32, #tpu.memory_space<vmem>>
      %dma_wait3A_77 = arith.constant 0 : i32
      %dma_wait3A_78 = tpu.memref_slice %arg8[%run_scoped3A_42, %dma_wait3A_77] : memref<160x64xi32, #tpu.memory_space<vmem>> -> memref<1x64xi32, #tpu.memory_space<vmem>>
      %dma_wait3A_79 = tpu.memref_squeeze %dma_wait3A_78 : memref<1x64xi32, #tpu.memory_space<vmem>> -> memref<64xi32, #tpu.memory_space<vmem>>
      %dma_wait3A_80 = arith.constant 0 : i32
      %dma_wait3A_81 = arith.constant 0 : i32
      %dma_wait3A_82 = tpu.memref_slice %arg10[%dma_wait3A_80, %dma_wait3A_81] : memref<10240x128xf32, #tpu.memory_space<vmem_shared>> -> memref<10240x128xf32, #tpu.memory_space<vmem_shared>>
      tpu.wait_indirect_dma semaphore(%run_scoped3A_62 : memref<!tpu.dma_semaphore, #tpu.memory_space<semaphore_mem>>) src(%dma_wait3A_76 : memref<64x128xf32, #tpu.memory_space<vmem>>) dst(%dma_wait3A_82 : memref<10240x128xf32, #tpu.memory_space<vmem_shared>>)
      tpu.yield
    }) : () -> ()
    %dma_wait3A_43 = arith.constant 0 : i32
    %dma_wait3A_44 = arith.constant 1 : i32
    %dma_wait3A_45 = arith.constant 0 : i32
    %dma_wait3A_46 = arith.constant 0 : i32
    %dma_wait3A_47 = tpu.memref_slice %arg9[%dma_wait3A_44, %dma_wait3A_45, %dma_wait3A_46] : memref<2x64x128xf32, #tpu.memory_space<vmem>> -> memref<1x64x128xf32, #tpu.memory_space<vmem>>
    %dma_wait3A_48 = tpu.memref_squeeze %dma_wait3A_47 : memref<1x64x128xf32, #tpu.memory_space<vmem>> -> memref<64x128xf32, #tpu.memory_space<vmem>>
    %dma_wait3A_49 = arith.constant 0 : i32
    %dma_wait3A_50 = tpu.memref_slice %arg7[%dma_wait3A_43, %dma_wait3A_49] : memref<80x128xi32, #tpu.memory_space<vmem>> -> memref<1x64xi32, #tpu.memory_space<vmem>>
    %dma_wait3A_51 = tpu.memref_squeeze %dma_wait3A_50 : memref<1x64xi32, #tpu.memory_space<vmem>> -> memref<64xi32, #tpu.memory_space<vmem>>
    %dma_wait3A_52 = arith.constant 0 : i32
    %dma_wait3A_53 = arith.constant 0 : i32
    %dma_wait3A_54 = tpu.memref_slice %arg2[%dma_wait3A_52, %dma_wait3A_53] : memref<10000x128xf32, #tpu.memory_space<hbm>> -> memref<10000x128xf32, #tpu.memory_space<hbm>>
    tpu.wait_indirect_dma semaphore(%arg12 : memref<!tpu.dma_semaphore, #tpu.memory_space<semaphore_mem>>) src(%dma_wait3A_54 : memref<10000x128xf32, #tpu.memory_space<hbm>>) dst(%dma_wait3A_48 : memref<64x128xf32, #tpu.memory_space<vmem>>)
    %run_scoped3A_55 = arith.constant 1 : i32
    %run_scoped3A_56 = arith.constant 159 : i32
    "tpu.region"() ({
      %run_scoped3A_62 = tpu.sem_alloc : memref<!tpu.dma_semaphore, #tpu.memory_space<semaphore_mem>>
      %dma_start3A_63 = arith.constant 0 : i32
      %dma_start3A_64 = arith.constant 0 : i32
      %dma_start3A_65 = tpu.memref_slice %arg9[%run_scoped3A_55, %dma_start3A_63, %dma_start3A_64] : memref<2x64x128xf32, #tpu.memory_space<vmem>> -> memref<1x64x128xf32, #tpu.memory_space<vmem>>
      %dma_start3A_66 = tpu.memref_squeeze %dma_start3A_65 : memref<1x64x128xf32, #tpu.memory_space<vmem>> -> memref<64x128xf32, #tpu.memory_space<vmem>>
      %dma_start3A_67 = arith.constant 0 : i32
      %dma_start3A_68 = tpu.memref_slice %arg8[%run_scoped3A_56, %dma_start3A_67] : memref<160x64xi32, #tpu.memory_space<vmem>> -> memref<1x64xi32, #tpu.memory_space<vmem>>
      %dma_start3A_69 = tpu.memref_squeeze %dma_start3A_68 : memref<1x64xi32, #tpu.memory_space<vmem>> -> memref<64xi32, #tpu.memory_space<vmem>>
      %dma_start3A_70 = arith.constant 0 : i32
      %dma_start3A_71 = arith.constant 0 : i32
      %dma_start3A_72 = tpu.memref_slice %arg10[%dma_start3A_70, %dma_start3A_71] : memref<10240x128xf32, #tpu.memory_space<vmem_shared>> -> memref<10240x128xf32, #tpu.memory_space<vmem_shared>>
      tpu.enqueue_indirect_dma source(%dma_start3A_66 : memref<64x128xf32, #tpu.memory_space<vmem>>) target(%dma_start3A_72 : memref<10240x128xf32, #tpu.memory_space<vmem_shared>>) offsets(%dma_start3A_69 : memref<64xi32, #tpu.memory_space<vmem>>) semaphore(%run_scoped3A_62 : memref<!tpu.dma_semaphore, #tpu.memory_space<semaphore_mem>>) {add = true}
      %dma_wait3A_73 = arith.constant 0 : i32
      %dma_wait3A_74 = arith.constant 0 : i32
      %dma_wait3A_75 = tpu.memref_slice %arg9[%run_scoped3A_55, %dma_wait3A_73, %dma_wait3A_74] : memref<2x64x128xf32, #tpu.memory_space<vmem>> -> memref<1x64x128xf32, #tpu.memory_space<vmem>>
      %dma_wait3A_76 = tpu.memref_squeeze %dma_wait3A_75 : memref<1x64x128xf32, #tpu.memory_space<vmem>> -> memref<64x128xf32, #tpu.memory_space<vmem>>
      %dma_wait3A_77 = arith.constant 0 : i32
      %dma_wait3A_78 = tpu.memref_slice %arg8[%run_scoped3A_56, %dma_wait3A_77] : memref<160x64xi32, #tpu.memory_space<vmem>> -> memref<1x64xi32, #tpu.memory_space<vmem>>
      %dma_wait3A_79 = tpu.memref_squeeze %dma_wait3A_78 : memref<1x64xi32, #tpu.memory_space<vmem>> -> memref<64xi32, #tpu.memory_space<vmem>>
      %dma_wait3A_80 = arith.constant 0 : i32
      %dma_wait3A_81 = arith.constant 0 : i32
      %dma_wait3A_82 = tpu.memref_slice %arg10[%dma_wait3A_80, %dma_wait3A_81] : memref<10240x128xf32, #tpu.memory_space<vmem_shared>> -> memref<10240x128xf32, #tpu.memory_space<vmem_shared>>
      tpu.wait_indirect_dma semaphore(%run_scoped3A_62 : memref<!tpu.dma_semaphore, #tpu.memory_space<semaphore_mem>>) src(%dma_wait3A_76 : memref<64x128xf32, #tpu.memory_space<vmem>>) dst(%dma_wait3A_82 : memref<10240x128xf32, #tpu.memory_space<vmem_shared>>)
      tpu.yield
    }) : () -> ()
    %barrier3A_57 = arith.constant 0 : index
    tpu.barrier barrier_id(%barrier3A_57)
    %mul3A_58 = arith.constant 640 : i32
    %mul3A_59 = arith.muli %arg1, %mul3A_58 : i32
    %mul3A_60 = arith.constant 640 : i32
    %mul3A_61 = arith.muli %arg1, %mul3A_60 : i32
    "tpu.region"() ({
      %run_scoped3A_62 = tpu.sem_alloc : memref<!tpu.dma_semaphore, #tpu.memory_space<semaphore_mem>>
      %dma_start3A_63 = arith.constant 0 : i32
      %dma_start3A_64 = tpu.memref_slice %arg6[%arg0, %mul3A_61, %dma_start3A_63] : memref<2x10240x128xf32, #tpu.memory_space<hbm>> -> memref<1x640x128xf32, #tpu.memory_space<hbm>>
      %dma_start3A_65 = tpu.memref_squeeze %dma_start3A_64 : memref<1x640x128xf32, #tpu.memory_space<hbm>> -> memref<640x128xf32, #tpu.memory_space<hbm>>
      %dma_start3A_66 = arith.constant 0 : i32
      %dma_start3A_67 = tpu.memref_slice %arg10[%mul3A_59, %dma_start3A_66] : memref<10240x128xf32, #tpu.memory_space<vmem_shared>> -> memref<640x128xf32, #tpu.memory_space<vmem_shared>>
      tpu.enqueue_dma source(%dma_start3A_67 : memref<640x128xf32, #tpu.memory_space<vmem_shared>>) target(%dma_start3A_65 : memref<640x128xf32, #tpu.memory_space<hbm>>) target_semaphore(%run_scoped3A_62 : memref<!tpu.dma_semaphore, #tpu.memory_space<semaphore_mem>>)
      %dma_wait3A_68 = arith.constant 0 : i32
      %dma_wait3A_69 = tpu.memref_slice %arg6[%arg0, %mul3A_61, %dma_wait3A_68] : memref<2x10240x128xf32, #tpu.memory_space<hbm>> -> memref<1x640x128xf32, #tpu.memory_space<hbm>>
      %dma_wait3A_70 = tpu.memref_squeeze %dma_wait3A_69 : memref<1x640x128xf32, #tpu.memory_space<hbm>> -> memref<640x128xf32, #tpu.memory_space<hbm>>
      %dma_wait3A_71 = arith.constant 0 : i32
      %dma_wait3A_72 = tpu.memref_slice %arg10[%mul3A_59, %dma_wait3A_71] : memref<10240x128xf32, #tpu.memory_space<vmem_shared>> -> memref<640x128xf32, #tpu.memory_space<vmem_shared>>
      tpu.wait_dma2 semaphore(%run_scoped3A_62 : memref<!tpu.dma_semaphore, #tpu.memory_space<semaphore_mem>>) src(%dma_wait3A_72 : memref<640x128xf32, #tpu.memory_space<vmem_shared>>) dst(%dma_wait3A_70 : memref<640x128xf32, #tpu.memory_space<hbm>>)
      tpu.yield
    }) : () -> ()
    return
  }
}

#map = affine_map<(d0, d1) -> (0, 0)>
#map1 = affine_map<(d0, d1) -> (0, 0, 0)>
module attributes {stable_mosaic.version = 14 : i64} {
  func.func @_sc_propagate(%arg0: i32, %arg1: i32, %arg2: memref<10000x128xf32, #tpu.memory_space<hbm>>, %arg3: memref<32x80x128xi32, #tpu.memory_space<hbm>>, %arg4: memref<32x160x64xi32, #tpu.memory_space<hbm>>, %arg5: memref<640x128xf32, #tpu.memory_space<hbm>>, %arg6: memref<2x10240x128xf32, #tpu.memory_space<hbm>>, %arg7: memref<80x128xi32, #tpu.memory_space<vmem>>, %arg8: memref<160x64xi32, #tpu.memory_space<vmem>>, %arg9: memref<2x64x128xf32, #tpu.memory_space<vmem>>, %arg10: memref<10240x128xf32, #tpu.memory_space<vmem_shared>>, %arg11: memref<!tpu.dma_semaphore, #tpu.memory_space<semaphore_mem>>, %arg12: memref<!tpu.dma_semaphore, #tpu.memory_space<semaphore_mem>>) attributes {dimension_semantics = [#tpu.dimension_semantics<core_parallel>, #tpu.dimension_semantics<subcore_parallel>], iteration_bounds = array<i64: 2, 16>, scalar_prefetch = 0 : i64, scratch_operands = 6 : i64, tpu.core_type = #tpu.core_type<sc_vector_subcore>, window_params = [{transform_indices = #map}, {transform_indices = #map1}, {transform_indices = #map1}, {transform_indices = #map}, {transform_indices = #map1}]} {
    %mul3A = arith.constant 16 : i32
    %mul3A_0 = arith.muli %arg0, %mul3A : i32
    %add3A = arith.addi %mul3A_0, %arg1 : i32
    %mul3A_1 = arith.constant 640 : i32
    %mul3A_2 = arith.muli %arg1, %mul3A_1 : i32
    "tpu.region"() ({
      %run_scoped3A_62 = tpu.sem_alloc : memref<!tpu.dma_semaphore, #tpu.memory_space<semaphore_mem>>
      %dma_start3A_63 = arith.constant 0 : i32
      %dma_start3A_64 = tpu.memref_slice %arg10[%mul3A_2, %dma_start3A_63] : memref<10240x128xf32, #tpu.memory_space<vmem_shared>> -> memref<640x128xf32, #tpu.memory_space<vmem_shared>>
      tpu.enqueue_dma source(%arg5 : memref<640x128xf32, #tpu.memory_space<hbm>>) target(%dma_start3A_64 : memref<640x128xf32, #tpu.memory_space<vmem_shared>>) target_semaphore(%run_scoped3A_62 : memref<!tpu.dma_semaphore, #tpu.memory_space<semaphore_mem>>)
      %dma_wait3A_65 = arith.constant 0 : i32
      %dma_wait3A_66 = tpu.memref_slice %arg10[%mul3A_2, %dma_wait3A_65] : memref<10240x128xf32, #tpu.memory_space<vmem_shared>> -> memref<640x128xf32, #tpu.memory_space<vmem_shared>>
      tpu.wait_dma2 semaphore(%run_scoped3A_62 : memref<!tpu.dma_semaphore, #tpu.memory_space<semaphore_mem>>) src(%arg5 : memref<640x128xf32, #tpu.memory_space<hbm>>) dst(%dma_wait3A_66 : memref<640x128xf32, #tpu.memory_space<vmem_shared>>)
      tpu.yield
    }) : () -> ()
    %barrier3A = arith.constant 0 : index
    tpu.barrier barrier_id(%barrier3A)
    "tpu.region"() ({
      %run_scoped3A_62 = tpu.sem_alloc : memref<!tpu.dma_semaphore, #tpu.memory_space<semaphore_mem>>
      %dma_start3A_63 = arith.constant 0 : i32
      %dma_start3A_64 = arith.constant 0 : i32
      %dma_start3A_65 = tpu.memref_slice %arg3[%add3A, %dma_start3A_63, %dma_start3A_64] : memref<32x80x128xi32, #tpu.memory_space<hbm>> -> memref<1x80x128xi32, #tpu.memory_space<hbm>>
      %dma_start3A_66 = tpu.memref_squeeze %dma_start3A_65 : memref<1x80x128xi32, #tpu.memory_space<hbm>> -> memref<80x128xi32, #tpu.memory_space<hbm>>
      %dma_start3A_67 = arith.constant 0 : i32
      %dma_start3A_68 = arith.constant 0 : i32
      %dma_start3A_69 = tpu.memref_slice %arg3[%add3A, %dma_start3A_67, %dma_start3A_68] : memref<32x80x128xi32, #tpu.memory_space<hbm>> -> memref<1x80x128xi32, #tpu.memory_space<hbm>>
      %dma_start3A_70 = tpu.memref_squeeze %dma_start3A_69 : memref<1x80x128xi32, #tpu.memory_space<hbm>> -> memref<80x128xi32, #tpu.memory_space<hbm>>
      tpu.enqueue_dma source(%dma_start3A_70 : memref<80x128xi32, #tpu.memory_space<hbm>>) target(%arg7 : memref<80x128xi32, #tpu.memory_space<vmem>>) target_semaphore(%run_scoped3A_62 : memref<!tpu.dma_semaphore, #tpu.memory_space<semaphore_mem>>)
      %dma_wait3A_71 = arith.constant 0 : i32
      %dma_wait3A_72 = arith.constant 0 : i32
      %dma_wait3A_73 = tpu.memref_slice %arg3[%add3A, %dma_wait3A_71, %dma_wait3A_72] : memref<32x80x128xi32, #tpu.memory_space<hbm>> -> memref<1x80x128xi32, #tpu.memory_space<hbm>>
      %dma_wait3A_74 = tpu.memref_squeeze %dma_wait3A_73 : memref<1x80x128xi32, #tpu.memory_space<hbm>> -> memref<80x128xi32, #tpu.memory_space<hbm>>
      %dma_wait3A_75 = arith.constant 0 : i32
      %dma_wait3A_76 = arith.constant 0 : i32
      %dma_wait3A_77 = tpu.memref_slice %arg3[%add3A, %dma_wait3A_75, %dma_wait3A_76] : memref<32x80x128xi32, #tpu.memory_space<hbm>> -> memref<1x80x128xi32, #tpu.memory_space<hbm>>
      %dma_wait3A_78 = tpu.memref_squeeze %dma_wait3A_77 : memref<1x80x128xi32, #tpu.memory_space<hbm>> -> memref<80x128xi32, #tpu.memory_space<hbm>>
      tpu.wait_dma2 semaphore(%run_scoped3A_62 : memref<!tpu.dma_semaphore, #tpu.memory_space<semaphore_mem>>) src(%dma_wait3A_78 : memref<80x128xi32, #tpu.memory_space<hbm>>) dst(%arg7 : memref<80x128xi32, #tpu.memory_space<vmem>>)
      tpu.yield
    }) : () -> ()
    "tpu.region"() ({
      %run_scoped3A_62 = tpu.sem_alloc : memref<!tpu.dma_semaphore, #tpu.memory_space<semaphore_mem>>
      %dma_start3A_63 = arith.constant 0 : i32
      %dma_start3A_64 = arith.constant 0 : i32
      %dma_start3A_65 = tpu.memref_slice %arg4[%add3A, %dma_start3A_63, %dma_start3A_64] : memref<32x160x64xi32, #tpu.memory_space<hbm>> -> memref<1x160x64xi32, #tpu.memory_space<hbm>>
      %dma_start3A_66 = tpu.memref_squeeze %dma_start3A_65 : memref<1x160x64xi32, #tpu.memory_space<hbm>> -> memref<160x64xi32, #tpu.memory_space<hbm>>
      %dma_start3A_67 = arith.constant 0 : i32
      %dma_start3A_68 = arith.constant 0 : i32
      %dma_start3A_69 = tpu.memref_slice %arg4[%add3A, %dma_start3A_67, %dma_start3A_68] : memref<32x160x64xi32, #tpu.memory_space<hbm>> -> memref<1x160x64xi32, #tpu.memory_space<hbm>>
      %dma_start3A_70 = tpu.memref_squeeze %dma_start3A_69 : memref<1x160x64xi32, #tpu.memory_space<hbm>> -> memref<160x64xi32, #tpu.memory_space<hbm>>
      tpu.enqueue_dma source(%dma_start3A_70 : memref<160x64xi32, #tpu.memory_space<hbm>>) target(%arg8 : memref<160x64xi32, #tpu.memory_space<vmem>>) target_semaphore(%run_scoped3A_62 : memref<!tpu.dma_semaphore, #tpu.memory_space<semaphore_mem>>)
      %dma_wait3A_71 = arith.constant 0 : i32
      %dma_wait3A_72 = arith.constant 0 : i32
      %dma_wait3A_73 = tpu.memref_slice %arg4[%add3A, %dma_wait3A_71, %dma_wait3A_72] : memref<32x160x64xi32, #tpu.memory_space<hbm>> -> memref<1x160x64xi32, #tpu.memory_space<hbm>>
      %dma_wait3A_74 = tpu.memref_squeeze %dma_wait3A_73 : memref<1x160x64xi32, #tpu.memory_space<hbm>> -> memref<160x64xi32, #tpu.memory_space<hbm>>
      %dma_wait3A_75 = arith.constant 0 : i32
      %dma_wait3A_76 = arith.constant 0 : i32
      %dma_wait3A_77 = tpu.memref_slice %arg4[%add3A, %dma_wait3A_75, %dma_wait3A_76] : memref<32x160x64xi32, #tpu.memory_space<hbm>> -> memref<1x160x64xi32, #tpu.memory_space<hbm>>
      %dma_wait3A_78 = tpu.memref_squeeze %dma_wait3A_77 : memref<1x160x64xi32, #tpu.memory_space<hbm>> -> memref<160x64xi32, #tpu.memory_space<hbm>>
      tpu.wait_dma2 semaphore(%run_scoped3A_62 : memref<!tpu.dma_semaphore, #tpu.memory_space<semaphore_mem>>) src(%dma_wait3A_78 : memref<160x64xi32, #tpu.memory_space<hbm>>) dst(%arg8 : memref<160x64xi32, #tpu.memory_space<vmem>>)
      tpu.yield
    }) : () -> ()
    %dma_start3A = arith.constant 0 : i32
    %dma_start3A_3 = arith.constant 0 : i32
    %dma_start3A_4 = arith.constant 0 : i32
    %dma_start3A_5 = arith.constant 0 : i32
    %dma_start3A_6 = tpu.memref_slice %arg9[%dma_start3A_3, %dma_start3A_4, %dma_start3A_5] : memref<2x64x128xf32, #tpu.memory_space<vmem>> -> memref<1x64x128xf32, #tpu.memory_space<vmem>>
    %dma_start3A_7 = tpu.memref_squeeze %dma_start3A_6 : memref<1x64x128xf32, #tpu.memory_space<vmem>> -> memref<64x128xf32, #tpu.memory_space<vmem>>
    %dma_start3A_8 = arith.constant 0 : i32
    %dma_start3A_9 = tpu.memref_slice %arg7[%dma_start3A, %dma_start3A_8] : memref<80x128xi32, #tpu.memory_space<vmem>> -> memref<1x64xi32, #tpu.memory_space<vmem>>
    %dma_start3A_10 = tpu.memref_squeeze %dma_start3A_9 : memref<1x64xi32, #tpu.memory_space<vmem>> -> memref<64xi32, #tpu.memory_space<vmem>>
    %dma_start3A_11 = arith.constant 0 : i32
    %dma_start3A_12 = arith.constant 0 : i32
    %dma_start3A_13 = tpu.memref_slice %arg2[%dma_start3A_11, %dma_start3A_12] : memref<10000x128xf32, #tpu.memory_space<hbm>> -> memref<10000x128xf32, #tpu.memory_space<hbm>>
    tpu.enqueue_indirect_dma source(%dma_start3A_13 : memref<10000x128xf32, #tpu.memory_space<hbm>>) target(%dma_start3A_7 : memref<64x128xf32, #tpu.memory_space<vmem>>) offsets(%dma_start3A_10 : memref<64xi32, #tpu.memory_space<vmem>>) semaphore(%arg11 : memref<!tpu.dma_semaphore, #tpu.memory_space<semaphore_mem>>)
    %dma_start3A_14 = arith.constant 0 : i32
    %dma_start3A_15 = arith.constant 1 : i32
    %dma_start3A_16 = arith.constant 0 : i32
    %dma_start3A_17 = arith.constant 0 : i32
    %dma_start3A_18 = tpu.memref_slice %arg9[%dma_start3A_15, %dma_start3A_16, %dma_start3A_17] : memref<2x64x128xf32, #tpu.memory_space<vmem>> -> memref<1x64x128xf32, #tpu.memory_space<vmem>>
    %dma_start3A_19 = tpu.memref_squeeze %dma_start3A_18 : memref<1x64x128xf32, #tpu.memory_space<vmem>> -> memref<64x128xf32, #tpu.memory_space<vmem>>
    %dma_start3A_20 = arith.constant 64 : i32
    %dma_start3A_21 = tpu.memref_slice %arg7[%dma_start3A_14, %dma_start3A_20] : memref<80x128xi32, #tpu.memory_space<vmem>> -> memref<1x64xi32, #tpu.memory_space<vmem>>
    %dma_start3A_22 = tpu.memref_squeeze %dma_start3A_21 : memref<1x64xi32, #tpu.memory_space<vmem>> -> memref<64xi32, #tpu.memory_space<vmem>>
    %dma_start3A_23 = arith.constant 0 : i32
    %dma_start3A_24 = arith.constant 0 : i32
    %dma_start3A_25 = tpu.memref_slice %arg2[%dma_start3A_23, %dma_start3A_24] : memref<10000x128xf32, #tpu.memory_space<hbm>> -> memref<10000x128xf32, #tpu.memory_space<hbm>>
    tpu.enqueue_indirect_dma source(%dma_start3A_25 : memref<10000x128xf32, #tpu.memory_space<hbm>>) target(%dma_start3A_19 : memref<64x128xf32, #tpu.memory_space<vmem>>) offsets(%dma_start3A_22 : memref<64xi32, #tpu.memory_space<vmem>>) semaphore(%arg12 : memref<!tpu.dma_semaphore, #tpu.memory_space<semaphore_mem>>)
    %scan3A = arith.constant 0 : i32
    %scan3A_26 = arith.constant 0 : i32
    %scan3A_27 = arith.constant 79 : i32
    %scan3A_28 = arith.addi %scan3A_26, %scan3A_27 : i32
    %scan3A_29 = arith.constant 1 : i32
    scf.for %scan3A_62 = %scan3A_26 to %scan3A_28 step %scan3A_29  : i32 {
      %dma_wait3A_63 = arith.constant 0 : i32
      %dma_wait3A_64 = arith.constant 0 : i32
      %dma_wait3A_65 = arith.constant 0 : i32
      %dma_wait3A_66 = arith.constant 0 : i32
      %dma_wait3A_67 = tpu.memref_slice %arg9[%dma_wait3A_64, %dma_wait3A_65, %dma_wait3A_66] : memref<2x64x128xf32, #tpu.memory_space<vmem>> -> memref<1x64x128xf32, #tpu.memory_space<vmem>>
      %dma_wait3A_68 = tpu.memref_squeeze %dma_wait3A_67 : memref<1x64x128xf32, #tpu.memory_space<vmem>> -> memref<64x128xf32, #tpu.memory_space<vmem>>
      %dma_wait3A_69 = arith.constant 0 : i32
      %dma_wait3A_70 = tpu.memref_slice %arg7[%dma_wait3A_63, %dma_wait3A_69] : memref<80x128xi32, #tpu.memory_space<vmem>> -> memref<1x64xi32, #tpu.memory_space<vmem>>
      %dma_wait3A_71 = tpu.memref_squeeze %dma_wait3A_70 : memref<1x64xi32, #tpu.memory_space<vmem>> -> memref<64xi32, #tpu.memory_space<vmem>>
      %dma_wait3A_72 = arith.constant 0 : i32
      %dma_wait3A_73 = arith.constant 0 : i32
      %dma_wait3A_74 = tpu.memref_slice %arg2[%dma_wait3A_72, %dma_wait3A_73] : memref<10000x128xf32, #tpu.memory_space<hbm>> -> memref<10000x128xf32, #tpu.memory_space<hbm>>
      tpu.wait_indirect_dma semaphore(%arg11 : memref<!tpu.dma_semaphore, #tpu.memory_space<semaphore_mem>>) src(%dma_wait3A_74 : memref<10000x128xf32, #tpu.memory_space<hbm>>) dst(%dma_wait3A_68 : memref<64x128xf32, #tpu.memory_space<vmem>>)
      %mul3A_75 = arith.constant 2 : i32
      %mul3A_76 = arith.muli %mul3A_75, %scan3A_62 : i32
      %add3A_77 = arith.constant 0 : i32
      %add3A_78 = arith.addi %mul3A_76, %add3A_77 : i32
      %run_scoped3A_79 = arith.constant 0 : i32
      "tpu.region"() ({
        %run_scoped3A_123 = tpu.sem_alloc : memref<!tpu.dma_semaphore, #tpu.memory_space<semaphore_mem>>
        %dma_start3A_124 = arith.constant 0 : i32
        %dma_start3A_125 = arith.constant 0 : i32
        %dma_start3A_126 = tpu.memref_slice %arg9[%run_scoped3A_79, %dma_start3A_124, %dma_start3A_125] : memref<2x64x128xf32, #tpu.memory_space<vmem>> -> memref<1x64x128xf32, #tpu.memory_space<vmem>>
        %dma_start3A_127 = tpu.memref_squeeze %dma_start3A_126 : memref<1x64x128xf32, #tpu.memory_space<vmem>> -> memref<64x128xf32, #tpu.memory_space<vmem>>
        %dma_start3A_128 = arith.constant 0 : i32
        %dma_start3A_129 = tpu.memref_slice %arg8[%add3A_78, %dma_start3A_128] : memref<160x64xi32, #tpu.memory_space<vmem>> -> memref<1x64xi32, #tpu.memory_space<vmem>>
        %dma_start3A_130 = tpu.memref_squeeze %dma_start3A_129 : memref<1x64xi32, #tpu.memory_space<vmem>> -> memref<64xi32, #tpu.memory_space<vmem>>
        %dma_start3A_131 = arith.constant 0 : i32
        %dma_start3A_132 = arith.constant 0 : i32
        %dma_start3A_133 = tpu.memref_slice %arg10[%dma_start3A_131, %dma_start3A_132] : memref<10240x128xf32, #tpu.memory_space<vmem_shared>> -> memref<10240x128xf32, #tpu.memory_space<vmem_shared>>
        tpu.enqueue_indirect_dma source(%dma_start3A_127 : memref<64x128xf32, #tpu.memory_space<vmem>>) target(%dma_start3A_133 : memref<10240x128xf32, #tpu.memory_space<vmem_shared>>) offsets(%dma_start3A_130 : memref<64xi32, #tpu.memory_space<vmem>>) semaphore(%run_scoped3A_123 : memref<!tpu.dma_semaphore, #tpu.memory_space<semaphore_mem>>) {add = true}
        %dma_wait3A_134 = arith.constant 0 : i32
        %dma_wait3A_135 = arith.constant 0 : i32
        %dma_wait3A_136 = tpu.memref_slice %arg9[%run_scoped3A_79, %dma_wait3A_134, %dma_wait3A_135] : memref<2x64x128xf32, #tpu.memory_space<vmem>> -> memref<1x64x128xf32, #tpu.memory_space<vmem>>
        %dma_wait3A_137 = tpu.memref_squeeze %dma_wait3A_136 : memref<1x64x128xf32, #tpu.memory_space<vmem>> -> memref<64x128xf32, #tpu.memory_space<vmem>>
        %dma_wait3A_138 = arith.constant 0 : i32
        %dma_wait3A_139 = tpu.memref_slice %arg8[%add3A_78, %dma_wait3A_138] : memref<160x64xi32, #tpu.memory_space<vmem>> -> memref<1x64xi32, #tpu.memory_space<vmem>>
        %dma_wait3A_140 = tpu.memref_squeeze %dma_wait3A_139 : memref<1x64xi32, #tpu.memory_space<vmem>> -> memref<64xi32, #tpu.memory_space<vmem>>
        %dma_wait3A_141 = arith.constant 0 : i32
        %dma_wait3A_142 = arith.constant 0 : i32
        %dma_wait3A_143 = tpu.memref_slice %arg10[%dma_wait3A_141, %dma_wait3A_142] : memref<10240x128xf32, #tpu.memory_space<vmem_shared>> -> memref<10240x128xf32, #tpu.memory_space<vmem_shared>>
        tpu.wait_indirect_dma semaphore(%run_scoped3A_123 : memref<!tpu.dma_semaphore, #tpu.memory_space<semaphore_mem>>) src(%dma_wait3A_137 : memref<64x128xf32, #tpu.memory_space<vmem>>) dst(%dma_wait3A_143 : memref<10240x128xf32, #tpu.memory_space<vmem_shared>>)
        tpu.yield
      }) : () -> ()
      %add3A_80 = arith.constant 1 : i32
      %add3A_81 = arith.addi %scan3A_62, %add3A_80 : i32
      %dma_start3A_82 = arith.constant 0 : i32
      %dma_start3A_83 = arith.constant 0 : i32
      %dma_start3A_84 = arith.constant 0 : i32
      %dma_start3A_85 = tpu.memref_slice %arg9[%dma_start3A_82, %dma_start3A_83, %dma_start3A_84] : memref<2x64x128xf32, #tpu.memory_space<vmem>> -> memref<1x64x128xf32, #tpu.memory_space<vmem>>
      %dma_start3A_86 = tpu.memref_squeeze %dma_start3A_85 : memref<1x64x128xf32, #tpu.memory_space<vmem>> -> memref<64x128xf32, #tpu.memory_space<vmem>>
      %dma_start3A_87 = arith.constant 0 : i32
      %dma_start3A_88 = tpu.memref_slice %arg7[%add3A_81, %dma_start3A_87] : memref<80x128xi32, #tpu.memory_space<vmem>> -> memref<1x64xi32, #tpu.memory_space<vmem>>
      %dma_start3A_89 = tpu.memref_squeeze %dma_start3A_88 : memref<1x64xi32, #tpu.memory_space<vmem>> -> memref<64xi32, #tpu.memory_space<vmem>>
      %dma_start3A_90 = arith.constant 0 : i32
      %dma_start3A_91 = arith.constant 0 : i32
      %dma_start3A_92 = tpu.memref_slice %arg2[%dma_start3A_90, %dma_start3A_91] : memref<10000x128xf32, #tpu.memory_space<hbm>> -> memref<10000x128xf32, #tpu.memory_space<hbm>>
      tpu.enqueue_indirect_dma source(%dma_start3A_92 : memref<10000x128xf32, #tpu.memory_space<hbm>>) target(%dma_start3A_86 : memref<64x128xf32, #tpu.memory_space<vmem>>) offsets(%dma_start3A_89 : memref<64xi32, #tpu.memory_space<vmem>>) semaphore(%arg11 : memref<!tpu.dma_semaphore, #tpu.memory_space<semaphore_mem>>)
      %dma_wait3A_93 = arith.constant 0 : i32
      %dma_wait3A_94 = arith.constant 1 : i32
      %dma_wait3A_95 = arith.constant 0 : i32
      %dma_wait3A_96 = arith.constant 0 : i32
      %dma_wait3A_97 = tpu.memref_slice %arg9[%dma_wait3A_94, %dma_wait3A_95, %dma_wait3A_96] : memref<2x64x128xf32, #tpu.memory_space<vmem>> -> memref<1x64x128xf32, #tpu.memory_space<vmem>>
      %dma_wait3A_98 = tpu.memref_squeeze %dma_wait3A_97 : memref<1x64x128xf32, #tpu.memory_space<vmem>> -> memref<64x128xf32, #tpu.memory_space<vmem>>
      %dma_wait3A_99 = arith.constant 0 : i32
      %dma_wait3A_100 = tpu.memref_slice %arg7[%dma_wait3A_93, %dma_wait3A_99] : memref<80x128xi32, #tpu.memory_space<vmem>> -> memref<1x64xi32, #tpu.memory_space<vmem>>
      %dma_wait3A_101 = tpu.memref_squeeze %dma_wait3A_100 : memref<1x64xi32, #tpu.memory_space<vmem>> -> memref<64xi32, #tpu.memory_space<vmem>>
      %dma_wait3A_102 = arith.constant 0 : i32
      %dma_wait3A_103 = arith.constant 0 : i32
      %dma_wait3A_104 = tpu.memref_slice %arg2[%dma_wait3A_102, %dma_wait3A_103] : memref<10000x128xf32, #tpu.memory_space<hbm>> -> memref<10000x128xf32, #tpu.memory_space<hbm>>
      tpu.wait_indirect_dma semaphore(%arg12 : memref<!tpu.dma_semaphore, #tpu.memory_space<semaphore_mem>>) src(%dma_wait3A_104 : memref<10000x128xf32, #tpu.memory_space<hbm>>) dst(%dma_wait3A_98 : memref<64x128xf32, #tpu.memory_space<vmem>>)
      %mul3A_105 = arith.constant 2 : i32
      %mul3A_106 = arith.muli %mul3A_105, %scan3A_62 : i32
      %add3A_107 = arith.constant 1 : i32
      %add3A_108 = arith.addi %mul3A_106, %add3A_107 : i32
      %run_scoped3A_109 = arith.constant 1 : i32
      "tpu.region"() ({
        %run_scoped3A_123 = tpu.sem_alloc : memref<!tpu.dma_semaphore, #tpu.memory_space<semaphore_mem>>
        %dma_start3A_124 = arith.constant 0 : i32
        %dma_start3A_125 = arith.constant 0 : i32
        %dma_start3A_126 = tpu.memref_slice %arg9[%run_scoped3A_109, %dma_start3A_124, %dma_start3A_125] : memref<2x64x128xf32, #tpu.memory_space<vmem>> -> memref<1x64x128xf32, #tpu.memory_space<vmem>>
        %dma_start3A_127 = tpu.memref_squeeze %dma_start3A_126 : memref<1x64x128xf32, #tpu.memory_space<vmem>> -> memref<64x128xf32, #tpu.memory_space<vmem>>
        %dma_start3A_128 = arith.constant 0 : i32
        %dma_start3A_129 = tpu.memref_slice %arg8[%add3A_108, %dma_start3A_128] : memref<160x64xi32, #tpu.memory_space<vmem>> -> memref<1x64xi32, #tpu.memory_space<vmem>>
        %dma_start3A_130 = tpu.memref_squeeze %dma_start3A_129 : memref<1x64xi32, #tpu.memory_space<vmem>> -> memref<64xi32, #tpu.memory_space<vmem>>
        %dma_start3A_131 = arith.constant 0 : i32
        %dma_start3A_132 = arith.constant 0 : i32
        %dma_start3A_133 = tpu.memref_slice %arg10[%dma_start3A_131, %dma_start3A_132] : memref<10240x128xf32, #tpu.memory_space<vmem_shared>> -> memref<10240x128xf32, #tpu.memory_space<vmem_shared>>
        tpu.enqueue_indirect_dma source(%dma_start3A_127 : memref<64x128xf32, #tpu.memory_space<vmem>>) target(%dma_start3A_133 : memref<10240x128xf32, #tpu.memory_space<vmem_shared>>) offsets(%dma_start3A_130 : memref<64xi32, #tpu.memory_space<vmem>>) semaphore(%run_scoped3A_123 : memref<!tpu.dma_semaphore, #tpu.memory_space<semaphore_mem>>) {add = true}
        %dma_wait3A_134 = arith.constant 0 : i32
        %dma_wait3A_135 = arith.constant 0 : i32
        %dma_wait3A_136 = tpu.memref_slice %arg9[%run_scoped3A_109, %dma_wait3A_134, %dma_wait3A_135] : memref<2x64x128xf32, #tpu.memory_space<vmem>> -> memref<1x64x128xf32, #tpu.memory_space<vmem>>
        %dma_wait3A_137 = tpu.memref_squeeze %dma_wait3A_136 : memref<1x64x128xf32, #tpu.memory_space<vmem>> -> memref<64x128xf32, #tpu.memory_space<vmem>>
        %dma_wait3A_138 = arith.constant 0 : i32
        %dma_wait3A_139 = tpu.memref_slice %arg8[%add3A_108, %dma_wait3A_138] : memref<160x64xi32, #tpu.memory_space<vmem>> -> memref<1x64xi32, #tpu.memory_space<vmem>>
        %dma_wait3A_140 = tpu.memref_squeeze %dma_wait3A_139 : memref<1x64xi32, #tpu.memory_space<vmem>> -> memref<64xi32, #tpu.memory_space<vmem>>
        %dma_wait3A_141 = arith.constant 0 : i32
        %dma_wait3A_142 = arith.constant 0 : i32
        %dma_wait3A_143 = tpu.memref_slice %arg10[%dma_wait3A_141, %dma_wait3A_142] : memref<10240x128xf32, #tpu.memory_space<vmem_shared>> -> memref<10240x128xf32, #tpu.memory_space<vmem_shared>>
        tpu.wait_indirect_dma semaphore(%run_scoped3A_123 : memref<!tpu.dma_semaphore, #tpu.memory_space<semaphore_mem>>) src(%dma_wait3A_137 : memref<64x128xf32, #tpu.memory_space<vmem>>) dst(%dma_wait3A_143 : memref<10240x128xf32, #tpu.memory_space<vmem_shared>>)
        tpu.yield
      }) : () -> ()
      %add3A_110 = arith.constant 1 : i32
      %add3A_111 = arith.addi %scan3A_62, %add3A_110 : i32
      %dma_start3A_112 = arith.constant 1 : i32
      %dma_start3A_113 = arith.constant 0 : i32
      %dma_start3A_114 = arith.constant 0 : i32
      %dma_start3A_115 = tpu.memref_slice %arg9[%dma_start3A_112, %dma_start3A_113, %dma_start3A_114] : memref<2x64x128xf32, #tpu.memory_space<vmem>> -> memref<1x64x128xf32, #tpu.memory_space<vmem>>
      %dma_start3A_116 = tpu.memref_squeeze %dma_start3A_115 : memref<1x64x128xf32, #tpu.memory_space<vmem>> -> memref<64x128xf32, #tpu.memory_space<vmem>>
      %dma_start3A_117 = arith.constant 64 : i32
      %dma_start3A_118 = tpu.memref_slice %arg7[%add3A_111, %dma_start3A_117] : memref<80x128xi32, #tpu.memory_space<vmem>> -> memref<1x64xi32, #tpu.memory_space<vmem>>
      %dma_start3A_119 = tpu.memref_squeeze %dma_start3A_118 : memref<1x64xi32, #tpu.memory_space<vmem>> -> memref<64xi32, #tpu.memory_space<vmem>>
      %dma_start3A_120 = arith.constant 0 : i32
      %dma_start3A_121 = arith.constant 0 : i32
      %dma_start3A_122 = tpu.memref_slice %arg2[%dma_start3A_120, %dma_start3A_121] : memref<10000x128xf32, #tpu.memory_space<hbm>> -> memref<10000x128xf32, #tpu.memory_space<hbm>>
      tpu.enqueue_indirect_dma source(%dma_start3A_122 : memref<10000x128xf32, #tpu.memory_space<hbm>>) target(%dma_start3A_116 : memref<64x128xf32, #tpu.memory_space<vmem>>) offsets(%dma_start3A_119 : memref<64xi32, #tpu.memory_space<vmem>>) semaphore(%arg12 : memref<!tpu.dma_semaphore, #tpu.memory_space<semaphore_mem>>)
    }
    %scan3A_30 = arith.constant 79 : i32
    %dma_wait3A = arith.constant 0 : i32
    %dma_wait3A_31 = arith.constant 0 : i32
    %dma_wait3A_32 = arith.constant 0 : i32
    %dma_wait3A_33 = arith.constant 0 : i32
    %dma_wait3A_34 = tpu.memref_slice %arg9[%dma_wait3A_31, %dma_wait3A_32, %dma_wait3A_33] : memref<2x64x128xf32, #tpu.memory_space<vmem>> -> memref<1x64x128xf32, #tpu.memory_space<vmem>>
    %dma_wait3A_35 = tpu.memref_squeeze %dma_wait3A_34 : memref<1x64x128xf32, #tpu.memory_space<vmem>> -> memref<64x128xf32, #tpu.memory_space<vmem>>
    %dma_wait3A_36 = arith.constant 0 : i32
    %dma_wait3A_37 = tpu.memref_slice %arg7[%dma_wait3A, %dma_wait3A_36] : memref<80x128xi32, #tpu.memory_space<vmem>> -> memref<1x64xi32, #tpu.memory_space<vmem>>
    %dma_wait3A_38 = tpu.memref_squeeze %dma_wait3A_37 : memref<1x64xi32, #tpu.memory_space<vmem>> -> memref<64xi32, #tpu.memory_space<vmem>>
    %dma_wait3A_39 = arith.constant 0 : i32
    %dma_wait3A_40 = arith.constant 0 : i32
    %dma_wait3A_41 = tpu.memref_slice %arg2[%dma_wait3A_39, %dma_wait3A_40] : memref<10000x128xf32, #tpu.memory_space<hbm>> -> memref<10000x128xf32, #tpu.memory_space<hbm>>
    tpu.wait_indirect_dma semaphore(%arg11 : memref<!tpu.dma_semaphore, #tpu.memory_space<semaphore_mem>>) src(%dma_wait3A_41 : memref<10000x128xf32, #tpu.memory_space<hbm>>) dst(%dma_wait3A_35 : memref<64x128xf32, #tpu.memory_space<vmem>>)
    %run_scoped3A = arith.constant 0 : i32
    %run_scoped3A_42 = arith.constant 158 : i32
    "tpu.region"() ({
      %run_scoped3A_62 = tpu.sem_alloc : memref<!tpu.dma_semaphore, #tpu.memory_space<semaphore_mem>>
      %dma_start3A_63 = arith.constant 0 : i32
      %dma_start3A_64 = arith.constant 0 : i32
      %dma_start3A_65 = tpu.memref_slice %arg9[%run_scoped3A, %dma_start3A_63, %dma_start3A_64] : memref<2x64x128xf32, #tpu.memory_space<vmem>> -> memref<1x64x128xf32, #tpu.memory_space<vmem>>
      %dma_start3A_66 = tpu.memref_squeeze %dma_start3A_65 : memref<1x64x128xf32, #tpu.memory_space<vmem>> -> memref<64x128xf32, #tpu.memory_space<vmem>>
      %dma_start3A_67 = arith.constant 0 : i32
      %dma_start3A_68 = tpu.memref_slice %arg8[%run_scoped3A_42, %dma_start3A_67] : memref<160x64xi32, #tpu.memory_space<vmem>> -> memref<1x64xi32, #tpu.memory_space<vmem>>
      %dma_start3A_69 = tpu.memref_squeeze %dma_start3A_68 : memref<1x64xi32, #tpu.memory_space<vmem>> -> memref<64xi32, #tpu.memory_space<vmem>>
      %dma_start3A_70 = arith.constant 0 : i32
      %dma_start3A_71 = arith.constant 0 : i32
      %dma_start3A_72 = tpu.memref_slice %arg10[%dma_start3A_70, %dma_start3A_71] : memref<10240x128xf32, #tpu.memory_space<vmem_shared>> -> memref<10240x128xf32, #tpu.memory_space<vmem_shared>>
      tpu.enqueue_indirect_dma source(%dma_start3A_66 : memref<64x128xf32, #tpu.memory_space<vmem>>) target(%dma_start3A_72 : memref<10240x128xf32, #tpu.memory_space<vmem_shared>>) offsets(%dma_start3A_69 : memref<64xi32, #tpu.memory_space<vmem>>) semaphore(%run_scoped3A_62 : memref<!tpu.dma_semaphore, #tpu.memory_space<semaphore_mem>>) {add = true}
      %dma_wait3A_73 = arith.constant 0 : i32
      %dma_wait3A_74 = arith.constant 0 : i32
      %dma_wait3A_75 = tpu.memref_slice %arg9[%run_scoped3A, %dma_wait3A_73, %dma_wait3A_74] : memref<2x64x128xf32, #tpu.memory_space<vmem>> -> memref<1x64x128xf32, #tpu.memory_space<vmem>>
      %dma_wait3A_76 = tpu.memref_squeeze %dma_wait3A_75 : memref<1x64x128xf32, #tpu.memory_space<vmem>> -> memref<64x128xf32, #tpu.memory_space<vmem>>
      %dma_wait3A_77 = arith.constant 0 : i32
      %dma_wait3A_78 = tpu.memref_slice %arg8[%run_scoped3A_42, %dma_wait3A_77] : memref<160x64xi32, #tpu.memory_space<vmem>> -> memref<1x64xi32, #tpu.memory_space<vmem>>
      %dma_wait3A_79 = tpu.memref_squeeze %dma_wait3A_78 : memref<1x64xi32, #tpu.memory_space<vmem>> -> memref<64xi32, #tpu.memory_space<vmem>>
      %dma_wait3A_80 = arith.constant 0 : i32
      %dma_wait3A_81 = arith.constant 0 : i32
      %dma_wait3A_82 = tpu.memref_slice %arg10[%dma_wait3A_80, %dma_wait3A_81] : memref<10240x128xf32, #tpu.memory_space<vmem_shared>> -> memref<10240x128xf32, #tpu.memory_space<vmem_shared>>
      tpu.wait_indirect_dma semaphore(%run_scoped3A_62 : memref<!tpu.dma_semaphore, #tpu.memory_space<semaphore_mem>>) src(%dma_wait3A_76 : memref<64x128xf32, #tpu.memory_space<vmem>>) dst(%dma_wait3A_82 : memref<10240x128xf32, #tpu.memory_space<vmem_shared>>)
      tpu.yield
    }) : () -> ()
    %dma_wait3A_43 = arith.constant 0 : i32
    %dma_wait3A_44 = arith.constant 1 : i32
    %dma_wait3A_45 = arith.constant 0 : i32
    %dma_wait3A_46 = arith.constant 0 : i32
    %dma_wait3A_47 = tpu.memref_slice %arg9[%dma_wait3A_44, %dma_wait3A_45, %dma_wait3A_46] : memref<2x64x128xf32, #tpu.memory_space<vmem>> -> memref<1x64x128xf32, #tpu.memory_space<vmem>>
    %dma_wait3A_48 = tpu.memref_squeeze %dma_wait3A_47 : memref<1x64x128xf32, #tpu.memory_space<vmem>> -> memref<64x128xf32, #tpu.memory_space<vmem>>
    %dma_wait3A_49 = arith.constant 0 : i32
    %dma_wait3A_50 = tpu.memref_slice %arg7[%dma_wait3A_43, %dma_wait3A_49] : memref<80x128xi32, #tpu.memory_space<vmem>> -> memref<1x64xi32, #tpu.memory_space<vmem>>
    %dma_wait3A_51 = tpu.memref_squeeze %dma_wait3A_50 : memref<1x64xi32, #tpu.memory_space<vmem>> -> memref<64xi32, #tpu.memory_space<vmem>>
    %dma_wait3A_52 = arith.constant 0 : i32
    %dma_wait3A_53 = arith.constant 0 : i32
    %dma_wait3A_54 = tpu.memref_slice %arg2[%dma_wait3A_52, %dma_wait3A_53] : memref<10000x128xf32, #tpu.memory_space<hbm>> -> memref<10000x128xf32, #tpu.memory_space<hbm>>
    tpu.wait_indirect_dma semaphore(%arg12 : memref<!tpu.dma_semaphore, #tpu.memory_space<semaphore_mem>>) src(%dma_wait3A_54 : memref<10000x128xf32, #tpu.memory_space<hbm>>) dst(%dma_wait3A_48 : memref<64x128xf32, #tpu.memory_space<vmem>>)
    %run_scoped3A_55 = arith.constant 1 : i32
    %run_scoped3A_56 = arith.constant 159 : i32
    "tpu.region"() ({
      %run_scoped3A_62 = tpu.sem_alloc : memref<!tpu.dma_semaphore, #tpu.memory_space<semaphore_mem>>
      %dma_start3A_63 = arith.constant 0 : i32
      %dma_start3A_64 = arith.constant 0 : i32
      %dma_start3A_65 = tpu.memref_slice %arg9[%run_scoped3A_55, %dma_start3A_63, %dma_start3A_64] : memref<2x64x128xf32, #tpu.memory_space<vmem>> -> memref<1x64x128xf32, #tpu.memory_space<vmem>>
      %dma_start3A_66 = tpu.memref_squeeze %dma_start3A_65 : memref<1x64x128xf32, #tpu.memory_space<vmem>> -> memref<64x128xf32, #tpu.memory_space<vmem>>
      %dma_start3A_67 = arith.constant 0 : i32
      %dma_start3A_68 = tpu.memref_slice %arg8[%run_scoped3A_56, %dma_start3A_67] : memref<160x64xi32, #tpu.memory_space<vmem>> -> memref<1x64xi32, #tpu.memory_space<vmem>>
      %dma_start3A_69 = tpu.memref_squeeze %dma_start3A_68 : memref<1x64xi32, #tpu.memory_space<vmem>> -> memref<64xi32, #tpu.memory_space<vmem>>
      %dma_start3A_70 = arith.constant 0 : i32
      %dma_start3A_71 = arith.constant 0 : i32
      %dma_start3A_72 = tpu.memref_slice %arg10[%dma_start3A_70, %dma_start3A_71] : memref<10240x128xf32, #tpu.memory_space<vmem_shared>> -> memref<10240x128xf32, #tpu.memory_space<vmem_shared>>
      tpu.enqueue_indirect_dma source(%dma_start3A_66 : memref<64x128xf32, #tpu.memory_space<vmem>>) target(%dma_start3A_72 : memref<10240x128xf32, #tpu.memory_space<vmem_shared>>) offsets(%dma_start3A_69 : memref<64xi32, #tpu.memory_space<vmem>>) semaphore(%run_scoped3A_62 : memref<!tpu.dma_semaphore, #tpu.memory_space<semaphore_mem>>) {add = true}
      %dma_wait3A_73 = arith.constant 0 : i32
      %dma_wait3A_74 = arith.constant 0 : i32
      %dma_wait3A_75 = tpu.memref_slice %arg9[%run_scoped3A_55, %dma_wait3A_73, %dma_wait3A_74] : memref<2x64x128xf32, #tpu.memory_space<vmem>> -> memref<1x64x128xf32, #tpu.memory_space<vmem>>
      %dma_wait3A_76 = tpu.memref_squeeze %dma_wait3A_75 : memref<1x64x128xf32, #tpu.memory_space<vmem>> -> memref<64x128xf32, #tpu.memory_space<vmem>>
      %dma_wait3A_77 = arith.constant 0 : i32
      %dma_wait3A_78 = tpu.memref_slice %arg8[%run_scoped3A_56, %dma_wait3A_77] : memref<160x64xi32, #tpu.memory_space<vmem>> -> memref<1x64xi32, #tpu.memory_space<vmem>>
      %dma_wait3A_79 = tpu.memref_squeeze %dma_wait3A_78 : memref<1x64xi32, #tpu.memory_space<vmem>> -> memref<64xi32, #tpu.memory_space<vmem>>
      %dma_wait3A_80 = arith.constant 0 : i32
      %dma_wait3A_81 = arith.constant 0 : i32
      %dma_wait3A_82 = tpu.memref_slice %arg10[%dma_wait3A_80, %dma_wait3A_81] : memref<10240x128xf32, #tpu.memory_space<vmem_shared>> -> memref<10240x128xf32, #tpu.memory_space<vmem_shared>>
      tpu.wait_indirect_dma semaphore(%run_scoped3A_62 : memref<!tpu.dma_semaphore, #tpu.memory_space<semaphore_mem>>) src(%dma_wait3A_76 : memref<64x128xf32, #tpu.memory_space<vmem>>) dst(%dma_wait3A_82 : memref<10240x128xf32, #tpu.memory_space<vmem_shared>>)
      tpu.yield
    }) : () -> ()
    %barrier3A_57 = arith.constant 0 : index
    tpu.barrier barrier_id(%barrier3A_57)
    %mul3A_58 = arith.constant 640 : i32
    %mul3A_59 = arith.muli %arg1, %mul3A_58 : i32
    %mul3A_60 = arith.constant 640 : i32
    %mul3A_61 = arith.muli %arg1, %mul3A_60 : i32
    "tpu.region"() ({
      %run_scoped3A_62 = tpu.sem_alloc : memref<!tpu.dma_semaphore, #tpu.memory_space<semaphore_mem>>
      %dma_start3A_63 = arith.constant 0 : i32
      %dma_start3A_64 = tpu.memref_slice %arg6[%arg0, %mul3A_61, %dma_start3A_63] : memref<2x10240x128xf32, #tpu.memory_space<hbm>> -> memref<1x640x128xf32, #tpu.memory_space<hbm>>
      %dma_start3A_65 = tpu.memref_squeeze %dma_start3A_64 : memref<1x640x128xf32, #tpu.memory_space<hbm>> -> memref<640x128xf32, #tpu.memory_space<hbm>>
      %dma_start3A_66 = arith.constant 0 : i32
      %dma_start3A_67 = tpu.memref_slice %arg10[%mul3A_59, %dma_start3A_66] : memref<10240x128xf32, #tpu.memory_space<vmem_shared>> -> memref<640x128xf32, #tpu.memory_space<vmem_shared>>
      tpu.enqueue_dma source(%dma_start3A_67 : memref<640x128xf32, #tpu.memory_space<vmem_shared>>) target(%dma_start3A_65 : memref<640x128xf32, #tpu.memory_space<hbm>>) target_semaphore(%run_scoped3A_62 : memref<!tpu.dma_semaphore, #tpu.memory_space<semaphore_mem>>)
      %dma_wait3A_68 = arith.constant 0 : i32
      %dma_wait3A_69 = tpu.memref_slice %arg6[%arg0, %mul3A_61, %dma_wait3A_68] : memref<2x10240x128xf32, #tpu.memory_space<hbm>> -> memref<1x640x128xf32, #tpu.memory_space<hbm>>
      %dma_wait3A_70 = tpu.memref_squeeze %dma_wait3A_69 : memref<1x640x128xf32, #tpu.memory_space<hbm>> -> memref<640x128xf32, #tpu.memory_space<hbm>>
      %dma_wait3A_71 = arith.constant 0 : i32
      %dma_wait3A_72 = tpu.memref_slice %arg10[%mul3A_59, %dma_wait3A_71] : memref<10240x128xf32, #tpu.memory_space<vmem_shared>> -> memref<640x128xf32, #tpu.memory_space<vmem_shared>>
      tpu.wait_dma2 semaphore(%run_scoped3A_62 : memref<!tpu.dma_semaphore, #tpu.memory_space<semaphore_mem>>) src(%dma_wait3A_72 : memref<640x128xf32, #tpu.memory_space<vmem_shared>>) dst(%dma_wait3A_70 : memref<640x128xf32, #tpu.memory_space<hbm>>)
      tpu.yield
    }) : () -> ()
    return
  }
}

module attributes {stable_mosaic.version = 14 : i64} {
  func.func @_tc_prep_body(%arg0: i32, %arg1: memref<2x1000x128xf32, #tpu.memory_space<vmem>>, %arg2: memref<1000x128xf32, #tpu.memory_space<vmem>>, %arg3: memref<128x128xf32, #tpu.memory_space<vmem>>, %arg4: memref<1x128xf32, #tpu.memory_space<vmem>>, %arg5: memref<128x128xf32, #tpu.memory_space<vmem>>, %arg6: memref<1000x1xf32, #tpu.memory_space<vmem>>, %arg7: memref<1000x128xf32, #tpu.memory_space<vmem>>, %arg8: memref<1000x128xf32, #tpu.memory_space<vmem>>) attributes {dimension_semantics = [#tpu.dimension_semantics<arbitrary>], iteration_bounds = array<i64: 10>, scalar_prefetch = 0 : i64, scratch_operands = 0 : i64, tpu.core_type = #tpu.core_type<tc>, window_params = [{transform_indices = @transform_0, window_bounds = array<i64: 2, 1000, 128>}, {transform_indices = @transform_1, window_bounds = array<i64: 1000, 128>}, {pipeline_mode = #tpu.pipeline_mode<synchronous>, transform_indices = @transform_2, window_bounds = array<i64: 128, 128>}, {pipeline_mode = #tpu.pipeline_mode<synchronous>, transform_indices = @transform_3, window_bounds = array<i64: 1, 128>}, {pipeline_mode = #tpu.pipeline_mode<synchronous>, transform_indices = @transform_4, window_bounds = array<i64: 128, 128>}, {transform_indices = @transform_5, window_bounds = array<i64: 1000, 1>}, {transform_indices = @transform_6, window_bounds = array<i64: 1000, 128>}, {transform_indices = @transform_7, window_bounds = array<i64: 1000, 128>}]} {
    %get3A = arith.constant 0 : index
    %get3A_0 = arith.constant 0 : index
    %get3A_1 = arith.constant 0 : index
    %get3A_2 = vector.load %arg1[%get3A, %get3A_0, %get3A_1] : memref<2x1000x128xf32, #tpu.memory_space<vmem>>, vector<2x1000x128xf32>
    %slice3A = vector.extract_strided_slice %get3A_2 {offsets = [0, 0, 0], sizes = [1, 1000, 1], strides = [1, 1, 1]} : vector<2x1000x128xf32> to vector<1x1000x1xf32>
    %squeeze3A = vector.shape_cast %slice3A : vector<1x1000x1xf32> to vector<1000x1xf32>
    %slice3A_3 = vector.extract_strided_slice %get3A_2 {offsets = [1, 0, 0], sizes = [1, 1000, 1], strides = [1, 1, 1]} : vector<2x1000x128xf32> to vector<1x1000x1xf32>
    %squeeze3A_4 = vector.shape_cast %slice3A_3 : vector<1x1000x1xf32> to vector<1000x1xf32>
    %add3A = arith.addf %squeeze3A, %squeeze3A_4 : vector<1000x1xf32>
    %gt3A = arith.constant 0.000000e+00 : f32
    %gt3A_5 = vector.broadcast %gt3A : f32 to vector<1000x1xf32>
    %gt3A_6 = arith.cmpf ogt, %add3A, %gt3A_5 : vector<1000x1xf32>
    %gt3A_7 = arith.constant 0.000000e+00 : f32
    %gt3A_8 = vector.broadcast %gt3A_7 : f32 to vector<1000x1xf32>
    %gt3A_9 = arith.cmpf ogt, %add3A, %gt3A_8 : vector<1000x1xf32>
    %jit3A = arith.constant 1.000000e+00 : f32
    %broadcast_in_dim3A = vector.broadcast %jit3A : f32 to vector<1000x1xf32>
    %select_n3A = arith.select %gt3A_9, %add3A, %broadcast_in_dim3A : vector<1000x1xi1>, vector<1000x1xf32>
    %rsqrt3A = math.rsqrt %select_n3A : vector<1000x1xf32>
    %jit3A_10 = arith.constant 0.000000e+00 : f32
    %broadcast_in_dim3A_11 = vector.broadcast %jit3A_10 : f32 to vector<1000x1xf32>
    %select_n3A_12 = arith.select %gt3A_6, %rsqrt3A, %broadcast_in_dim3A_11 : vector<1000x1xi1>, vector<1000x1xf32>
    %get3A_13 = arith.constant 0 : index
    %get3A_14 = arith.constant 0 : index
    %get3A_15 = vector.load %arg2[%get3A_13, %get3A_14] : memref<1000x128xf32, #tpu.memory_space<vmem>>, vector<1000x128xf32>
    %get3A_16 = arith.constant 0 : index
    %get3A_17 = arith.constant 0 : index
    %get3A_18 = vector.load %arg3[%get3A_16, %get3A_17] : memref<128x128xf32, #tpu.memory_space<vmem>>, vector<128x128xf32>
    %dot_general3A = arith.constant dense<0.000000e+00> : vector<1000x128xf32>
    %dot_general3A_19 = tpu.matmul %get3A_15, %get3A_18, %dot_general3A {dimension_numbers = #tpu.dot_dimension_numbers<[1], [1], [0], [0], [0, 0, 1, 0], [], []>, transpose_lhs_hint = false} : vector<1000x128xf32>, vector<128x128xf32>, vector<1000x128xf32> -> vector<1000x128xf32>
    %get3A_20 = arith.constant 0 : index
    %get3A_21 = arith.constant 0 : index
    %get3A_22 = vector.load %arg4[%get3A_20, %get3A_21] : memref<1x128xf32, #tpu.memory_space<vmem>>, vector<1x128xf32>
    %add3A_23 = vector.broadcast %get3A_22 : vector<1x128xf32> to vector<1000x128xf32>
    %add3A_24 = arith.addf %dot_general3A_19, %add3A_23 : vector<1000x128xf32>
    %max3A = arith.constant 0.000000e+00 : f32
    %max3A_25 = vector.broadcast %max3A : f32 to vector<1000x128xf32>
    %max3A_26 = arith.maximumf %add3A_24, %max3A_25 : vector<1000x128xf32>
    %swap3A = arith.constant 0 : index
    %swap3A_27 = arith.constant 0 : index
    %swap3A_28 = vector.load %arg6[%swap3A, %swap3A_27] : memref<1000x1xf32, #tpu.memory_space<vmem>>, vector<1000x1xf32>
    tpu.vector_store %arg6[%swap3A, %swap3A_27], %select_n3A_12 {strides = array<i32>} : memref<1000x1xf32, #tpu.memory_space<vmem>>, vector<1000x1xf32>,
    %get3A_29 = arith.constant 0 : index
    %get3A_30 = arith.constant 0 : index
    %get3A_31 = vector.load %arg5[%get3A_29, %get3A_30] : memref<128x128xf32, #tpu.memory_space<vmem>>, vector<128x128xf32>
    %dot_general3A_32 = arith.constant dense<0.000000e+00> : vector<1000x128xf32>
    %dot_general3A_33 = tpu.matmul %max3A_26, %get3A_31, %dot_general3A_32 {dimension_numbers = #tpu.dot_dimension_numbers<[1], [1], [0], [0], [0, 0, 1, 0], [], []>, transpose_lhs_hint = false} : vector<1000x128xf32>, vector<128x128xf32>, vector<1000x128xf32> -> vector<1000x128xf32>
    %swap3A_34 = arith.constant 0 : index
    %swap3A_35 = arith.constant 0 : index
    %swap3A_36 = vector.load %arg7[%swap3A_34, %swap3A_35] : memref<1000x128xf32, #tpu.memory_space<vmem>>, vector<1000x128xf32>
    tpu.vector_store %arg7[%swap3A_34, %swap3A_35], %dot_general3A_33 {strides = array<i32>} : memref<1000x128xf32, #tpu.memory_space<vmem>>, vector<1000x128xf32>,
    %mul3A = vector.broadcast %select_n3A_12 : vector<1000x1xf32> to vector<1000x128xf32>
    %mul3A_37 = arith.mulf %mul3A, %max3A_26 : vector<1000x128xf32>
    %swap3A_38 = arith.constant 0 : index
    %swap3A_39 = arith.constant 0 : index
    %swap3A_40 = vector.load %arg8[%swap3A_38, %swap3A_39] : memref<1000x128xf32, #tpu.memory_space<vmem>>, vector<1000x128xf32>
    tpu.vector_store %arg8[%swap3A_38, %swap3A_39], %mul3A_37 {strides = array<i32>} : memref<1000x128xf32, #tpu.memory_space<vmem>>, vector<1000x128xf32>,
    return
  }
  func.func @transform_0(%arg0: i32) -> (i32, i32, i32) {
    %c0_i32 = arith.constant 0 : i32
    %c0_i32_0 = arith.constant 0 : i32
    %c0_i32_1 = arith.constant 0 : i32
    return %c0_i32, %arg0, %c0_i32_0 : i32, i32, i32
  }
  func.func @transform_1(%arg0: i32) -> (i32, i32) {
    %c0_i32 = arith.constant 0 : i32
    %c0_i32_0 = arith.constant 0 : i32
    return %arg0, %c0_i32 : i32, i32
  }
  func.func @transform_2(%arg0: i32) -> (i32, i32) {
    %c0_i32 = arith.constant 0 : i32
    %c0_i32_0 = arith.constant 0 : i32
    %c0_i32_1 = arith.constant 0 : i32
    return %c0_i32, %c0_i32_0 : i32, i32
  }
  func.func @transform_3(%arg0: i32) -> (i32, i32) {
    %c0_i32 = arith.constant 0 : i32
    %c0_i32_0 = arith.constant 0 : i32
    %c0_i32_1 = arith.constant 0 : i32
    return %c0_i32, %c0_i32_0 : i32, i32
  }
  func.func @transform_4(%arg0: i32) -> (i32, i32) {
    %c0_i32 = arith.constant 0 : i32
    %c0_i32_0 = arith.constant 0 : i32
    %c0_i32_1 = arith.constant 0 : i32
    return %c0_i32, %c0_i32_0 : i32, i32
  }
  func.func @transform_5(%arg0: i32) -> (i32, i32) {
    %c0_i32 = arith.constant 0 : i32
    %c0_i32_0 = arith.constant 0 : i32
    return %arg0, %c0_i32 : i32, i32
  }
  func.func @transform_6(%arg0: i32) -> (i32, i32) {
    %c0_i32 = arith.constant 0 : i32
    %c0_i32_0 = arith.constant 0 : i32
    return %arg0, %c0_i32 : i32, i32
  }
  func.func @transform_7(%arg0: i32) -> (i32, i32) {
    %c0_i32 = arith.constant 0 : i32
    %c0_i32_0 = arith.constant 0 : i32
    return %arg0, %c0_i32 : i32, i32
  }
}

module attributes {stable_mosaic.version = 14 : i64} {
  func.func @_tc_step_body(%arg0: i32, %arg1: memref<2x1000x128xf32, #tpu.memory_space<vmem>>, %arg2: memref<1000x1xf32, #tpu.memory_space<vmem>>, %arg3: memref<128x128xf32, #tpu.memory_space<vmem>>, %arg4: memref<1000x128xf32, #tpu.memory_space<vmem>>, %arg5: memref<1000x128xf32, #tpu.memory_space<vmem>>, %arg6: memref<1000x128xf32, #tpu.memory_space<vmem>>) attributes {dimension_semantics = [#tpu.dimension_semantics<arbitrary>], iteration_bounds = array<i64: 10>, scalar_prefetch = 0 : i64, scratch_operands = 0 : i64, tpu.core_type = #tpu.core_type<tc>, window_params = [{transform_indices = @transform_0, window_bounds = array<i64: 2, 1000, 128>}, {transform_indices = @transform_1, window_bounds = array<i64: 1000, 1>}, {pipeline_mode = #tpu.pipeline_mode<synchronous>, transform_indices = @transform_2, window_bounds = array<i64: 128, 128>}, {transform_indices = @transform_3, window_bounds = array<i64: 1000, 128>}, {transform_indices = @transform_4, window_bounds = array<i64: 1000, 128>}, {transform_indices = @transform_5, window_bounds = array<i64: 1000, 128>}]} {
    %get3A = arith.constant 0 : index
    %get3A_0 = arith.constant 0 : index
    %get3A_1 = arith.constant 0 : index
    %get3A_2 = vector.load %arg1[%get3A, %get3A_0, %get3A_1] : memref<2x1000x128xf32, #tpu.memory_space<vmem>>, vector<2x1000x128xf32>
    %get3A_3 = arith.constant 0 : index
    %get3A_4 = arith.constant 0 : index
    %get3A_5 = vector.load %arg2[%get3A_3, %get3A_4] : memref<1000x1xf32, #tpu.memory_space<vmem>>, vector<1000x1xf32>
    %slice3A = vector.extract_strided_slice %get3A_2 {offsets = [0, 0, 0], sizes = [1, 1000, 128], strides = [1, 1, 1]} : vector<2x1000x128xf32> to vector<1x1000x128xf32>
    %squeeze3A = vector.shape_cast %slice3A : vector<1x1000x128xf32> to vector<1000x128xf32>
    %slice3A_6 = vector.extract_strided_slice %get3A_2 {offsets = [1, 0, 0], sizes = [1, 1000, 128], strides = [1, 1, 1]} : vector<2x1000x128xf32> to vector<1x1000x128xf32>
    %squeeze3A_7 = vector.shape_cast %slice3A_6 : vector<1x1000x128xf32> to vector<1000x128xf32>
    %add3A = arith.addf %squeeze3A, %squeeze3A_7 : vector<1000x128xf32>
    %mul3A = vector.broadcast %get3A_5 : vector<1000x1xf32> to vector<1000x128xf32>
    %mul3A_8 = arith.mulf %mul3A, %add3A : vector<1000x128xf32>
    %get3A_9 = arith.constant 0 : index
    %get3A_10 = arith.constant 0 : index
    %get3A_11 = vector.load %arg4[%get3A_9, %get3A_10] : memref<1000x128xf32, #tpu.memory_space<vmem>>, vector<1000x128xf32>
    %get3A_12 = arith.constant 0 : index
    %get3A_13 = arith.constant 0 : index
    %get3A_14 = vector.load %arg3[%get3A_12, %get3A_13] : memref<128x128xf32, #tpu.memory_space<vmem>>, vector<128x128xf32>
    %dot_general3A = arith.constant dense<0.000000e+00> : vector<1000x128xf32>
    %dot_general3A_15 = tpu.matmul %mul3A_8, %get3A_14, %dot_general3A {dimension_numbers = #tpu.dot_dimension_numbers<[1], [1], [0], [0], [0, 0, 1, 0], [], []>, transpose_lhs_hint = false} : vector<1000x128xf32>, vector<128x128xf32>, vector<1000x128xf32> -> vector<1000x128xf32>
    %add3A_16 = arith.addf %get3A_11, %dot_general3A_15 : vector<1000x128xf32>
    %swap3A = arith.constant 0 : index
    %swap3A_17 = arith.constant 0 : index
    %swap3A_18 = vector.load %arg5[%swap3A, %swap3A_17] : memref<1000x128xf32, #tpu.memory_space<vmem>>, vector<1000x128xf32>
    tpu.vector_store %arg5[%swap3A, %swap3A_17], %add3A_16 {strides = array<i32>} : memref<1000x128xf32, #tpu.memory_space<vmem>>, vector<1000x128xf32>,
    %mul3A_19 = vector.broadcast %get3A_5 : vector<1000x1xf32> to vector<1000x128xf32>
    %mul3A_20 = arith.mulf %mul3A_19, %mul3A_8 : vector<1000x128xf32>
    %swap3A_21 = arith.constant 0 : index
    %swap3A_22 = arith.constant 0 : index
    %swap3A_23 = vector.load %arg6[%swap3A_21, %swap3A_22] : memref<1000x128xf32, #tpu.memory_space<vmem>>, vector<1000x128xf32>
    tpu.vector_store %arg6[%swap3A_21, %swap3A_22], %mul3A_20 {strides = array<i32>} : memref<1000x128xf32, #tpu.memory_space<vmem>>, vector<1000x128xf32>,
    return
  }
  func.func @transform_0(%arg0: i32) -> (i32, i32, i32) {
    %c0_i32 = arith.constant 0 : i32
    %c0_i32_0 = arith.constant 0 : i32
    %c0_i32_1 = arith.constant 0 : i32
    return %c0_i32, %arg0, %c0_i32_0 : i32, i32, i32
  }
  func.func @transform_1(%arg0: i32) -> (i32, i32) {
    %c0_i32 = arith.constant 0 : i32
    %c0_i32_0 = arith.constant 0 : i32
    return %arg0, %c0_i32 : i32, i32
  }
  func.func @transform_2(%arg0: i32) -> (i32, i32) {
    %c0_i32 = arith.constant 0 : i32
    %c0_i32_0 = arith.constant 0 : i32
    %c0_i32_1 = arith.constant 0 : i32
    return %c0_i32, %c0_i32_0 : i32, i32
  }
  func.func @transform_3(%arg0: i32) -> (i32, i32) {
    %c0_i32 = arith.constant 0 : i32
    %c0_i32_0 = arith.constant 0 : i32
    return %arg0, %c0_i32 : i32, i32
  }
  func.func @transform_4(%arg0: i32) -> (i32, i32) {
    %c0_i32 = arith.constant 0 : i32
    %c0_i32_0 = arith.constant 0 : i32
    return %arg0, %c0_i32 : i32, i32
  }
  func.func @transform_5(%arg0: i32) -> (i32, i32) {
    %c0_i32 = arith.constant 0 : i32
    %c0_i32_0 = arith.constant 0 : i32
    return %arg0, %c0_i32 : i32, i32
  }
}

module attributes {stable_mosaic.version = 14 : i64} {
  func.func @_tc_bridge_body(%arg0: i32, %arg1: memref<2x1000x128xf32, #tpu.memory_space<vmem>>, %arg2: memref<1000x1xf32, #tpu.memory_space<vmem>>, %arg3: memref<128x128xf32, #tpu.memory_space<vmem>>, %arg4: memref<1000x128xf32, #tpu.memory_space<vmem>>, %arg5: memref<1x128xf32, #tpu.memory_space<vmem>>, %arg6: memref<128x128xf32, #tpu.memory_space<vmem>>, %arg7: memref<1000x128xf32, #tpu.memory_space<vmem>>, %arg8: memref<1000x128xf32, #tpu.memory_space<vmem>>) attributes {dimension_semantics = [#tpu.dimension_semantics<arbitrary>], iteration_bounds = array<i64: 10>, scalar_prefetch = 0 : i64, scratch_operands = 0 : i64, tpu.core_type = #tpu.core_type<tc>, window_params = [{transform_indices = @transform_0, window_bounds = array<i64: 2, 1000, 128>}, {transform_indices = @transform_1, window_bounds = array<i64: 1000, 1>}, {pipeline_mode = #tpu.pipeline_mode<synchronous>, transform_indices = @transform_2, window_bounds = array<i64: 128, 128>}, {transform_indices = @transform_3, window_bounds = array<i64: 1000, 128>}, {pipeline_mode = #tpu.pipeline_mode<synchronous>, transform_indices = @transform_4, window_bounds = array<i64: 1, 128>}, {pipeline_mode = #tpu.pipeline_mode<synchronous>, transform_indices = @transform_5, window_bounds = array<i64: 128, 128>}, {transform_indices = @transform_6, window_bounds = array<i64: 1000, 128>}, {transform_indices = @transform_7, window_bounds = array<i64: 1000, 128>}]} {
    %get3A = arith.constant 0 : index
    %get3A_0 = arith.constant 0 : index
    %get3A_1 = arith.constant 0 : index
    %get3A_2 = vector.load %arg1[%get3A, %get3A_0, %get3A_1] : memref<2x1000x128xf32, #tpu.memory_space<vmem>>, vector<2x1000x128xf32>
    %get3A_3 = arith.constant 0 : index
    %get3A_4 = arith.constant 0 : index
    %get3A_5 = vector.load %arg2[%get3A_3, %get3A_4] : memref<1000x1xf32, #tpu.memory_space<vmem>>, vector<1000x1xf32>
    %slice3A = vector.extract_strided_slice %get3A_2 {offsets = [0, 0, 0], sizes = [1, 1000, 128], strides = [1, 1, 1]} : vector<2x1000x128xf32> to vector<1x1000x128xf32>
    %squeeze3A = vector.shape_cast %slice3A : vector<1x1000x128xf32> to vector<1000x128xf32>
    %slice3A_6 = vector.extract_strided_slice %get3A_2 {offsets = [1, 0, 0], sizes = [1, 1000, 128], strides = [1, 1, 1]} : vector<2x1000x128xf32> to vector<1x1000x128xf32>
    %squeeze3A_7 = vector.shape_cast %slice3A_6 : vector<1x1000x128xf32> to vector<1000x128xf32>
    %add3A = arith.addf %squeeze3A, %squeeze3A_7 : vector<1000x128xf32>
    %mul3A = vector.broadcast %get3A_5 : vector<1000x1xf32> to vector<1000x128xf32>
    %mul3A_8 = arith.mulf %mul3A, %add3A : vector<1000x128xf32>
    %get3A_9 = arith.constant 0 : index
    %get3A_10 = arith.constant 0 : index
    %get3A_11 = vector.load %arg4[%get3A_9, %get3A_10] : memref<1000x128xf32, #tpu.memory_space<vmem>>, vector<1000x128xf32>
    %get3A_12 = arith.constant 0 : index
    %get3A_13 = arith.constant 0 : index
    %get3A_14 = vector.load %arg3[%get3A_12, %get3A_13] : memref<128x128xf32, #tpu.memory_space<vmem>>, vector<128x128xf32>
    %dot_general3A = arith.constant dense<0.000000e+00> : vector<1000x128xf32>
    %dot_general3A_15 = tpu.matmul %mul3A_8, %get3A_14, %dot_general3A {dimension_numbers = #tpu.dot_dimension_numbers<[1], [1], [0], [0], [0, 0, 1, 0], [], []>, transpose_lhs_hint = false} : vector<1000x128xf32>, vector<128x128xf32>, vector<1000x128xf32> -> vector<1000x128xf32>
    %add3A_16 = arith.addf %get3A_11, %dot_general3A_15 : vector<1000x128xf32>
    %get3A_17 = arith.constant 0 : index
    %get3A_18 = arith.constant 0 : index
    %get3A_19 = vector.load %arg5[%get3A_17, %get3A_18] : memref<1x128xf32, #tpu.memory_space<vmem>>, vector<1x128xf32>
    %add3A_20 = vector.broadcast %get3A_19 : vector<1x128xf32> to vector<1000x128xf32>
    %add3A_21 = arith.addf %add3A_16, %add3A_20 : vector<1000x128xf32>
    %max3A = arith.constant 0.000000e+00 : f32
    %max3A_22 = vector.broadcast %max3A : f32 to vector<1000x128xf32>
    %max3A_23 = arith.maximumf %add3A_21, %max3A_22 : vector<1000x128xf32>
    %get3A_24 = arith.constant 0 : index
    %get3A_25 = arith.constant 0 : index
    %get3A_26 = vector.load %arg6[%get3A_24, %get3A_25] : memref<128x128xf32, #tpu.memory_space<vmem>>, vector<128x128xf32>
    %dot_general3A_27 = arith.constant dense<0.000000e+00> : vector<1000x128xf32>
    %dot_general3A_28 = tpu.matmul %max3A_23, %get3A_26, %dot_general3A_27 {dimension_numbers = #tpu.dot_dimension_numbers<[1], [1], [0], [0], [0, 0, 1, 0], [], []>, transpose_lhs_hint = false} : vector<1000x128xf32>, vector<128x128xf32>, vector<1000x128xf32> -> vector<1000x128xf32>
    %swap3A = arith.constant 0 : index
    %swap3A_29 = arith.constant 0 : index
    %swap3A_30 = vector.load %arg7[%swap3A, %swap3A_29] : memref<1000x128xf32, #tpu.memory_space<vmem>>, vector<1000x128xf32>
    tpu.vector_store %arg7[%swap3A, %swap3A_29], %dot_general3A_28 {strides = array<i32>} : memref<1000x128xf32, #tpu.memory_space<vmem>>, vector<1000x128xf32>,
    %mul3A_31 = vector.broadcast %get3A_5 : vector<1000x1xf32> to vector<1000x128xf32>
    %mul3A_32 = arith.mulf %mul3A_31, %max3A_23 : vector<1000x128xf32>
    %swap3A_33 = arith.constant 0 : index
    %swap3A_34 = arith.constant 0 : index
    %swap3A_35 = vector.load %arg8[%swap3A_33, %swap3A_34] : memref<1000x128xf32, #tpu.memory_space<vmem>>, vector<1000x128xf32>
    tpu.vector_store %arg8[%swap3A_33, %swap3A_34], %mul3A_32 {strides = array<i32>} : memref<1000x128xf32, #tpu.memory_space<vmem>>, vector<1000x128xf32>,
    return
  }
  func.func @transform_0(%arg0: i32) -> (i32, i32, i32) {
    %c0_i32 = arith.constant 0 : i32
    %c0_i32_0 = arith.constant 0 : i32
    %c0_i32_1 = arith.constant 0 : i32
    return %c0_i32, %arg0, %c0_i32_0 : i32, i32, i32
  }
  func.func @transform_1(%arg0: i32) -> (i32, i32) {
    %c0_i32 = arith.constant 0 : i32
    %c0_i32_0 = arith.constant 0 : i32
    return %arg0, %c0_i32 : i32, i32
  }
  func.func @transform_2(%arg0: i32) -> (i32, i32) {
    %c0_i32 = arith.constant 0 : i32
    %c0_i32_0 = arith.constant 0 : i32
    %c0_i32_1 = arith.constant 0 : i32
    return %c0_i32, %c0_i32_0 : i32, i32
  }
  func.func @transform_3(%arg0: i32) -> (i32, i32) {
    %c0_i32 = arith.constant 0 : i32
    %c0_i32_0 = arith.constant 0 : i32
    return %arg0, %c0_i32 : i32, i32
  }
  func.func @transform_4(%arg0: i32) -> (i32, i32) {
    %c0_i32 = arith.constant 0 : i32
    %c0_i32_0 = arith.constant 0 : i32
    %c0_i32_1 = arith.constant 0 : i32
    return %c0_i32, %c0_i32_0 : i32, i32
  }
  func.func @transform_5(%arg0: i32) -> (i32, i32) {
    %c0_i32 = arith.constant 0 : i32
    %c0_i32_0 = arith.constant 0 : i32
    %c0_i32_1 = arith.constant 0 : i32
    return %c0_i32, %c0_i32_0 : i32, i32
  }
  func.func @transform_6(%arg0: i32) -> (i32, i32) {
    %c0_i32 = arith.constant 0 : i32
    %c0_i32_0 = arith.constant 0 : i32
    return %arg0, %c0_i32 : i32, i32
  }
  func.func @transform_7(%arg0: i32) -> (i32, i32) {
    %c0_i32 = arith.constant 0 : i32
    %c0_i32_0 = arith.constant 0 : i32
    return %arg0, %c0_i32 : i32, i32
  }
}

module attributes {stable_mosaic.version = 14 : i64} {
  func.func @_tc_tail_body(%arg0: i32, %arg1: memref<2x1000x128xf32, #tpu.memory_space<vmem>>, %arg2: memref<1000x1xf32, #tpu.memory_space<vmem>>, %arg3: memref<128x128xf32, #tpu.memory_space<vmem>>, %arg4: memref<1000x128xf32, #tpu.memory_space<vmem>>, %arg5: memref<1x128xf32, #tpu.memory_space<vmem>>, %arg6: memref<128x128xf32, #tpu.memory_space<vmem>>, %arg7: memref<1x128xf32, #tpu.memory_space<vmem>>, %arg8: memref<128x128xf32, #tpu.memory_space<vmem>>, %arg9: memref<1x128xf32, #tpu.memory_space<vmem>>, %arg10: memref<128x128xf32, #tpu.memory_space<vmem>>, %arg11: memref<1x1xf32, #tpu.memory_space<vmem>>, %arg12: memref<1000x1xf32, #tpu.memory_space<vmem>>) attributes {dimension_semantics = [#tpu.dimension_semantics<arbitrary>], iteration_bounds = array<i64: 10>, scalar_prefetch = 0 : i64, scratch_operands = 0 : i64, tpu.core_type = #tpu.core_type<tc>, window_params = [{transform_indices = @transform_0, window_bounds = array<i64: 2, 1000, 128>}, {transform_indices = @transform_1, window_bounds = array<i64: 1000, 1>}, {pipeline_mode = #tpu.pipeline_mode<synchronous>, transform_indices = @transform_2, window_bounds = array<i64: 128, 128>}, {transform_indices = @transform_3, window_bounds = array<i64: 1000, 128>}, {pipeline_mode = #tpu.pipeline_mode<synchronous>, transform_indices = @transform_4, window_bounds = array<i64: 1, 128>}, {pipeline_mode = #tpu.pipeline_mode<synchronous>, transform_indices = @transform_5, window_bounds = array<i64: 128, 128>}, {pipeline_mode = #tpu.pipeline_mode<synchronous>, transform_indices = @transform_6, window_bounds = array<i64: 1, 128>}, {pipeline_mode = #tpu.pipeline_mode<synchronous>, transform_indices = @transform_7, window_bounds = array<i64: 128, 128>}, {pipeline_mode = #tpu.pipeline_mode<synchronous>, transform_indices = @transform_8, window_bounds = array<i64: 1, 128>}, {pipeline_mode = #tpu.pipeline_mode<synchronous>, transform_indices = @transform_9, window_bounds = array<i64: 128, 128>}, {pipeline_mode = #tpu.pipeline_mode<synchronous>, transform_indices = @transform_10, window_bounds = array<i64: 1, 1>}, {transform_indices = @transform_11, window_bounds = array<i64: 1000, 1>}]} {
    %get3A = arith.constant 0 : index
    %get3A_0 = arith.constant 0 : index
    %get3A_1 = arith.constant 0 : index
    %get3A_2 = vector.load %arg1[%get3A, %get3A_0, %get3A_1] : memref<2x1000x128xf32, #tpu.memory_space<vmem>>, vector<2x1000x128xf32>
    %get3A_3 = arith.constant 0 : index
    %get3A_4 = arith.constant 0 : index
    %get3A_5 = vector.load %arg2[%get3A_3, %get3A_4] : memref<1000x1xf32, #tpu.memory_space<vmem>>, vector<1000x1xf32>
    %slice3A = vector.extract_strided_slice %get3A_2 {offsets = [0, 0, 0], sizes = [1, 1000, 128], strides = [1, 1, 1]} : vector<2x1000x128xf32> to vector<1x1000x128xf32>
    %squeeze3A = vector.shape_cast %slice3A : vector<1x1000x128xf32> to vector<1000x128xf32>
    %slice3A_6 = vector.extract_strided_slice %get3A_2 {offsets = [1, 0, 0], sizes = [1, 1000, 128], strides = [1, 1, 1]} : vector<2x1000x128xf32> to vector<1x1000x128xf32>
    %squeeze3A_7 = vector.shape_cast %slice3A_6 : vector<1x1000x128xf32> to vector<1000x128xf32>
    %add3A = arith.addf %squeeze3A, %squeeze3A_7 : vector<1000x128xf32>
    %mul3A = vector.broadcast %get3A_5 : vector<1000x1xf32> to vector<1000x128xf32>
    %mul3A_8 = arith.mulf %mul3A, %add3A : vector<1000x128xf32>
    %get3A_9 = arith.constant 0 : index
    %get3A_10 = arith.constant 0 : index
    %get3A_11 = vector.load %arg4[%get3A_9, %get3A_10] : memref<1000x128xf32, #tpu.memory_space<vmem>>, vector<1000x128xf32>
    %get3A_12 = arith.constant 0 : index
    %get3A_13 = arith.constant 0 : index
    %get3A_14 = vector.load %arg3[%get3A_12, %get3A_13] : memref<128x128xf32, #tpu.memory_space<vmem>>, vector<128x128xf32>
    %dot_general3A = arith.constant dense<0.000000e+00> : vector<1000x128xf32>
    %dot_general3A_15 = tpu.matmul %mul3A_8, %get3A_14, %dot_general3A {dimension_numbers = #tpu.dot_dimension_numbers<[1], [1], [0], [0], [0, 0, 1, 0], [], []>, transpose_lhs_hint = false} : vector<1000x128xf32>, vector<128x128xf32>, vector<1000x128xf32> -> vector<1000x128xf32>
    %add3A_16 = arith.addf %get3A_11, %dot_general3A_15 : vector<1000x128xf32>
    %get3A_17 = arith.constant 0 : index
    %get3A_18 = arith.constant 0 : index
    %get3A_19 = vector.load %arg5[%get3A_17, %get3A_18] : memref<1x128xf32, #tpu.memory_space<vmem>>, vector<1x128xf32>
    %add3A_20 = vector.broadcast %get3A_19 : vector<1x128xf32> to vector<1000x128xf32>
    %add3A_21 = arith.addf %add3A_16, %add3A_20 : vector<1000x128xf32>
    %max3A = arith.constant 0.000000e+00 : f32
    %max3A_22 = vector.broadcast %max3A : f32 to vector<1000x128xf32>
    %max3A_23 = arith.maximumf %add3A_21, %max3A_22 : vector<1000x128xf32>
    %get3A_24 = arith.constant 0 : index
    %get3A_25 = arith.constant 0 : index
    %get3A_26 = vector.load %arg6[%get3A_24, %get3A_25] : memref<128x128xf32, #tpu.memory_space<vmem>>, vector<128x128xf32>
    %dot_general3A_27 = arith.constant dense<0.000000e+00> : vector<1000x128xf32>
    %dot_general3A_28 = tpu.matmul %max3A_23, %get3A_26, %dot_general3A_27 {dimension_numbers = #tpu.dot_dimension_numbers<[1], [1], [0], [0], [0, 0, 1, 0], [], []>, transpose_lhs_hint = false} : vector<1000x128xf32>, vector<128x128xf32>, vector<1000x128xf32> -> vector<1000x128xf32>
    %get3A_29 = arith.constant 0 : index
    %get3A_30 = arith.constant 0 : index
    %get3A_31 = vector.load %arg7[%get3A_29, %get3A_30] : memref<1x128xf32, #tpu.memory_space<vmem>>, vector<1x128xf32>
    %add3A_32 = vector.broadcast %get3A_31 : vector<1x128xf32> to vector<1000x128xf32>
    %add3A_33 = arith.addf %dot_general3A_28, %add3A_32 : vector<1000x128xf32>
    %max3A_34 = arith.constant 0.000000e+00 : f32
    %max3A_35 = vector.broadcast %max3A_34 : f32 to vector<1000x128xf32>
    %max3A_36 = arith.maximumf %add3A_33, %max3A_35 : vector<1000x128xf32>
    %get3A_37 = arith.constant 0 : index
    %get3A_38 = arith.constant 0 : index
    %get3A_39 = vector.load %arg8[%get3A_37, %get3A_38] : memref<128x128xf32, #tpu.memory_space<vmem>>, vector<128x128xf32>
    %dot_general3A_40 = arith.constant dense<0.000000e+00> : vector<1000x128xf32>
    %dot_general3A_41 = tpu.matmul %max3A_36, %get3A_39, %dot_general3A_40 {dimension_numbers = #tpu.dot_dimension_numbers<[1], [1], [0], [0], [0, 0, 1, 0], [], []>, transpose_lhs_hint = false} : vector<1000x128xf32>, vector<128x128xf32>, vector<1000x128xf32> -> vector<1000x128xf32>
    %get3A_42 = arith.constant 0 : index
    %get3A_43 = arith.constant 0 : index
    %get3A_44 = vector.load %arg9[%get3A_42, %get3A_43] : memref<1x128xf32, #tpu.memory_space<vmem>>, vector<1x128xf32>
    %add3A_45 = vector.broadcast %get3A_44 : vector<1x128xf32> to vector<1000x128xf32>
    %add3A_46 = arith.addf %dot_general3A_41, %add3A_45 : vector<1000x128xf32>
    %max3A_47 = arith.constant 0.000000e+00 : f32
    %max3A_48 = vector.broadcast %max3A_47 : f32 to vector<1000x128xf32>
    %max3A_49 = arith.maximumf %add3A_46, %max3A_48 : vector<1000x128xf32>
    %get3A_50 = arith.constant 0 : index
    %get3A_51 = arith.constant 0 : index
    %get3A_52 = vector.load %arg10[%get3A_50, %get3A_51] : memref<128x128xf32, #tpu.memory_space<vmem>>, vector<128x128xf32>
    %dot_general3A_53 = arith.constant dense<0.000000e+00> : vector<1000x128xf32>
    %dot_general3A_54 = tpu.matmul %max3A_49, %get3A_52, %dot_general3A_53 {dimension_numbers = #tpu.dot_dimension_numbers<[1], [1], [0], [0], [0, 0, 1, 0], [], []>, transpose_lhs_hint = false} : vector<1000x128xf32>, vector<128x128xf32>, vector<1000x128xf32> -> vector<1000x128xf32>
    %slice3A_55 = vector.extract_strided_slice %dot_general3A_54 {offsets = [0, 0], sizes = [1000, 1], strides = [1, 1]} : vector<1000x128xf32> to vector<1000x1xf32>
    %get3A_56 = arith.constant 0 : index
    %get3A_57 = arith.constant 0 : index
    %get3A_58 = vector.load %arg11[%get3A_56, %get3A_57] : memref<1x1xf32, #tpu.memory_space<vmem>>, vector<1x1xf32>
    %get3A_59 = vector.extract %get3A_58[0, 0] : f32 from vector<1x1xf32>
    %add3A_60 = vector.broadcast %get3A_59 : f32 to vector<1000x1xf32>
    %add3A_61 = arith.addf %slice3A_55, %add3A_60 : vector<1000x1xf32>
    %max3A_62 = arith.constant 0.000000e+00 : f32
    %max3A_63 = vector.broadcast %max3A_62 : f32 to vector<1000x1xf32>
    %max3A_64 = arith.maximumf %add3A_61, %max3A_63 : vector<1000x1xf32>
    %swap3A = arith.constant 0 : index
    %swap3A_65 = arith.constant 0 : index
    %swap3A_66 = vector.load %arg12[%swap3A, %swap3A_65] : memref<1000x1xf32, #tpu.memory_space<vmem>>, vector<1000x1xf32>
    tpu.vector_store %arg12[%swap3A, %swap3A_65], %max3A_64 {strides = array<i32>} : memref<1000x1xf32, #tpu.memory_space<vmem>>, vector<1000x1xf32>,
    return
  }
  func.func @transform_0(%arg0: i32) -> (i32, i32, i32) {
    %c0_i32 = arith.constant 0 : i32
    %c0_i32_0 = arith.constant 0 : i32
    %c0_i32_1 = arith.constant 0 : i32
    return %c0_i32, %arg0, %c0_i32_0 : i32, i32, i32
  }
  func.func @transform_1(%arg0: i32) -> (i32, i32) {
    %c0_i32 = arith.constant 0 : i32
    %c0_i32_0 = arith.constant 0 : i32
    return %arg0, %c0_i32 : i32, i32
  }
  func.func @transform_2(%arg0: i32) -> (i32, i32) {
    %c0_i32 = arith.constant 0 : i32
    %c0_i32_0 = arith.constant 0 : i32
    %c0_i32_1 = arith.constant 0 : i32
    return %c0_i32, %c0_i32_0 : i32, i32
  }
  func.func @transform_3(%arg0: i32) -> (i32, i32) {
    %c0_i32 = arith.constant 0 : i32
    %c0_i32_0 = arith.constant 0 : i32
    return %arg0, %c0_i32 : i32, i32
  }
  func.func @transform_4(%arg0: i32) -> (i32, i32) {
    %c0_i32 = arith.constant 0 : i32
    %c0_i32_0 = arith.constant 0 : i32
    %c0_i32_1 = arith.constant 0 : i32
    return %c0_i32, %c0_i32_0 : i32, i32
  }
  func.func @transform_5(%arg0: i32) -> (i32, i32) {
    %c0_i32 = arith.constant 0 : i32
    %c0_i32_0 = arith.constant 0 : i32
    %c0_i32_1 = arith.constant 0 : i32
    return %c0_i32, %c0_i32_0 : i32, i32
  }
  func.func @transform_6(%arg0: i32) -> (i32, i32) {
    %c0_i32 = arith.constant 0 : i32
    %c0_i32_0 = arith.constant 0 : i32
    %c0_i32_1 = arith.constant 0 : i32
    return %c0_i32, %c0_i32_0 : i32, i32
  }
  func.func @transform_7(%arg0: i32) -> (i32, i32) {
    %c0_i32 = arith.constant 0 : i32
    %c0_i32_0 = arith.constant 0 : i32
    %c0_i32_1 = arith.constant 0 : i32
    return %c0_i32, %c0_i32_0 : i32, i32
  }
  func.func @transform_8(%arg0: i32) -> (i32, i32) {
    %c0_i32 = arith.constant 0 : i32
    %c0_i32_0 = arith.constant 0 : i32
    %c0_i32_1 = arith.constant 0 : i32
    return %c0_i32, %c0_i32_0 : i32, i32
  }
  func.func @transform_9(%arg0: i32) -> (i32, i32) {
    %c0_i32 = arith.constant 0 : i32
    %c0_i32_0 = arith.constant 0 : i32
    %c0_i32_1 = arith.constant 0 : i32
    return %c0_i32, %c0_i32_0 : i32, i32
  }
  func.func @transform_10(%arg0: i32) -> (i32, i32) {
    %c0_i32 = arith.constant 0 : i32
    %c0_i32_0 = arith.constant 0 : i32
    %c0_i32_1 = arith.constant 0 : i32
    return %c0_i32, %c0_i32_0 : i32, i32
  }
  func.func @transform_11(%arg0: i32) -> (i32, i32) {
    %c0_i32 = arith.constant 0 : i32
    %c0_i32_0 = arith.constant 0 : i32
    return %arg0, %c0_i32 : i32, i32
  }
}

</mosaic_0001>

<sc_bundles>
// kernel: kernel.16.cloned.1.call-start
scs
__scs_entry_jumppad:
0x0: {  	(pc) =	sbr.rel $0x88, $3  }
0x1: {  	(tag) =	ssettag $0x0;
	lr =	simm.s32 $0x1  }
0x2: {  	[smem:$0x3F93] =	sst lr;
	_ =	strace $0xD0000000  }
0x3: {  	_ = 	snop  }
0x4: {  	_ = 	snop  }
0x5: {  	_ = 	snop  }
0x6: {  	_ = 	snop  }
0x7: {  	_ = 	snop  }
__scs_overlays_trampoline_lowered:
0x8: {  	[smem:$0x3FA2] =	sst s0  }
0x9: {  	[smem:$0x3FA3] =	sst s1  }
0xa: {  	[smem:$0x3FA4] =	sst s2  }
0xb: {  	[smem:$0x3FA5] =	sst s3  }
0xc: {  	[smem:$0x3FA6] =	sst s4  }
0xd: {  	[smem:$0x3FA7] =	sst s5  }
0xe: {  	[smem:$0x3FA8] =	sst s6  }
0xf: {  	[smem:$0x3FA9] =	sst s7  }
0x10: {  	[smem:$0x3FAA] =	sst s8  }
0x11: {  	[smem:$0x3FAB] =	sst s9;
	s0 =	simm.s32 @!p0 $0x0  }
0x12: {  	s1 =	sld [smem:$0x3F91];
	s0 =	simm.s32 @p0 $0x1  }
0x13: {  	[smem:$0x3FAC] =	sst s0;
	s0 =	simm.s32 @!p1 $0x0  }
0x14: {  	s2 =	sld [smem:$0x3F90];
	s0 =	simm.s32 @p1 $0x1  }
0x15: {  	[smem:$0x3FAD] =	sst s0;
	s0 =	simm.s32 @!p2 $0x0  }
0x16: {  	s3 =	sld [smem:$0x3FDB];
	s0 =	simm.s32 @p2 $0x1  }
0x17: {  	s4 =	simm.s32 $0x1BF5;
	[smem:$0x3FAF] =	sst s0  }
0x18: {  	s0 =	sld [smem:$0x3F92];
	_ =	swait.ge [sflag:s4], $0x0  }
0x19: {  	s7 =	sld [smem:$0x3F93]  }
0x1a: {  	s8 =	sadd.s32 $0xFFFFE003, lr  }
0x1b: {  	s9 =	sadd.s32 $0xFFFFFEF7, lr;
	s5 =	simm.s32 $0xFFFFFFFF;
	p2 =	slt.u32 s8, $0xFFFFF086  }
0x1c: {  	p1 =	slt.u32 s9, $0xF7A;
	s5 =	simm.s32 @!p2 $0x0  }
0x1d: {  	s5 =	simm.s32 @p1 $0x1;
	p0 =	seq.s32 s7, s2  }
0x1e: {  	s7 =	smul.u32 @!p0 $0xF7A, s2;
	p2 =	seq.s32 @!p0 s5, $0x0  }
0x1f: {  	s9 =	smul.u32 $0xF7A, s1;
	s8 =	simm.s32 @!p0 $0x1BF5;
	p2 =	por !p2, p0  }
0x20: {  	[sflag:s8] =	ssyncset.s32 @!p0 $0xFFFFF086;
	s6 =	sadd.s32 @!p0 s3, s7;
	s7 =	simm.s32 @!p0 $0x108  }
0x21: {  	s3 =	sadd.s32 s3, s9;
	s6 =	sadd.s32 @!p0 $0x88, s6;
	s7 =	simm.s32 @p2 $0x1082  }
0x22: {  	[simem:s7], [sflag:s8] =	dma.local @!p0 [hbm:s6], $0xF7A  }
0x23: {  	s9 =	sor.u32 $0xD0000000, s2;
	s6 =	simm.s32 $0x108;
	_ =	swait.ge @!p0 [sflag:s8], $0x0  }
0x24: {  	s3 =	sadd.s32 $0x88, s3;
	s6 =	simm.s32 @!p1 $0x1082;
	[sflag:s4] =	ssyncset.s32 $0xFFFFF086  }
0x25: {  	[simem:s6], [sflag:s4] =	dma.local [hbm:s3], $0xF7A  }
0x26: {  	[smem:$0x3F93] =	sst s1;
	(tag) =	ssettag s2;
	_ =	strace s9  }
0x27: {  	s1 =	sld [smem:$0x3FA3]  }
0x28: {  	s2 =	sld [smem:$0x3FA4]  }
0x29: {  	s4 =	sld [smem:$0x3FA6]  }
0x2a: {  	p0 =	seq.s32 s5, $0x0;
	s5 =	sld [smem:$0x3FA7]  }
0x2b: {  	s6 =	sld [smem:$0x3FA8]  }
0x2c: {  	s7 =	sld [smem:$0x3FA9]  }
0x2d: {  	s3 =	simm.s32 $0x108;
	s8 =	sld [smem:$0x3FAA]  }
0x2e: {  	s3 =	simm.s32 @!p0 $0x1082;
	s9 =	sld [smem:$0x3FAB]  }
0x2f: {  	lr =	sadd.s32 s0, s3;
	s0 =	sld [smem:$0x3FA2]  }
0x30: {  	s3 =	sld [smem:$0x3FA5]  }
0x31: {  	[smem:$0x3FAE] =	sst s10  }
0x32: {  	s10 =	sld [smem:$0x3FAC];
	_ =	sdelay $0x3  }
0x33: {  	p0 =	seq.s32 s10, $0x1;
	s10 =	sld [smem:$0x3FAE];
	_ =	sdelay $0x3  }
0x34: {  	[smem:$0x3FAE] =	sst s10  }
0x35: {  	s10 =	sld [smem:$0x3FAD];
	_ =	sdelay $0x3  }
0x36: {  	p1 =	seq.s32 s10, $0x1;
	s10 =	sld [smem:$0x3FAE];
	_ =	sdelay $0x3  }
0x37: {  	[smem:$0x3FAE] =	sst s10  }
0x38: {  	s10 =	sld [smem:$0x3FAF]  }
0x39: {  	_ = 	snop;
	(pc) =	sbr.ind lr, $3  }
0x3a: {  	_ = 	snop  }
0x3b: {  	_ = 	snop  }
0x3c: {  	p2 =	seq.s32 s10, $0x1;
	s10 =	sld [smem:$0x3FAE]  }
0x3d: {  	_ =	shalt  }
0x3e: {  	_ =	shalt  }
0x3f: {  	_ =	shalt  }
0x40: {  	_ =	shalt  }
0x41: {  	_ =	shalt  }
0x42: {  	_ =	shalt  }
0x43: {  	_ =	shalt  }
0x44: {  	_ =	shalt  }
0x45: {  	_ =	shalt  }
0x46: {  	_ =	shalt  }
0x47: {  	_ =	shalt  }
0x48: {  	_ =	shalt  }
0x49: {  	_ =	shalt  }
0x4a: {  	_ =	shalt  }
0x4b: {  	_ =	shalt  }
0x4c: {  	_ =	shalt  }
0x4d: {  	_ =	shalt  }
0x4e: {  	_ =	shalt  }
0x4f: {  	_ =	shalt  }
0x50: {  	_ =	shalt  }
0x51: {  	_ =	shalt  }
0x52: {  	_ =	shalt  }
0x53: {  	_ =	shalt  }
0x54: {  	_ =	shalt  }
0x55: {  	_ =	shalt  }
0x56: {  	_ =	shalt  }
0x57: {  	_ =	shalt  }
0x58: {  	_ =	shalt  }
0x59: {  	_ =	shalt  }
0x5a: {  	_ =	shalt  }
0x5b: {  	_ =	shalt  }
0x5c: {  	_ =	shalt  }
0x5d: {  	_ =	shalt  }
0x5e: {  	_ =	shalt  }
0x5f: {  	_ =	shalt  }
0x60: {  	_ =	shalt  }
0x61: {  	_ =	shalt  }
0x62: {  	_ =	shalt  }
0x63: {  	_ =	shalt  }
0x64: {  	_ =	shalt  }
0x65: {  	_ =	shalt  }
0x66: {  	_ =	shalt  }
0x67: {  	_ =	shalt  }
0x68: {  	_ =	shalt  }
0x69: {  	_ =	shalt  }
0x6a: {  	_ =	shalt  }
0x6b: {  	_ =	shalt  }
0x6c: {  	_ =	shalt  }
0x6d: {  	_ =	shalt  }
0x6e: {  	_ =	shalt  }
0x6f: {  	_ =	shalt  }
0x70: {  	_ =	shalt  }
0x71: {  	_ =	shalt  }
0x72: {  	_ =	shalt  }
0x73: {  	_ =	shalt  }
0x74: {  	_ =	shalt  }
0x75: {  	_ =	shalt  }
0x76: {  	_ =	shalt  }
0x77: {  	_ =	shalt  }
0x78: {  	_ =	shalt  }
0x79: {  	_ =	shalt  }
0x7a: {  	_ =	shalt  }
0x7b: {  	_ =	shalt  }
0x7c: {  	_ =	shalt  }
0x7d: {  	_ =	shalt  }
0x7e: {  	_ =	shalt  }
0x7f: {  	_ =	shalt  }
0x80: {  	_ =	shalt  }
0x81: {  	_ =	shalt  }
0x82: {  	_ =	shalt  }
0x83: {  	_ =	shalt  }
0x84: {  	_ =	shalt  }
0x85: {  	_ =	shalt  }
0x86: {  	_ =	shalt  }
0x87: {  	_ =	shalt  }
.Lfunc_end0:
.L_simem_size_0:
called_computation_lowered:
.L_overlay_start_0:
0x88: {  	s2 =	sld [smem:$0x3FD9]  }
0x89: {  	s3 =	sld [smem:$0x3FFE];
	_ =	sdelay $0x1  }
0x8a: {  	s1 =	srdreg.scid  }
0x8b: {  	s0 =	sand.u32 $0x1, s1  }
0x8c: {  	s16 =	sshll.u32 s0, $0xA;
	s2 =	sadd.s32 s3, s2  }
0x8d: {  	s2 =	sadd.s32 s2, s16  }
0x8e: {  	[smem:$0x3FBA] =	sst s2  }
0x8f: {  	_ = 	snop  }
0x90: {  	(tm) =	ssettm $0x1  }
0x91: {  	s17 =	sld [smem:$0x3FFB];
	_ =	sdelay $0x3  }
0x92: {  	_ =	strace s17  }
0x93: {  	s2 =	sld [smem:$0x3FFC];
	_ =	sdelay $0x3  }
0x94: {  	_ =	strace s2  }
0x95: {  	s2 =	sld [smem:$0x3FFD];
	_ =	sdelay $0x3  }
0x96: {  	_ =	strace s2  }
0x97: {  	_ =	strace $0x8FFFFFFF  }
0x98: {  	s18 =	sld [smem:$0x3FDB];
	_ =	sdelay $0x1  }
0x99: {  	s19 =	simm.s32 $_scs_section_size  }
0x9a: {  	s4 =	simm.s32 $_size__tile_overlayer_lowered;
	s5 =	simm.s32 $_tile_overlayer_lowered  }
0x9b: {  	s22 =	simm.s32 $0x1BFF;
	s21 =	sshll.u32 s5, $0x1;
	s2 =	sadd.s32 s19, s18  }
0x9c: {  	s6 =	simm.s32 $0x0;
	s20 =	sshll.u32 s4, $0x1;
	s4 =	sadd.s32 s21, s2  }
0x9d: {  	[timem:s6], [sflag:s22] =	dma.local [hbm:s4], s20  }
0x9e: {  	_ =	swait.ge [sflag:s22], s20  }
0x9f: {  	s3 =	ssub.s32 $0x0, s20;
	[sflag:s22] =	ssyncset.done $0x0  }
0xa0: {  	[sflag:s22] =	ssyncadd.s32 s3;
	_ =	sdelay $0x1  }
0xa1: {  	s23 =	simm.s32 $0x1B8B  }
0xa2: {  	_ =	swait.ge [sflag:s23], $0x1  }
0xa3: {  	[sflag:s23] =	ssyncset.done $0x0  }
0xa4: {  	s25 =	simm.s32 $0x1B8E;
	s24 =	sld [smem:$0x3FFE];
	[sflag:s23] =	ssyncadd.s32 $0xFFFFFFFF  }
0xa5: {  	s26 =	simm.s32 $execute0_lowered;
	[smem:$0x3FD2] =	sst s25  }
0xa6: {  	s4 =	sshll.u32 s26, $0x1;
	_ =	strace $0x80000046;
	[dreg:$0x1] =	wrdreg $0xFFFFFFFF  }
0xa7: {  	s28 =	simm.s32 $_size_execute0_lowered;
	s2 =	sadd.s32 s2, s4;
	[dreg:$0x0] =	wrdreg $0x0  }
0xa8: {  	s4 =	sshll.u32 s28, $0x1;
	[dreg:$0x2] =	wrdreg s2  }
0xa9: {  	[dreg:$0x3] =	wrdreg s4  }
0xaa: {  	[dreg:$0x4] =	wrdreg $0xC0  }
0xab: {  	_ =	task [dreg:s6], $0x5FFFF  }
0xac: {  	[dreg:$0x1] =	wrdreg $0xFFFFFFFF  }
0xad: {  	[dreg:$0x0] =	wrdreg $0x60  }
0xae: {  	[dreg:$0x2] =	wrdreg s24  }
0xaf: {  	[dreg:$0x3] =	wrdreg $0x68000  }
0xb0: {  	[dreg:$0x4] =	wrdreg $0x9  }
0xb1: {  	_ =	task.clear_ibuf [dreg:s6], $0x5FFFF;
	_ =	strace $0x90000046  }
0xb2: {  	s29 =	simm.s32 $0x9;
	_ =	strace $0x80000048  }
0xb3: {  	_ =	swait.ge [sflag:s29], $0x1  }
0xb4: {  	[sflag:s29] =	ssyncadd.s32 $0xFFFFFFFF  }
0xb5: {  	_ =	strace $0x90000048  }
0xb6: {  	_ =	sfence  }
0xb7: {  	s30 =	sld [smem:$0x0];
	_ =	sdelay $0x2  }
0xb8: {  	s31 =	sshll.u32 s1, $0xD;
	s1 =	sshrl.u32 s1, $0x2  }
0xb9: {  	s3 =	sand.u32 $0x4000, s31;
	s1 =	sadd.s32 s1, s30  }
0xba: {  	s0 =	sor.u32 s3, s0;
	s1 =	sshll.u32 s1, $0x11  }
0xbb: {  	s0 =	sor.u32 s1, s0  }
0xbc: {  	s0 =	sadd.s32 $0x8F2B, s0  }
0xbd: {  	[sflag:s0] =	ssyncadd.remote.s32 $0x1  }
0xbe: {  	_ =	sfence.sel $0xFFFF  }
0xbf: {  	[dreg:$0x0] =	wrdreg $0xFFFFFFFF;
	(pc) =	sbr.abs _section_cstart, $3  }
0xc0: {  	[dreg:$0x1] =	wrdreg $0xFFFFFFFF  }
0xc1: {  	_ =	task.clear_ibuf [dreg:s6], $0x2FFFF;
	_ =	strace $0x9FFFFFFF  }
0xc2: {  	(tm) =	ssettm $0x7FFFFFFF  }
0xc3: {  	_ =	shalt  }
tec
execute0_lowered:
.L_overlay_start_1:
0x0: {  	(tag) =	ssettag $0x1  }
0x1: {  	s6 =	rddreg [dreg:$0x0]  }
0x2: {  	s1 =	rddreg [dreg:$0x1];
	s2 =	srdreg.scid  }
0x3: {  	s0 =	rddreg [dreg:$0x2];
	s3 =	simm.s32 $0x0;
	s12 =	simm.s32 $0x4000  }
0x4: {  	s13 =	simm.s32 $0x50;
	s7 =	sand.u32 $0x1, s2;
	s2 =	stileid.u32  }
0x5: {  	s14 =	simm.s32 $0x0;
	[smem:$0x7FF] =	sst s3;
	s5 =	smul.u32 $0x140000, s7  }
0x6: {  	s8 =	smul.u32 $0x14000, s2;
	_ =	strace $0x80000047;
	s4 =	sshll.u32 s2, $0xB  }
0x7: {  	s10 =	ssub.s32 $0x2, s7;
	s11 =	smul.u32 $0x50000, s2;
	s7 =	sshll.u32 s7, $0xF  }
0x8: {  	s31 =	sshll.u32 s2, $0x6;
	s9 =	sadd.s32 s4, s6;
	s29 =	sshrl.u32 s10, $0x1  }
0x9: {  	s4 =	sadd.s32 $0x17800, s6;
	s5 =	sadd.s32 s8, s5;
	s10 =	ssub.s32 s10, s29  }
0xa: {  	s30 =	sshrl.u32 s11, $0x2;
	s7 =	sadd.s32 s7, s9;
	s8 =	sshrl.u32 s5, $0x3  }
0xb: {  	s5 =	sadd.s32 $0x15000, s6;
	s11 =	sadd.s32 s30, s1;
	s7 =	sadd.s32 $0x5000, s7  }
0xc: {  	s9 =	smax.u32 s10, $0x1;
	s8 =	sadd.s32 s8, s6;
	s6 =	sor.u32 $0x1C01, s31  }
0xd: {  	s10 =	sshrl.u32 s11, $0x3;
	s11 =	simm.s32 $0x1;
	s8 =	sadd.s32 $0x17E00, s8  }
.LBB2_1:
0xe: {  	[spmem:s10], [sflag:s6] =	dma.local [hbm:s5], $0x2800  }
0xf: {  	_ =	swait.ge [sflag:s11], $0x2800  }
0x10: {  	[sflag:s11] =	ssyncset.done $0x0  }
0x11: {  	[sflag:s11] =	ssyncadd.s32 $0xFFFFD800  }
0x12: {  	[bflag:$0x0] =	sbarrier.arrive $0xFFFF  }
0x13: {  	[tilespmem:s3], [sflag:$0x1] =	stream.linear.gather [hbm4b:s7+s3], $0x3E80, $0x38;
	[tilespmem:$0x1A800] =	vst v63  }
0x14: {  	_ =	swait.ge [sflag:s11], $0x3E80  }
0x15: {  	[sflag:s11] =	ssyncset.done $0x0  }
0x16: {  	[sflag:s11] =	ssyncadd.s32 $0xFFFFC180  }
0x17: {  	[tilespmem:s12], [sflag:$0x1] =	stream.linear.gather [hbm4b:s4+s3], $0x2800, $0x38;
	[tilespmem:$0x1A800] =	vst v63  }
0x18: {  	_ =	swait.ge [sflag:s11], $0x2800  }
0x19: {  	[sflag:s11] =	ssyncset.done $0x0  }
0x1a: {  	s15 =	simm.s32 $0x0;
	[sflag:s11] =	ssyncadd.s32 $0xFFFFD800  }
0x1b: {  	[spmem:s1] =	stream.indirect.scatter.add.f32 [tilespmem:s12], [sflag:$0x1], $0x80, s15, s13, $0xb8;
	[tilespmem:$0x1A800] =	vst v63  }
0x1c: {  	_ =	swait.ge [sflag:s11], $0x2800  }
0x1d: {  	s15 =	simm.s32 $0x200;
	[sflag:s11] =	ssyncset.done $0x0  }
.LBB2_2:
0x1e: {  	s16 =	sshra.s32 s15, $0x2;
	[sflag:s11] =	ssyncadd.s32 $0xFFFFD800;
	p0 =	sne.s32 s15, $0xF800  }
0x1f: {  	[spmem:s1] =	stream.indirect.scatter.add.f32 [tilespmem:s12], [sflag:$0x1], $0x80, s16, s13, $0xb8;
	[tilespmem:$0x1A800] =	vst v63  }
.Ltmp0:
0x20: {  	_ = 	snop;
	(pc) =	sbr.rel @p0 .LBB2_2-.Ltmp0, $4  }
0x21: {  	_ = 	snop  }
0x22: {  	s15 =	sadd.s32 $0x200, s15  }
0x23: {  	_ =	swait.ge [sflag:s11], $0x2800  }
0x24: {  	[sflag:s11] =	ssyncset.done $0x0  }
0x25: {  	s14 =	sadd.s32 $0x1, s14  }
0x26: {  	[sflag:s11] =	ssyncadd.s32 $0xFFFFD800;
	p0 =	sne.s32 s14, s9  }
.Ltmp1:
0x27: {  	[bflag:$0x0] =	sbarrier.arrive $0xFFFF;
	(pc) =	sbr.rel @p0 .LBB2_1-.Ltmp1, $4  }
0x28: {  	[hbm:s8], [sflag:s6] =	dma.local [spmem:s10], $0x2800  }
0x29: {  	_ =	swait.ge [sflag:s11], $0x2800  }
0x2a: {  	[sflag:s11] =	ssyncset.done $0x0  }
0x2b: {  	[sflag:s11] =	ssyncadd.s32 $0xFFFFD800  }
0x2c: {  	_ =	sfence.sel $0x180000  }
0x2d: {  	[bflag:$0x0] =	sbarrier.arrive $0xFFFF  }
0x2e: {  	p0 =	sne.s32 s2, $0x0;
	_ =	strace $0x90000047  }
0x2f: {  	s0 =	sadd.s32 @!p0 $0x100000, s0;
	[bflag:$0x2] =	sbarrier.arrive $0xFFFF  }
0x30: {  	[sflag:s0] =	ssyncadd.tile.s32 @!p0 $0x1;
	_ =	shalt  }
.Lfunc_end2:
_tile_overlayer_lowered:
.L_overlay_start_2:
0x31: {  	(tag) =	ssettag $0x2  }
0x32: {  	s0 =	rddreg [dreg:$0x0];
	s2 =	stileid.u32  }
0x33: {  	s1 =	rddreg [dreg:$0x1];
	p0 =	sne.s32 s2, $0x0  }
0x34: {  	s3 =	rddreg [dreg:$0x2];
	[bflag:$0x3] =	sbarrier.arrive $0xFFFF;
	s2 =	simm.s32 @!p0 $0x1C01  }
0x35: {  	[timem:s3], [sflag:s2] =	dma.local @!p0 [hbm:s0], s1  }
0x36: {  	s0 =	simm.s32 @!p0 $0x1  }
0x37: {  	_ =	swait.ge @!p0 [sflag:s0], s1  }
0x38: {  	s1 =	ssub.s32 @!p0 $0x0, s1;
	[sflag:s0] =	ssyncset.done @!p0 $0x0  }
0x39: {  	[sflag:s0] =	ssyncadd.s32 @!p0 s1  }
0x3a: {  	[bflag:$0x3] =	sbarrier.arrive $0xFFFF  }
0x3b: {  	_ =	shalt  }

// kernel: kernel.19.cloned.1.call-start
scs
__scs_entry_jumppad:
0x0: {  	(pc) =	sbr.rel $0x88, $3  }
0x1: {  	(tag) =	ssettag $0x0;
	lr =	simm.s32 $0x1  }
0x2: {  	[smem:$0x3F93] =	sst lr;
	_ =	strace $0xD0000000  }
0x3: {  	_ = 	snop  }
0x4: {  	_ = 	snop  }
0x5: {  	_ = 	snop  }
0x6: {  	_ = 	snop  }
0x7: {  	_ = 	snop  }
__scs_overlays_trampoline_lowered:
0x8: {  	[smem:$0x3FA2] =	sst s0  }
0x9: {  	[smem:$0x3FA3] =	sst s1  }
0xa: {  	[smem:$0x3FA4] =	sst s2  }
0xb: {  	[smem:$0x3FA5] =	sst s3  }
0xc: {  	[smem:$0x3FA6] =	sst s4  }
0xd: {  	[smem:$0x3FA7] =	sst s5  }
0xe: {  	[smem:$0x3FA8] =	sst s6  }
0xf: {  	[smem:$0x3FA9] =	sst s7  }
0x10: {  	[smem:$0x3FAA] =	sst s8  }
0x11: {  	[smem:$0x3FAB] =	sst s9;
	s0 =	simm.s32 @!p0 $0x0  }
0x12: {  	s1 =	sld [smem:$0x3F91];
	s0 =	simm.s32 @p0 $0x1  }
0x13: {  	[smem:$0x3FAC] =	sst s0;
	s0 =	simm.s32 @!p1 $0x0  }
0x14: {  	s2 =	sld [smem:$0x3F90];
	s0 =	simm.s32 @p1 $0x1  }
0x15: {  	[smem:$0x3FAD] =	sst s0;
	s0 =	simm.s32 @!p2 $0x0  }
0x16: {  	s3 =	sld [smem:$0x3FDB];
	s0 =	simm.s32 @p2 $0x1  }
0x17: {  	s4 =	simm.s32 $0x1BF5;
	[smem:$0x3FAF] =	sst s0  }
0x18: {  	s0 =	sld [smem:$0x3F92];
	_ =	swait.ge [sflag:s4], $0x0  }
0x19: {  	s7 =	sld [smem:$0x3F93]  }
0x1a: {  	s8 =	sadd.s32 $0xFFFFE003, lr  }
0x1b: {  	s9 =	sadd.s32 $0xFFFFFEF7, lr;
	s5 =	simm.s32 $0xFFFFFFFF;
	p2 =	slt.u32 s8, $0xFFFFF086  }
0x1c: {  	p1 =	slt.u32 s9, $0xF7A;
	s5 =	simm.s32 @!p2 $0x0  }
0x1d: {  	s5 =	simm.s32 @p1 $0x1;
	p0 =	seq.s32 s7, s2  }
0x1e: {  	s7 =	smul.u32 @!p0 $0xF7A, s2;
	p2 =	seq.s32 @!p0 s5, $0x0  }
0x1f: {  	s9 =	smul.u32 $0xF7A, s1;
	s8 =	simm.s32 @!p0 $0x1BF5;
	p2 =	por !p2, p0  }
0x20: {  	[sflag:s8] =	ssyncset.s32 @!p0 $0xFFFFF086;
	s6 =	sadd.s32 @!p0 s3, s7;
	s7 =	simm.s32 @!p0 $0x108  }
0x21: {  	s3 =	sadd.s32 s3, s9;
	s6 =	sadd.s32 @!p0 $0x88, s6;
	s7 =	simm.s32 @p2 $0x1082  }
0x22: {  	[simem:s7], [sflag:s8] =	dma.local @!p0 [hbm:s6], $0xF7A  }
0x23: {  	s9 =	sor.u32 $0xD0000000, s2;
	s6 =	simm.s32 $0x108;
	_ =	swait.ge @!p0 [sflag:s8], $0x0  }
0x24: {  	s3 =	sadd.s32 $0x88, s3;
	s6 =	simm.s32 @!p1 $0x1082;
	[sflag:s4] =	ssyncset.s32 $0xFFFFF086  }
0x25: {  	[simem:s6], [sflag:s4] =	dma.local [hbm:s3], $0xF7A  }
0x26: {  	[smem:$0x3F93] =	sst s1;
	(tag) =	ssettag s2;
	_ =	strace s9  }
0x27: {  	s1 =	sld [smem:$0x3FA3]  }
0x28: {  	s2 =	sld [smem:$0x3FA4]  }
0x29: {  	s4 =	sld [smem:$0x3FA6]  }
0x2a: {  	p0 =	seq.s32 s5, $0x0;
	s5 =	sld [smem:$0x3FA7]  }
0x2b: {  	s6 =	sld [smem:$0x3FA8]  }
0x2c: {  	s7 =	sld [smem:$0x3FA9]  }
0x2d: {  	s3 =	simm.s32 $0x108;
	s8 =	sld [smem:$0x3FAA]  }
0x2e: {  	s3 =	simm.s32 @!p0 $0x1082;
	s9 =	sld [smem:$0x3FAB]  }
0x2f: {  	lr =	sadd.s32 s0, s3;
	s0 =	sld [smem:$0x3FA2]  }
0x30: {  	s3 =	sld [smem:$0x3FA5]  }
0x31: {  	[smem:$0x3FAE] =	sst s10  }
0x32: {  	s10 =	sld [smem:$0x3FAC];
	_ =	sdelay $0x3  }
0x33: {  	p0 =	seq.s32 s10, $0x1;
	s10 =	sld [smem:$0x3FAE];
	_ =	sdelay $0x3  }
0x34: {  	[smem:$0x3FAE] =	sst s10  }
0x35: {  	s10 =	sld [smem:$0x3FAD];
	_ =	sdelay $0x3  }
0x36: {  	p1 =	seq.s32 s10, $0x1;
	s10 =	sld [smem:$0x3FAE];
	_ =	sdelay $0x3  }
0x37: {  	[smem:$0x3FAE] =	sst s10  }
0x38: {  	s10 =	sld [smem:$0x3FAF]  }
0x39: {  	_ = 	snop;
	(pc) =	sbr.ind lr, $3  }
0x3a: {  	_ = 	snop  }
0x3b: {  	_ = 	snop  }
0x3c: {  	p2 =	seq.s32 s10, $0x1;
	s10 =	sld [smem:$0x3FAE]  }
0x3d: {  	_ =	shalt  }
0x3e: {  	_ =	shalt  }
0x3f: {  	_ =	shalt  }
0x40: {  	_ =	shalt  }
0x41: {  	_ =	shalt  }
0x42: {  	_ =	shalt  }
0x43: {  	_ =	shalt  }
0x44: {  	_ =	shalt  }
0x45: {  	_ =	shalt  }
0x46: {  	_ =	shalt  }
0x47: {  	_ =	shalt  }
0x48: {  	_ =	shalt  }
0x49: {  	_ =	shalt  }
0x4a: {  	_ =	shalt  }
0x4b: {  	_ =	shalt  }
0x4c: {  	_ =	shalt  }
0x4d: {  	_ =	shalt  }
0x4e: {  	_ =	shalt  }
0x4f: {  	_ =	shalt  }
0x50: {  	_ =	shalt  }
0x51: {  	_ =	shalt  }
0x52: {  	_ =	shalt  }
0x53: {  	_ =	shalt  }
0x54: {  	_ =	shalt  }
0x55: {  	_ =	shalt  }
0x56: {  	_ =	shalt  }
0x57: {  	_ =	shalt  }
0x58: {  	_ =	shalt  }
0x59: {  	_ =	shalt  }
0x5a: {  	_ =	shalt  }
0x5b: {  	_ =	shalt  }
0x5c: {  	_ =	shalt  }
0x5d: {  	_ =	shalt  }
0x5e: {  	_ =	shalt  }
0x5f: {  	_ =	shalt  }
0x60: {  	_ =	shalt  }
0x61: {  	_ =	shalt  }
0x62: {  	_ =	shalt  }
0x63: {  	_ =	shalt  }
0x64: {  	_ =	shalt  }
0x65: {  	_ =	shalt  }
0x66: {  	_ =	shalt  }
0x67: {  	_ =	shalt  }
0x68: {  	_ =	shalt  }
0x69: {  	_ =	shalt  }
0x6a: {  	_ =	shalt  }
0x6b: {  	_ =	shalt  }
0x6c: {  	_ =	shalt  }
0x6d: {  	_ =	shalt  }
0x6e: {  	_ =	shalt  }
0x6f: {  	_ =	shalt  }
0x70: {  	_ =	shalt  }
0x71: {  	_ =	shalt  }
0x72: {  	_ =	shalt  }
0x73: {  	_ =	shalt  }
0x74: {  	_ =	shalt  }
0x75: {  	_ =	shalt  }
0x76: {  	_ =	shalt  }
0x77: {  	_ =	shalt  }
0x78: {  	_ =	shalt  }
0x79: {  	_ =	shalt  }
0x7a: {  	_ =	shalt  }
0x7b: {  	_ =	shalt  }
0x7c: {  	_ =	shalt  }
0x7d: {  	_ =	shalt  }
0x7e: {  	_ =	shalt  }
0x7f: {  	_ =	shalt  }
0x80: {  	_ =	shalt  }
0x81: {  	_ =	shalt  }
0x82: {  	_ =	shalt  }
0x83: {  	_ =	shalt  }
0x84: {  	_ =	shalt  }
0x85: {  	_ =	shalt  }
0x86: {  	_ =	shalt  }
0x87: {  	_ =	shalt  }
.Lfunc_end0:
.L_simem_size_0:
called_computation.1_lowered:
.L_overlay_start_0:
0x88: {  	s2 =	sld [smem:$0x3FD9]  }
0x89: {  	s3 =	sld [smem:$0x3FFE];
	_ =	sdelay $0x1  }
0x8a: {  	s1 =	srdreg.scid  }
0x8b: {  	s0 =	sand.u32 $0x1, s1  }
0x8c: {  	s16 =	sshll.u32 s0, $0xA;
	s2 =	sadd.s32 s3, s2  }
0x8d: {  	s2 =	sadd.s32 s2, s16  }
0x8e: {  	[smem:$0x3FBA] =	sst s2  }
0x8f: {  	_ = 	snop  }
0x90: {  	(tm) =	ssettm $0x1  }
0x91: {  	s17 =	sld [smem:$0x3FFB];
	_ =	sdelay $0x3  }
0x92: {  	_ =	strace s17  }
0x93: {  	s2 =	sld [smem:$0x3FFC];
	_ =	sdelay $0x3  }
0x94: {  	_ =	strace s2  }
0x95: {  	s2 =	sld [smem:$0x3FFD];
	_ =	sdelay $0x3  }
0x96: {  	_ =	strace s2  }
0x97: {  	_ =	strace $0x8FFFFFFF  }
0x98: {  	s18 =	sld [smem:$0x3FDB];
	_ =	sdelay $0x1  }
0x99: {  	s19 =	simm.s32 $_scs_section_size  }
0x9a: {  	s4 =	simm.s32 $_size__tile_overlayer_lowered;
	s5 =	simm.s32 $_tile_overlayer_lowered  }
0x9b: {  	s22 =	simm.s32 $0x1BFF;
	s21 =	sshll.u32 s5, $0x1;
	s2 =	sadd.s32 s19, s18  }
0x9c: {  	s6 =	simm.s32 $0x0;
	s20 =	sshll.u32 s4, $0x1;
	s4 =	sadd.s32 s21, s2  }
0x9d: {  	[timem:s6], [sflag:s22] =	dma.local [hbm:s4], s20  }
0x9e: {  	_ =	swait.ge [sflag:s22], s20  }
0x9f: {  	s3 =	ssub.s32 $0x0, s20;
	[sflag:s22] =	ssyncset.done $0x0  }
0xa0: {  	[sflag:s22] =	ssyncadd.s32 s3;
	_ =	sdelay $0x1  }
0xa1: {  	s23 =	simm.s32 $0x1B8B  }
0xa2: {  	_ =	swait.ge [sflag:s23], $0x1  }
0xa3: {  	[sflag:s23] =	ssyncset.done $0x0  }
0xa4: {  	s25 =	simm.s32 $0x1B8E;
	s24 =	sld [smem:$0x3FFE];
	[sflag:s23] =	ssyncadd.s32 $0xFFFFFFFF  }
0xa5: {  	s26 =	simm.s32 $execute0_lowered;
	[smem:$0x3FD2] =	sst s25  }
0xa6: {  	s4 =	sshll.u32 s26, $0x1;
	_ =	strace $0x80000049;
	[dreg:$0x1] =	wrdreg $0xFFFFFFFF  }
0xa7: {  	s28 =	simm.s32 $_size_execute0_lowered;
	s2 =	sadd.s32 s2, s4;
	[dreg:$0x0] =	wrdreg $0x0  }
0xa8: {  	s4 =	sshll.u32 s28, $0x1;
	[dreg:$0x2] =	wrdreg s2  }
0xa9: {  	[dreg:$0x3] =	wrdreg s4  }
0xaa: {  	[dreg:$0x4] =	wrdreg $0xC0  }
0xab: {  	_ =	task [dreg:s6], $0x5FFFF  }
0xac: {  	[dreg:$0x1] =	wrdreg $0xFFFFFFFF  }
0xad: {  	[dreg:$0x0] =	wrdreg $0x60  }
0xae: {  	[dreg:$0x2] =	wrdreg s24  }
0xaf: {  	[dreg:$0x3] =	wrdreg $0xB8000  }
0xb0: {  	[dreg:$0x4] =	wrdreg $0x9  }
0xb1: {  	_ =	task.clear_ibuf [dreg:s6], $0x5FFFF;
	_ =	strace $0x90000049  }
0xb2: {  	s29 =	simm.s32 $0x9;
	_ =	strace $0x8000004B  }
0xb3: {  	_ =	swait.ge [sflag:s29], $0x1  }
0xb4: {  	[sflag:s29] =	ssyncadd.s32 $0xFFFFFFFF  }
0xb5: {  	_ =	strace $0x9000004B  }
0xb6: {  	_ =	sfence  }
0xb7: {  	s30 =	sld [smem:$0x0];
	_ =	sdelay $0x2  }
0xb8: {  	s31 =	sshll.u32 s1, $0xD;
	s1 =	sshrl.u32 s1, $0x2  }
0xb9: {  	s3 =	sand.u32 $0x4000, s31;
	s1 =	sadd.s32 s1, s30  }
0xba: {  	s0 =	sor.u32 s3, s0;
	s1 =	sshll.u32 s1, $0x11  }
0xbb: {  	s0 =	sor.u32 s1, s0  }
0xbc: {  	s0 =	sadd.s32 $0x8F2B, s0  }
0xbd: {  	[sflag:s0] =	ssyncadd.remote.s32 $0x1  }
0xbe: {  	_ =	sfence.sel $0xFFFF  }
0xbf: {  	[dreg:$0x0] =	wrdreg $0xFFFFFFFF;
	(pc) =	sbr.abs _section_cstart, $3  }
0xc0: {  	[dreg:$0x1] =	wrdreg $0xFFFFFFFF  }
0xc1: {  	_ =	task.clear_ibuf [dreg:s6], $0x2FFFF;
	_ =	strace $0x9FFFFFFF  }
0xc2: {  	(tm) =	ssettm $0x7FFFFFFF  }
0xc3: {  	_ =	shalt  }
tec
execute0_lowered:
.L_overlay_start_1:
0x0: {  	(tag) =	ssettag $0x1  }
0x1: {  	s7 =	rddreg [dreg:$0x0]  }
0x2: {  	s0 =	srdreg.scid;
	s2 =	rddreg [dreg:$0x1]  }
0x3: {  	s3 =	simm.s32 $0x0;
	s15 =	simm.s32 $0x7800;
	s16 =	simm.s32 $0x9800  }
0x4: {  	s17 =	simm.s32 $0x1;
	s18 =	simm.s32 $0x2;
	s6 =	sand.u32 $0x1, s0  }
0x5: {  	s19 =	simm.s32 $0x7700;
	s0 =	stileid.u32;
	s8 =	smul.u32 $0x140000, s6  }
0x6: {  	s20 =	simm.s32 $0x7780;
	s21 =	simm.s32 $0x0;
	s9 =	smul.u32 $0x14000, s0  }
0x7: {  	[smem:$0x7FF] =	sst s3;
	s1 =	sshll.u32 s6, $0x4;
	s30 =	smul.u32 $0x50000, s0  }
0x8: {  	s6 =	ssub.s32 $0x2, s6;
	s12 =	sshll.u32 s0, $0x6;
	s4 =	sor.u32 s0, s1  }
0x9: {  	s1 =	rddreg [dreg:$0x2];
	_ =	strace $0x8000004A;
	s5 =	smul.u32 $0x500, s4  }
0xa: {  	s31 =	sshrl.u32 s6, $0x1;
	s10 =	smul.u32 $0xA00, s4;
	s4 =	sadd.s32 $0x17800, s7  }
0xb: {  	s28 =	sadd.s32 s9, s8;
	s13 =	ssub.s32 s6, s31;
	s6 =	sor.u32 $0x1C03, s12  }
0xc: {  	s12 =	simm.s32 $0x3;
	s9 =	sshrl.u32 s28, $0x3;
	s11 =	sadd.s32 s5, s7  }
0xd: {  	s29 =	sadd.s32 s10, s7;
	s5 =	sadd.s32 $0x15000, s7;
	s10 =	sshrl.u32 s30, $0x2  }
0xe: {  	s9 =	sadd.s32 s9, s7;
	s14 =	sadd.s32 s10, s2;
	s7 =	sadd.s32 $0x67E00, s11  }
0xf: {  	s8 =	sadd.s32 $0x71E00, s29;
	s9 =	sadd.s32 $0x86600, s9;
	s10 =	smax.u32 s13, $0x1  }
0x10: {  	s13 =	simm.s32 $0x2800;
	s11 =	sshrl.u32 s14, $0x3;
	s14 =	simm.s32 $0x40  }
.LBB2_1:
0x11: {  	[spmem:s11], [sflag:s6] =	dma.local [hbm:s5], $0x2800  }
0x12: {  	_ =	swait.ge [sflag:s12], $0x2800  }
0x13: {  	[sflag:s12] =	ssyncset.done $0x0  }
0x14: {  	[sflag:s12] =	ssyncadd.s32 $0xFFFFD800  }
0x15: {  	[bflag:$0x0] =	sbarrier.arrive $0xFFFF  }
0x16: {  	[tilespmem:s3], [sflag:$0x3] =	stream.linear.gather [hbm4b:s7+s3], $0x2800, $0x38;
	[tilespmem:$0x1F800] =	vst v63  }
0x17: {  	_ =	swait.ge [sflag:s12], $0x2800  }
0x18: {  	[sflag:s12] =	ssyncset.done $0x0  }
0x19: {  	[sflag:s12] =	ssyncadd.s32 $0xFFFFD800  }
0x1a: {  	[tilespmem:s13], [sflag:$0x3] =	stream.linear.gather [hbm4b:s8+s3], $0x5000, $0x38;
	[tilespmem:$0x1F800] =	vst v63  }
0x1b: {  	_ =	swait.ge [sflag:s12], $0x5000  }
0x1c: {  	[sflag:s12] =	ssyncset.done $0x0  }
0x1d: {  	[sflag:s12] =	ssyncadd.s32 $0xFFFFB000  }
0x1e: {  	[tilespmem:s15], [sflag:$0x1] =	stream.indirect.gather [hbm4b:s4+s14], $0x80, s3, s14, $0xb8;
	[tilespmem:$0x1F800] =	vst v63  }
0x1f: {  	_ = 	snop  }
0x20: {  	[tilespmem:s16], [sflag:$0x2] =	stream.indirect.gather [hbm4b:s4+s14], $0x80, s14, s14, $0xb8;
	[tilespmem:$0x1F800] =	vst v63  }
0x21: {  	_ =	swait.ge [sflag:s17], $0x2000  }
0x22: {  	[sflag:s17] =	ssyncset.done $0x0  }
0x23: {  	s22 =	simm.s32 $0x2800;
	[sflag:s17] =	ssyncadd.s32 $0xFFFFE000  }
0x24: {  	[spmem:s2] =	stream.indirect.scatter.add.f32 [tilespmem:s15], [sflag:$0x3], $0x80, s22, s14, $0xb8;
	[tilespmem:$0x1F800] =	vst v63  }
0x25: {  	_ =	swait.ge [sflag:s12], $0x2000  }
0x26: {  	[sflag:s12] =	ssyncset.done $0x0  }
0x27: {  	s30 =	simm.s32 $0x80;
	[sflag:s12] =	ssyncadd.s32 $0xFFFFE000  }
0x28: {  	[tilespmem:s15], [sflag:$0x1] =	stream.indirect.gather [hbm4b:s4+s14], $0x80, s30, s14, $0xb8;
	[tilespmem:$0x1F800] =	vst v63  }
0x29: {  	_ =	swait.ge [sflag:s18], $0x2000  }
0x2a: {  	[sflag:s18] =	ssyncset.done $0x0  }
0x2b: {  	s31 =	simm.s32 $0x2880;
	[sflag:s18] =	ssyncadd.s32 $0xFFFFE000  }
0x2c: {  	[spmem:s2] =	stream.indirect.scatter.add.f32 [tilespmem:s16], [sflag:$0x3], $0x80, s31, s14, $0xb8;
	[tilespmem:$0x1F800] =	vst v63  }
0x2d: {  	_ =	swait.ge [sflag:s12], $0x2000  }
0x2e: {  	s24 =	simm.s32 $0xC0;
	[sflag:s12] =	ssyncset.done $0x0  }
0x2f: {  	s23 =	simm.s32 $0x100;
	s22 =	simm.s32 $0x400;
	[sflag:s12] =	ssyncadd.s32 $0xFFFFE000  }
.LBB2_2:
0x30: {  	[tilespmem:s16], [sflag:$0x2] =	stream.indirect.gather [hbm4b:s4+s14], $0x80, s24, s14, $0xb8;
	[tilespmem:$0x1F800] =	vst v63  }
0x31: {  	s24 =	smov.u32 s22  }
0x32: {  	p0 =	sne.s32 s22, $0x13800;
	s22 =	sadd.s32 $0x400, s22;
	_ =	swait.ge [sflag:s17], $0x2000  }
0x33: {  	s24 =	sshra.s32 s24, $0x2;
	[sflag:s17] =	ssyncset.done $0x0  }
0x34: {  	s25 =	sadd.s32 $0x2800, s24;
	[sflag:s17] =	ssyncadd.s32 $0xFFFFE000  }
0x35: {  	[spmem:s2] =	stream.indirect.scatter.add.f32 [tilespmem:s15], [sflag:$0x3], $0x80, s25, s14, $0xb8;
	[tilespmem:$0x1F800] =	vst v63  }
0x36: {  	_ =	swait.ge [sflag:s12], $0x2000  }
0x37: {  	[sflag:s12] =	ssyncset.done $0x0  }
0x38: {  	[sflag:s12] =	ssyncadd.s32 $0xFFFFE000  }
0x39: {  	[tilespmem:s15], [sflag:$0x1] =	stream.indirect.gather [hbm4b:s4+s14], $0x80, s23, s14, $0xb8;
	[tilespmem:$0x1F800] =	vst v63  }
0x3a: {  	_ =	swait.ge [sflag:s18], $0x2000  }
0x3b: {  	[sflag:s18] =	ssyncset.done $0x0  }
.Ltmp0:
0x3c: {  	s24 =	sadd.s32 $0x2880, s24;
	[sflag:s18] =	ssyncadd.s32 $0xFFFFE000;
	(pc) =	sbr.rel @p0 .LBB2_2-.Ltmp0, $4  }
0x3d: {  	[spmem:s2] =	stream.indirect.scatter.add.f32 [tilespmem:s16], [sflag:$0x3], $0x80, s24, s14, $0xb8;
	[tilespmem:$0x1F800] =	vst v63  }
0x3e: {  	_ =	swait.ge [sflag:s12], $0x2000  }
0x3f: {  	[sflag:s12] =	ssyncset.done $0x0  }
0x40: {  	s24 =	sadd.s32 $0x40, s23;
	s23 =	sadd.s32 $0x80, s23;
	[sflag:s12] =	ssyncadd.s32 $0xFFFFE000  }
0x41: {  	[tilespmem:s16], [sflag:$0x2] =	stream.indirect.gather [hbm4b:s4+s14], $0x80, s24, s14, $0xb8;
	[tilespmem:$0x1F800] =	vst v63  }
0x42: {  	_ =	swait.ge [sflag:s17], $0x2000  }
0x43: {  	[sflag:s17] =	ssyncset.done $0x0  }
0x44: {  	[sflag:s17] =	ssyncadd.s32 $0xFFFFE000  }
0x45: {  	[spmem:s2] =	stream.indirect.scatter.add.f32 [tilespmem:s15], [sflag:$0x3], $0x80, s19, s14, $0xb8;
	[tilespmem:$0x1F800] =	vst v63  }
0x46: {  	_ =	swait.ge [sflag:s12], $0x2000  }
0x47: {  	[sflag:s12] =	ssyncset.done $0x0  }
0x48: {  	[sflag:s12] =	ssyncadd.s32 $0xFFFFE000  }
0x49: {  	_ =	swait.ge [sflag:s18], $0x2000  }
0x4a: {  	[sflag:s18] =	ssyncset.done $0x0  }
0x4b: {  	[sflag:s18] =	ssyncadd.s32 $0xFFFFE000  }
0x4c: {  	[spmem:s2] =	stream.indirect.scatter.add.f32 [tilespmem:s16], [sflag:$0x3], $0x80, s20, s14, $0xb8;
	[tilespmem:$0x1F800] =	vst v63  }
0x4d: {  	_ =	swait.ge [sflag:s12], $0x2000  }
0x4e: {  	s21 =	sadd.s32 $0x1, s21;
	[sflag:s12] =	ssyncset.done $0x0  }
0x4f: {  	p0 =	sne.s32 s21, s10;
	[sflag:s12] =	ssyncadd.s32 $0xFFFFE000  }
.Ltmp1:
0x50: {  	[bflag:$0x0] =	sbarrier.arrive $0xFFFF;
	(pc) =	sbr.rel @p0 .LBB2_1-.Ltmp1, $4  }
0x51: {  	[hbm:s9], [sflag:s6] =	dma.local [spmem:s11], $0x2800  }
0x52: {  	_ =	swait.ge [sflag:s12], $0x2800  }
0x53: {  	[sflag:s12] =	ssyncset.done $0x0  }
0x54: {  	[sflag:s12] =	ssyncadd.s32 $0xFFFFD800  }
0x55: {  	_ =	sfence.sel $0x180000  }
0x56: {  	[bflag:$0x0] =	sbarrier.arrive $0xFFFF  }
0x57: {  	p0 =	sne.s32 s0, $0x0;
	_ =	strace $0x9000004A  }
0x58: {  	s0 =	sadd.s32 @!p0 $0x100000, s1;
	[bflag:$0x2] =	sbarrier.arrive $0xFFFF  }
0x59: {  	[sflag:s0] =	ssyncadd.tile.s32 @!p0 $0x1;
	_ =	shalt  }
.Lfunc_end2:
_tile_overlayer_lowered:
.L_overlay_start_2:
0x5a: {  	(tag) =	ssettag $0x2  }
0x5b: {  	s0 =	rddreg [dreg:$0x0];
	s2 =	stileid.u32  }
0x5c: {  	s1 =	rddreg [dreg:$0x1];
	p0 =	sne.s32 s2, $0x0  }
0x5d: {  	s3 =	rddreg [dreg:$0x2];
	[bflag:$0x3] =	sbarrier.arrive $0xFFFF;
	s2 =	simm.s32 @!p0 $0x1C03  }
0x5e: {  	[timem:s3], [sflag:s2] =	dma.local @!p0 [hbm:s0], s1  }
0x5f: {  	s0 =	simm.s32 @!p0 $0x3  }
0x60: {  	_ =	swait.ge @!p0 [sflag:s0], s1  }
0x61: {  	s1 =	ssub.s32 @!p0 $0x0, s1;
	[sflag:s0] =	ssyncset.done @!p0 $0x0  }
0x62: {  	[sflag:s0] =	ssyncadd.s32 @!p0 s1  }
0x63: {  	[bflag:$0x3] =	sbarrier.arrive $0xFFFF  }
0x64: {  	_ =	shalt  }

// kernel: kernel.22.cloned.1.call-start
scs
__scs_entry_jumppad:
0x0: {  	(pc) =	sbr.rel $0x88, $3  }
0x1: {  	(tag) =	ssettag $0x0;
	lr =	simm.s32 $0x1  }
0x2: {  	[smem:$0x3F93] =	sst lr;
	_ =	strace $0xD0000000  }
0x3: {  	_ = 	snop  }
0x4: {  	_ = 	snop  }
0x5: {  	_ = 	snop  }
0x6: {  	_ = 	snop  }
0x7: {  	_ = 	snop  }
__scs_overlays_trampoline_lowered:
0x8: {  	[smem:$0x3FA2] =	sst s0  }
0x9: {  	[smem:$0x3FA3] =	sst s1  }
0xa: {  	[smem:$0x3FA4] =	sst s2  }
0xb: {  	[smem:$0x3FA5] =	sst s3  }
0xc: {  	[smem:$0x3FA6] =	sst s4  }
0xd: {  	[smem:$0x3FA7] =	sst s5  }
0xe: {  	[smem:$0x3FA8] =	sst s6  }
0xf: {  	[smem:$0x3FA9] =	sst s7  }
0x10: {  	[smem:$0x3FAA] =	sst s8  }
0x11: {  	[smem:$0x3FAB] =	sst s9;
	s0 =	simm.s32 @!p0 $0x0  }
0x12: {  	s1 =	sld [smem:$0x3F91];
	s0 =	simm.s32 @p0 $0x1  }
0x13: {  	[smem:$0x3FAC] =	sst s0;
	s0 =	simm.s32 @!p1 $0x0  }
0x14: {  	s2 =	sld [smem:$0x3F90];
	s0 =	simm.s32 @p1 $0x1  }
0x15: {  	[smem:$0x3FAD] =	sst s0;
	s0 =	simm.s32 @!p2 $0x0  }
0x16: {  	s3 =	sld [smem:$0x3FDB];
	s0 =	simm.s32 @p2 $0x1  }
0x17: {  	s4 =	simm.s32 $0x1BF5;
	[smem:$0x3FAF] =	sst s0  }
0x18: {  	s0 =	sld [smem:$0x3F92];
	_ =	swait.ge [sflag:s4], $0x0  }
0x19: {  	s7 =	sld [smem:$0x3F93]  }
0x1a: {  	s8 =	sadd.s32 $0xFFFFE003, lr  }
0x1b: {  	s9 =	sadd.s32 $0xFFFFFEF7, lr;
	s5 =	simm.s32 $0xFFFFFFFF;
	p2 =	slt.u32 s8, $0xFFFFF086  }
0x1c: {  	p1 =	slt.u32 s9, $0xF7A;
	s5 =	simm.s32 @!p2 $0x0  }
0x1d: {  	s5 =	simm.s32 @p1 $0x1;
	p0 =	seq.s32 s7, s2  }
0x1e: {  	s7 =	smul.u32 @!p0 $0xF7A, s2;
	p2 =	seq.s32 @!p0 s5, $0x0  }
0x1f: {  	s9 =	smul.u32 $0xF7A, s1;
	s8 =	simm.s32 @!p0 $0x1BF5;
	p2 =	por !p2, p0  }
0x20: {  	[sflag:s8] =	ssyncset.s32 @!p0 $0xFFFFF086;
	s6 =	sadd.s32 @!p0 s3, s7;
	s7 =	simm.s32 @!p0 $0x108  }
0x21: {  	s3 =	sadd.s32 s3, s9;
	s6 =	sadd.s32 @!p0 $0x88, s6;
	s7 =	simm.s32 @p2 $0x1082  }
0x22: {  	[simem:s7], [sflag:s8] =	dma.local @!p0 [hbm:s6], $0xF7A  }
0x23: {  	s9 =	sor.u32 $0xD0000000, s2;
	s6 =	simm.s32 $0x108;
	_ =	swait.ge @!p0 [sflag:s8], $0x0  }
0x24: {  	s3 =	sadd.s32 $0x88, s3;
	s6 =	simm.s32 @!p1 $0x1082;
	[sflag:s4] =	ssyncset.s32 $0xFFFFF086  }
0x25: {  	[simem:s6], [sflag:s4] =	dma.local [hbm:s3], $0xF7A  }
0x26: {  	[smem:$0x3F93] =	sst s1;
	(tag) =	ssettag s2;
	_ =	strace s9  }
0x27: {  	s1 =	sld [smem:$0x3FA3]  }
0x28: {  	s2 =	sld [smem:$0x3FA4]  }
0x29: {  	s4 =	sld [smem:$0x3FA6]  }
0x2a: {  	p0 =	seq.s32 s5, $0x0;
	s5 =	sld [smem:$0x3FA7]  }
0x2b: {  	s6 =	sld [smem:$0x3FA8]  }
0x2c: {  	s7 =	sld [smem:$0x3FA9]  }
0x2d: {  	s3 =	simm.s32 $0x108;
	s8 =	sld [smem:$0x3FAA]  }
0x2e: {  	s3 =	simm.s32 @!p0 $0x1082;
	s9 =	sld [smem:$0x3FAB]  }
0x2f: {  	lr =	sadd.s32 s0, s3;
	s0 =	sld [smem:$0x3FA2]  }
0x30: {  	s3 =	sld [smem:$0x3FA5]  }
0x31: {  	[smem:$0x3FAE] =	sst s10  }
0x32: {  	s10 =	sld [smem:$0x3FAC];
	_ =	sdelay $0x3  }
0x33: {  	p0 =	seq.s32 s10, $0x1;
	s10 =	sld [smem:$0x3FAE];
	_ =	sdelay $0x3  }
0x34: {  	[smem:$0x3FAE] =	sst s10  }
0x35: {  	s10 =	sld [smem:$0x3FAD];
	_ =	sdelay $0x3  }
0x36: {  	p1 =	seq.s32 s10, $0x1;
	s10 =	sld [smem:$0x3FAE];
	_ =	sdelay $0x3  }
0x37: {  	[smem:$0x3FAE] =	sst s10  }
0x38: {  	s10 =	sld [smem:$0x3FAF]  }
0x39: {  	_ = 	snop;
	(pc) =	sbr.ind lr, $3  }
0x3a: {  	_ = 	snop  }
0x3b: {  	_ = 	snop  }
0x3c: {  	p2 =	seq.s32 s10, $0x1;
	s10 =	sld [smem:$0x3FAE]  }
0x3d: {  	_ =	shalt  }
0x3e: {  	_ =	shalt  }
0x3f: {  	_ =	shalt  }
0x40: {  	_ =	shalt  }
0x41: {  	_ =	shalt  }
0x42: {  	_ =	shalt  }
0x43: {  	_ =	shalt  }
0x44: {  	_ =	shalt  }
0x45: {  	_ =	shalt  }
0x46: {  	_ =	shalt  }
0x47: {  	_ =	shalt  }
0x48: {  	_ =	shalt  }
0x49: {  	_ =	shalt  }
0x4a: {  	_ =	shalt  }
0x4b: {  	_ =	shalt  }
0x4c: {  	_ =	shalt  }
0x4d: {  	_ =	shalt  }
0x4e: {  	_ =	shalt  }
0x4f: {  	_ =	shalt  }
0x50: {  	_ =	shalt  }
0x51: {  	_ =	shalt  }
0x52: {  	_ =	shalt  }
0x53: {  	_ =	shalt  }
0x54: {  	_ =	shalt  }
0x55: {  	_ =	shalt  }
0x56: {  	_ =	shalt  }
0x57: {  	_ =	shalt  }
0x58: {  	_ =	shalt  }
0x59: {  	_ =	shalt  }
0x5a: {  	_ =	shalt  }
0x5b: {  	_ =	shalt  }
0x5c: {  	_ =	shalt  }
0x5d: {  	_ =	shalt  }
0x5e: {  	_ =	shalt  }
0x5f: {  	_ =	shalt  }
0x60: {  	_ =	shalt  }
0x61: {  	_ =	shalt  }
0x62: {  	_ =	shalt  }
0x63: {  	_ =	shalt  }
0x64: {  	_ =	shalt  }
0x65: {  	_ =	shalt  }
0x66: {  	_ =	shalt  }
0x67: {  	_ =	shalt  }
0x68: {  	_ =	shalt  }
0x69: {  	_ =	shalt  }
0x6a: {  	_ =	shalt  }
0x6b: {  	_ =	shalt  }
0x6c: {  	_ =	shalt  }
0x6d: {  	_ =	shalt  }
0x6e: {  	_ =	shalt  }
0x6f: {  	_ =	shalt  }
0x70: {  	_ =	shalt  }
0x71: {  	_ =	shalt  }
0x72: {  	_ =	shalt  }
0x73: {  	_ =	shalt  }
0x74: {  	_ =	shalt  }
0x75: {  	_ =	shalt  }
0x76: {  	_ =	shalt  }
0x77: {  	_ =	shalt  }
0x78: {  	_ =	shalt  }
0x79: {  	_ =	shalt  }
0x7a: {  	_ =	shalt  }
0x7b: {  	_ =	shalt  }
0x7c: {  	_ =	shalt  }
0x7d: {  	_ =	shalt  }
0x7e: {  	_ =	shalt  }
0x7f: {  	_ =	shalt  }
0x80: {  	_ =	shalt  }
0x81: {  	_ =	shalt  }
0x82: {  	_ =	shalt  }
0x83: {  	_ =	shalt  }
0x84: {  	_ =	shalt  }
0x85: {  	_ =	shalt  }
0x86: {  	_ =	shalt  }
0x87: {  	_ =	shalt  }
.Lfunc_end0:
.L_simem_size_0:
called_computation.2_lowered:
.L_overlay_start_0:
0x88: {  	s2 =	sld [smem:$0x3FD9]  }
0x89: {  	s3 =	sld [smem:$0x3FFE];
	_ =	sdelay $0x1  }
0x8a: {  	s1 =	srdreg.scid  }
0x8b: {  	s0 =	sand.u32 $0x1, s1  }
0x8c: {  	s16 =	sshll.u32 s0, $0xA;
	s2 =	sadd.s32 s3, s2  }
0x8d: {  	s2 =	sadd.s32 s2, s16  }
0x8e: {  	[smem:$0x3FBA] =	sst s2  }
0x8f: {  	_ = 	snop  }
0x90: {  	(tm) =	ssettm $0x1  }
0x91: {  	s17 =	sld [smem:$0x3FFB];
	_ =	sdelay $0x3  }
0x92: {  	_ =	strace s17  }
0x93: {  	s2 =	sld [smem:$0x3FFC];
	_ =	sdelay $0x3  }
0x94: {  	_ =	strace s2  }
0x95: {  	s2 =	sld [smem:$0x3FFD];
	_ =	sdelay $0x3  }
0x96: {  	_ =	strace s2  }
0x97: {  	_ =	strace $0x8FFFFFFF  }
0x98: {  	s18 =	sld [smem:$0x3FDB];
	_ =	sdelay $0x1  }
0x99: {  	s19 =	simm.s32 $_scs_section_size  }
0x9a: {  	s4 =	simm.s32 $_size__tile_overlayer_lowered;
	s5 =	simm.s32 $_tile_overlayer_lowered  }
0x9b: {  	s22 =	simm.s32 $0x1BFF;
	s21 =	sshll.u32 s5, $0x1;
	s2 =	sadd.s32 s19, s18  }
0x9c: {  	s6 =	simm.s32 $0x0;
	s20 =	sshll.u32 s4, $0x1;
	s4 =	sadd.s32 s21, s2  }
0x9d: {  	[timem:s6], [sflag:s22] =	dma.local [hbm:s4], s20  }
0x9e: {  	_ =	swait.ge [sflag:s22], s20  }
0x9f: {  	s3 =	ssub.s32 $0x0, s20;
	[sflag:s22] =	ssyncset.done $0x0  }
0xa0: {  	[sflag:s22] =	ssyncadd.s32 s3;
	_ =	sdelay $0x1  }
0xa1: {  	s23 =	simm.s32 $0x1B8B  }
0xa2: {  	_ =	swait.ge [sflag:s23], $0x1  }
0xa3: {  	[sflag:s23] =	ssyncset.done $0x0  }
0xa4: {  	s25 =	simm.s32 $0x1B8E;
	s24 =	sld [smem:$0x3FFE];
	[sflag:s23] =	ssyncadd.s32 $0xFFFFFFFF  }
0xa5: {  	s26 =	simm.s32 $execute0_lowered;
	[smem:$0x3FD2] =	sst s25  }
0xa6: {  	s4 =	sshll.u32 s26, $0x1;
	_ =	strace $0x8000004C;
	[dreg:$0x1] =	wrdreg $0xFFFFFFFF  }
0xa7: {  	s28 =	simm.s32 $_size_execute0_lowered;
	s2 =	sadd.s32 s2, s4;
	[dreg:$0x0] =	wrdreg $0x0  }
0xa8: {  	s4 =	sshll.u32 s28, $0x1;
	[dreg:$0x2] =	wrdreg s2  }
0xa9: {  	[dreg:$0x3] =	wrdreg s4  }
0xaa: {  	[dreg:$0x4] =	wrdreg $0xC0  }
0xab: {  	_ =	task [dreg:s6], $0x5FFFF  }
0xac: {  	[dreg:$0x1] =	wrdreg $0xFFFFFFFF  }
0xad: {  	[dreg:$0x0] =	wrdreg $0x60  }
0xae: {  	[dreg:$0x2] =	wrdreg s24  }
0xaf: {  	[dreg:$0x3] =	wrdreg $0xB8000  }
0xb0: {  	[dreg:$0x4] =	wrdreg $0x9  }
0xb1: {  	_ =	task.clear_ibuf [dreg:s6], $0x5FFFF;
	_ =	strace $0x9000004C  }
0xb2: {  	s29 =	simm.s32 $0x9;
	_ =	strace $0x8000004E  }
0xb3: {  	_ =	swait.ge [sflag:s29], $0x1  }
0xb4: {  	[sflag:s29] =	ssyncadd.s32 $0xFFFFFFFF  }
0xb5: {  	_ =	strace $0x9000004E  }
0xb6: {  	_ =	sfence  }
0xb7: {  	s30 =	sld [smem:$0x0];
	_ =	sdelay $0x2  }
0xb8: {  	s31 =	sshll.u32 s1, $0xD;
	s1 =	sshrl.u32 s1, $0x2  }
0xb9: {  	s3 =	sand.u32 $0x4000, s31;
	s1 =	sadd.s32 s1, s30  }
0xba: {  	s0 =	sor.u32 s3, s0;
	s1 =	sshll.u32 s1, $0x11  }
0xbb: {  	s0 =	sor.u32 s1, s0  }
0xbc: {  	s0 =	sadd.s32 $0x8F2B, s0  }
0xbd: {  	[sflag:s0] =	ssyncadd.remote.s32 $0x1  }
0xbe: {  	_ =	sfence.sel $0xFFFF  }
0xbf: {  	[dreg:$0x0] =	wrdreg $0xFFFFFFFF;
	(pc) =	sbr.abs _section_cstart, $3  }
0xc0: {  	[dreg:$0x1] =	wrdreg $0xFFFFFFFF  }
0xc1: {  	_ =	task.clear_ibuf [dreg:s6], $0x2FFFF;
	_ =	strace $0x9FFFFFFF  }
0xc2: {  	(tm) =	ssettm $0x7FFFFFFF  }
0xc3: {  	_ =	shalt  }
tec
execute0_lowered:
.L_overlay_start_1:
0x0: {  	(tag) =	ssettag $0x1  }
0x1: {  	s7 =	rddreg [dreg:$0x0]  }
0x2: {  	s0 =	srdreg.scid;
	s2 =	rddreg [dreg:$0x1]  }
0x3: {  	s3 =	simm.s32 $0x0;
	s15 =	simm.s32 $0x7800;
	s16 =	simm.s32 $0x9800  }
0x4: {  	s17 =	simm.s32 $0x1;
	s18 =	simm.s32 $0x2;
	s6 =	sand.u32 $0x1, s0  }
0x5: {  	s19 =	simm.s32 $0x7700;
	s0 =	stileid.u32;
	s8 =	smul.u32 $0x140000, s6  }
0x6: {  	s20 =	simm.s32 $0x7780;
	s21 =	simm.s32 $0x0;
	s9 =	smul.u32 $0x14000, s0  }
0x7: {  	[smem:$0x7FF] =	sst s3;
	s1 =	sshll.u32 s6, $0x4;
	s30 =	smul.u32 $0x50000, s0  }
0x8: {  	s6 =	ssub.s32 $0x2, s6;
	s12 =	sshll.u32 s0, $0x6;
	s4 =	sor.u32 s0, s1  }
0x9: {  	s1 =	rddreg [dreg:$0x2];
	_ =	strace $0x8000004D;
	s5 =	smul.u32 $0x500, s4  }
0xa: {  	s31 =	sshrl.u32 s6, $0x1;
	s10 =	smul.u32 $0xA00, s4;
	s4 =	sadd.s32 $0x17800, s7  }
0xb: {  	s28 =	sadd.s32 s9, s8;
	s13 =	ssub.s32 s6, s31;
	s6 =	sor.u32 $0x1C03, s12  }
0xc: {  	s12 =	simm.s32 $0x3;
	s9 =	sshrl.u32 s28, $0x3;
	s11 =	sadd.s32 s5, s7  }
0xd: {  	s29 =	sadd.s32 s10, s7;
	s5 =	sadd.s32 $0x15000, s7;
	s10 =	sshrl.u32 s30, $0x2  }
0xe: {  	s9 =	sadd.s32 s9, s7;
	s14 =	sadd.s32 s10, s2;
	s7 =	sadd.s32 $0x67E00, s11  }
0xf: {  	s8 =	sadd.s32 $0x71E00, s29;
	s9 =	sadd.s32 $0x86600, s9;
	s10 =	smax.u32 s13, $0x1  }
0x10: {  	s13 =	simm.s32 $0x2800;
	s11 =	sshrl.u32 s14, $0x3;
	s14 =	simm.s32 $0x40  }
.LBB2_1:
0x11: {  	[spmem:s11], [sflag:s6] =	dma.local [hbm:s5], $0x2800  }
0x12: {  	_ =	swait.ge [sflag:s12], $0x2800  }
0x13: {  	[sflag:s12] =	ssyncset.done $0x0  }
0x14: {  	[sflag:s12] =	ssyncadd.s32 $0xFFFFD800  }
0x15: {  	[bflag:$0x0] =	sbarrier.arrive $0xFFFF  }
0x16: {  	[tilespmem:s3], [sflag:$0x3] =	stream.linear.gather [hbm4b:s7+s3], $0x2800, $0x38;
	[tilespmem:$0x1F800] =	vst v63  }
0x17: {  	_ =	swait.ge [sflag:s12], $0x2800  }
0x18: {  	[sflag:s12] =	ssyncset.done $0x0  }
0x19: {  	[sflag:s12] =	ssyncadd.s32 $0xFFFFD800  }
0x1a: {  	[tilespmem:s13], [sflag:$0x3] =	stream.linear.gather [hbm4b:s8+s3], $0x5000, $0x38;
	[tilespmem:$0x1F800] =	vst v63  }
0x1b: {  	_ =	swait.ge [sflag:s12], $0x5000  }
0x1c: {  	[sflag:s12] =	ssyncset.done $0x0  }
0x1d: {  	[sflag:s12] =	ssyncadd.s32 $0xFFFFB000  }
0x1e: {  	[tilespmem:s15], [sflag:$0x1] =	stream.indirect.gather [hbm4b:s4+s14], $0x80, s3, s14, $0xb8;
	[tilespmem:$0x1F800] =	vst v63  }
0x1f: {  	_ = 	snop  }
0x20: {  	[tilespmem:s16], [sflag:$0x2] =	stream.indirect.gather [hbm4b:s4+s14], $0x80, s14, s14, $0xb8;
	[tilespmem:$0x1F800] =	vst v63  }
0x21: {  	_ =	swait.ge [sflag:s17], $0x2000  }
0x22: {  	[sflag:s17] =	ssyncset.done $0x0  }
0x23: {  	s22 =	simm.s32 $0x2800;
	[sflag:s17] =	ssyncadd.s32 $0xFFFFE000  }
0x24: {  	[spmem:s2] =	stream.indirect.scatter.add.f32 [tilespmem:s15], [sflag:$0x3], $0x80, s22, s14, $0xb8;
	[tilespmem:$0x1F800] =	vst v63  }
0x25: {  	_ =	swait.ge [sflag:s12], $0x2000  }
0x26: {  	[sflag:s12] =	ssyncset.done $0x0  }
0x27: {  	s30 =	simm.s32 $0x80;
	[sflag:s12] =	ssyncadd.s32 $0xFFFFE000  }
0x28: {  	[tilespmem:s15], [sflag:$0x1] =	stream.indirect.gather [hbm4b:s4+s14], $0x80, s30, s14, $0xb8;
	[tilespmem:$0x1F800] =	vst v63  }
0x29: {  	_ =	swait.ge [sflag:s18], $0x2000  }
0x2a: {  	[sflag:s18] =	ssyncset.done $0x0  }
0x2b: {  	s31 =	simm.s32 $0x2880;
	[sflag:s18] =	ssyncadd.s32 $0xFFFFE000  }
0x2c: {  	[spmem:s2] =	stream.indirect.scatter.add.f32 [tilespmem:s16], [sflag:$0x3], $0x80, s31, s14, $0xb8;
	[tilespmem:$0x1F800] =	vst v63  }
0x2d: {  	_ =	swait.ge [sflag:s12], $0x2000  }
0x2e: {  	s24 =	simm.s32 $0xC0;
	[sflag:s12] =	ssyncset.done $0x0  }
0x2f: {  	s23 =	simm.s32 $0x100;
	s22 =	simm.s32 $0x400;
	[sflag:s12] =	ssyncadd.s32 $0xFFFFE000  }
.LBB2_2:
0x30: {  	[tilespmem:s16], [sflag:$0x2] =	stream.indirect.gather [hbm4b:s4+s14], $0x80, s24, s14, $0xb8;
	[tilespmem:$0x1F800] =	vst v63  }
0x31: {  	s24 =	smov.u32 s22  }
0x32: {  	p0 =	sne.s32 s22, $0x13800;
	s22 =	sadd.s32 $0x400, s22;
	_ =	swait.ge [sflag:s17], $0x2000  }
0x33: {  	s24 =	sshra.s32 s24, $0x2;
	[sflag:s17] =	ssyncset.done $0x0  }
0x34: {  	s25 =	sadd.s32 $0x2800, s24;
	[sflag:s17] =	ssyncadd.s32 $0xFFFFE000  }
0x35: {  	[spmem:s2] =	stream.indirect.scatter.add.f32 [tilespmem:s15], [sflag:$0x3], $0x80, s25, s14, $0xb8;
	[tilespmem:$0x1F800] =	vst v63  }
0x36: {  	_ =	swait.ge [sflag:s12], $0x2000  }
0x37: {  	[sflag:s12] =	ssyncset.done $0x0  }
0x38: {  	[sflag:s12] =	ssyncadd.s32 $0xFFFFE000  }
0x39: {  	[tilespmem:s15], [sflag:$0x1] =	stream.indirect.gather [hbm4b:s4+s14], $0x80, s23, s14, $0xb8;
	[tilespmem:$0x1F800] =	vst v63  }
0x3a: {  	_ =	swait.ge [sflag:s18], $0x2000  }
0x3b: {  	[sflag:s18] =	ssyncset.done $0x0  }
.Ltmp0:
0x3c: {  	s24 =	sadd.s32 $0x2880, s24;
	[sflag:s18] =	ssyncadd.s32 $0xFFFFE000;
	(pc) =	sbr.rel @p0 .LBB2_2-.Ltmp0, $4  }
0x3d: {  	[spmem:s2] =	stream.indirect.scatter.add.f32 [tilespmem:s16], [sflag:$0x3], $0x80, s24, s14, $0xb8;
	[tilespmem:$0x1F800] =	vst v63  }
0x3e: {  	_ =	swait.ge [sflag:s12], $0x2000  }
0x3f: {  	[sflag:s12] =	ssyncset.done $0x0  }
0x40: {  	s24 =	sadd.s32 $0x40, s23;
	s23 =	sadd.s32 $0x80, s23;
	[sflag:s12] =	ssyncadd.s32 $0xFFFFE000  }
0x41: {  	[tilespmem:s16], [sflag:$0x2] =	stream.indirect.gather [hbm4b:s4+s14], $0x80, s24, s14, $0xb8;
	[tilespmem:$0x1F800] =	vst v63  }
0x42: {  	_ =	swait.ge [sflag:s17], $0x2000  }
0x43: {  	[sflag:s17] =	ssyncset.done $0x0  }
0x44: {  	[sflag:s17] =	ssyncadd.s32 $0xFFFFE000  }
0x45: {  	[spmem:s2] =	stream.indirect.scatter.add.f32 [tilespmem:s15], [sflag:$0x3], $0x80, s19, s14, $0xb8;
	[tilespmem:$0x1F800] =	vst v63  }
0x46: {  	_ =	swait.ge [sflag:s12], $0x2000  }
0x47: {  	[sflag:s12] =	ssyncset.done $0x0  }
0x48: {  	[sflag:s12] =	ssyncadd.s32 $0xFFFFE000  }
0x49: {  	_ =	swait.ge [sflag:s18], $0x2000  }
0x4a: {  	[sflag:s18] =	ssyncset.done $0x0  }
0x4b: {  	[sflag:s18] =	ssyncadd.s32 $0xFFFFE000  }
0x4c: {  	[spmem:s2] =	stream.indirect.scatter.add.f32 [tilespmem:s16], [sflag:$0x3], $0x80, s20, s14, $0xb8;
	[tilespmem:$0x1F800] =	vst v63  }
0x4d: {  	_ =	swait.ge [sflag:s12], $0x2000  }
0x4e: {  	s21 =	sadd.s32 $0x1, s21;
	[sflag:s12] =	ssyncset.done $0x0  }
0x4f: {  	p0 =	sne.s32 s21, s10;
	[sflag:s12] =	ssyncadd.s32 $0xFFFFE000  }
.Ltmp1:
0x50: {  	[bflag:$0x0] =	sbarrier.arrive $0xFFFF;
	(pc) =	sbr.rel @p0 .LBB2_1-.Ltmp1, $4  }
0x51: {  	[hbm:s9], [sflag:s6] =	dma.local [spmem:s11], $0x2800  }
0x52: {  	_ =	swait.ge [sflag:s12], $0x2800  }
0x53: {  	[sflag:s12] =	ssyncset.done $0x0  }
0x54: {  	[sflag:s12] =	ssyncadd.s32 $0xFFFFD800  }
0x55: {  	_ =	sfence.sel $0x180000  }
0x56: {  	[bflag:$0x0] =	sbarrier.arrive $0xFFFF  }
0x57: {  	p0 =	sne.s32 s0, $0x0;
	_ =	strace $0x9000004D  }
0x58: {  	s0 =	sadd.s32 @!p0 $0x100000, s1;
	[bflag:$0x2] =	sbarrier.arrive $0xFFFF  }
0x59: {  	[sflag:s0] =	ssyncadd.tile.s32 @!p0 $0x1;
	_ =	shalt  }
.Lfunc_end2:
_tile_overlayer_lowered:
.L_overlay_start_2:
0x5a: {  	(tag) =	ssettag $0x2  }
0x5b: {  	s0 =	rddreg [dreg:$0x0];
	s2 =	stileid.u32  }
0x5c: {  	s1 =	rddreg [dreg:$0x1];
	p0 =	sne.s32 s2, $0x0  }
0x5d: {  	s3 =	rddreg [dreg:$0x2];
	[bflag:$0x3] =	sbarrier.arrive $0xFFFF;
	s2 =	simm.s32 @!p0 $0x1C03  }
0x5e: {  	[timem:s3], [sflag:s2] =	dma.local @!p0 [hbm:s0], s1  }
0x5f: {  	s0 =	simm.s32 @!p0 $0x3  }
0x60: {  	_ =	swait.ge @!p0 [sflag:s0], s1  }
0x61: {  	s1 =	ssub.s32 @!p0 $0x0, s1;
	[sflag:s0] =	ssyncset.done @!p0 $0x0  }
0x62: {  	[sflag:s0] =	ssyncadd.s32 @!p0 s1  }
0x63: {  	[bflag:$0x3] =	sbarrier.arrive $0xFFFF  }
0x64: {  	_ =	shalt  }

// kernel: kernel.25.cloned.1.call-start
scs
__scs_entry_jumppad:
0x0: {  	(pc) =	sbr.rel $0x88, $3  }
0x1: {  	(tag) =	ssettag $0x0;
	lr =	simm.s32 $0x1  }
0x2: {  	[smem:$0x3F93] =	sst lr;
	_ =	strace $0xD0000000  }
0x3: {  	_ = 	snop  }
0x4: {  	_ = 	snop  }
0x5: {  	_ = 	snop  }
0x6: {  	_ = 	snop  }
0x7: {  	_ = 	snop  }
__scs_overlays_trampoline_lowered:
0x8: {  	[smem:$0x3FA2] =	sst s0  }
0x9: {  	[smem:$0x3FA3] =	sst s1  }
0xa: {  	[smem:$0x3FA4] =	sst s2  }
0xb: {  	[smem:$0x3FA5] =	sst s3  }
0xc: {  	[smem:$0x3FA6] =	sst s4  }
0xd: {  	[smem:$0x3FA7] =	sst s5  }
0xe: {  	[smem:$0x3FA8] =	sst s6  }
0xf: {  	[smem:$0x3FA9] =	sst s7  }
0x10: {  	[smem:$0x3FAA] =	sst s8  }
0x11: {  	[smem:$0x3FAB] =	sst s9;
	s0 =	simm.s32 @!p0 $0x0  }
0x12: {  	s1 =	sld [smem:$0x3F91];
	s0 =	simm.s32 @p0 $0x1  }
0x13: {  	[smem:$0x3FAC] =	sst s0;
	s0 =	simm.s32 @!p1 $0x0  }
0x14: {  	s2 =	sld [smem:$0x3F90];
	s0 =	simm.s32 @p1 $0x1  }
0x15: {  	[smem:$0x3FAD] =	sst s0;
	s0 =	simm.s32 @!p2 $0x0  }
0x16: {  	s3 =	sld [smem:$0x3FDB];
	s0 =	simm.s32 @p2 $0x1  }
0x17: {  	s4 =	simm.s32 $0x1BF5;
	[smem:$0x3FAF] =	sst s0  }
0x18: {  	s0 =	sld [smem:$0x3F92];
	_ =	swait.ge [sflag:s4], $0x0  }
0x19: {  	s7 =	sld [smem:$0x3F93]  }
0x1a: {  	s8 =	sadd.s32 $0xFFFFE003, lr  }
0x1b: {  	s9 =	sadd.s32 $0xFFFFFEF7, lr;
	s5 =	simm.s32 $0xFFFFFFFF;
	p2 =	slt.u32 s8, $0xFFFFF086  }
0x1c: {  	p1 =	slt.u32 s9, $0xF7A;
	s5 =	simm.s32 @!p2 $0x0  }
0x1d: {  	s5 =	simm.s32 @p1 $0x1;
	p0 =	seq.s32 s7, s2  }
0x1e: {  	s7 =	smul.u32 @!p0 $0xF7A, s2;
	p2 =	seq.s32 @!p0 s5, $0x0  }
0x1f: {  	s9 =	smul.u32 $0xF7A, s1;
	s8 =	simm.s32 @!p0 $0x1BF5;
	p2 =	por !p2, p0  }
0x20: {  	[sflag:s8] =	ssyncset.s32 @!p0 $0xFFFFF086;
	s6 =	sadd.s32 @!p0 s3, s7;
	s7 =	simm.s32 @!p0 $0x108  }
0x21: {  	s3 =	sadd.s32 s3, s9;
	s6 =	sadd.s32 @!p0 $0x88, s6;
	s7 =	simm.s32 @p2 $0x1082  }
0x22: {  	[simem:s7], [sflag:s8] =	dma.local @!p0 [hbm:s6], $0xF7A  }
0x23: {  	s9 =	sor.u32 $0xD0000000, s2;
	s6 =	simm.s32 $0x108;
	_ =	swait.ge @!p0 [sflag:s8], $0x0  }
0x24: {  	s3 =	sadd.s32 $0x88, s3;
	s6 =	simm.s32 @!p1 $0x1082;
	[sflag:s4] =	ssyncset.s32 $0xFFFFF086  }
0x25: {  	[simem:s6], [sflag:s4] =	dma.local [hbm:s3], $0xF7A  }
0x26: {  	[smem:$0x3F93] =	sst s1;
	(tag) =	ssettag s2;
	_ =	strace s9  }
0x27: {  	s1 =	sld [smem:$0x3FA3]  }
0x28: {  	s2 =	sld [smem:$0x3FA4]  }
0x29: {  	s4 =	sld [smem:$0x3FA6]  }
0x2a: {  	p0 =	seq.s32 s5, $0x0;
	s5 =	sld [smem:$0x3FA7]  }
0x2b: {  	s6 =	sld [smem:$0x3FA8]  }
0x2c: {  	s7 =	sld [smem:$0x3FA9]  }
0x2d: {  	s3 =	simm.s32 $0x108;
	s8 =	sld [smem:$0x3FAA]  }
0x2e: {  	s3 =	simm.s32 @!p0 $0x1082;
	s9 =	sld [smem:$0x3FAB]  }
0x2f: {  	lr =	sadd.s32 s0, s3;
	s0 =	sld [smem:$0x3FA2]  }
0x30: {  	s3 =	sld [smem:$0x3FA5]  }
0x31: {  	[smem:$0x3FAE] =	sst s10  }
0x32: {  	s10 =	sld [smem:$0x3FAC];
	_ =	sdelay $0x3  }
0x33: {  	p0 =	seq.s32 s10, $0x1;
	s10 =	sld [smem:$0x3FAE];
	_ =	sdelay $0x3  }
0x34: {  	[smem:$0x3FAE] =	sst s10  }
0x35: {  	s10 =	sld [smem:$0x3FAD];
	_ =	sdelay $0x3  }
0x36: {  	p1 =	seq.s32 s10, $0x1;
	s10 =	sld [smem:$0x3FAE];
	_ =	sdelay $0x3  }
0x37: {  	[smem:$0x3FAE] =	sst s10  }
0x38: {  	s10 =	sld [smem:$0x3FAF]  }
0x39: {  	_ = 	snop;
	(pc) =	sbr.ind lr, $3  }
0x3a: {  	_ = 	snop  }
0x3b: {  	_ = 	snop  }
0x3c: {  	p2 =	seq.s32 s10, $0x1;
	s10 =	sld [smem:$0x3FAE]  }
0x3d: {  	_ =	shalt  }
0x3e: {  	_ =	shalt  }
0x3f: {  	_ =	shalt  }
0x40: {  	_ =	shalt  }
0x41: {  	_ =	shalt  }
0x42: {  	_ =	shalt  }
0x43: {  	_ =	shalt  }
0x44: {  	_ =	shalt  }
0x45: {  	_ =	shalt  }
0x46: {  	_ =	shalt  }
0x47: {  	_ =	shalt  }
0x48: {  	_ =	shalt  }
0x49: {  	_ =	shalt  }
0x4a: {  	_ =	shalt  }
0x4b: {  	_ =	shalt  }
0x4c: {  	_ =	shalt  }
0x4d: {  	_ =	shalt  }
0x4e: {  	_ =	shalt  }
0x4f: {  	_ =	shalt  }
0x50: {  	_ =	shalt  }
0x51: {  	_ =	shalt  }
0x52: {  	_ =	shalt  }
0x53: {  	_ =	shalt  }
0x54: {  	_ =	shalt  }
0x55: {  	_ =	shalt  }
0x56: {  	_ =	shalt  }
0x57: {  	_ =	shalt  }
0x58: {  	_ =	shalt  }
0x59: {  	_ =	shalt  }
0x5a: {  	_ =	shalt  }
0x5b: {  	_ =	shalt  }
0x5c: {  	_ =	shalt  }
0x5d: {  	_ =	shalt  }
0x5e: {  	_ =	shalt  }
0x5f: {  	_ =	shalt  }
0x60: {  	_ =	shalt  }
0x61: {  	_ =	shalt  }
0x62: {  	_ =	shalt  }
0x63: {  	_ =	shalt  }
0x64: {  	_ =	shalt  }
0x65: {  	_ =	shalt  }
0x66: {  	_ =	shalt  }
0x67: {  	_ =	shalt  }
0x68: {  	_ =	shalt  }
0x69: {  	_ =	shalt  }
0x6a: {  	_ =	shalt  }
0x6b: {  	_ =	shalt  }
0x6c: {  	_ =	shalt  }
0x6d: {  	_ =	shalt  }
0x6e: {  	_ =	shalt  }
0x6f: {  	_ =	shalt  }
0x70: {  	_ =	shalt  }
0x71: {  	_ =	shalt  }
0x72: {  	_ =	shalt  }
0x73: {  	_ =	shalt  }
0x74: {  	_ =	shalt  }
0x75: {  	_ =	shalt  }
0x76: {  	_ =	shalt  }
0x77: {  	_ =	shalt  }
0x78: {  	_ =	shalt  }
0x79: {  	_ =	shalt  }
0x7a: {  	_ =	shalt  }
0x7b: {  	_ =	shalt  }
0x7c: {  	_ =	shalt  }
0x7d: {  	_ =	shalt  }
0x7e: {  	_ =	shalt  }
0x7f: {  	_ =	shalt  }
0x80: {  	_ =	shalt  }
0x81: {  	_ =	shalt  }
0x82: {  	_ =	shalt  }
0x83: {  	_ =	shalt  }
0x84: {  	_ =	shalt  }
0x85: {  	_ =	shalt  }
0x86: {  	_ =	shalt  }
0x87: {  	_ =	shalt  }
.Lfunc_end0:
.L_simem_size_0:
called_computation.3_lowered:
.L_overlay_start_0:
0x88: {  	s2 =	sld [smem:$0x3FD9]  }
0x89: {  	s3 =	sld [smem:$0x3FFE];
	_ =	sdelay $0x1  }
0x8a: {  	s1 =	srdreg.scid  }
0x8b: {  	s0 =	sand.u32 $0x1, s1  }
0x8c: {  	s16 =	sshll.u32 s0, $0xA;
	s2 =	sadd.s32 s3, s2  }
0x8d: {  	s2 =	sadd.s32 s2, s16  }
0x8e: {  	[smem:$0x3FBA] =	sst s2  }
0x8f: {  	_ = 	snop  }
0x90: {  	(tm) =	ssettm $0x1  }
0x91: {  	s17 =	sld [smem:$0x3FFB];
	_ =	sdelay $0x3  }
0x92: {  	_ =	strace s17  }
0x93: {  	s2 =	sld [smem:$0x3FFC];
	_ =	sdelay $0x3  }
0x94: {  	_ =	strace s2  }
0x95: {  	s2 =	sld [smem:$0x3FFD];
	_ =	sdelay $0x3  }
0x96: {  	_ =	strace s2  }
0x97: {  	_ =	strace $0x8FFFFFFF  }
0x98: {  	s18 =	sld [smem:$0x3FDB];
	_ =	sdelay $0x1  }
0x99: {  	s19 =	simm.s32 $_scs_section_size  }
0x9a: {  	s4 =	simm.s32 $_size__tile_overlayer_lowered;
	s5 =	simm.s32 $_tile_overlayer_lowered  }
0x9b: {  	s22 =	simm.s32 $0x1BFF;
	s21 =	sshll.u32 s5, $0x1;
	s2 =	sadd.s32 s19, s18  }
0x9c: {  	s6 =	simm.s32 $0x0;
	s20 =	sshll.u32 s4, $0x1;
	s4 =	sadd.s32 s21, s2  }
0x9d: {  	[timem:s6], [sflag:s22] =	dma.local [hbm:s4], s20  }
0x9e: {  	_ =	swait.ge [sflag:s22], s20  }
0x9f: {  	s3 =	ssub.s32 $0x0, s20;
	[sflag:s22] =	ssyncset.done $0x0  }
0xa0: {  	[sflag:s22] =	ssyncadd.s32 s3;
	_ =	sdelay $0x1  }
0xa1: {  	s23 =	simm.s32 $0x1B8B  }
0xa2: {  	_ =	swait.ge [sflag:s23], $0x1  }
0xa3: {  	[sflag:s23] =	ssyncset.done $0x0  }
0xa4: {  	s25 =	simm.s32 $0x1B8E;
	s24 =	sld [smem:$0x3FFE];
	[sflag:s23] =	ssyncadd.s32 $0xFFFFFFFF  }
0xa5: {  	s26 =	simm.s32 $execute0_lowered;
	[smem:$0x3FD2] =	sst s25  }
0xa6: {  	s4 =	sshll.u32 s26, $0x1;
	_ =	strace $0x8000004F;
	[dreg:$0x1] =	wrdreg $0xFFFFFFFF  }
0xa7: {  	s28 =	simm.s32 $_size_execute0_lowered;
	s2 =	sadd.s32 s2, s4;
	[dreg:$0x0] =	wrdreg $0x0  }
0xa8: {  	s4 =	sshll.u32 s28, $0x1;
	[dreg:$0x2] =	wrdreg s2  }
0xa9: {  	[dreg:$0x3] =	wrdreg s4  }
0xaa: {  	[dreg:$0x4] =	wrdreg $0xC0  }
0xab: {  	_ =	task [dreg:s6], $0x5FFFF  }
0xac: {  	[dreg:$0x1] =	wrdreg $0xFFFFFFFF  }
0xad: {  	[dreg:$0x0] =	wrdreg $0x60  }
0xae: {  	[dreg:$0x2] =	wrdreg s24  }
0xaf: {  	[dreg:$0x3] =	wrdreg $0xB8000  }
0xb0: {  	[dreg:$0x4] =	wrdreg $0x9  }
0xb1: {  	_ =	task.clear_ibuf [dreg:s6], $0x5FFFF;
	_ =	strace $0x9000004F  }
0xb2: {  	s29 =	simm.s32 $0x9;
	_ =	strace $0x80000051  }
0xb3: {  	_ =	swait.ge [sflag:s29], $0x1  }
0xb4: {  	[sflag:s29] =	ssyncadd.s32 $0xFFFFFFFF  }
0xb5: {  	_ =	strace $0x90000051  }
0xb6: {  	_ =	sfence  }
0xb7: {  	s30 =	sld [smem:$0x0];
	_ =	sdelay $0x2  }
0xb8: {  	s31 =	sshll.u32 s1, $0xD;
	s1 =	sshrl.u32 s1, $0x2  }
0xb9: {  	s3 =	sand.u32 $0x4000, s31;
	s1 =	sadd.s32 s1, s30  }
0xba: {  	s0 =	sor.u32 s3, s0;
	s1 =	sshll.u32 s1, $0x11  }
0xbb: {  	s0 =	sor.u32 s1, s0  }
0xbc: {  	s0 =	sadd.s32 $0x8F2B, s0  }
0xbd: {  	[sflag:s0] =	ssyncadd.remote.s32 $0x1  }
0xbe: {  	_ =	sfence.sel $0xFFFF  }
0xbf: {  	[dreg:$0x0] =	wrdreg $0xFFFFFFFF;
	(pc) =	sbr.abs _section_cstart, $3  }
0xc0: {  	[dreg:$0x1] =	wrdreg $0xFFFFFFFF  }
0xc1: {  	_ =	task.clear_ibuf [dreg:s6], $0x2FFFF;
	_ =	strace $0x9FFFFFFF  }
0xc2: {  	(tm) =	ssettm $0x7FFFFFFF  }
0xc3: {  	_ =	shalt  }
tec
execute0_lowered:
.L_overlay_start_1:
0x0: {  	(tag) =	ssettag $0x1  }
0x1: {  	s7 =	rddreg [dreg:$0x0]  }
0x2: {  	s0 =	srdreg.scid;
	s2 =	rddreg [dreg:$0x1]  }
0x3: {  	s3 =	simm.s32 $0x0;
	s15 =	simm.s32 $0x7800;
	s16 =	simm.s32 $0x9800  }
0x4: {  	s17 =	simm.s32 $0x1;
	s18 =	simm.s32 $0x2;
	s6 =	sand.u32 $0x1, s0  }
0x5: {  	s19 =	simm.s32 $0x7700;
	s0 =	stileid.u32;
	s8 =	smul.u32 $0x140000, s6  }
0x6: {  	s20 =	simm.s32 $0x7780;
	s21 =	simm.s32 $0x0;
	s9 =	smul.u32 $0x14000, s0  }
0x7: {  	[smem:$0x7FF] =	sst s3;
	s1 =	sshll.u32 s6, $0x4;
	s30 =	smul.u32 $0x50000, s0  }
0x8: {  	s6 =	ssub.s32 $0x2, s6;
	s12 =	sshll.u32 s0, $0x6;
	s4 =	sor.u32 s0, s1  }
0x9: {  	s1 =	rddreg [dreg:$0x2];
	_ =	strace $0x80000050;
	s5 =	smul.u32 $0x500, s4  }
0xa: {  	s31 =	sshrl.u32 s6, $0x1;
	s10 =	smul.u32 $0xA00, s4;
	s4 =	sadd.s32 $0x17800, s7  }
0xb: {  	s28 =	sadd.s32 s9, s8;
	s13 =	ssub.s32 s6, s31;
	s6 =	sor.u32 $0x1C03, s12  }
0xc: {  	s12 =	simm.s32 $0x3;
	s9 =	sshrl.u32 s28, $0x3;
	s11 =	sadd.s32 s5, s7  }
0xd: {  	s29 =	sadd.s32 s10, s7;
	s5 =	sadd.s32 $0x15000, s7;
	s10 =	sshrl.u32 s30, $0x2  }
0xe: {  	s9 =	sadd.s32 s9, s7;
	s14 =	sadd.s32 s10, s2;
	s7 =	sadd.s32 $0x67E00, s11  }
0xf: {  	s8 =	sadd.s32 $0x71E00, s29;
	s9 =	sadd.s32 $0x86600, s9;
	s10 =	smax.u32 s13, $0x1  }
0x10: {  	s13 =	simm.s32 $0x2800;
	s11 =	sshrl.u32 s14, $0x3;
	s14 =	simm.s32 $0x40  }
.LBB2_1:
0x11: {  	[spmem:s11], [sflag:s6] =	dma.local [hbm:s5], $0x2800  }
0x12: {  	_ =	swait.ge [sflag:s12], $0x2800  }
0x13: {  	[sflag:s12] =	ssyncset.done $0x0  }
0x14: {  	[sflag:s12] =	ssyncadd.s32 $0xFFFFD800  }
0x15: {  	[bflag:$0x0] =	sbarrier.arrive $0xFFFF  }
0x16: {  	[tilespmem:s3], [sflag:$0x3] =	stream.linear.gather [hbm4b:s7+s3], $0x2800, $0x38;
	[tilespmem:$0x1F800] =	vst v63  }
0x17: {  	_ =	swait.ge [sflag:s12], $0x2800  }
0x18: {  	[sflag:s12] =	ssyncset.done $0x0  }
0x19: {  	[sflag:s12] =	ssyncadd.s32 $0xFFFFD800  }
0x1a: {  	[tilespmem:s13], [sflag:$0x3] =	stream.linear.gather [hbm4b:s8+s3], $0x5000, $0x38;
	[tilespmem:$0x1F800] =	vst v63  }
0x1b: {  	_ =	swait.ge [sflag:s12], $0x5000  }
0x1c: {  	[sflag:s12] =	ssyncset.done $0x0  }
0x1d: {  	[sflag:s12] =	ssyncadd.s32 $0xFFFFB000  }
0x1e: {  	[tilespmem:s15], [sflag:$0x1] =	stream.indirect.gather [hbm4b:s4+s14], $0x80, s3, s14, $0xb8;
	[tilespmem:$0x1F800] =	vst v63  }
0x1f: {  	_ = 	snop  }
0x20: {  	[tilespmem:s16], [sflag:$0x2] =	stream.indirect.gather [hbm4b:s4+s14], $0x80, s14, s14, $0xb8;
	[tilespmem:$0x1F800] =	vst v63  }
0x21: {  	_ =	swait.ge [sflag:s17], $0x2000  }
0x22: {  	[sflag:s17] =	ssyncset.done $0x0  }
0x23: {  	s22 =	simm.s32 $0x2800;
	[sflag:s17] =	ssyncadd.s32 $0xFFFFE000  }
0x24: {  	[spmem:s2] =	stream.indirect.scatter.add.f32 [tilespmem:s15], [sflag:$0x3], $0x80, s22, s14, $0xb8;
	[tilespmem:$0x1F800] =	vst v63  }
0x25: {  	_ =	swait.ge [sflag:s12], $0x2000  }
0x26: {  	[sflag:s12] =	ssyncset.done $0x0  }
0x27: {  	s30 =	simm.s32 $0x80;
	[sflag:s12] =	ssyncadd.s32 $0xFFFFE000  }
0x28: {  	[tilespmem:s15], [sflag:$0x1] =	stream.indirect.gather [hbm4b:s4+s14], $0x80, s30, s14, $0xb8;
	[tilespmem:$0x1F800] =	vst v63  }
0x29: {  	_ =	swait.ge [sflag:s18], $0x2000  }
0x2a: {  	[sflag:s18] =	ssyncset.done $0x0  }
0x2b: {  	s31 =	simm.s32 $0x2880;
	[sflag:s18] =	ssyncadd.s32 $0xFFFFE000  }
0x2c: {  	[spmem:s2] =	stream.indirect.scatter.add.f32 [tilespmem:s16], [sflag:$0x3], $0x80, s31, s14, $0xb8;
	[tilespmem:$0x1F800] =	vst v63  }
0x2d: {  	_ =	swait.ge [sflag:s12], $0x2000  }
0x2e: {  	s24 =	simm.s32 $0xC0;
	[sflag:s12] =	ssyncset.done $0x0  }
0x2f: {  	s23 =	simm.s32 $0x100;
	s22 =	simm.s32 $0x400;
	[sflag:s12] =	ssyncadd.s32 $0xFFFFE000  }
.LBB2_2:
0x30: {  	[tilespmem:s16], [sflag:$0x2] =	stream.indirect.gather [hbm4b:s4+s14], $0x80, s24, s14, $0xb8;
	[tilespmem:$0x1F800] =	vst v63  }
0x31: {  	s24 =	smov.u32 s22  }
0x32: {  	p0 =	sne.s32 s22, $0x13800;
	s22 =	sadd.s32 $0x400, s22;
	_ =	swait.ge [sflag:s17], $0x2000  }
0x33: {  	s24 =	sshra.s32 s24, $0x2;
	[sflag:s17] =	ssyncset.done $0x0  }
0x34: {  	s25 =	sadd.s32 $0x2800, s24;
	[sflag:s17] =	ssyncadd.s32 $0xFFFFE000  }
0x35: {  	[spmem:s2] =	stream.indirect.scatter.add.f32 [tilespmem:s15], [sflag:$0x3], $0x80, s25, s14, $0xb8;
	[tilespmem:$0x1F800] =	vst v63  }
0x36: {  	_ =	swait.ge [sflag:s12], $0x2000  }
0x37: {  	[sflag:s12] =	ssyncset.done $0x0  }
0x38: {  	[sflag:s12] =	ssyncadd.s32 $0xFFFFE000  }
0x39: {  	[tilespmem:s15], [sflag:$0x1] =	stream.indirect.gather [hbm4b:s4+s14], $0x80, s23, s14, $0xb8;
	[tilespmem:$0x1F800] =	vst v63  }
0x3a: {  	_ =	swait.ge [sflag:s18], $0x2000  }
0x3b: {  	[sflag:s18] =	ssyncset.done $0x0  }
.Ltmp0:
0x3c: {  	s24 =	sadd.s32 $0x2880, s24;
	[sflag:s18] =	ssyncadd.s32 $0xFFFFE000;
	(pc) =	sbr.rel @p0 .LBB2_2-.Ltmp0, $4  }
0x3d: {  	[spmem:s2] =	stream.indirect.scatter.add.f32 [tilespmem:s16], [sflag:$0x3], $0x80, s24, s14, $0xb8;
	[tilespmem:$0x1F800] =	vst v63  }
0x3e: {  	_ =	swait.ge [sflag:s12], $0x2000  }
0x3f: {  	[sflag:s12] =	ssyncset.done $0x0  }
0x40: {  	s24 =	sadd.s32 $0x40, s23;
	s23 =	sadd.s32 $0x80, s23;
	[sflag:s12] =	ssyncadd.s32 $0xFFFFE000  }
0x41: {  	[tilespmem:s16], [sflag:$0x2] =	stream.indirect.gather [hbm4b:s4+s14], $0x80, s24, s14, $0xb8;
	[tilespmem:$0x1F800] =	vst v63  }
0x42: {  	_ =	swait.ge [sflag:s17], $0x2000  }
0x43: {  	[sflag:s17] =	ssyncset.done $0x0  }
0x44: {  	[sflag:s17] =	ssyncadd.s32 $0xFFFFE000  }
0x45: {  	[spmem:s2] =	stream.indirect.scatter.add.f32 [tilespmem:s15], [sflag:$0x3], $0x80, s19, s14, $0xb8;
	[tilespmem:$0x1F800] =	vst v63  }
0x46: {  	_ =	swait.ge [sflag:s12], $0x2000  }
0x47: {  	[sflag:s12] =	ssyncset.done $0x0  }
0x48: {  	[sflag:s12] =	ssyncadd.s32 $0xFFFFE000  }
0x49: {  	_ =	swait.ge [sflag:s18], $0x2000  }
0x4a: {  	[sflag:s18] =	ssyncset.done $0x0  }
0x4b: {  	[sflag:s18] =	ssyncadd.s32 $0xFFFFE000  }
0x4c: {  	[spmem:s2] =	stream.indirect.scatter.add.f32 [tilespmem:s16], [sflag:$0x3], $0x80, s20, s14, $0xb8;
	[tilespmem:$0x1F800] =	vst v63  }
0x4d: {  	_ =	swait.ge [sflag:s12], $0x2000  }
0x4e: {  	s21 =	sadd.s32 $0x1, s21;
	[sflag:s12] =	ssyncset.done $0x0  }
0x4f: {  	p0 =	sne.s32 s21, s10;
	[sflag:s12] =	ssyncadd.s32 $0xFFFFE000  }
.Ltmp1:
0x50: {  	[bflag:$0x0] =	sbarrier.arrive $0xFFFF;
	(pc) =	sbr.rel @p0 .LBB2_1-.Ltmp1, $4  }
0x51: {  	[hbm:s9], [sflag:s6] =	dma.local [spmem:s11], $0x2800  }
0x52: {  	_ =	swait.ge [sflag:s12], $0x2800  }
0x53: {  	[sflag:s12] =	ssyncset.done $0x0  }
0x54: {  	[sflag:s12] =	ssyncadd.s32 $0xFFFFD800  }
0x55: {  	_ =	sfence.sel $0x180000  }
0x56: {  	[bflag:$0x0] =	sbarrier.arrive $0xFFFF  }
0x57: {  	p0 =	sne.s32 s0, $0x0;
	_ =	strace $0x90000050  }
0x58: {  	s0 =	sadd.s32 @!p0 $0x100000, s1;
	[bflag:$0x2] =	sbarrier.arrive $0xFFFF  }
0x59: {  	[sflag:s0] =	ssyncadd.tile.s32 @!p0 $0x1;
	_ =	shalt  }
.Lfunc_end2:
_tile_overlayer_lowered:
.L_overlay_start_2:
0x5a: {  	(tag) =	ssettag $0x2  }
0x5b: {  	s0 =	rddreg [dreg:$0x0];
	s2 =	stileid.u32  }
0x5c: {  	s1 =	rddreg [dreg:$0x1];
	p0 =	sne.s32 s2, $0x0  }
0x5d: {  	s3 =	rddreg [dreg:$0x2];
	[bflag:$0x3] =	sbarrier.arrive $0xFFFF;
	s2 =	simm.s32 @!p0 $0x1C03  }
0x5e: {  	[timem:s3], [sflag:s2] =	dma.local @!p0 [hbm:s0], s1  }
0x5f: {  	s0 =	simm.s32 @!p0 $0x3  }
0x60: {  	_ =	swait.ge @!p0 [sflag:s0], s1  }
0x61: {  	s1 =	ssub.s32 @!p0 $0x0, s1;
	[sflag:s0] =	ssyncset.done @!p0 $0x0  }
0x62: {  	[sflag:s0] =	ssyncadd.s32 @!p0 s1  }
0x63: {  	[bflag:$0x3] =	sbarrier.arrive $0xFFFF  }
0x64: {  	_ =	shalt  }

// kernel: kernel.28.cloned.1.call-start
scs
__scs_entry_jumppad:
0x0: {  	(pc) =	sbr.rel $0x88, $3  }
0x1: {  	(tag) =	ssettag $0x0;
	lr =	simm.s32 $0x1  }
0x2: {  	[smem:$0x3F93] =	sst lr;
	_ =	strace $0xD0000000  }
0x3: {  	_ = 	snop  }
0x4: {  	_ = 	snop  }
0x5: {  	_ = 	snop  }
0x6: {  	_ = 	snop  }
0x7: {  	_ = 	snop  }
__scs_overlays_trampoline_lowered:
0x8: {  	[smem:$0x3FA2] =	sst s0  }
0x9: {  	[smem:$0x3FA3] =	sst s1  }
0xa: {  	[smem:$0x3FA4] =	sst s2  }
0xb: {  	[smem:$0x3FA5] =	sst s3  }
0xc: {  	[smem:$0x3FA6] =	sst s4  }
0xd: {  	[smem:$0x3FA7] =	sst s5  }
0xe: {  	[smem:$0x3FA8] =	sst s6  }
0xf: {  	[smem:$0x3FA9] =	sst s7  }
0x10: {  	[smem:$0x3FAA] =	sst s8  }
0x11: {  	[smem:$0x3FAB] =	sst s9;
	s0 =	simm.s32 @!p0 $0x0  }
0x12: {  	s1 =	sld [smem:$0x3F91];
	s0 =	simm.s32 @p0 $0x1  }
0x13: {  	[smem:$0x3FAC] =	sst s0;
	s0 =	simm.s32 @!p1 $0x0  }
0x14: {  	s2 =	sld [smem:$0x3F90];
	s0 =	simm.s32 @p1 $0x1  }
0x15: {  	[smem:$0x3FAD] =	sst s0;
	s0 =	simm.s32 @!p2 $0x0  }
0x16: {  	s3 =	sld [smem:$0x3FDB];
	s0 =	simm.s32 @p2 $0x1  }
0x17: {  	s4 =	simm.s32 $0x1BF5;
	[smem:$0x3FAF] =	sst s0  }
0x18: {  	s0 =	sld [smem:$0x3F92];
	_ =	swait.ge [sflag:s4], $0x0  }
0x19: {  	s7 =	sld [smem:$0x3F93]  }
0x1a: {  	s8 =	sadd.s32 $0xFFFFE003, lr  }
0x1b: {  	s9 =	sadd.s32 $0xFFFFFEF7, lr;
	s5 =	simm.s32 $0xFFFFFFFF;
	p2 =	slt.u32 s8, $0xFFFFF086  }
0x1c: {  	p1 =	slt.u32 s9, $0xF7A;
	s5 =	simm.s32 @!p2 $0x0  }
0x1d: {  	s5 =	simm.s32 @p1 $0x1;
	p0 =	seq.s32 s7, s2  }
0x1e: {  	s7 =	smul.u32 @!p0 $0xF7A, s2;
	p2 =	seq.s32 @!p0 s5, $0x0  }
0x1f: {  	s9 =	smul.u32 $0xF7A, s1;
	s8 =	simm.s32 @!p0 $0x1BF5;
	p2 =	por !p2, p0  }
0x20: {  	[sflag:s8] =	ssyncset.s32 @!p0 $0xFFFFF086;
	s6 =	sadd.s32 @!p0 s3, s7;
	s7 =	simm.s32 @!p0 $0x108  }
0x21: {  	s3 =	sadd.s32 s3, s9;
	s6 =	sadd.s32 @!p0 $0x88, s6;
	s7 =	simm.s32 @p2 $0x1082  }
0x22: {  	[simem:s7], [sflag:s8] =	dma.local @!p0 [hbm:s6], $0xF7A  }
0x23: {  	s9 =	sor.u32 $0xD0000000, s2;
	s6 =	simm.s32 $0x108;
	_ =	swait.ge @!p0 [sflag:s8], $0x0  }
0x24: {  	s3 =	sadd.s32 $0x88, s3;
	s6 =	simm.s32 @!p1 $0x1082;
	[sflag:s4] =	ssyncset.s32 $0xFFFFF086  }
0x25: {  	[simem:s6], [sflag:s4] =	dma.local [hbm:s3], $0xF7A  }
0x26: {  	[smem:$0x3F93] =	sst s1;
	(tag) =	ssettag s2;
	_ =	strace s9  }
0x27: {  	s1 =	sld [smem:$0x3FA3]  }
0x28: {  	s2 =	sld [smem:$0x3FA4]  }
0x29: {  	s4 =	sld [smem:$0x3FA6]  }
0x2a: {  	p0 =	seq.s32 s5, $0x0;
	s5 =	sld [smem:$0x3FA7]  }
0x2b: {  	s6 =	sld [smem:$0x3FA8]  }
0x2c: {  	s7 =	sld [smem:$0x3FA9]  }
0x2d: {  	s3 =	simm.s32 $0x108;
	s8 =	sld [smem:$0x3FAA]  }
0x2e: {  	s3 =	simm.s32 @!p0 $0x1082;
	s9 =	sld [smem:$0x3FAB]  }
0x2f: {  	lr =	sadd.s32 s0, s3;
	s0 =	sld [smem:$0x3FA2]  }
0x30: {  	s3 =	sld [smem:$0x3FA5]  }
0x31: {  	[smem:$0x3FAE] =	sst s10  }
0x32: {  	s10 =	sld [smem:$0x3FAC];
	_ =	sdelay $0x3  }
0x33: {  	p0 =	seq.s32 s10, $0x1;
	s10 =	sld [smem:$0x3FAE];
	_ =	sdelay $0x3  }
0x34: {  	[smem:$0x3FAE] =	sst s10  }
0x35: {  	s10 =	sld [smem:$0x3FAD];
	_ =	sdelay $0x3  }
0x36: {  	p1 =	seq.s32 s10, $0x1;
	s10 =	sld [smem:$0x3FAE];
	_ =	sdelay $0x3  }
0x37: {  	[smem:$0x3FAE] =	sst s10  }
0x38: {  	s10 =	sld [smem:$0x3FAF]  }
0x39: {  	_ = 	snop;
	(pc) =	sbr.ind lr, $3  }
0x3a: {  	_ = 	snop  }
0x3b: {  	_ = 	snop  }
0x3c: {  	p2 =	seq.s32 s10, $0x1;
	s10 =	sld [smem:$0x3FAE]  }
0x3d: {  	_ =	shalt  }
0x3e: {  	_ =	shalt  }
0x3f: {  	_ =	shalt  }
0x40: {  	_ =	shalt  }
0x41: {  	_ =	shalt  }
0x42: {  	_ =	shalt  }
0x43: {  	_ =	shalt  }
0x44: {  	_ =	shalt  }
0x45: {  	_ =	shalt  }
0x46: {  	_ =	shalt  }
0x47: {  	_ =	shalt  }
0x48: {  	_ =	shalt  }
0x49: {  	_ =	shalt  }
0x4a: {  	_ =	shalt  }
0x4b: {  	_ =	shalt  }
0x4c: {  	_ =	shalt  }
0x4d: {  	_ =	shalt  }
0x4e: {  	_ =	shalt  }
0x4f: {  	_ =	shalt  }
0x50: {  	_ =	shalt  }
0x51: {  	_ =	shalt  }
0x52: {  	_ =	shalt  }
0x53: {  	_ =	shalt  }
0x54: {  	_ =	shalt  }
0x55: {  	_ =	shalt  }
0x56: {  	_ =	shalt  }
0x57: {  	_ =	shalt  }
0x58: {  	_ =	shalt  }
0x59: {  	_ =	shalt  }
0x5a: {  	_ =	shalt  }
0x5b: {  	_ =	shalt  }
0x5c: {  	_ =	shalt  }
0x5d: {  	_ =	shalt  }
0x5e: {  	_ =	shalt  }
0x5f: {  	_ =	shalt  }
0x60: {  	_ =	shalt  }
0x61: {  	_ =	shalt  }
0x62: {  	_ =	shalt  }
0x63: {  	_ =	shalt  }
0x64: {  	_ =	shalt  }
0x65: {  	_ =	shalt  }
0x66: {  	_ =	shalt  }
0x67: {  	_ =	shalt  }
0x68: {  	_ =	shalt  }
0x69: {  	_ =	shalt  }
0x6a: {  	_ =	shalt  }
0x6b: {  	_ =	shalt  }
0x6c: {  	_ =	shalt  }
0x6d: {  	_ =	shalt  }
0x6e: {  	_ =	shalt  }
0x6f: {  	_ =	shalt  }
0x70: {  	_ =	shalt  }
0x71: {  	_ =	shalt  }
0x72: {  	_ =	shalt  }
0x73: {  	_ =	shalt  }
0x74: {  	_ =	shalt  }
0x75: {  	_ =	shalt  }
0x76: {  	_ =	shalt  }
0x77: {  	_ =	shalt  }
0x78: {  	_ =	shalt  }
0x79: {  	_ =	shalt  }
0x7a: {  	_ =	shalt  }
0x7b: {  	_ =	shalt  }
0x7c: {  	_ =	shalt  }
0x7d: {  	_ =	shalt  }
0x7e: {  	_ =	shalt  }
0x7f: {  	_ =	shalt  }
0x80: {  	_ =	shalt  }
0x81: {  	_ =	shalt  }
0x82: {  	_ =	shalt  }
0x83: {  	_ =	shalt  }
0x84: {  	_ =	shalt  }
0x85: {  	_ =	shalt  }
0x86: {  	_ =	shalt  }
0x87: {  	_ =	shalt  }
.Lfunc_end0:
.L_simem_size_0:
called_computation.4_lowered:
.L_overlay_start_0:
0x88: {  	s2 =	sld [smem:$0x3FD9]  }
0x89: {  	s3 =	sld [smem:$0x3FFE];
	_ =	sdelay $0x1  }
0x8a: {  	s1 =	srdreg.scid  }
0x8b: {  	s0 =	sand.u32 $0x1, s1  }
0x8c: {  	s16 =	sshll.u32 s0, $0xA;
	s2 =	sadd.s32 s3, s2  }
0x8d: {  	s2 =	sadd.s32 s2, s16  }
0x8e: {  	[smem:$0x3FBA] =	sst s2  }
0x8f: {  	_ = 	snop  }
0x90: {  	(tm) =	ssettm $0x1  }
0x91: {  	s17 =	sld [smem:$0x3FFB];
	_ =	sdelay $0x3  }
0x92: {  	_ =	strace s17  }
0x93: {  	s2 =	sld [smem:$0x3FFC];
	_ =	sdelay $0x3  }
0x94: {  	_ =	strace s2  }
0x95: {  	s2 =	sld [smem:$0x3FFD];
	_ =	sdelay $0x3  }
0x96: {  	_ =	strace s2  }
0x97: {  	_ =	strace $0x8FFFFFFF  }
0x98: {  	s18 =	sld [smem:$0x3FDB];
	_ =	sdelay $0x1  }
0x99: {  	s19 =	simm.s32 $_scs_section_size  }
0x9a: {  	s4 =	simm.s32 $_size__tile_overlayer_lowered;
	s5 =	simm.s32 $_tile_overlayer_lowered  }
0x9b: {  	s22 =	simm.s32 $0x1BFF;
	s21 =	sshll.u32 s5, $0x1;
	s2 =	sadd.s32 s19, s18  }
0x9c: {  	s6 =	simm.s32 $0x0;
	s20 =	sshll.u32 s4, $0x1;
	s4 =	sadd.s32 s21, s2  }
0x9d: {  	[timem:s6], [sflag:s22] =	dma.local [hbm:s4], s20  }
0x9e: {  	_ =	swait.ge [sflag:s22], s20  }
0x9f: {  	s3 =	ssub.s32 $0x0, s20;
	[sflag:s22] =	ssyncset.done $0x0  }
0xa0: {  	[sflag:s22] =	ssyncadd.s32 s3;
	_ =	sdelay $0x1  }
0xa1: {  	s23 =	simm.s32 $0x1B8B  }
0xa2: {  	_ =	swait.ge [sflag:s23], $0x1  }
0xa3: {  	[sflag:s23] =	ssyncset.done $0x0  }
0xa4: {  	s25 =	simm.s32 $0x1B8E;
	s24 =	sld [smem:$0x3FFE];
	[sflag:s23] =	ssyncadd.s32 $0xFFFFFFFF  }
0xa5: {  	s26 =	simm.s32 $execute0_lowered;
	[smem:$0x3FD2] =	sst s25  }
0xa6: {  	s4 =	sshll.u32 s26, $0x1;
	_ =	strace $0x80000052;
	[dreg:$0x1] =	wrdreg $0xFFFFFFFF  }
0xa7: {  	s28 =	simm.s32 $_size_execute0_lowered;
	s2 =	sadd.s32 s2, s4;
	[dreg:$0x0] =	wrdreg $0x0  }
0xa8: {  	s4 =	sshll.u32 s28, $0x1;
	[dreg:$0x2] =	wrdreg s2  }
0xa9: {  	[dreg:$0x3] =	wrdreg s4  }
0xaa: {  	[dreg:$0x4] =	wrdreg $0xC0  }
0xab: {  	_ =	task [dreg:s6], $0x5FFFF  }
0xac: {  	[dreg:$0x1] =	wrdreg $0xFFFFFFFF  }
0xad: {  	[dreg:$0x0] =	wrdreg $0x60  }
0xae: {  	[dreg:$0x2] =	wrdreg s24  }
0xaf: {  	[dreg:$0x3] =	wrdreg $0xB8000  }
0xb0: {  	[dreg:$0x4] =	wrdreg $0x9  }
0xb1: {  	_ =	task.clear_ibuf [dreg:s6], $0x5FFFF;
	_ =	strace $0x90000052  }
0xb2: {  	s29 =	simm.s32 $0x9;
	_ =	strace $0x80000054  }
0xb3: {  	_ =	swait.ge [sflag:s29], $0x1  }
0xb4: {  	[sflag:s29] =	ssyncadd.s32 $0xFFFFFFFF  }
0xb5: {  	_ =	strace $0x90000054  }
0xb6: {  	_ =	sfence  }
0xb7: {  	s30 =	sld [smem:$0x0];
	_ =	sdelay $0x2  }
0xb8: {  	s31 =	sshll.u32 s1, $0xD;
	s1 =	sshrl.u32 s1, $0x2  }
0xb9: {  	s3 =	sand.u32 $0x4000, s31;
	s1 =	sadd.s32 s1, s30  }
0xba: {  	s0 =	sor.u32 s3, s0;
	s1 =	sshll.u32 s1, $0x11  }
0xbb: {  	s0 =	sor.u32 s1, s0  }
0xbc: {  	s0 =	sadd.s32 $0x8F2B, s0  }
0xbd: {  	[sflag:s0] =	ssyncadd.remote.s32 $0x1  }
0xbe: {  	_ =	sfence.sel $0xFFFF  }
0xbf: {  	[dreg:$0x0] =	wrdreg $0xFFFFFFFF;
	(pc) =	sbr.abs _section_cstart, $3  }
0xc0: {  	[dreg:$0x1] =	wrdreg $0xFFFFFFFF  }
0xc1: {  	_ =	task.clear_ibuf [dreg:s6], $0x2FFFF;
	_ =	strace $0x9FFFFFFF  }
0xc2: {  	(tm) =	ssettm $0x7FFFFFFF  }
0xc3: {  	_ =	shalt  }
tec
execute0_lowered:
.L_overlay_start_1:
0x0: {  	(tag) =	ssettag $0x1  }
0x1: {  	s7 =	rddreg [dreg:$0x0]  }
0x2: {  	s0 =	srdreg.scid;
	s2 =	rddreg [dreg:$0x1]  }
0x3: {  	s3 =	simm.s32 $0x0;
	s15 =	simm.s32 $0x7800;
	s16 =	simm.s32 $0x9800  }
0x4: {  	s17 =	simm.s32 $0x1;
	s18 =	simm.s32 $0x2;
	s6 =	sand.u32 $0x1, s0  }
0x5: {  	s19 =	simm.s32 $0x7700;
	s0 =	stileid.u32;
	s8 =	smul.u32 $0x140000, s6  }
0x6: {  	s20 =	simm.s32 $0x7780;
	s21 =	simm.s32 $0x0;
	s9 =	smul.u32 $0x14000, s0  }
0x7: {  	[smem:$0x7FF] =	sst s3;
	s1 =	sshll.u32 s6, $0x4;
	s30 =	smul.u32 $0x50000, s0  }
0x8: {  	s6 =	ssub.s32 $0x2, s6;
	s12 =	sshll.u32 s0, $0x6;
	s4 =	sor.u32 s0, s1  }
0x9: {  	s1 =	rddreg [dreg:$0x2];
	_ =	strace $0x80000053;
	s5 =	smul.u32 $0x500, s4  }
0xa: {  	s31 =	sshrl.u32 s6, $0x1;
	s10 =	smul.u32 $0xA00, s4;
	s4 =	sadd.s32 $0x17800, s7  }
0xb: {  	s28 =	sadd.s32 s9, s8;
	s13 =	ssub.s32 s6, s31;
	s6 =	sor.u32 $0x1C03, s12  }
0xc: {  	s12 =	simm.s32 $0x3;
	s9 =	sshrl.u32 s28, $0x3;
	s11 =	sadd.s32 s5, s7  }
0xd: {  	s29 =	sadd.s32 s10, s7;
	s5 =	sadd.s32 $0x15000, s7;
	s10 =	sshrl.u32 s30, $0x2  }
0xe: {  	s9 =	sadd.s32 s9, s7;
	s14 =	sadd.s32 s10, s2;
	s7 =	sadd.s32 $0x67E00, s11  }
0xf: {  	s8 =	sadd.s32 $0x71E00, s29;
	s9 =	sadd.s32 $0x86600, s9;
	s10 =	smax.u32 s13, $0x1  }
0x10: {  	s13 =	simm.s32 $0x2800;
	s11 =	sshrl.u32 s14, $0x3;
	s14 =	simm.s32 $0x40  }
.LBB2_1:
0x11: {  	[spmem:s11], [sflag:s6] =	dma.local [hbm:s5], $0x2800  }
0x12: {  	_ =	swait.ge [sflag:s12], $0x2800  }
0x13: {  	[sflag:s12] =	ssyncset.done $0x0  }
0x14: {  	[sflag:s12] =	ssyncadd.s32 $0xFFFFD800  }
0x15: {  	[bflag:$0x0] =	sbarrier.arrive $0xFFFF  }
0x16: {  	[tilespmem:s3], [sflag:$0x3] =	stream.linear.gather [hbm4b:s7+s3], $0x2800, $0x38;
	[tilespmem:$0x1F800] =	vst v63  }
0x17: {  	_ =	swait.ge [sflag:s12], $0x2800  }
0x18: {  	[sflag:s12] =	ssyncset.done $0x0  }
0x19: {  	[sflag:s12] =	ssyncadd.s32 $0xFFFFD800  }
0x1a: {  	[tilespmem:s13], [sflag:$0x3] =	stream.linear.gather [hbm4b:s8+s3], $0x5000, $0x38;
	[tilespmem:$0x1F800] =	vst v63  }
0x1b: {  	_ =	swait.ge [sflag:s12], $0x5000  }
0x1c: {  	[sflag:s12] =	ssyncset.done $0x0  }
0x1d: {  	[sflag:s12] =	ssyncadd.s32 $0xFFFFB000  }
0x1e: {  	[tilespmem:s15], [sflag:$0x1] =	stream.indirect.gather [hbm4b:s4+s14], $0x80, s3, s14, $0xb8;
	[tilespmem:$0x1F800] =	vst v63  }
0x1f: {  	_ = 	snop  }
0x20: {  	[tilespmem:s16], [sflag:$0x2] =	stream.indirect.gather [hbm4b:s4+s14], $0x80, s14, s14, $0xb8;
	[tilespmem:$0x1F800] =	vst v63  }
0x21: {  	_ =	swait.ge [sflag:s17], $0x2000  }
0x22: {  	[sflag:s17] =	ssyncset.done $0x0  }
0x23: {  	s22 =	simm.s32 $0x2800;
	[sflag:s17] =	ssyncadd.s32 $0xFFFFE000  }
0x24: {  	[spmem:s2] =	stream.indirect.scatter.add.f32 [tilespmem:s15], [sflag:$0x3], $0x80, s22, s14, $0xb8;
	[tilespmem:$0x1F800] =	vst v63  }
0x25: {  	_ =	swait.ge [sflag:s12], $0x2000  }
0x26: {  	[sflag:s12] =	ssyncset.done $0x0  }
0x27: {  	s30 =	simm.s32 $0x80;
	[sflag:s12] =	ssyncadd.s32 $0xFFFFE000  }
0x28: {  	[tilespmem:s15], [sflag:$0x1] =	stream.indirect.gather [hbm4b:s4+s14], $0x80, s30, s14, $0xb8;
	[tilespmem:$0x1F800] =	vst v63  }
0x29: {  	_ =	swait.ge [sflag:s18], $0x2000  }
0x2a: {  	[sflag:s18] =	ssyncset.done $0x0  }
0x2b: {  	s31 =	simm.s32 $0x2880;
	[sflag:s18] =	ssyncadd.s32 $0xFFFFE000  }
0x2c: {  	[spmem:s2] =	stream.indirect.scatter.add.f32 [tilespmem:s16], [sflag:$0x3], $0x80, s31, s14, $0xb8;
	[tilespmem:$0x1F800] =	vst v63  }
0x2d: {  	_ =	swait.ge [sflag:s12], $0x2000  }
0x2e: {  	s24 =	simm.s32 $0xC0;
	[sflag:s12] =	ssyncset.done $0x0  }
0x2f: {  	s23 =	simm.s32 $0x100;
	s22 =	simm.s32 $0x400;
	[sflag:s12] =	ssyncadd.s32 $0xFFFFE000  }
.LBB2_2:
0x30: {  	[tilespmem:s16], [sflag:$0x2] =	stream.indirect.gather [hbm4b:s4+s14], $0x80, s24, s14, $0xb8;
	[tilespmem:$0x1F800] =	vst v63  }
0x31: {  	s24 =	smov.u32 s22  }
0x32: {  	p0 =	sne.s32 s22, $0x13800;
	s22 =	sadd.s32 $0x400, s22;
	_ =	swait.ge [sflag:s17], $0x2000  }
0x33: {  	s24 =	sshra.s32 s24, $0x2;
	[sflag:s17] =	ssyncset.done $0x0  }
0x34: {  	s25 =	sadd.s32 $0x2800, s24;
	[sflag:s17] =	ssyncadd.s32 $0xFFFFE000  }
0x35: {  	[spmem:s2] =	stream.indirect.scatter.add.f32 [tilespmem:s15], [sflag:$0x3], $0x80, s25, s14, $0xb8;
	[tilespmem:$0x1F800] =	vst v63  }
0x36: {  	_ =	swait.ge [sflag:s12], $0x2000  }
0x37: {  	[sflag:s12] =	ssyncset.done $0x0  }
0x38: {  	[sflag:s12] =	ssyncadd.s32 $0xFFFFE000  }
0x39: {  	[tilespmem:s15], [sflag:$0x1] =	stream.indirect.gather [hbm4b:s4+s14], $0x80, s23, s14, $0xb8;
	[tilespmem:$0x1F800] =	vst v63  }
0x3a: {  	_ =	swait.ge [sflag:s18], $0x2000  }
0x3b: {  	[sflag:s18] =	ssyncset.done $0x0  }
.Ltmp0:
0x3c: {  	s24 =	sadd.s32 $0x2880, s24;
	[sflag:s18] =	ssyncadd.s32 $0xFFFFE000;
	(pc) =	sbr.rel @p0 .LBB2_2-.Ltmp0, $4  }
0x3d: {  	[spmem:s2] =	stream.indirect.scatter.add.f32 [tilespmem:s16], [sflag:$0x3], $0x80, s24, s14, $0xb8;
	[tilespmem:$0x1F800] =	vst v63  }
0x3e: {  	_ =	swait.ge [sflag:s12], $0x2000  }
0x3f: {  	[sflag:s12] =	ssyncset.done $0x0  }
0x40: {  	s24 =	sadd.s32 $0x40, s23;
	s23 =	sadd.s32 $0x80, s23;
	[sflag:s12] =	ssyncadd.s32 $0xFFFFE000  }
0x41: {  	[tilespmem:s16], [sflag:$0x2] =	stream.indirect.gather [hbm4b:s4+s14], $0x80, s24, s14, $0xb8;
	[tilespmem:$0x1F800] =	vst v63  }
0x42: {  	_ =	swait.ge [sflag:s17], $0x2000  }
0x43: {  	[sflag:s17] =	ssyncset.done $0x0  }
0x44: {  	[sflag:s17] =	ssyncadd.s32 $0xFFFFE000  }
0x45: {  	[spmem:s2] =	stream.indirect.scatter.add.f32 [tilespmem:s15], [sflag:$0x3], $0x80, s19, s14, $0xb8;
	[tilespmem:$0x1F800] =	vst v63  }
0x46: {  	_ =	swait.ge [sflag:s12], $0x2000  }
0x47: {  	[sflag:s12] =	ssyncset.done $0x0  }
0x48: {  	[sflag:s12] =	ssyncadd.s32 $0xFFFFE000  }
0x49: {  	_ =	swait.ge [sflag:s18], $0x2000  }
0x4a: {  	[sflag:s18] =	ssyncset.done $0x0  }
0x4b: {  	[sflag:s18] =	ssyncadd.s32 $0xFFFFE000  }
0x4c: {  	[spmem:s2] =	stream.indirect.scatter.add.f32 [tilespmem:s16], [sflag:$0x3], $0x80, s20, s14, $0xb8;
	[tilespmem:$0x1F800] =	vst v63  }
0x4d: {  	_ =	swait.ge [sflag:s12], $0x2000  }
0x4e: {  	s21 =	sadd.s32 $0x1, s21;
	[sflag:s12] =	ssyncset.done $0x0  }
0x4f: {  	p0 =	sne.s32 s21, s10;
	[sflag:s12] =	ssyncadd.s32 $0xFFFFE000  }
.Ltmp1:
0x50: {  	[bflag:$0x0] =	sbarrier.arrive $0xFFFF;
	(pc) =	sbr.rel @p0 .LBB2_1-.Ltmp1, $4  }
0x51: {  	[hbm:s9], [sflag:s6] =	dma.local [spmem:s11], $0x2800  }
0x52: {  	_ =	swait.ge [sflag:s12], $0x2800  }
0x53: {  	[sflag:s12] =	ssyncset.done $0x0  }
0x54: {  	[sflag:s12] =	ssyncadd.s32 $0xFFFFD800  }
0x55: {  	_ =	sfence.sel $0x180000  }
0x56: {  	[bflag:$0x0] =	sbarrier.arrive $0xFFFF  }
0x57: {  	p0 =	sne.s32 s0, $0x0;
	_ =	strace $0x90000053  }
0x58: {  	s0 =	sadd.s32 @!p0 $0x100000, s1;
	[bflag:$0x2] =	sbarrier.arrive $0xFFFF  }
0x59: {  	[sflag:s0] =	ssyncadd.tile.s32 @!p0 $0x1;
	_ =	shalt  }
.Lfunc_end2:
_tile_overlayer_lowered:
.L_overlay_start_2:
0x5a: {  	(tag) =	ssettag $0x2  }
0x5b: {  	s0 =	rddreg [dreg:$0x0];
	s2 =	stileid.u32  }
0x5c: {  	s1 =	rddreg [dreg:$0x1];
	p0 =	sne.s32 s2, $0x0  }
0x5d: {  	s3 =	rddreg [dreg:$0x2];
	[bflag:$0x3] =	sbarrier.arrive $0xFFFF;
	s2 =	simm.s32 @!p0 $0x1C03  }
0x5e: {  	[timem:s3], [sflag:s2] =	dma.local @!p0 [hbm:s0], s1  }
0x5f: {  	s0 =	simm.s32 @!p0 $0x3  }
0x60: {  	_ =	swait.ge @!p0 [sflag:s0], s1  }
0x61: {  	s1 =	ssub.s32 @!p0 $0x0, s1;
	[sflag:s0] =	ssyncset.done @!p0 $0x0  }
0x62: {  	[sflag:s0] =	ssyncadd.s32 @!p0 s1  }
0x63: {  	[bflag:$0x3] =	sbarrier.arrive $0xFFFF  }
0x64: {  	_ =	shalt  }

// kernel: kernel.31.cloned.1.call-start
scs
__scs_entry_jumppad:
0x0: {  	(pc) =	sbr.rel $0x88, $3  }
0x1: {  	(tag) =	ssettag $0x0;
	lr =	simm.s32 $0x1  }
0x2: {  	[smem:$0x3F93] =	sst lr;
	_ =	strace $0xD0000000  }
0x3: {  	_ = 	snop  }
0x4: {  	_ = 	snop  }
0x5: {  	_ = 	snop  }
0x6: {  	_ = 	snop  }
0x7: {  	_ = 	snop  }
__scs_overlays_trampoline_lowered:
0x8: {  	[smem:$0x3FA2] =	sst s0  }
0x9: {  	[smem:$0x3FA3] =	sst s1  }
0xa: {  	[smem:$0x3FA4] =	sst s2  }
0xb: {  	[smem:$0x3FA5] =	sst s3  }
0xc: {  	[smem:$0x3FA6] =	sst s4  }
0xd: {  	[smem:$0x3FA7] =	sst s5  }
0xe: {  	[smem:$0x3FA8] =	sst s6  }
0xf: {  	[smem:$0x3FA9] =	sst s7  }
0x10: {  	[smem:$0x3FAA] =	sst s8  }
0x11: {  	[smem:$0x3FAB] =	sst s9;
	s0 =	simm.s32 @!p0 $0x0  }
0x12: {  	s1 =	sld [smem:$0x3F91];
	s0 =	simm.s32 @p0 $0x1  }
0x13: {  	[smem:$0x3FAC] =	sst s0;
	s0 =	simm.s32 @!p1 $0x0  }
0x14: {  	s2 =	sld [smem:$0x3F90];
	s0 =	simm.s32 @p1 $0x1  }
0x15: {  	[smem:$0x3FAD] =	sst s0;
	s0 =	simm.s32 @!p2 $0x0  }
0x16: {  	s3 =	sld [smem:$0x3FDB];
	s0 =	simm.s32 @p2 $0x1  }
0x17: {  	s4 =	simm.s32 $0x1BF5;
	[smem:$0x3FAF] =	sst s0  }
0x18: {  	s0 =	sld [smem:$0x3F92];
	_ =	swait.ge [sflag:s4], $0x0  }
0x19: {  	s7 =	sld [smem:$0x3F93]  }
0x1a: {  	s8 =	sadd.s32 $0xFFFFE003, lr  }
0x1b: {  	s9 =	sadd.s32 $0xFFFFFEF7, lr;
	s5 =	simm.s32 $0xFFFFFFFF;
	p2 =	slt.u32 s8, $0xFFFFF086  }
0x1c: {  	p1 =	slt.u32 s9, $0xF7A;
	s5 =	simm.s32 @!p2 $0x0  }
0x1d: {  	s5 =	simm.s32 @p1 $0x1;
	p0 =	seq.s32 s7, s2  }
0x1e: {  	s7 =	smul.u32 @!p0 $0xF7A, s2;
	p2 =	seq.s32 @!p0 s5, $0x0  }
0x1f: {  	s9 =	smul.u32 $0xF7A, s1;
	s8 =	simm.s32 @!p0 $0x1BF5;
	p2 =	por !p2, p0  }
0x20: {  	[sflag:s8] =	ssyncset.s32 @!p0 $0xFFFFF086;
	s6 =	sadd.s32 @!p0 s3, s7;
	s7 =	simm.s32 @!p0 $0x108  }
0x21: {  	s3 =	sadd.s32 s3, s9;
	s6 =	sadd.s32 @!p0 $0x88, s6;
	s7 =	simm.s32 @p2 $0x1082  }
0x22: {  	[simem:s7], [sflag:s8] =	dma.local @!p0 [hbm:s6], $0xF7A  }
0x23: {  	s9 =	sor.u32 $0xD0000000, s2;
	s6 =	simm.s32 $0x108;
	_ =	swait.ge @!p0 [sflag:s8], $0x0  }
0x24: {  	s3 =	sadd.s32 $0x88, s3;
	s6 =	simm.s32 @!p1 $0x1082;
	[sflag:s4] =	ssyncset.s32 $0xFFFFF086  }
0x25: {  	[simem:s6], [sflag:s4] =	dma.local [hbm:s3], $0xF7A  }
0x26: {  	[smem:$0x3F93] =	sst s1;
	(tag) =	ssettag s2;
	_ =	strace s9  }
0x27: {  	s1 =	sld [smem:$0x3FA3]  }
0x28: {  	s2 =	sld [smem:$0x3FA4]  }
0x29: {  	s4 =	sld [smem:$0x3FA6]  }
0x2a: {  	p0 =	seq.s32 s5, $0x0;
	s5 =	sld [smem:$0x3FA7]  }
0x2b: {  	s6 =	sld [smem:$0x3FA8]  }
0x2c: {  	s7 =	sld [smem:$0x3FA9]  }
0x2d: {  	s3 =	simm.s32 $0x108;
	s8 =	sld [smem:$0x3FAA]  }
0x2e: {  	s3 =	simm.s32 @!p0 $0x1082;
	s9 =	sld [smem:$0x3FAB]  }
0x2f: {  	lr =	sadd.s32 s0, s3;
	s0 =	sld [smem:$0x3FA2]  }
0x30: {  	s3 =	sld [smem:$0x3FA5]  }
0x31: {  	[smem:$0x3FAE] =	sst s10  }
0x32: {  	s10 =	sld [smem:$0x3FAC];
	_ =	sdelay $0x3  }
0x33: {  	p0 =	seq.s32 s10, $0x1;
	s10 =	sld [smem:$0x3FAE];
	_ =	sdelay $0x3  }
0x34: {  	[smem:$0x3FAE] =	sst s10  }
0x35: {  	s10 =	sld [smem:$0x3FAD];
	_ =	sdelay $0x3  }
0x36: {  	p1 =	seq.s32 s10, $0x1;
	s10 =	sld [smem:$0x3FAE];
	_ =	sdelay $0x3  }
0x37: {  	[smem:$0x3FAE] =	sst s10  }
0x38: {  	s10 =	sld [smem:$0x3FAF]  }
0x39: {  	_ = 	snop;
	(pc) =	sbr.ind lr, $3  }
0x3a: {  	_ = 	snop  }
0x3b: {  	_ = 	snop  }
0x3c: {  	p2 =	seq.s32 s10, $0x1;
	s10 =	sld [smem:$0x3FAE]  }
0x3d: {  	_ =	shalt  }
0x3e: {  	_ =	shalt  }
0x3f: {  	_ =	shalt  }
0x40: {  	_ =	shalt  }
0x41: {  	_ =	shalt  }
0x42: {  	_ =	shalt  }
0x43: {  	_ =	shalt  }
0x44: {  	_ =	shalt  }
0x45: {  	_ =	shalt  }
0x46: {  	_ =	shalt  }
0x47: {  	_ =	shalt  }
0x48: {  	_ =	shalt  }
0x49: {  	_ =	shalt  }
0x4a: {  	_ =	shalt  }
0x4b: {  	_ =	shalt  }
0x4c: {  	_ =	shalt  }
0x4d: {  	_ =	shalt  }
0x4e: {  	_ =	shalt  }
0x4f: {  	_ =	shalt  }
0x50: {  	_ =	shalt  }
0x51: {  	_ =	shalt  }
0x52: {  	_ =	shalt  }
0x53: {  	_ =	shalt  }
0x54: {  	_ =	shalt  }
0x55: {  	_ =	shalt  }
0x56: {  	_ =	shalt  }
0x57: {  	_ =	shalt  }
0x58: {  	_ =	shalt  }
0x59: {  	_ =	shalt  }
0x5a: {  	_ =	shalt  }
0x5b: {  	_ =	shalt  }
0x5c: {  	_ =	shalt  }
0x5d: {  	_ =	shalt  }
0x5e: {  	_ =	shalt  }
0x5f: {  	_ =	shalt  }
0x60: {  	_ =	shalt  }
0x61: {  	_ =	shalt  }
0x62: {  	_ =	shalt  }
0x63: {  	_ =	shalt  }
0x64: {  	_ =	shalt  }
0x65: {  	_ =	shalt  }
0x66: {  	_ =	shalt  }
0x67: {  	_ =	shalt  }
0x68: {  	_ =	shalt  }
0x69: {  	_ =	shalt  }
0x6a: {  	_ =	shalt  }
0x6b: {  	_ =	shalt  }
0x6c: {  	_ =	shalt  }
0x6d: {  	_ =	shalt  }
0x6e: {  	_ =	shalt  }
0x6f: {  	_ =	shalt  }
0x70: {  	_ =	shalt  }
0x71: {  	_ =	shalt  }
0x72: {  	_ =	shalt  }
0x73: {  	_ =	shalt  }
0x74: {  	_ =	shalt  }
0x75: {  	_ =	shalt  }
0x76: {  	_ =	shalt  }
0x77: {  	_ =	shalt  }
0x78: {  	_ =	shalt  }
0x79: {  	_ =	shalt  }
0x7a: {  	_ =	shalt  }
0x7b: {  	_ =	shalt  }
0x7c: {  	_ =	shalt  }
0x7d: {  	_ =	shalt  }
0x7e: {  	_ =	shalt  }
0x7f: {  	_ =	shalt  }
0x80: {  	_ =	shalt  }
0x81: {  	_ =	shalt  }
0x82: {  	_ =	shalt  }
0x83: {  	_ =	shalt  }
0x84: {  	_ =	shalt  }
0x85: {  	_ =	shalt  }
0x86: {  	_ =	shalt  }
0x87: {  	_ =	shalt  }
.Lfunc_end0:
.L_simem_size_0:
called_computation.5_lowered:
.L_overlay_start_0:
0x88: {  	s2 =	sld [smem:$0x3FD9]  }
0x89: {  	s3 =	sld [smem:$0x3FFE];
	_ =	sdelay $0x1  }
0x8a: {  	s1 =	srdreg.scid  }
0x8b: {  	s0 =	sand.u32 $0x1, s1  }
0x8c: {  	s16 =	sshll.u32 s0, $0xA;
	s2 =	sadd.s32 s3, s2  }
0x8d: {  	s2 =	sadd.s32 s2, s16  }
0x8e: {  	[smem:$0x3FBA] =	sst s2  }
0x8f: {  	_ = 	snop  }
0x90: {  	(tm) =	ssettm $0x1  }
0x91: {  	s17 =	sld [smem:$0x3FFB];
	_ =	sdelay $0x3  }
0x92: {  	_ =	strace s17  }
0x93: {  	s2 =	sld [smem:$0x3FFC];
	_ =	sdelay $0x3  }
0x94: {  	_ =	strace s2  }
0x95: {  	s2 =	sld [smem:$0x3FFD];
	_ =	sdelay $0x3  }
0x96: {  	_ =	strace s2  }
0x97: {  	_ =	strace $0x8FFFFFFF  }
0x98: {  	s18 =	sld [smem:$0x3FDB];
	_ =	sdelay $0x1  }
0x99: {  	s19 =	simm.s32 $_scs_section_size  }
0x9a: {  	s4 =	simm.s32 $_size__tile_overlayer_lowered;
	s5 =	simm.s32 $_tile_overlayer_lowered  }
0x9b: {  	s22 =	simm.s32 $0x1BFF;
	s21 =	sshll.u32 s5, $0x1;
	s2 =	sadd.s32 s19, s18  }
0x9c: {  	s6 =	simm.s32 $0x0;
	s20 =	sshll.u32 s4, $0x1;
	s4 =	sadd.s32 s21, s2  }
0x9d: {  	[timem:s6], [sflag:s22] =	dma.local [hbm:s4], s20  }
0x9e: {  	_ =	swait.ge [sflag:s22], s20  }
0x9f: {  	s3 =	ssub.s32 $0x0, s20;
	[sflag:s22] =	ssyncset.done $0x0  }
0xa0: {  	[sflag:s22] =	ssyncadd.s32 s3;
	_ =	sdelay $0x1  }
0xa1: {  	s23 =	simm.s32 $0x1B8B  }
0xa2: {  	_ =	swait.ge [sflag:s23], $0x1  }
0xa3: {  	[sflag:s23] =	ssyncset.done $0x0  }
0xa4: {  	s25 =	simm.s32 $0x1B8E;
	s24 =	sld [smem:$0x3FFE];
	[sflag:s23] =	ssyncadd.s32 $0xFFFFFFFF  }
0xa5: {  	s26 =	simm.s32 $execute0_lowered;
	[smem:$0x3FD2] =	sst s25  }
0xa6: {  	s4 =	sshll.u32 s26, $0x1;
	_ =	strace $0x80000055;
	[dreg:$0x1] =	wrdreg $0xFFFFFFFF  }
0xa7: {  	s28 =	simm.s32 $_size_execute0_lowered;
	s2 =	sadd.s32 s2, s4;
	[dreg:$0x0] =	wrdreg $0x0  }
0xa8: {  	s4 =	sshll.u32 s28, $0x1;
	[dreg:$0x2] =	wrdreg s2  }
0xa9: {  	[dreg:$0x3] =	wrdreg s4  }
0xaa: {  	[dreg:$0x4] =	wrdreg $0xC0  }
0xab: {  	_ =	task [dreg:s6], $0x5FFFF  }
0xac: {  	[dreg:$0x1] =	wrdreg $0xFFFFFFFF  }
0xad: {  	[dreg:$0x0] =	wrdreg $0x60  }
0xae: {  	[dreg:$0x2] =	wrdreg s24  }
0xaf: {  	[dreg:$0x3] =	wrdreg $0xB8000  }
0xb0: {  	[dreg:$0x4] =	wrdreg $0x9  }
0xb1: {  	_ =	task.clear_ibuf [dreg:s6], $0x5FFFF;
	_ =	strace $0x90000055  }
0xb2: {  	s29 =	simm.s32 $0x9;
	_ =	strace $0x80000057  }
0xb3: {  	_ =	swait.ge [sflag:s29], $0x1  }
0xb4: {  	[sflag:s29] =	ssyncadd.s32 $0xFFFFFFFF  }
0xb5: {  	_ =	strace $0x90000057  }
0xb6: {  	_ =	sfence  }
0xb7: {  	s30 =	sld [smem:$0x0];
	_ =	sdelay $0x2  }
0xb8: {  	s31 =	sshll.u32 s1, $0xD;
	s1 =	sshrl.u32 s1, $0x2  }
0xb9: {  	s3 =	sand.u32 $0x4000, s31;
	s1 =	sadd.s32 s1, s30  }
0xba: {  	s0 =	sor.u32 s3, s0;
	s1 =	sshll.u32 s1, $0x11  }
0xbb: {  	s0 =	sor.u32 s1, s0  }
0xbc: {  	s0 =	sadd.s32 $0x8F2B, s0  }
0xbd: {  	[sflag:s0] =	ssyncadd.remote.s32 $0x1  }
0xbe: {  	_ =	sfence.sel $0xFFFF  }
0xbf: {  	[dreg:$0x0] =	wrdreg $0xFFFFFFFF;
	(pc) =	sbr.abs _section_cstart, $3  }
0xc0: {  	[dreg:$0x1] =	wrdreg $0xFFFFFFFF  }
0xc1: {  	_ =	task.clear_ibuf [dreg:s6], $0x2FFFF;
	_ =	strace $0x9FFFFFFF  }
0xc2: {  	(tm) =	ssettm $0x7FFFFFFF  }
0xc3: {  	_ =	shalt  }
tec
execute0_lowered:
.L_overlay_start_1:
0x0: {  	(tag) =	ssettag $0x1  }
0x1: {  	s7 =	rddreg [dreg:$0x0]  }
0x2: {  	s0 =	srdreg.scid;
	s2 =	rddreg [dreg:$0x1]  }
0x3: {  	s3 =	simm.s32 $0x0;
	s15 =	simm.s32 $0x7800;
	s16 =	simm.s32 $0x9800  }
0x4: {  	s17 =	simm.s32 $0x1;
	s18 =	simm.s32 $0x2;
	s6 =	sand.u32 $0x1, s0  }
0x5: {  	s19 =	simm.s32 $0x7700;
	s0 =	stileid.u32;
	s8 =	smul.u32 $0x140000, s6  }
0x6: {  	s20 =	simm.s32 $0x7780;
	s21 =	simm.s32 $0x0;
	s9 =	smul.u32 $0x14000, s0  }
0x7: {  	[smem:$0x7FF] =	sst s3;
	s1 =	sshll.u32 s6, $0x4;
	s30 =	smul.u32 $0x50000, s0  }
0x8: {  	s6 =	ssub.s32 $0x2, s6;
	s12 =	sshll.u32 s0, $0x6;
	s4 =	sor.u32 s0, s1  }
0x9: {  	s1 =	rddreg [dreg:$0x2];
	_ =	strace $0x80000056;
	s5 =	smul.u32 $0x500, s4  }
0xa: {  	s31 =	sshrl.u32 s6, $0x1;
	s10 =	smul.u32 $0xA00, s4;
	s4 =	sadd.s32 $0x17800, s7  }
0xb: {  	s28 =	sadd.s32 s9, s8;
	s13 =	ssub.s32 s6, s31;
	s6 =	sor.u32 $0x1C03, s12  }
0xc: {  	s12 =	simm.s32 $0x3;
	s9 =	sshrl.u32 s28, $0x3;
	s11 =	sadd.s32 s5, s7  }
0xd: {  	s29 =	sadd.s32 s10, s7;
	s5 =	sadd.s32 $0x15000, s7;
	s10 =	sshrl.u32 s30, $0x2  }
0xe: {  	s9 =	sadd.s32 s9, s7;
	s14 =	sadd.s32 s10, s2;
	s7 =	sadd.s32 $0x67E00, s11  }
0xf: {  	s8 =	sadd.s32 $0x71E00, s29;
	s9 =	sadd.s32 $0x86600, s9;
	s10 =	smax.u32 s13, $0x1  }
0x10: {  	s13 =	simm.s32 $0x2800;
	s11 =	sshrl.u32 s14, $0x3;
	s14 =	simm.s32 $0x40  }
.LBB2_1:
0x11: {  	[spmem:s11], [sflag:s6] =	dma.local [hbm:s5], $0x2800  }
0x12: {  	_ =	swait.ge [sflag:s12], $0x2800  }
0x13: {  	[sflag:s12] =	ssyncset.done $0x0  }
0x14: {  	[sflag:s12] =	ssyncadd.s32 $0xFFFFD800  }
0x15: {  	[bflag:$0x0] =	sbarrier.arrive $0xFFFF  }
0x16: {  	[tilespmem:s3], [sflag:$0x3] =	stream.linear.gather [hbm4b:s7+s3], $0x2800, $0x38;
	[tilespmem:$0x1F800] =	vst v63  }
0x17: {  	_ =	swait.ge [sflag:s12], $0x2800  }
0x18: {  	[sflag:s12] =	ssyncset.done $0x0  }
0x19: {  	[sflag:s12] =	ssyncadd.s32 $0xFFFFD800  }
0x1a: {  	[tilespmem:s13], [sflag:$0x3] =	stream.linear.gather [hbm4b:s8+s3], $0x5000, $0x38;
	[tilespmem:$0x1F800] =	vst v63  }
0x1b: {  	_ =	swait.ge [sflag:s12], $0x5000  }
0x1c: {  	[sflag:s12] =	ssyncset.done $0x0  }
0x1d: {  	[sflag:s12] =	ssyncadd.s32 $0xFFFFB000  }
0x1e: {  	[tilespmem:s15], [sflag:$0x1] =	stream.indirect.gather [hbm4b:s4+s14], $0x80, s3, s14, $0xb8;
	[tilespmem:$0x1F800] =	vst v63  }
0x1f: {  	_ = 	snop  }
0x20: {  	[tilespmem:s16], [sflag:$0x2] =	stream.indirect.gather [hbm4b:s4+s14], $0x80, s14, s14, $0xb8;
	[tilespmem:$0x1F800] =	vst v63  }
0x21: {  	_ =	swait.ge [sflag:s17], $0x2000  }
0x22: {  	[sflag:s17] =	ssyncset.done $0x0  }
0x23: {  	s22 =	simm.s32 $0x2800;
	[sflag:s17] =	ssyncadd.s32 $0xFFFFE000  }
0x24: {  	[spmem:s2] =	stream.indirect.scatter.add.f32 [tilespmem:s15], [sflag:$0x3], $0x80, s22, s14, $0xb8;
	[tilespmem:$0x1F800] =	vst v63  }
0x25: {  	_ =	swait.ge [sflag:s12], $0x2000  }
0x26: {  	[sflag:s12] =	ssyncset.done $0x0  }
0x27: {  	s30 =	simm.s32 $0x80;
	[sflag:s12] =	ssyncadd.s32 $0xFFFFE000  }
0x28: {  	[tilespmem:s15], [sflag:$0x1] =	stream.indirect.gather [hbm4b:s4+s14], $0x80, s30, s14, $0xb8;
	[tilespmem:$0x1F800] =	vst v63  }
0x29: {  	_ =	swait.ge [sflag:s18], $0x2000  }
0x2a: {  	[sflag:s18] =	ssyncset.done $0x0  }
0x2b: {  	s31 =	simm.s32 $0x2880;
	[sflag:s18] =	ssyncadd.s32 $0xFFFFE000  }
0x2c: {  	[spmem:s2] =	stream.indirect.scatter.add.f32 [tilespmem:s16], [sflag:$0x3], $0x80, s31, s14, $0xb8;
	[tilespmem:$0x1F800] =	vst v63  }
0x2d: {  	_ =	swait.ge [sflag:s12], $0x2000  }
0x2e: {  	s24 =	simm.s32 $0xC0;
	[sflag:s12] =	ssyncset.done $0x0  }
0x2f: {  	s23 =	simm.s32 $0x100;
	s22 =	simm.s32 $0x400;
	[sflag:s12] =	ssyncadd.s32 $0xFFFFE000  }
.LBB2_2:
0x30: {  	[tilespmem:s16], [sflag:$0x2] =	stream.indirect.gather [hbm4b:s4+s14], $0x80, s24, s14, $0xb8;
	[tilespmem:$0x1F800] =	vst v63  }
0x31: {  	s24 =	smov.u32 s22  }
0x32: {  	p0 =	sne.s32 s22, $0x13800;
	s22 =	sadd.s32 $0x400, s22;
	_ =	swait.ge [sflag:s17], $0x2000  }
0x33: {  	s24 =	sshra.s32 s24, $0x2;
	[sflag:s17] =	ssyncset.done $0x0  }
0x34: {  	s25 =	sadd.s32 $0x2800, s24;
	[sflag:s17] =	ssyncadd.s32 $0xFFFFE000  }
0x35: {  	[spmem:s2] =	stream.indirect.scatter.add.f32 [tilespmem:s15], [sflag:$0x3], $0x80, s25, s14, $0xb8;
	[tilespmem:$0x1F800] =	vst v63  }
0x36: {  	_ =	swait.ge [sflag:s12], $0x2000  }
0x37: {  	[sflag:s12] =	ssyncset.done $0x0  }
0x38: {  	[sflag:s12] =	ssyncadd.s32 $0xFFFFE000  }
0x39: {  	[tilespmem:s15], [sflag:$0x1] =	stream.indirect.gather [hbm4b:s4+s14], $0x80, s23, s14, $0xb8;
	[tilespmem:$0x1F800] =	vst v63  }
0x3a: {  	_ =	swait.ge [sflag:s18], $0x2000  }
0x3b: {  	[sflag:s18] =	ssyncset.done $0x0  }
.Ltmp0:
0x3c: {  	s24 =	sadd.s32 $0x2880, s24;
	[sflag:s18] =	ssyncadd.s32 $0xFFFFE000;
	(pc) =	sbr.rel @p0 .LBB2_2-.Ltmp0, $4  }
0x3d: {  	[spmem:s2] =	stream.indirect.scatter.add.f32 [tilespmem:s16], [sflag:$0x3], $0x80, s24, s14, $0xb8;
	[tilespmem:$0x1F800] =	vst v63  }
0x3e: {  	_ =	swait.ge [sflag:s12], $0x2000  }
0x3f: {  	[sflag:s12] =	ssyncset.done $0x0  }
0x40: {  	s24 =	sadd.s32 $0x40, s23;
	s23 =	sadd.s32 $0x80, s23;
	[sflag:s12] =	ssyncadd.s32 $0xFFFFE000  }
0x41: {  	[tilespmem:s16], [sflag:$0x2] =	stream.indirect.gather [hbm4b:s4+s14], $0x80, s24, s14, $0xb8;
	[tilespmem:$0x1F800] =	vst v63  }
0x42: {  	_ =	swait.ge [sflag:s17], $0x2000  }
0x43: {  	[sflag:s17] =	ssyncset.done $0x0  }
0x44: {  	[sflag:s17] =	ssyncadd.s32 $0xFFFFE000  }
0x45: {  	[spmem:s2] =	stream.indirect.scatter.add.f32 [tilespmem:s15], [sflag:$0x3], $0x80, s19, s14, $0xb8;
	[tilespmem:$0x1F800] =	vst v63  }
0x46: {  	_ =	swait.ge [sflag:s12], $0x2000  }
0x47: {  	[sflag:s12] =	ssyncset.done $0x0  }
0x48: {  	[sflag:s12] =	ssyncadd.s32 $0xFFFFE000  }
0x49: {  	_ =	swait.ge [sflag:s18], $0x2000  }
0x4a: {  	[sflag:s18] =	ssyncset.done $0x0  }
0x4b: {  	[sflag:s18] =	ssyncadd.s32 $0xFFFFE000  }
0x4c: {  	[spmem:s2] =	stream.indirect.scatter.add.f32 [tilespmem:s16], [sflag:$0x3], $0x80, s20, s14, $0xb8;
	[tilespmem:$0x1F800] =	vst v63  }
0x4d: {  	_ =	swait.ge [sflag:s12], $0x2000  }
0x4e: {  	s21 =	sadd.s32 $0x1, s21;
	[sflag:s12] =	ssyncset.done $0x0  }
0x4f: {  	p0 =	sne.s32 s21, s10;
	[sflag:s12] =	ssyncadd.s32 $0xFFFFE000  }
.Ltmp1:
0x50: {  	[bflag:$0x0] =	sbarrier.arrive $0xFFFF;
	(pc) =	sbr.rel @p0 .LBB2_1-.Ltmp1, $4  }
0x51: {  	[hbm:s9], [sflag:s6] =	dma.local [spmem:s11], $0x2800  }
0x52: {  	_ =	swait.ge [sflag:s12], $0x2800  }
0x53: {  	[sflag:s12] =	ssyncset.done $0x0  }
0x54: {  	[sflag:s12] =	ssyncadd.s32 $0xFFFFD800  }
0x55: {  	_ =	sfence.sel $0x180000  }
0x56: {  	[bflag:$0x0] =	sbarrier.arrive $0xFFFF  }
0x57: {  	p0 =	sne.s32 s0, $0x0;
	_ =	strace $0x90000056  }
0x58: {  	s0 =	sadd.s32 @!p0 $0x100000, s1;
	[bflag:$0x2] =	sbarrier.arrive $0xFFFF  }
0x59: {  	[sflag:s0] =	ssyncadd.tile.s32 @!p0 $0x1;
	_ =	shalt  }
.Lfunc_end2:
_tile_overlayer_lowered:
.L_overlay_start_2:
0x5a: {  	(tag) =	ssettag $0x2  }
0x5b: {  	s0 =	rddreg [dreg:$0x0];
	s2 =	stileid.u32  }
0x5c: {  	s1 =	rddreg [dreg:$0x1];
	p0 =	sne.s32 s2, $0x0  }
0x5d: {  	s3 =	rddreg [dreg:$0x2];
	[bflag:$0x3] =	sbarrier.arrive $0xFFFF;
	s2 =	simm.s32 @!p0 $0x1C03  }
0x5e: {  	[timem:s3], [sflag:s2] =	dma.local @!p0 [hbm:s0], s1  }
0x5f: {  	s0 =	simm.s32 @!p0 $0x3  }
0x60: {  	_ =	swait.ge @!p0 [sflag:s0], s1  }
0x61: {  	s1 =	ssub.s32 @!p0 $0x0, s1;
	[sflag:s0] =	ssyncset.done @!p0 $0x0  }
0x62: {  	[sflag:s0] =	ssyncadd.s32 @!p0 s1  }
0x63: {  	[bflag:$0x3] =	sbarrier.arrive $0xFFFF  }
0x64: {  	_ =	shalt  }

// kernel: kernel.34.cloned.1.call-start
scs
__scs_entry_jumppad:
0x0: {  	(pc) =	sbr.rel $0x88, $3  }
0x1: {  	(tag) =	ssettag $0x0;
	lr =	simm.s32 $0x1  }
0x2: {  	[smem:$0x3F93] =	sst lr;
	_ =	strace $0xD0000000  }
0x3: {  	_ = 	snop  }
0x4: {  	_ = 	snop  }
0x5: {  	_ = 	snop  }
0x6: {  	_ = 	snop  }
0x7: {  	_ = 	snop  }
__scs_overlays_trampoline_lowered:
0x8: {  	[smem:$0x3FA2] =	sst s0  }
0x9: {  	[smem:$0x3FA3] =	sst s1  }
0xa: {  	[smem:$0x3FA4] =	sst s2  }
0xb: {  	[smem:$0x3FA5] =	sst s3  }
0xc: {  	[smem:$0x3FA6] =	sst s4  }
0xd: {  	[smem:$0x3FA7] =	sst s5  }
0xe: {  	[smem:$0x3FA8] =	sst s6  }
0xf: {  	[smem:$0x3FA9] =	sst s7  }
0x10: {  	[smem:$0x3FAA] =	sst s8  }
0x11: {  	[smem:$0x3FAB] =	sst s9;
	s0 =	simm.s32 @!p0 $0x0  }
0x12: {  	s1 =	sld [smem:$0x3F91];
	s0 =	simm.s32 @p0 $0x1  }
0x13: {  	[smem:$0x3FAC] =	sst s0;
	s0 =	simm.s32 @!p1 $0x0  }
0x14: {  	s2 =	sld [smem:$0x3F90];
	s0 =	simm.s32 @p1 $0x1  }
0x15: {  	[smem:$0x3FAD] =	sst s0;
	s0 =	simm.s32 @!p2 $0x0  }
0x16: {  	s3 =	sld [smem:$0x3FDB];
	s0 =	simm.s32 @p2 $0x1  }
0x17: {  	s4 =	simm.s32 $0x1BF5;
	[smem:$0x3FAF] =	sst s0  }
0x18: {  	s0 =	sld [smem:$0x3F92];
	_ =	swait.ge [sflag:s4], $0x0  }
0x19: {  	s7 =	sld [smem:$0x3F93]  }
0x1a: {  	s8 =	sadd.s32 $0xFFFFE003, lr  }
0x1b: {  	s9 =	sadd.s32 $0xFFFFFEF7, lr;
	s5 =	simm.s32 $0xFFFFFFFF;
	p2 =	slt.u32 s8, $0xFFFFF086  }
0x1c: {  	p1 =	slt.u32 s9, $0xF7A;
	s5 =	simm.s32 @!p2 $0x0  }
0x1d: {  	s5 =	simm.s32 @p1 $0x1;
	p0 =	seq.s32 s7, s2  }
0x1e: {  	s7 =	smul.u32 @!p0 $0xF7A, s2;
	p2 =	seq.s32 @!p0 s5, $0x0  }
0x1f: {  	s9 =	smul.u32 $0xF7A, s1;
	s8 =	simm.s32 @!p0 $0x1BF5;
	p2 =	por !p2, p0  }
0x20: {  	[sflag:s8] =	ssyncset.s32 @!p0 $0xFFFFF086;
	s6 =	sadd.s32 @!p0 s3, s7;
	s7 =	simm.s32 @!p0 $0x108  }
0x21: {  	s3 =	sadd.s32 s3, s9;
	s6 =	sadd.s32 @!p0 $0x88, s6;
	s7 =	simm.s32 @p2 $0x1082  }
0x22: {  	[simem:s7], [sflag:s8] =	dma.local @!p0 [hbm:s6], $0xF7A  }
0x23: {  	s9 =	sor.u32 $0xD0000000, s2;
	s6 =	simm.s32 $0x108;
	_ =	swait.ge @!p0 [sflag:s8], $0x0  }
0x24: {  	s3 =	sadd.s32 $0x88, s3;
	s6 =	simm.s32 @!p1 $0x1082;
	[sflag:s4] =	ssyncset.s32 $0xFFFFF086  }
0x25: {  	[simem:s6], [sflag:s4] =	dma.local [hbm:s3], $0xF7A  }
0x26: {  	[smem:$0x3F93] =	sst s1;
	(tag) =	ssettag s2;
	_ =	strace s9  }
0x27: {  	s1 =	sld [smem:$0x3FA3]  }
0x28: {  	s2 =	sld [smem:$0x3FA4]  }
0x29: {  	s4 =	sld [smem:$0x3FA6]  }
0x2a: {  	p0 =	seq.s32 s5, $0x0;
	s5 =	sld [smem:$0x3FA7]  }
0x2b: {  	s6 =	sld [smem:$0x3FA8]  }
0x2c: {  	s7 =	sld [smem:$0x3FA9]  }
0x2d: {  	s3 =	simm.s32 $0x108;
	s8 =	sld [smem:$0x3FAA]  }
0x2e: {  	s3 =	simm.s32 @!p0 $0x1082;
	s9 =	sld [smem:$0x3FAB]  }
0x2f: {  	lr =	sadd.s32 s0, s3;
	s0 =	sld [smem:$0x3FA2]  }
0x30: {  	s3 =	sld [smem:$0x3FA5]  }
0x31: {  	[smem:$0x3FAE] =	sst s10  }
0x32: {  	s10 =	sld [smem:$0x3FAC];
	_ =	sdelay $0x3  }
0x33: {  	p0 =	seq.s32 s10, $0x1;
	s10 =	sld [smem:$0x3FAE];
	_ =	sdelay $0x3  }
0x34: {  	[smem:$0x3FAE] =	sst s10  }
0x35: {  	s10 =	sld [smem:$0x3FAD];
	_ =	sdelay $0x3  }
0x36: {  	p1 =	seq.s32 s10, $0x1;
	s10 =	sld [smem:$0x3FAE];
	_ =	sdelay $0x3  }
0x37: {  	[smem:$0x3FAE] =	sst s10  }
0x38: {  	s10 =	sld [smem:$0x3FAF]  }
0x39: {  	_ = 	snop;
	(pc) =	sbr.ind lr, $3  }
0x3a: {  	_ = 	snop  }
0x3b: {  	_ = 	snop  }
0x3c: {  	p2 =	seq.s32 s10, $0x1;
	s10 =	sld [smem:$0x3FAE]  }
0x3d: {  	_ =	shalt  }
0x3e: {  	_ =	shalt  }
0x3f: {  	_ =	shalt  }
0x40: {  	_ =	shalt  }
0x41: {  	_ =	shalt  }
0x42: {  	_ =	shalt  }
0x43: {  	_ =	shalt  }
0x44: {  	_ =	shalt  }
0x45: {  	_ =	shalt  }
0x46: {  	_ =	shalt  }
0x47: {  	_ =	shalt  }
0x48: {  	_ =	shalt  }
0x49: {  	_ =	shalt  }
0x4a: {  	_ =	shalt  }
0x4b: {  	_ =	shalt  }
0x4c: {  	_ =	shalt  }
0x4d: {  	_ =	shalt  }
0x4e: {  	_ =	shalt  }
0x4f: {  	_ =	shalt  }
0x50: {  	_ =	shalt  }
0x51: {  	_ =	shalt  }
0x52: {  	_ =	shalt  }
0x53: {  	_ =	shalt  }
0x54: {  	_ =	shalt  }
0x55: {  	_ =	shalt  }
0x56: {  	_ =	shalt  }
0x57: {  	_ =	shalt  }
0x58: {  	_ =	shalt  }
0x59: {  	_ =	shalt  }
0x5a: {  	_ =	shalt  }
0x5b: {  	_ =	shalt  }
0x5c: {  	_ =	shalt  }
0x5d: {  	_ =	shalt  }
0x5e: {  	_ =	shalt  }
0x5f: {  	_ =	shalt  }
0x60: {  	_ =	shalt  }
0x61: {  	_ =	shalt  }
0x62: {  	_ =	shalt  }
0x63: {  	_ =	shalt  }
0x64: {  	_ =	shalt  }
0x65: {  	_ =	shalt  }
0x66: {  	_ =	shalt  }
0x67: {  	_ =	shalt  }
0x68: {  	_ =	shalt  }
0x69: {  	_ =	shalt  }
0x6a: {  	_ =	shalt  }
0x6b: {  	_ =	shalt  }
0x6c: {  	_ =	shalt  }
0x6d: {  	_ =	shalt  }
0x6e: {  	_ =	shalt  }
0x6f: {  	_ =	shalt  }
0x70: {  	_ =	shalt  }
0x71: {  	_ =	shalt  }
0x72: {  	_ =	shalt  }
0x73: {  	_ =	shalt  }
0x74: {  	_ =	shalt  }
0x75: {  	_ =	shalt  }
0x76: {  	_ =	shalt  }
0x77: {  	_ =	shalt  }
0x78: {  	_ =	shalt  }
0x79: {  	_ =	shalt  }
0x7a: {  	_ =	shalt  }
0x7b: {  	_ =	shalt  }
0x7c: {  	_ =	shalt  }
0x7d: {  	_ =	shalt  }
0x7e: {  	_ =	shalt  }
0x7f: {  	_ =	shalt  }
0x80: {  	_ =	shalt  }
0x81: {  	_ =	shalt  }
0x82: {  	_ =	shalt  }
0x83: {  	_ =	shalt  }
0x84: {  	_ =	shalt  }
0x85: {  	_ =	shalt  }
0x86: {  	_ =	shalt  }
0x87: {  	_ =	shalt  }
.Lfunc_end0:
.L_simem_size_0:
called_computation.6_lowered:
.L_overlay_start_0:
0x88: {  	s2 =	sld [smem:$0x3FD9]  }
0x89: {  	s3 =	sld [smem:$0x3FFE];
	_ =	sdelay $0x1  }
0x8a: {  	s1 =	srdreg.scid  }
0x8b: {  	s0 =	sand.u32 $0x1, s1  }
0x8c: {  	s16 =	sshll.u32 s0, $0xA;
	s2 =	sadd.s32 s3, s2  }
0x8d: {  	s2 =	sadd.s32 s2, s16  }
0x8e: {  	[smem:$0x3FBA] =	sst s2  }
0x8f: {  	_ = 	snop  }
0x90: {  	(tm) =	ssettm $0x1  }
0x91: {  	s17 =	sld [smem:$0x3FFB];
	_ =	sdelay $0x3  }
0x92: {  	_ =	strace s17  }
0x93: {  	s2 =	sld [smem:$0x3FFC];
	_ =	sdelay $0x3  }
0x94: {  	_ =	strace s2  }
0x95: {  	s2 =	sld [smem:$0x3FFD];
	_ =	sdelay $0x3  }
0x96: {  	_ =	strace s2  }
0x97: {  	_ =	strace $0x8FFFFFFF  }
0x98: {  	s18 =	sld [smem:$0x3FDB];
	_ =	sdelay $0x1  }
0x99: {  	s19 =	simm.s32 $_scs_section_size  }
0x9a: {  	s4 =	simm.s32 $_size__tile_overlayer_lowered;
	s5 =	simm.s32 $_tile_overlayer_lowered  }
0x9b: {  	s22 =	simm.s32 $0x1BFF;
	s21 =	sshll.u32 s5, $0x1;
	s2 =	sadd.s32 s19, s18  }
0x9c: {  	s6 =	simm.s32 $0x0;
	s20 =	sshll.u32 s4, $0x1;
	s4 =	sadd.s32 s21, s2  }
0x9d: {  	[timem:s6], [sflag:s22] =	dma.local [hbm:s4], s20  }
0x9e: {  	_ =	swait.ge [sflag:s22], s20  }
0x9f: {  	s3 =	ssub.s32 $0x0, s20;
	[sflag:s22] =	ssyncset.done $0x0  }
0xa0: {  	[sflag:s22] =	ssyncadd.s32 s3;
	_ =	sdelay $0x1  }
0xa1: {  	s23 =	simm.s32 $0x1B8B  }
0xa2: {  	_ =	swait.ge [sflag:s23], $0x1  }
0xa3: {  	[sflag:s23] =	ssyncset.done $0x0  }
0xa4: {  	s25 =	simm.s32 $0x1B8E;
	s24 =	sld [smem:$0x3FFE];
	[sflag:s23] =	ssyncadd.s32 $0xFFFFFFFF  }
0xa5: {  	s26 =	simm.s32 $execute0_lowered;
	[smem:$0x3FD2] =	sst s25  }
0xa6: {  	s4 =	sshll.u32 s26, $0x1;
	_ =	strace $0x80000058;
	[dreg:$0x1] =	wrdreg $0xFFFFFFFF  }
0xa7: {  	s28 =	simm.s32 $_size_execute0_lowered;
	s2 =	sadd.s32 s2, s4;
	[dreg:$0x0] =	wrdreg $0x0  }
0xa8: {  	s4 =	sshll.u32 s28, $0x1;
	[dreg:$0x2] =	wrdreg s2  }
0xa9: {  	[dreg:$0x3] =	wrdreg s4  }
0xaa: {  	[dreg:$0x4] =	wrdreg $0xC0  }
0xab: {  	_ =	task [dreg:s6], $0x5FFFF  }
0xac: {  	[dreg:$0x1] =	wrdreg $0xFFFFFFFF  }
0xad: {  	[dreg:$0x0] =	wrdreg $0x60  }
0xae: {  	[dreg:$0x2] =	wrdreg s24  }
0xaf: {  	[dreg:$0x3] =	wrdreg $0xB8000  }
0xb0: {  	[dreg:$0x4] =	wrdreg $0x9  }
0xb1: {  	_ =	task.clear_ibuf [dreg:s6], $0x5FFFF;
	_ =	strace $0x90000058  }
0xb2: {  	s29 =	simm.s32 $0x9;
	_ =	strace $0x8000005A  }
0xb3: {  	_ =	swait.ge [sflag:s29], $0x1  }
0xb4: {  	[sflag:s29] =	ssyncadd.s32 $0xFFFFFFFF  }
0xb5: {  	_ =	strace $0x9000005A  }
0xb6: {  	_ =	sfence  }
0xb7: {  	s30 =	sld [smem:$0x0];
	_ =	sdelay $0x2  }
0xb8: {  	s31 =	sshll.u32 s1, $0xD;
	s1 =	sshrl.u32 s1, $0x2  }
0xb9: {  	s3 =	sand.u32 $0x4000, s31;
	s1 =	sadd.s32 s1, s30  }
0xba: {  	s0 =	sor.u32 s3, s0;
	s1 =	sshll.u32 s1, $0x11  }
0xbb: {  	s0 =	sor.u32 s1, s0  }
0xbc: {  	s0 =	sadd.s32 $0x8F2B, s0  }
0xbd: {  	[sflag:s0] =	ssyncadd.remote.s32 $0x1  }
0xbe: {  	_ =	sfence.sel $0xFFFF  }
0xbf: {  	[dreg:$0x0] =	wrdreg $0xFFFFFFFF;
	(pc) =	sbr.abs _section_cstart, $3  }
0xc0: {  	[dreg:$0x1] =	wrdreg $0xFFFFFFFF  }
0xc1: {  	_ =	task.clear_ibuf [dreg:s6], $0x2FFFF;
	_ =	strace $0x9FFFFFFF  }
0xc2: {  	(tm) =	ssettm $0x7FFFFFFF  }
0xc3: {  	_ =	shalt  }
tec
execute0_lowered:
.L_overlay_start_1:
0x0: {  	(tag) =	ssettag $0x1  }
0x1: {  	s7 =	rddreg [dreg:$0x0]  }
0x2: {  	s0 =	srdreg.scid;
	s2 =	rddreg [dreg:$0x1]  }
0x3: {  	s3 =	simm.s32 $0x0;
	s15 =	simm.s32 $0x7800;
	s16 =	simm.s32 $0x9800  }
0x4: {  	s17 =	simm.s32 $0x1;
	s18 =	simm.s32 $0x2;
	s6 =	sand.u32 $0x1, s0  }
0x5: {  	s19 =	simm.s32 $0x7700;
	s0 =	stileid.u32;
	s8 =	smul.u32 $0x140000, s6  }
0x6: {  	s20 =	simm.s32 $0x7780;
	s21 =	simm.s32 $0x0;
	s9 =	smul.u32 $0x14000, s0  }
0x7: {  	[smem:$0x7FF] =	sst s3;
	s1 =	sshll.u32 s6, $0x4;
	s30 =	smul.u32 $0x50000, s0  }
0x8: {  	s6 =	ssub.s32 $0x2, s6;
	s12 =	sshll.u32 s0, $0x6;
	s4 =	sor.u32 s0, s1  }
0x9: {  	s1 =	rddreg [dreg:$0x2];
	_ =	strace $0x80000059;
	s5 =	smul.u32 $0x500, s4  }
0xa: {  	s31 =	sshrl.u32 s6, $0x1;
	s10 =	smul.u32 $0xA00, s4;
	s4 =	sadd.s32 $0x17800, s7  }
0xb: {  	s28 =	sadd.s32 s9, s8;
	s13 =	ssub.s32 s6, s31;
	s6 =	sor.u32 $0x1C03, s12  }
0xc: {  	s12 =	simm.s32 $0x3;
	s9 =	sshrl.u32 s28, $0x3;
	s11 =	sadd.s32 s5, s7  }
0xd: {  	s29 =	sadd.s32 s10, s7;
	s5 =	sadd.s32 $0x15000, s7;
	s10 =	sshrl.u32 s30, $0x2  }
0xe: {  	s9 =	sadd.s32 s9, s7;
	s14 =	sadd.s32 s10, s2;
	s7 =	sadd.s32 $0x67E00, s11  }
0xf: {  	s8 =	sadd.s32 $0x71E00, s29;
	s9 =	sadd.s32 $0x86600, s9;
	s10 =	smax.u32 s13, $0x1  }
0x10: {  	s13 =	simm.s32 $0x2800;
	s11 =	sshrl.u32 s14, $0x3;
	s14 =	simm.s32 $0x40  }
.LBB2_1:
0x11: {  	[spmem:s11], [sflag:s6] =	dma.local [hbm:s5], $0x2800  }
0x12: {  	_ =	swait.ge [sflag:s12], $0x2800  }
0x13: {  	[sflag:s12] =	ssyncset.done $0x0  }
0x14: {  	[sflag:s12] =	ssyncadd.s32 $0xFFFFD800  }
0x15: {  	[bflag:$0x0] =	sbarrier.arrive $0xFFFF  }
0x16: {  	[tilespmem:s3], [sflag:$0x3] =	stream.linear.gather [hbm4b:s7+s3], $0x2800, $0x38;
	[tilespmem:$0x1F800] =	vst v63  }
0x17: {  	_ =	swait.ge [sflag:s12], $0x2800  }
0x18: {  	[sflag:s12] =	ssyncset.done $0x0  }
0x19: {  	[sflag:s12] =	ssyncadd.s32 $0xFFFFD800  }
0x1a: {  	[tilespmem:s13], [sflag:$0x3] =	stream.linear.gather [hbm4b:s8+s3], $0x5000, $0x38;
	[tilespmem:$0x1F800] =	vst v63  }
0x1b: {  	_ =	swait.ge [sflag:s12], $0x5000  }
0x1c: {  	[sflag:s12] =	ssyncset.done $0x0  }
0x1d: {  	[sflag:s12] =	ssyncadd.s32 $0xFFFFB000  }
0x1e: {  	[tilespmem:s15], [sflag:$0x1] =	stream.indirect.gather [hbm4b:s4+s14], $0x80, s3, s14, $0xb8;
	[tilespmem:$0x1F800] =	vst v63  }
0x1f: {  	_ = 	snop  }
0x20: {  	[tilespmem:s16], [sflag:$0x2] =	stream.indirect.gather [hbm4b:s4+s14], $0x80, s14, s14, $0xb8;
	[tilespmem:$0x1F800] =	vst v63  }
0x21: {  	_ =	swait.ge [sflag:s17], $0x2000  }
0x22: {  	[sflag:s17] =	ssyncset.done $0x0  }
0x23: {  	s22 =	simm.s32 $0x2800;
	[sflag:s17] =	ssyncadd.s32 $0xFFFFE000  }
0x24: {  	[spmem:s2] =	stream.indirect.scatter.add.f32 [tilespmem:s15], [sflag:$0x3], $0x80, s22, s14, $0xb8;
	[tilespmem:$0x1F800] =	vst v63  }
0x25: {  	_ =	swait.ge [sflag:s12], $0x2000  }
0x26: {  	[sflag:s12] =	ssyncset.done $0x0  }
0x27: {  	s30 =	simm.s32 $0x80;
	[sflag:s12] =	ssyncadd.s32 $0xFFFFE000  }
0x28: {  	[tilespmem:s15], [sflag:$0x1] =	stream.indirect.gather [hbm4b:s4+s14], $0x80, s30, s14, $0xb8;
	[tilespmem:$0x1F800] =	vst v63  }
0x29: {  	_ =	swait.ge [sflag:s18], $0x2000  }
0x2a: {  	[sflag:s18] =	ssyncset.done $0x0  }
0x2b: {  	s31 =	simm.s32 $0x2880;
	[sflag:s18] =	ssyncadd.s32 $0xFFFFE000  }
0x2c: {  	[spmem:s2] =	stream.indirect.scatter.add.f32 [tilespmem:s16], [sflag:$0x3], $0x80, s31, s14, $0xb8;
	[tilespmem:$0x1F800] =	vst v63  }
0x2d: {  	_ =	swait.ge [sflag:s12], $0x2000  }
0x2e: {  	s24 =	simm.s32 $0xC0;
	[sflag:s12] =	ssyncset.done $0x0  }
0x2f: {  	s23 =	simm.s32 $0x100;
	s22 =	simm.s32 $0x400;
	[sflag:s12] =	ssyncadd.s32 $0xFFFFE000  }
.LBB2_2:
0x30: {  	[tilespmem:s16], [sflag:$0x2] =	stream.indirect.gather [hbm4b:s4+s14], $0x80, s24, s14, $0xb8;
	[tilespmem:$0x1F800] =	vst v63  }
0x31: {  	s24 =	smov.u32 s22  }
0x32: {  	p0 =	sne.s32 s22, $0x13800;
	s22 =	sadd.s32 $0x400, s22;
	_ =	swait.ge [sflag:s17], $0x2000  }
0x33: {  	s24 =	sshra.s32 s24, $0x2;
	[sflag:s17] =	ssyncset.done $0x0  }
0x34: {  	s25 =	sadd.s32 $0x2800, s24;
	[sflag:s17] =	ssyncadd.s32 $0xFFFFE000  }
0x35: {  	[spmem:s2] =	stream.indirect.scatter.add.f32 [tilespmem:s15], [sflag:$0x3], $0x80, s25, s14, $0xb8;
	[tilespmem:$0x1F800] =	vst v63  }
0x36: {  	_ =	swait.ge [sflag:s12], $0x2000  }
0x37: {  	[sflag:s12] =	ssyncset.done $0x0  }
0x38: {  	[sflag:s12] =	ssyncadd.s32 $0xFFFFE000  }
0x39: {  	[tilespmem:s15], [sflag:$0x1] =	stream.indirect.gather [hbm4b:s4+s14], $0x80, s23, s14, $0xb8;
	[tilespmem:$0x1F800] =	vst v63  }
0x3a: {  	_ =	swait.ge [sflag:s18], $0x2000  }
0x3b: {  	[sflag:s18] =	ssyncset.done $0x0  }
.Ltmp0:
0x3c: {  	s24 =	sadd.s32 $0x2880, s24;
	[sflag:s18] =	ssyncadd.s32 $0xFFFFE000;
	(pc) =	sbr.rel @p0 .LBB2_2-.Ltmp0, $4  }
0x3d: {  	[spmem:s2] =	stream.indirect.scatter.add.f32 [tilespmem:s16], [sflag:$0x3], $0x80, s24, s14, $0xb8;
	[tilespmem:$0x1F800] =	vst v63  }
0x3e: {  	_ =	swait.ge [sflag:s12], $0x2000  }
0x3f: {  	[sflag:s12] =	ssyncset.done $0x0  }
0x40: {  	s24 =	sadd.s32 $0x40, s23;
	s23 =	sadd.s32 $0x80, s23;
	[sflag:s12] =	ssyncadd.s32 $0xFFFFE000  }
0x41: {  	[tilespmem:s16], [sflag:$0x2] =	stream.indirect.gather [hbm4b:s4+s14], $0x80, s24, s14, $0xb8;
	[tilespmem:$0x1F800] =	vst v63  }
0x42: {  	_ =	swait.ge [sflag:s17], $0x2000  }
0x43: {  	[sflag:s17] =	ssyncset.done $0x0  }
0x44: {  	[sflag:s17] =	ssyncadd.s32 $0xFFFFE000  }
0x45: {  	[spmem:s2] =	stream.indirect.scatter.add.f32 [tilespmem:s15], [sflag:$0x3], $0x80, s19, s14, $0xb8;
	[tilespmem:$0x1F800] =	vst v63  }
0x46: {  	_ =	swait.ge [sflag:s12], $0x2000  }
0x47: {  	[sflag:s12] =	ssyncset.done $0x0  }
0x48: {  	[sflag:s12] =	ssyncadd.s32 $0xFFFFE000  }
0x49: {  	_ =	swait.ge [sflag:s18], $0x2000  }
0x4a: {  	[sflag:s18] =	ssyncset.done $0x0  }
0x4b: {  	[sflag:s18] =	ssyncadd.s32 $0xFFFFE000  }
0x4c: {  	[spmem:s2] =	stream.indirect.scatter.add.f32 [tilespmem:s16], [sflag:$0x3], $0x80, s20, s14, $0xb8;
	[tilespmem:$0x1F800] =	vst v63  }
0x4d: {  	_ =	swait.ge [sflag:s12], $0x2000  }
0x4e: {  	s21 =	sadd.s32 $0x1, s21;
	[sflag:s12] =	ssyncset.done $0x0  }
0x4f: {  	p0 =	sne.s32 s21, s10;
	[sflag:s12] =	ssyncadd.s32 $0xFFFFE000  }
.Ltmp1:
0x50: {  	[bflag:$0x0] =	sbarrier.arrive $0xFFFF;
	(pc) =	sbr.rel @p0 .LBB2_1-.Ltmp1, $4  }
0x51: {  	[hbm:s9], [sflag:s6] =	dma.local [spmem:s11], $0x2800  }
0x52: {  	_ =	swait.ge [sflag:s12], $0x2800  }
0x53: {  	[sflag:s12] =	ssyncset.done $0x0  }
0x54: {  	[sflag:s12] =	ssyncadd.s32 $0xFFFFD800  }
0x55: {  	_ =	sfence.sel $0x180000  }
0x56: {  	[bflag:$0x0] =	sbarrier.arrive $0xFFFF  }
0x57: {  	p0 =	sne.s32 s0, $0x0;
	_ =	strace $0x90000059  }
0x58: {  	s0 =	sadd.s32 @!p0 $0x100000, s1;
	[bflag:$0x2] =	sbarrier.arrive $0xFFFF  }
0x59: {  	[sflag:s0] =	ssyncadd.tile.s32 @!p0 $0x1;
	_ =	shalt  }
.Lfunc_end2:
_tile_overlayer_lowered:
.L_overlay_start_2:
0x5a: {  	(tag) =	ssettag $0x2  }
0x5b: {  	s0 =	rddreg [dreg:$0x0];
	s2 =	stileid.u32  }
0x5c: {  	s1 =	rddreg [dreg:$0x1];
	p0 =	sne.s32 s2, $0x0  }
0x5d: {  	s3 =	rddreg [dreg:$0x2];
	[bflag:$0x3] =	sbarrier.arrive $0xFFFF;
	s2 =	simm.s32 @!p0 $0x1C03  }
0x5e: {  	[timem:s3], [sflag:s2] =	dma.local @!p0 [hbm:s0], s1  }
0x5f: {  	s0 =	simm.s32 @!p0 $0x3  }
0x60: {  	_ =	swait.ge @!p0 [sflag:s0], s1  }
0x61: {  	s1 =	ssub.s32 @!p0 $0x0, s1;
	[sflag:s0] =	ssyncset.done @!p0 $0x0  }
0x62: {  	[sflag:s0] =	ssyncadd.s32 @!p0 s1  }
0x63: {  	[bflag:$0x3] =	sbarrier.arrive $0xFFFF  }
0x64: {  	_ =	shalt  }

</sc_bundles>
